<compile_context>
chip_gen: v7x
topology: tpu7x:2x2x1
jax: 0.10.2.dev20260603
libtpu: 0.0.44.dev20260713+nightly
codegen_flags: <defaults>
</compile_context>

<pallas_src>
import functools

import jax
import jax.numpy as jnp
from jax import lax
from jax.experimental import pallas as pl
from jax.experimental.pallas import tpu as pltpu
from jax.experimental.pallas import tpu_sc as plsc

B, L, V, D = 4096, 180, 1000000, 64
CW = 96
NCHUNK = 2
LANES = 16
NBUF = 8
QUAD = 4

_info = plsc.get_sparse_core_info()
NC, NS = _info.num_cores, _info.num_subcores
NW = NC * NS
SPW = B // NW
GROUPS = SPW // LANES
WPW = SPW * NCHUNK * CW


def _sc_body(samples_h, emb_h, params_h, out_h,
             idx_v, buf0, buf1, buf2, buf3, buf4, buf5, buf6, buf7,
             out_v, params_v,
             sem0, sem1, sem2, sem3, sem4, sem5, sem6, sem7):
    wid = lax.axis_index("s") * NC + lax.axis_index("c")
    base = wid * SPW

    pltpu.sync_copy(samples_h.at[pl.ds(wid * WPW, WPW)], idx_v)
    pltpu.sync_copy(params_h, params_v)

    bufs = (buf0, buf1, buf2, buf3, buf4, buf5, buf6, buf7)
    sems = (sem0, sem1, sem2, sem3, sem4, sem5, sem6, sem7)
    nrows = (CW, L - CW)

    def fire_chunk(j, slot):
        for q in range(CW // LANES):
            iv = idx_v[pl.ds(j * CW + LANES * q, LANES)]
            pltpu.make_async_copy(
                emb_h.at[iv], bufs[slot].at[pl.ds(LANES * q, LANES)],
                sems[slot]).start()

    def drain_chunk(slot):
        pltpu.make_async_copy(
            emb_h.at[pl.ds(0, CW)], bufs[slot], sems[slot]).wait()

    for p in range(NBUF):
        fire_chunk(p, p)

    w_vecs = [params_v[pl.ds(LANES * (1 + t), LANES)] for t in range(4)]
    b_vec = params_v[pl.ds(0, LANES)]
    lane = lax.broadcasted_iota(jnp.int32, (LANES,), 0)

    def unpack2(v):
        return plsc.unpack(v, format=plsc.PackFormat.INTERLEAVED)

    def group_body(g, _):
        def quad_body(kk, carry):
            nsq_v, d_v = carry
            for r in range(QUAD):
                k = QUAD * kk + r
                i = g * LANES + k
                acc = (jnp.zeros((LANES,), jnp.float32),) * 8
                for phase in range(NCHUNK):
                    j = NCHUNK * i + phase
                    slot = NCHUNK * r + phase
                    buf = bufs[slot]
                    drain_chunk(slot)

                    def row_body(l, a, buf=buf):
                        p0a, p0b = unpack2(buf[2 * l, pl.ds(0, 2 * LANES)])
                        p1a, p1b = unpack2(
                            buf[2 * l, pl.ds(2 * LANES, 2 * LANES)])
                        q0a, q0b = unpack2(buf[2 * l + 1, pl.ds(0, 2 * LANES)])
                        q1a, q1b = unpack2(
                            buf[2 * l + 1, pl.ds(2 * LANES, 2 * LANES)])
                        return (a[0] + p0a, a[1] + p0b, a[2] + p1a,
                                a[3] + p1b, a[4] + q0a, a[5] + q0b,
                                a[6] + q1a, a[7] + q1b)

                    acc = lax.fori_loop(0, nrows[phase] // 2, row_body, acc,
                                        unroll=6)

                    @pl.when(j + NBUF < NCHUNK * SPW)
                    def _():
                        fire_chunk(j + NBUF, slot)
                acc = tuple(acc[t] + acc[4 + t] for t in range(4))

                t_v = (acc[0] * acc[0] + acc[1] * acc[1]
                       + acc[2] * acc[2] + acc[3] * acc[3])
                u_v = (acc[0] * w_vecs[0] + acc[1] * w_vecs[1]
                       + acc[2] * w_vecs[2] + acc[3] * w_vecs[3])
                nsq = jnp.sum(t_v)
                dd = jnp.sum(u_v)
                m = lane == k
                nsq_v = jnp.where(m, nsq, nsq_v)
                d_v = jnp.where(m, dd, d_v)
            return nsq_v, d_v

        zero = jnp.zeros((LANES,), jnp.float32)
        nsq_v, d_v = lax.fori_loop(0, LANES // QUAD, quad_body, (zero, zero))

        z = jnp.maximum(nsq_v, jnp.float32(1e-24))
        iz = lax.bitcast_convert_type(z, jnp.int32)
        iz = jnp.int32(0x5F3759DF) - lax.shift_right_logical(iz, 1)
        y = lax.bitcast_convert_type(iz, jnp.float32)
        for _u in range(3):
            y = y * (jnp.float32(1.5) - jnp.float32(0.5) * z * y * y)

        val = d_v * y + b_vec
        sig = jnp.float32(1.0) / (jnp.float32(1.0) + jnp.exp(-val))
        out_v[pl.ds(g * LANES, LANES)] = sig
        return 0

    lax.fori_loop(0, GROUPS, group_body, 0)
    pltpu.sync_copy(out_v, out_h.at[pl.ds(base, SPW)])


_sc_call = functools.partial(
    pl.kernel,
    out_type=jax.ShapeDtypeStruct((B,), jnp.float32),
    mesh=plsc.VectorSubcoreMesh(core_axis_name="c", subcore_axis_name="s"),
    compiler_params=pltpu.CompilerParams(
        needs_layout_passes=False, use_tc_tiling_on_sc=False),
    scratch_types=[
        pltpu.VMEM((WPW,), jnp.int32),
    ] + [pltpu.VMEM((CW, D), jnp.bfloat16)] * NBUF + [
        pltpu.VMEM((SPW,), jnp.float32),
        pltpu.VMEM((LANES * 5,), jnp.float32),
    ] + [pltpu.SemaphoreType.DMA] * NBUF,
)(_sc_body)


def kernel(samples, emb, W, b):
    idx = samples.astype(jnp.int32)
    idx = jnp.pad(idx, ((0, 0), (0, NCHUNK * CW - L)))
    idx = idx.reshape(B * NCHUNK * CW)
    emb16 = emb.astype(jnp.bfloat16)
    Wf = W.astype(jnp.float32).reshape(2, 2 * LANES)[:, :].reshape(2, LANES, 2)
    w_groups = [Wf[t // 2, :, t % 2] for t in range(4)]
    params = jnp.concatenate(
        [jnp.broadcast_to(b.astype(jnp.float32), (LANES,))] + w_groups)
    return _sc_call(idx, emb16, params)

# --- scband reference (transcript-rebuilt; emitter-appended) ---
"""Pipeline reference for scband-lin-reg-model-18253611008397 (READ-ONLY COPY).

The authoritative reference and input builder live on the scoring server;
editing this copy changes nothing except your own understanding.
"""

import jax, jax.numpy as jnp
import numpy as np

B, L, V, D = 4096, 180, 1000000, 64

def setup_inputs(seed: int = 0):
    key = jax.random.key(seed)
    k1, k2, k3 = jax.random.split(key, 3)
    samples = jax.random.randint(k1, (B, L), 0, V)
    emb = jax.random.uniform(k2, (V, D), minval=-1.0, maxval=1.0, dtype=jnp.float32)
    # xavier_normal for Linear(in=D, out=1)
    std = (2.0 / (D + 1)) ** 0.5
    W = jax.random.normal(k3, (1, D), dtype=jnp.float32) * std
    b = jnp.zeros((1,), dtype=jnp.float32)
    return {"samples": samples, "emb": emb, "W": W, "b": b}

def reference(samples, emb, W, b):
    # get_embeddings, 'addition' strategy, vectorized but faithful:
    # per sample: drop -1 padding, gather embedding rows, sum over rows,
    # then L2-normalize the resulting D-vector (F.normalize on 1-D tensor, dim=0).
    valid = (samples != -1)
    idx = jnp.where(valid, samples, 0)
    g = jnp.take(emb, idx, axis=0)                      # [B, L, D] gather
    g = g * valid[..., None].astype(g.dtype)            # mask padded slots
    s = jnp.sum(g, axis=1)                              # [B, D]
    n = jnp.sqrt(jnp.sum(s * s, axis=1, keepdims=True))
    sample_vec = s / jnp.maximum(n, 1e-12)              # F.normalize default eps
    out = jax.nn.sigmoid(sample_vec @ W.T + b)          # Linear + Sigmoid
    return out.squeeze(1)                               # [B]

if __name__ == "__main__":
    import jax
    _d = setup_inputs()
    print(jax.jit(kernel)(*tuple(_d.values())))

</pallas_src>

<mosaic_0001>
#map = affine_map<(d0, d1) -> (0)>
#map1 = affine_map<(d0, d1) -> (0, 0)>
module attributes {stable_mosaic.version = 14 : i64} {
  func.func @_sc_body(%arg0: i32, %arg1: i32, %arg2: memref<786432xi32, #tpu.memory_space<hbm>>, %arg3: memref<1000000x64xbf16, #tpu.memory_space<hbm>>, %arg4: memref<80xf32, #tpu.memory_space<hbm>>, %arg5: memref<4096xf32, #tpu.memory_space<hbm>>, %arg6: memref<24576xi32, #tpu.memory_space<vmem>>, %arg7: memref<96x64xbf16, #tpu.memory_space<vmem>>, %arg8: memref<96x64xbf16, #tpu.memory_space<vmem>>, %arg9: memref<96x64xbf16, #tpu.memory_space<vmem>>, %arg10: memref<96x64xbf16, #tpu.memory_space<vmem>>, %arg11: memref<96x64xbf16, #tpu.memory_space<vmem>>, %arg12: memref<96x64xbf16, #tpu.memory_space<vmem>>, %arg13: memref<96x64xbf16, #tpu.memory_space<vmem>>, %arg14: memref<96x64xbf16, #tpu.memory_space<vmem>>, %arg15: memref<128xf32, #tpu.memory_space<vmem>>, %arg16: memref<80xf32, #tpu.memory_space<vmem>>, %arg17: memref<!tpu.dma_semaphore, #tpu.memory_space<semaphore_mem>>, %arg18: memref<!tpu.dma_semaphore, #tpu.memory_space<semaphore_mem>>, %arg19: memref<!tpu.dma_semaphore, #tpu.memory_space<semaphore_mem>>, %arg20: memref<!tpu.dma_semaphore, #tpu.memory_space<semaphore_mem>>, %arg21: memref<!tpu.dma_semaphore, #tpu.memory_space<semaphore_mem>>, %arg22: memref<!tpu.dma_semaphore, #tpu.memory_space<semaphore_mem>>, %arg23: memref<!tpu.dma_semaphore, #tpu.memory_space<semaphore_mem>>, %arg24: memref<!tpu.dma_semaphore, #tpu.memory_space<semaphore_mem>>) attributes {dimension_semantics = [#tpu.dimension_semantics<core_parallel>, #tpu.dimension_semantics<subcore_parallel>], iteration_bounds = array<i64: 2, 16>, scalar_prefetch = 0 : i64, scratch_operands = 19 : i64, tpu.core_type = #tpu.core_type<sc_vector_subcore>, window_params = [{transform_indices = #map}, {transform_indices = #map1}, {transform_indices = #map}, {transform_indices = #map}]} {
    %mul3A = arith.constant 2 : i32
    %mul3A_0 = arith.muli %arg1, %mul3A : i32
    %add3A = arith.addi %mul3A_0, %arg0 : i32
    %mul3A_1 = arith.constant 128 : i32
    %mul3A_2 = arith.muli %add3A, %mul3A_1 : i32
    %mul3A_3 = arith.constant 24576 : i32
    %mul3A_4 = arith.muli %add3A, %mul3A_3 : i32
    "tpu.region"() ({
      %run_scoped3A = tpu.sem_alloc : memref<!tpu.dma_semaphore, #tpu.memory_space<semaphore_mem>>
      %dma_start3A_403 = tpu.memref_slice %arg2[%mul3A_4] : memref<786432xi32, #tpu.memory_space<hbm>> -> memref<24576xi32, #tpu.memory_space<hbm>>
      %dma_start3A_404 = tpu.memref_slice %arg2[%mul3A_4] : memref<786432xi32, #tpu.memory_space<hbm>> -> memref<24576xi32, #tpu.memory_space<hbm>>
      tpu.enqueue_dma source(%dma_start3A_404 : memref<24576xi32, #tpu.memory_space<hbm>>) target(%arg6 : memref<24576xi32, #tpu.memory_space<vmem>>) target_semaphore(%run_scoped3A : memref<!tpu.dma_semaphore, #tpu.memory_space<semaphore_mem>>)
      %dma_wait3A = tpu.memref_slice %arg2[%mul3A_4] : memref<786432xi32, #tpu.memory_space<hbm>> -> memref<24576xi32, #tpu.memory_space<hbm>>
      %dma_wait3A_405 = tpu.memref_slice %arg2[%mul3A_4] : memref<786432xi32, #tpu.memory_space<hbm>> -> memref<24576xi32, #tpu.memory_space<hbm>>
      tpu.wait_dma2 semaphore(%run_scoped3A : memref<!tpu.dma_semaphore, #tpu.memory_space<semaphore_mem>>) src(%dma_wait3A_405 : memref<24576xi32, #tpu.memory_space<hbm>>) dst(%arg6 : memref<24576xi32, #tpu.memory_space<vmem>>)
      tpu.yield
    }) : () -> ()
    "tpu.region"() ({
      %run_scoped3A = tpu.sem_alloc : memref<!tpu.dma_semaphore, #tpu.memory_space<semaphore_mem>>
      tpu.enqueue_dma source(%arg4 : memref<80xf32, #tpu.memory_space<hbm>>) target(%arg16 : memref<80xf32, #tpu.memory_space<vmem>>) target_semaphore(%run_scoped3A : memref<!tpu.dma_semaphore, #tpu.memory_space<semaphore_mem>>)
      tpu.wait_dma2 semaphore(%run_scoped3A : memref<!tpu.dma_semaphore, #tpu.memory_space<semaphore_mem>>) src(%arg4 : memref<80xf32, #tpu.memory_space<hbm>>) dst(%arg16 : memref<80xf32, #tpu.memory_space<vmem>>)
      tpu.yield
    }) : () -> ()
    %get3A = arith.constant 0 : index
    %get3A_5 = tpu.vector_load %arg6[%get3A] {strides = array<i32>} : memref<24576xi32, #tpu.memory_space<vmem>>, vector<16xi32>,
    %dma_start3A = arith.constant 0 : i32
    %dma_start3A_6 = arith.constant 0 : i32
    %dma_start3A_7 = tpu.memref_slice %arg7[%dma_start3A, %dma_start3A_6] : memref<96x64xbf16, #tpu.memory_space<vmem>> -> memref<16x64xbf16, #tpu.memory_space<vmem>>
    %dma_start3A_8 = arith.constant 0 : i32
    %dma_start3A_9 = arith.constant 0 : i32
    %dma_start3A_10 = tpu.memref_slice %arg3[%dma_start3A_8, %dma_start3A_9] : memref<1000000x64xbf16, #tpu.memory_space<hbm>> -> memref<1000000x64xbf16, #tpu.memory_space<hbm>>
    tpu.enqueue_indirect_dma source(%dma_start3A_10 : memref<1000000x64xbf16, #tpu.memory_space<hbm>>) target(%dma_start3A_7 : memref<16x64xbf16, #tpu.memory_space<vmem>>) offsets(%get3A_5 : vector<16xi32>) semaphore(%arg17 : memref<!tpu.dma_semaphore, #tpu.memory_space<semaphore_mem>>)
    %get3A_11 = arith.constant 16 : index
    %get3A_12 = tpu.vector_load %arg6[%get3A_11] {strides = array<i32>} : memref<24576xi32, #tpu.memory_space<vmem>>, vector<16xi32>,
    %dma_start3A_13 = arith.constant 16 : i32
    %dma_start3A_14 = arith.constant 0 : i32
    %dma_start3A_15 = tpu.memref_slice %arg7[%dma_start3A_13, %dma_start3A_14] : memref<96x64xbf16, #tpu.memory_space<vmem>> -> memref<16x64xbf16, #tpu.memory_space<vmem>>
    %dma_start3A_16 = arith.constant 0 : i32
    %dma_start3A_17 = arith.constant 0 : i32
    %dma_start3A_18 = tpu.memref_slice %arg3[%dma_start3A_16, %dma_start3A_17] : memref<1000000x64xbf16, #tpu.memory_space<hbm>> -> memref<1000000x64xbf16, #tpu.memory_space<hbm>>
    tpu.enqueue_indirect_dma source(%dma_start3A_18 : memref<1000000x64xbf16, #tpu.memory_space<hbm>>) target(%dma_start3A_15 : memref<16x64xbf16, #tpu.memory_space<vmem>>) offsets(%get3A_12 : vector<16xi32>) semaphore(%arg17 : memref<!tpu.dma_semaphore, #tpu.memory_space<semaphore_mem>>)
    %get3A_19 = arith.constant 32 : index
    %get3A_20 = tpu.vector_load %arg6[%get3A_19] {strides = array<i32>} : memref<24576xi32, #tpu.memory_space<vmem>>, vector<16xi32>,
    %dma_start3A_21 = arith.constant 32 : i32
    %dma_start3A_22 = arith.constant 0 : i32
    %dma_start3A_23 = tpu.memref_slice %arg7[%dma_start3A_21, %dma_start3A_22] : memref<96x64xbf16, #tpu.memory_space<vmem>> -> memref<16x64xbf16, #tpu.memory_space<vmem>>
    %dma_start3A_24 = arith.constant 0 : i32
    %dma_start3A_25 = arith.constant 0 : i32
    %dma_start3A_26 = tpu.memref_slice %arg3[%dma_start3A_24, %dma_start3A_25] : memref<1000000x64xbf16, #tpu.memory_space<hbm>> -> memref<1000000x64xbf16, #tpu.memory_space<hbm>>
    tpu.enqueue_indirect_dma source(%dma_start3A_26 : memref<1000000x64xbf16, #tpu.memory_space<hbm>>) target(%dma_start3A_23 : memref<16x64xbf16, #tpu.memory_space<vmem>>) offsets(%get3A_20 : vector<16xi32>) semaphore(%arg17 : memref<!tpu.dma_semaphore, #tpu.memory_space<semaphore_mem>>)
    %get3A_27 = arith.constant 48 : index
    %get3A_28 = tpu.vector_load %arg6[%get3A_27] {strides = array<i32>} : memref<24576xi32, #tpu.memory_space<vmem>>, vector<16xi32>,
    %dma_start3A_29 = arith.constant 48 : i32
    %dma_start3A_30 = arith.constant 0 : i32
    %dma_start3A_31 = tpu.memref_slice %arg7[%dma_start3A_29, %dma_start3A_30] : memref<96x64xbf16, #tpu.memory_space<vmem>> -> memref<16x64xbf16, #tpu.memory_space<vmem>>
    %dma_start3A_32 = arith.constant 0 : i32
    %dma_start3A_33 = arith.constant 0 : i32
    %dma_start3A_34 = tpu.memref_slice %arg3[%dma_start3A_32, %dma_start3A_33] : memref<1000000x64xbf16, #tpu.memory_space<hbm>> -> memref<1000000x64xbf16, #tpu.memory_space<hbm>>
    tpu.enqueue_indirect_dma source(%dma_start3A_34 : memref<1000000x64xbf16, #tpu.memory_space<hbm>>) target(%dma_start3A_31 : memref<16x64xbf16, #tpu.memory_space<vmem>>) offsets(%get3A_28 : vector<16xi32>) semaphore(%arg17 : memref<!tpu.dma_semaphore, #tpu.memory_space<semaphore_mem>>)
    %get3A_35 = arith.constant 64 : index
    %get3A_36 = tpu.vector_load %arg6[%get3A_35] {strides = array<i32>} : memref<24576xi32, #tpu.memory_space<vmem>>, vector<16xi32>,
    %dma_start3A_37 = arith.constant 64 : i32
    %dma_start3A_38 = arith.constant 0 : i32
    %dma_start3A_39 = tpu.memref_slice %arg7[%dma_start3A_37, %dma_start3A_38] : memref<96x64xbf16, #tpu.memory_space<vmem>> -> memref<16x64xbf16, #tpu.memory_space<vmem>>
    %dma_start3A_40 = arith.constant 0 : i32
    %dma_start3A_41 = arith.constant 0 : i32
    %dma_start3A_42 = tpu.memref_slice %arg3[%dma_start3A_40, %dma_start3A_41] : memref<1000000x64xbf16, #tpu.memory_space<hbm>> -> memref<1000000x64xbf16, #tpu.memory_space<hbm>>
    tpu.enqueue_indirect_dma source(%dma_start3A_42 : memref<1000000x64xbf16, #tpu.memory_space<hbm>>) target(%dma_start3A_39 : memref<16x64xbf16, #tpu.memory_space<vmem>>) offsets(%get3A_36 : vector<16xi32>) semaphore(%arg17 : memref<!tpu.dma_semaphore, #tpu.memory_space<semaphore_mem>>)
    %get3A_43 = arith.constant 80 : index
    %get3A_44 = tpu.vector_load %arg6[%get3A_43] {strides = array<i32>} : memref<24576xi32, #tpu.memory_space<vmem>>, vector<16xi32>,
    %dma_start3A_45 = arith.constant 80 : i32
    %dma_start3A_46 = arith.constant 0 : i32
    %dma_start3A_47 = tpu.memref_slice %arg7[%dma_start3A_45, %dma_start3A_46] : memref<96x64xbf16, #tpu.memory_space<vmem>> -> memref<16x64xbf16, #tpu.memory_space<vmem>>
    %dma_start3A_48 = arith.constant 0 : i32
    %dma_start3A_49 = arith.constant 0 : i32
    %dma_start3A_50 = tpu.memref_slice %arg3[%dma_start3A_48, %dma_start3A_49] : memref<1000000x64xbf16, #tpu.memory_space<hbm>> -> memref<1000000x64xbf16, #tpu.memory_space<hbm>>
    tpu.enqueue_indirect_dma source(%dma_start3A_50 : memref<1000000x64xbf16, #tpu.memory_space<hbm>>) target(%dma_start3A_47 : memref<16x64xbf16, #tpu.memory_space<vmem>>) offsets(%get3A_44 : vector<16xi32>) semaphore(%arg17 : memref<!tpu.dma_semaphore, #tpu.memory_space<semaphore_mem>>)
    %get3A_51 = arith.constant 96 : index
    %get3A_52 = tpu.vector_load %arg6[%get3A_51] {strides = array<i32>} : memref<24576xi32, #tpu.memory_space<vmem>>, vector<16xi32>,
    %dma_start3A_53 = arith.constant 0 : i32
    %dma_start3A_54 = arith.constant 0 : i32
    %dma_start3A_55 = tpu.memref_slice %arg8[%dma_start3A_53, %dma_start3A_54] : memref<96x64xbf16, #tpu.memory_space<vmem>> -> memref<16x64xbf16, #tpu.memory_space<vmem>>
    %dma_start3A_56 = arith.constant 0 : i32
    %dma_start3A_57 = arith.constant 0 : i32
    %dma_start3A_58 = tpu.memref_slice %arg3[%dma_start3A_56, %dma_start3A_57] : memref<1000000x64xbf16, #tpu.memory_space<hbm>> -> memref<1000000x64xbf16, #tpu.memory_space<hbm>>
    tpu.enqueue_indirect_dma source(%dma_start3A_58 : memref<1000000x64xbf16, #tpu.memory_space<hbm>>) target(%dma_start3A_55 : memref<16x64xbf16, #tpu.memory_space<vmem>>) offsets(%get3A_52 : vector<16xi32>) semaphore(%arg18 : memref<!tpu.dma_semaphore, #tpu.memory_space<semaphore_mem>>)
    %get3A_59 = arith.constant 112 : index
    %get3A_60 = tpu.vector_load %arg6[%get3A_59] {strides = array<i32>} : memref<24576xi32, #tpu.memory_space<vmem>>, vector<16xi32>,
    %dma_start3A_61 = arith.constant 16 : i32
    %dma_start3A_62 = arith.constant 0 : i32
    %dma_start3A_63 = tpu.memref_slice %arg8[%dma_start3A_61, %dma_start3A_62] : memref<96x64xbf16, #tpu.memory_space<vmem>> -> memref<16x64xbf16, #tpu.memory_space<vmem>>
    %dma_start3A_64 = arith.constant 0 : i32
    %dma_start3A_65 = arith.constant 0 : i32
    %dma_start3A_66 = tpu.memref_slice %arg3[%dma_start3A_64, %dma_start3A_65] : memref<1000000x64xbf16, #tpu.memory_space<hbm>> -> memref<1000000x64xbf16, #tpu.memory_space<hbm>>
    tpu.enqueue_indirect_dma source(%dma_start3A_66 : memref<1000000x64xbf16, #tpu.memory_space<hbm>>) target(%dma_start3A_63 : memref<16x64xbf16, #tpu.memory_space<vmem>>) offsets(%get3A_60 : vector<16xi32>) semaphore(%arg18 : memref<!tpu.dma_semaphore, #tpu.memory_space<semaphore_mem>>)
    %get3A_67 = arith.constant 128 : index
    %get3A_68 = tpu.vector_load %arg6[%get3A_67] {strides = array<i32>} : memref<24576xi32, #tpu.memory_space<vmem>>, vector<16xi32>,
    %dma_start3A_69 = arith.constant 32 : i32
    %dma_start3A_70 = arith.constant 0 : i32
    %dma_start3A_71 = tpu.memref_slice %arg8[%dma_start3A_69, %dma_start3A_70] : memref<96x64xbf16, #tpu.memory_space<vmem>> -> memref<16x64xbf16, #tpu.memory_space<vmem>>
    %dma_start3A_72 = arith.constant 0 : i32
    %dma_start3A_73 = arith.constant 0 : i32
    %dma_start3A_74 = tpu.memref_slice %arg3[%dma_start3A_72, %dma_start3A_73] : memref<1000000x64xbf16, #tpu.memory_space<hbm>> -> memref<1000000x64xbf16, #tpu.memory_space<hbm>>
    tpu.enqueue_indirect_dma source(%dma_start3A_74 : memref<1000000x64xbf16, #tpu.memory_space<hbm>>) target(%dma_start3A_71 : memref<16x64xbf16, #tpu.memory_space<vmem>>) offsets(%get3A_68 : vector<16xi32>) semaphore(%arg18 : memref<!tpu.dma_semaphore, #tpu.memory_space<semaphore_mem>>)
    %get3A_75 = arith.constant 144 : index
    %get3A_76 = tpu.vector_load %arg6[%get3A_75] {strides = array<i32>} : memref<24576xi32, #tpu.memory_space<vmem>>, vector<16xi32>,
    %dma_start3A_77 = arith.constant 48 : i32
    %dma_start3A_78 = arith.constant 0 : i32
    %dma_start3A_79 = tpu.memref_slice %arg8[%dma_start3A_77, %dma_start3A_78] : memref<96x64xbf16, #tpu.memory_space<vmem>> -> memref<16x64xbf16, #tpu.memory_space<vmem>>
    %dma_start3A_80 = arith.constant 0 : i32
    %dma_start3A_81 = arith.constant 0 : i32
    %dma_start3A_82 = tpu.memref_slice %arg3[%dma_start3A_80, %dma_start3A_81] : memref<1000000x64xbf16, #tpu.memory_space<hbm>> -> memref<1000000x64xbf16, #tpu.memory_space<hbm>>
    tpu.enqueue_indirect_dma source(%dma_start3A_82 : memref<1000000x64xbf16, #tpu.memory_space<hbm>>) target(%dma_start3A_79 : memref<16x64xbf16, #tpu.memory_space<vmem>>) offsets(%get3A_76 : vector<16xi32>) semaphore(%arg18 : memref<!tpu.dma_semaphore, #tpu.memory_space<semaphore_mem>>)
    %get3A_83 = arith.constant 160 : index
    %get3A_84 = tpu.vector_load %arg6[%get3A_83] {strides = array<i32>} : memref<24576xi32, #tpu.memory_space<vmem>>, vector<16xi32>,
    %dma_start3A_85 = arith.constant 64 : i32
    %dma_start3A_86 = arith.constant 0 : i32
    %dma_start3A_87 = tpu.memref_slice %arg8[%dma_start3A_85, %dma_start3A_86] : memref<96x64xbf16, #tpu.memory_space<vmem>> -> memref<16x64xbf16, #tpu.memory_space<vmem>>
    %dma_start3A_88 = arith.constant 0 : i32
    %dma_start3A_89 = arith.constant 0 : i32
    %dma_start3A_90 = tpu.memref_slice %arg3[%dma_start3A_88, %dma_start3A_89] : memref<1000000x64xbf16, #tpu.memory_space<hbm>> -> memref<1000000x64xbf16, #tpu.memory_space<hbm>>
    tpu.enqueue_indirect_dma source(%dma_start3A_90 : memref<1000000x64xbf16, #tpu.memory_space<hbm>>) target(%dma_start3A_87 : memref<16x64xbf16, #tpu.memory_space<vmem>>) offsets(%get3A_84 : vector<16xi32>) semaphore(%arg18 : memref<!tpu.dma_semaphore, #tpu.memory_space<semaphore_mem>>)
    %get3A_91 = arith.constant 176 : index
    %get3A_92 = tpu.vector_load %arg6[%get3A_91] {strides = array<i32>} : memref<24576xi32, #tpu.memory_space<vmem>>, vector<16xi32>,
    %dma_start3A_93 = arith.constant 80 : i32
    %dma_start3A_94 = arith.constant 0 : i32
    %dma_start3A_95 = tpu.memref_slice %arg8[%dma_start3A_93, %dma_start3A_94] : memref<96x64xbf16, #tpu.memory_space<vmem>> -> memref<16x64xbf16, #tpu.memory_space<vmem>>
    %dma_start3A_96 = arith.constant 0 : i32
    %dma_start3A_97 = arith.constant 0 : i32
    %dma_start3A_98 = tpu.memref_slice %arg3[%dma_start3A_96, %dma_start3A_97] : memref<1000000x64xbf16, #tpu.memory_space<hbm>> -> memref<1000000x64xbf16, #tpu.memory_space<hbm>>
    tpu.enqueue_indirect_dma source(%dma_start3A_98 : memref<1000000x64xbf16, #tpu.memory_space<hbm>>) target(%dma_start3A_95 : memref<16x64xbf16, #tpu.memory_space<vmem>>) offsets(%get3A_92 : vector<16xi32>) semaphore(%arg18 : memref<!tpu.dma_semaphore, #tpu.memory_space<semaphore_mem>>)
    %get3A_99 = arith.constant 192 : index
    %get3A_100 = tpu.vector_load %arg6[%get3A_99] {strides = array<i32>} : memref<24576xi32, #tpu.memory_space<vmem>>, vector<16xi32>,
    %dma_start3A_101 = arith.constant 0 : i32
    %dma_start3A_102 = arith.constant 0 : i32
    %dma_start3A_103 = tpu.memref_slice %arg9[%dma_start3A_101, %dma_start3A_102] : memref<96x64xbf16, #tpu.memory_space<vmem>> -> memref<16x64xbf16, #tpu.memory_space<vmem>>
    %dma_start3A_104 = arith.constant 0 : i32
    %dma_start3A_105 = arith.constant 0 : i32
    %dma_start3A_106 = tpu.memref_slice %arg3[%dma_start3A_104, %dma_start3A_105] : memref<1000000x64xbf16, #tpu.memory_space<hbm>> -> memref<1000000x64xbf16, #tpu.memory_space<hbm>>
    tpu.enqueue_indirect_dma source(%dma_start3A_106 : memref<1000000x64xbf16, #tpu.memory_space<hbm>>) target(%dma_start3A_103 : memref<16x64xbf16, #tpu.memory_space<vmem>>) offsets(%get3A_100 : vector<16xi32>) semaphore(%arg19 : memref<!tpu.dma_semaphore, #tpu.memory_space<semaphore_mem>>)
    %get3A_107 = arith.constant 208 : index
    %get3A_108 = tpu.vector_load %arg6[%get3A_107] {strides = array<i32>} : memref<24576xi32, #tpu.memory_space<vmem>>, vector<16xi32>,
    %dma_start3A_109 = arith.constant 16 : i32
    %dma_start3A_110 = arith.constant 0 : i32
    %dma_start3A_111 = tpu.memref_slice %arg9[%dma_start3A_109, %dma_start3A_110] : memref<96x64xbf16, #tpu.memory_space<vmem>> -> memref<16x64xbf16, #tpu.memory_space<vmem>>
    %dma_start3A_112 = arith.constant 0 : i32
    %dma_start3A_113 = arith.constant 0 : i32
    %dma_start3A_114 = tpu.memref_slice %arg3[%dma_start3A_112, %dma_start3A_113] : memref<1000000x64xbf16, #tpu.memory_space<hbm>> -> memref<1000000x64xbf16, #tpu.memory_space<hbm>>
    tpu.enqueue_indirect_dma source(%dma_start3A_114 : memref<1000000x64xbf16, #tpu.memory_space<hbm>>) target(%dma_start3A_111 : memref<16x64xbf16, #tpu.memory_space<vmem>>) offsets(%get3A_108 : vector<16xi32>) semaphore(%arg19 : memref<!tpu.dma_semaphore, #tpu.memory_space<semaphore_mem>>)
    %get3A_115 = arith.constant 224 : index
    %get3A_116 = tpu.vector_load %arg6[%get3A_115] {strides = array<i32>} : memref<24576xi32, #tpu.memory_space<vmem>>, vector<16xi32>,
    %dma_start3A_117 = arith.constant 32 : i32
    %dma_start3A_118 = arith.constant 0 : i32
    %dma_start3A_119 = tpu.memref_slice %arg9[%dma_start3A_117, %dma_start3A_118] : memref<96x64xbf16, #tpu.memory_space<vmem>> -> memref<16x64xbf16, #tpu.memory_space<vmem>>
    %dma_start3A_120 = arith.constant 0 : i32
    %dma_start3A_121 = arith.constant 0 : i32
    %dma_start3A_122 = tpu.memref_slice %arg3[%dma_start3A_120, %dma_start3A_121] : memref<1000000x64xbf16, #tpu.memory_space<hbm>> -> memref<1000000x64xbf16, #tpu.memory_space<hbm>>
    tpu.enqueue_indirect_dma source(%dma_start3A_122 : memref<1000000x64xbf16, #tpu.memory_space<hbm>>) target(%dma_start3A_119 : memref<16x64xbf16, #tpu.memory_space<vmem>>) offsets(%get3A_116 : vector<16xi32>) semaphore(%arg19 : memref<!tpu.dma_semaphore, #tpu.memory_space<semaphore_mem>>)
    %get3A_123 = arith.constant 240 : index
    %get3A_124 = tpu.vector_load %arg6[%get3A_123] {strides = array<i32>} : memref<24576xi32, #tpu.memory_space<vmem>>, vector<16xi32>,
    %dma_start3A_125 = arith.constant 48 : i32
    %dma_start3A_126 = arith.constant 0 : i32
    %dma_start3A_127 = tpu.memref_slice %arg9[%dma_start3A_125, %dma_start3A_126] : memref<96x64xbf16, #tpu.memory_space<vmem>> -> memref<16x64xbf16, #tpu.memory_space<vmem>>
    %dma_start3A_128 = arith.constant 0 : i32
    %dma_start3A_129 = arith.constant 0 : i32
    %dma_start3A_130 = tpu.memref_slice %arg3[%dma_start3A_128, %dma_start3A_129] : memref<1000000x64xbf16, #tpu.memory_space<hbm>> -> memref<1000000x64xbf16, #tpu.memory_space<hbm>>
    tpu.enqueue_indirect_dma source(%dma_start3A_130 : memref<1000000x64xbf16, #tpu.memory_space<hbm>>) target(%dma_start3A_127 : memref<16x64xbf16, #tpu.memory_space<vmem>>) offsets(%get3A_124 : vector<16xi32>) semaphore(%arg19 : memref<!tpu.dma_semaphore, #tpu.memory_space<semaphore_mem>>)
    %get3A_131 = arith.constant 256 : index
    %get3A_132 = tpu.vector_load %arg6[%get3A_131] {strides = array<i32>} : memref<24576xi32, #tpu.memory_space<vmem>>, vector<16xi32>,
    %dma_start3A_133 = arith.constant 64 : i32
    %dma_start3A_134 = arith.constant 0 : i32
    %dma_start3A_135 = tpu.memref_slice %arg9[%dma_start3A_133, %dma_start3A_134] : memref<96x64xbf16, #tpu.memory_space<vmem>> -> memref<16x64xbf16, #tpu.memory_space<vmem>>
    %dma_start3A_136 = arith.constant 0 : i32
    %dma_start3A_137 = arith.constant 0 : i32
    %dma_start3A_138 = tpu.memref_slice %arg3[%dma_start3A_136, %dma_start3A_137] : memref<1000000x64xbf16, #tpu.memory_space<hbm>> -> memref<1000000x64xbf16, #tpu.memory_space<hbm>>
    tpu.enqueue_indirect_dma source(%dma_start3A_138 : memref<1000000x64xbf16, #tpu.memory_space<hbm>>) target(%dma_start3A_135 : memref<16x64xbf16, #tpu.memory_space<vmem>>) offsets(%get3A_132 : vector<16xi32>) semaphore(%arg19 : memref<!tpu.dma_semaphore, #tpu.memory_space<semaphore_mem>>)
    %get3A_139 = arith.constant 272 : index
    %get3A_140 = tpu.vector_load %arg6[%get3A_139] {strides = array<i32>} : memref<24576xi32, #tpu.memory_space<vmem>>, vector<16xi32>,
    %dma_start3A_141 = arith.constant 80 : i32
    %dma_start3A_142 = arith.constant 0 : i32
    %dma_start3A_143 = tpu.memref_slice %arg9[%dma_start3A_141, %dma_start3A_142] : memref<96x64xbf16, #tpu.memory_space<vmem>> -> memref<16x64xbf16, #tpu.memory_space<vmem>>
    %dma_start3A_144 = arith.constant 0 : i32
    %dma_start3A_145 = arith.constant 0 : i32
    %dma_start3A_146 = tpu.memref_slice %arg3[%dma_start3A_144, %dma_start3A_145] : memref<1000000x64xbf16, #tpu.memory_space<hbm>> -> memref<1000000x64xbf16, #tpu.memory_space<hbm>>
    tpu.enqueue_indirect_dma source(%dma_start3A_146 : memref<1000000x64xbf16, #tpu.memory_space<hbm>>) target(%dma_start3A_143 : memref<16x64xbf16, #tpu.memory_space<vmem>>) offsets(%get3A_140 : vector<16xi32>) semaphore(%arg19 : memref<!tpu.dma_semaphore, #tpu.memory_space<semaphore_mem>>)
    %get3A_147 = arith.constant 288 : index
    %get3A_148 = tpu.vector_load %arg6[%get3A_147] {strides = array<i32>} : memref<24576xi32, #tpu.memory_space<vmem>>, vector<16xi32>,
    %dma_start3A_149 = arith.constant 0 : i32
    %dma_start3A_150 = arith.constant 0 : i32
    %dma_start3A_151 = tpu.memref_slice %arg10[%dma_start3A_149, %dma_start3A_150] : memref<96x64xbf16, #tpu.memory_space<vmem>> -> memref<16x64xbf16, #tpu.memory_space<vmem>>
    %dma_start3A_152 = arith.constant 0 : i32
    %dma_start3A_153 = arith.constant 0 : i32
    %dma_start3A_154 = tpu.memref_slice %arg3[%dma_start3A_152, %dma_start3A_153] : memref<1000000x64xbf16, #tpu.memory_space<hbm>> -> memref<1000000x64xbf16, #tpu.memory_space<hbm>>
    tpu.enqueue_indirect_dma source(%dma_start3A_154 : memref<1000000x64xbf16, #tpu.memory_space<hbm>>) target(%dma_start3A_151 : memref<16x64xbf16, #tpu.memory_space<vmem>>) offsets(%get3A_148 : vector<16xi32>) semaphore(%arg20 : memref<!tpu.dma_semaphore, #tpu.memory_space<semaphore_mem>>)
    %get3A_155 = arith.constant 304 : index
    %get3A_156 = tpu.vector_load %arg6[%get3A_155] {strides = array<i32>} : memref<24576xi32, #tpu.memory_space<vmem>>, vector<16xi32>,
    %dma_start3A_157 = arith.constant 16 : i32
    %dma_start3A_158 = arith.constant 0 : i32
    %dma_start3A_159 = tpu.memref_slice %arg10[%dma_start3A_157, %dma_start3A_158] : memref<96x64xbf16, #tpu.memory_space<vmem>> -> memref<16x64xbf16, #tpu.memory_space<vmem>>
    %dma_start3A_160 = arith.constant 0 : i32
    %dma_start3A_161 = arith.constant 0 : i32
    %dma_start3A_162 = tpu.memref_slice %arg3[%dma_start3A_160, %dma_start3A_161] : memref<1000000x64xbf16, #tpu.memory_space<hbm>> -> memref<1000000x64xbf16, #tpu.memory_space<hbm>>
    tpu.enqueue_indirect_dma source(%dma_start3A_162 : memref<1000000x64xbf16, #tpu.memory_space<hbm>>) target(%dma_start3A_159 : memref<16x64xbf16, #tpu.memory_space<vmem>>) offsets(%get3A_156 : vector<16xi32>) semaphore(%arg20 : memref<!tpu.dma_semaphore, #tpu.memory_space<semaphore_mem>>)
    %get3A_163 = arith.constant 320 : index
    %get3A_164 = tpu.vector_load %arg6[%get3A_163] {strides = array<i32>} : memref<24576xi32, #tpu.memory_space<vmem>>, vector<16xi32>,
    %dma_start3A_165 = arith.constant 32 : i32
    %dma_start3A_166 = arith.constant 0 : i32
    %dma_start3A_167 = tpu.memref_slice %arg10[%dma_start3A_165, %dma_start3A_166] : memref<96x64xbf16, #tpu.memory_space<vmem>> -> memref<16x64xbf16, #tpu.memory_space<vmem>>
    %dma_start3A_168 = arith.constant 0 : i32
    %dma_start3A_169 = arith.constant 0 : i32
    %dma_start3A_170 = tpu.memref_slice %arg3[%dma_start3A_168, %dma_start3A_169] : memref<1000000x64xbf16, #tpu.memory_space<hbm>> -> memref<1000000x64xbf16, #tpu.memory_space<hbm>>
    tpu.enqueue_indirect_dma source(%dma_start3A_170 : memref<1000000x64xbf16, #tpu.memory_space<hbm>>) target(%dma_start3A_167 : memref<16x64xbf16, #tpu.memory_space<vmem>>) offsets(%get3A_164 : vector<16xi32>) semaphore(%arg20 : memref<!tpu.dma_semaphore, #tpu.memory_space<semaphore_mem>>)
    %get3A_171 = arith.constant 336 : index
    %get3A_172 = tpu.vector_load %arg6[%get3A_171] {strides = array<i32>} : memref<24576xi32, #tpu.memory_space<vmem>>, vector<16xi32>,
    %dma_start3A_173 = arith.constant 48 : i32
    %dma_start3A_174 = arith.constant 0 : i32
    %dma_start3A_175 = tpu.memref_slice %arg10[%dma_start3A_173, %dma_start3A_174] : memref<96x64xbf16, #tpu.memory_space<vmem>> -> memref<16x64xbf16, #tpu.memory_space<vmem>>
    %dma_start3A_176 = arith.constant 0 : i32
    %dma_start3A_177 = arith.constant 0 : i32
    %dma_start3A_178 = tpu.memref_slice %arg3[%dma_start3A_176, %dma_start3A_177] : memref<1000000x64xbf16, #tpu.memory_space<hbm>> -> memref<1000000x64xbf16, #tpu.memory_space<hbm>>
    tpu.enqueue_indirect_dma source(%dma_start3A_178 : memref<1000000x64xbf16, #tpu.memory_space<hbm>>) target(%dma_start3A_175 : memref<16x64xbf16, #tpu.memory_space<vmem>>) offsets(%get3A_172 : vector<16xi32>) semaphore(%arg20 : memref<!tpu.dma_semaphore, #tpu.memory_space<semaphore_mem>>)
    %get3A_179 = arith.constant 352 : index
    %get3A_180 = tpu.vector_load %arg6[%get3A_179] {strides = array<i32>} : memref<24576xi32, #tpu.memory_space<vmem>>, vector<16xi32>,
    %dma_start3A_181 = arith.constant 64 : i32
    %dma_start3A_182 = arith.constant 0 : i32
    %dma_start3A_183 = tpu.memref_slice %arg10[%dma_start3A_181, %dma_start3A_182] : memref<96x64xbf16, #tpu.memory_space<vmem>> -> memref<16x64xbf16, #tpu.memory_space<vmem>>
    %dma_start3A_184 = arith.constant 0 : i32
    %dma_start3A_185 = arith.constant 0 : i32
    %dma_start3A_186 = tpu.memref_slice %arg3[%dma_start3A_184, %dma_start3A_185] : memref<1000000x64xbf16, #tpu.memory_space<hbm>> -> memref<1000000x64xbf16, #tpu.memory_space<hbm>>
    tpu.enqueue_indirect_dma source(%dma_start3A_186 : memref<1000000x64xbf16, #tpu.memory_space<hbm>>) target(%dma_start3A_183 : memref<16x64xbf16, #tpu.memory_space<vmem>>) offsets(%get3A_180 : vector<16xi32>) semaphore(%arg20 : memref<!tpu.dma_semaphore, #tpu.memory_space<semaphore_mem>>)
    %get3A_187 = arith.constant 368 : index
    %get3A_188 = tpu.vector_load %arg6[%get3A_187] {strides = array<i32>} : memref<24576xi32, #tpu.memory_space<vmem>>, vector<16xi32>,
    %dma_start3A_189 = arith.constant 80 : i32
    %dma_start3A_190 = arith.constant 0 : i32
    %dma_start3A_191 = tpu.memref_slice %arg10[%dma_start3A_189, %dma_start3A_190] : memref<96x64xbf16, #tpu.memory_space<vmem>> -> memref<16x64xbf16, #tpu.memory_space<vmem>>
    %dma_start3A_192 = arith.constant 0 : i32
    %dma_start3A_193 = arith.constant 0 : i32
    %dma_start3A_194 = tpu.memref_slice %arg3[%dma_start3A_192, %dma_start3A_193] : memref<1000000x64xbf16, #tpu.memory_space<hbm>> -> memref<1000000x64xbf16, #tpu.memory_space<hbm>>
    tpu.enqueue_indirect_dma source(%dma_start3A_194 : memref<1000000x64xbf16, #tpu.memory_space<hbm>>) target(%dma_start3A_191 : memref<16x64xbf16, #tpu.memory_space<vmem>>) offsets(%get3A_188 : vector<16xi32>) semaphore(%arg20 : memref<!tpu.dma_semaphore, #tpu.memory_space<semaphore_mem>>)
    %get3A_195 = arith.constant 384 : index
    %get3A_196 = tpu.vector_load %arg6[%get3A_195] {strides = array<i32>} : memref<24576xi32, #tpu.memory_space<vmem>>, vector<16xi32>,
    %dma_start3A_197 = arith.constant 0 : i32
    %dma_start3A_198 = arith.constant 0 : i32
    %dma_start3A_199 = tpu.memref_slice %arg11[%dma_start3A_197, %dma_start3A_198] : memref<96x64xbf16, #tpu.memory_space<vmem>> -> memref<16x64xbf16, #tpu.memory_space<vmem>>
    %dma_start3A_200 = arith.constant 0 : i32
    %dma_start3A_201 = arith.constant 0 : i32
    %dma_start3A_202 = tpu.memref_slice %arg3[%dma_start3A_200, %dma_start3A_201] : memref<1000000x64xbf16, #tpu.memory_space<hbm>> -> memref<1000000x64xbf16, #tpu.memory_space<hbm>>
    tpu.enqueue_indirect_dma source(%dma_start3A_202 : memref<1000000x64xbf16, #tpu.memory_space<hbm>>) target(%dma_start3A_199 : memref<16x64xbf16, #tpu.memory_space<vmem>>) offsets(%get3A_196 : vector<16xi32>) semaphore(%arg21 : memref<!tpu.dma_semaphore, #tpu.memory_space<semaphore_mem>>)
    %get3A_203 = arith.constant 400 : index
    %get3A_204 = tpu.vector_load %arg6[%get3A_203] {strides = array<i32>} : memref<24576xi32, #tpu.memory_space<vmem>>, vector<16xi32>,
    %dma_start3A_205 = arith.constant 16 : i32
    %dma_start3A_206 = arith.constant 0 : i32
    %dma_start3A_207 = tpu.memref_slice %arg11[%dma_start3A_205, %dma_start3A_206] : memref<96x64xbf16, #tpu.memory_space<vmem>> -> memref<16x64xbf16, #tpu.memory_space<vmem>>
    %dma_start3A_208 = arith.constant 0 : i32
    %dma_start3A_209 = arith.constant 0 : i32
    %dma_start3A_210 = tpu.memref_slice %arg3[%dma_start3A_208, %dma_start3A_209] : memref<1000000x64xbf16, #tpu.memory_space<hbm>> -> memref<1000000x64xbf16, #tpu.memory_space<hbm>>
    tpu.enqueue_indirect_dma source(%dma_start3A_210 : memref<1000000x64xbf16, #tpu.memory_space<hbm>>) target(%dma_start3A_207 : memref<16x64xbf16, #tpu.memory_space<vmem>>) offsets(%get3A_204 : vector<16xi32>) semaphore(%arg21 : memref<!tpu.dma_semaphore, #tpu.memory_space<semaphore_mem>>)
    %get3A_211 = arith.constant 416 : index
    %get3A_212 = tpu.vector_load %arg6[%get3A_211] {strides = array<i32>} : memref<24576xi32, #tpu.memory_space<vmem>>, vector<16xi32>,
    %dma_start3A_213 = arith.constant 32 : i32
    %dma_start3A_214 = arith.constant 0 : i32
    %dma_start3A_215 = tpu.memref_slice %arg11[%dma_start3A_213, %dma_start3A_214] : memref<96x64xbf16, #tpu.memory_space<vmem>> -> memref<16x64xbf16, #tpu.memory_space<vmem>>
    %dma_start3A_216 = arith.constant 0 : i32
    %dma_start3A_217 = arith.constant 0 : i32
    %dma_start3A_218 = tpu.memref_slice %arg3[%dma_start3A_216, %dma_start3A_217] : memref<1000000x64xbf16, #tpu.memory_space<hbm>> -> memref<1000000x64xbf16, #tpu.memory_space<hbm>>
    tpu.enqueue_indirect_dma source(%dma_start3A_218 : memref<1000000x64xbf16, #tpu.memory_space<hbm>>) target(%dma_start3A_215 : memref<16x64xbf16, #tpu.memory_space<vmem>>) offsets(%get3A_212 : vector<16xi32>) semaphore(%arg21 : memref<!tpu.dma_semaphore, #tpu.memory_space<semaphore_mem>>)
    %get3A_219 = arith.constant 432 : index
    %get3A_220 = tpu.vector_load %arg6[%get3A_219] {strides = array<i32>} : memref<24576xi32, #tpu.memory_space<vmem>>, vector<16xi32>,
    %dma_start3A_221 = arith.constant 48 : i32
    %dma_start3A_222 = arith.constant 0 : i32
    %dma_start3A_223 = tpu.memref_slice %arg11[%dma_start3A_221, %dma_start3A_222] : memref<96x64xbf16, #tpu.memory_space<vmem>> -> memref<16x64xbf16, #tpu.memory_space<vmem>>
    %dma_start3A_224 = arith.constant 0 : i32
    %dma_start3A_225 = arith.constant 0 : i32
    %dma_start3A_226 = tpu.memref_slice %arg3[%dma_start3A_224, %dma_start3A_225] : memref<1000000x64xbf16, #tpu.memory_space<hbm>> -> memref<1000000x64xbf16, #tpu.memory_space<hbm>>
    tpu.enqueue_indirect_dma source(%dma_start3A_226 : memref<1000000x64xbf16, #tpu.memory_space<hbm>>) target(%dma_start3A_223 : memref<16x64xbf16, #tpu.memory_space<vmem>>) offsets(%get3A_220 : vector<16xi32>) semaphore(%arg21 : memref<!tpu.dma_semaphore, #tpu.memory_space<semaphore_mem>>)
    %get3A_227 = arith.constant 448 : index
    %get3A_228 = tpu.vector_load %arg6[%get3A_227] {strides = array<i32>} : memref<24576xi32, #tpu.memory_space<vmem>>, vector<16xi32>,
    %dma_start3A_229 = arith.constant 64 : i32
    %dma_start3A_230 = arith.constant 0 : i32
    %dma_start3A_231 = tpu.memref_slice %arg11[%dma_start3A_229, %dma_start3A_230] : memref<96x64xbf16, #tpu.memory_space<vmem>> -> memref<16x64xbf16, #tpu.memory_space<vmem>>
    %dma_start3A_232 = arith.constant 0 : i32
    %dma_start3A_233 = arith.constant 0 : i32
    %dma_start3A_234 = tpu.memref_slice %arg3[%dma_start3A_232, %dma_start3A_233] : memref<1000000x64xbf16, #tpu.memory_space<hbm>> -> memref<1000000x64xbf16, #tpu.memory_space<hbm>>
    tpu.enqueue_indirect_dma source(%dma_start3A_234 : memref<1000000x64xbf16, #tpu.memory_space<hbm>>) target(%dma_start3A_231 : memref<16x64xbf16, #tpu.memory_space<vmem>>) offsets(%get3A_228 : vector<16xi32>) semaphore(%arg21 : memref<!tpu.dma_semaphore, #tpu.memory_space<semaphore_mem>>)
    %get3A_235 = arith.constant 464 : index
    %get3A_236 = tpu.vector_load %arg6[%get3A_235] {strides = array<i32>} : memref<24576xi32, #tpu.memory_space<vmem>>, vector<16xi32>,
    %dma_start3A_237 = arith.constant 80 : i32
    %dma_start3A_238 = arith.constant 0 : i32
    %dma_start3A_239 = tpu.memref_slice %arg11[%dma_start3A_237, %dma_start3A_238] : memref<96x64xbf16, #tpu.memory_space<vmem>> -> memref<16x64xbf16, #tpu.memory_space<vmem>>
    %dma_start3A_240 = arith.constant 0 : i32
    %dma_start3A_241 = arith.constant 0 : i32
    %dma_start3A_242 = tpu.memref_slice %arg3[%dma_start3A_240, %dma_start3A_241] : memref<1000000x64xbf16, #tpu.memory_space<hbm>> -> memref<1000000x64xbf16, #tpu.memory_space<hbm>>
    tpu.enqueue_indirect_dma source(%dma_start3A_242 : memref<1000000x64xbf16, #tpu.memory_space<hbm>>) target(%dma_start3A_239 : memref<16x64xbf16, #tpu.memory_space<vmem>>) offsets(%get3A_236 : vector<16xi32>) semaphore(%arg21 : memref<!tpu.dma_semaphore, #tpu.memory_space<semaphore_mem>>)
    %get3A_243 = arith.constant 480 : index
    %get3A_244 = tpu.vector_load %arg6[%get3A_243] {strides = array<i32>} : memref<24576xi32, #tpu.memory_space<vmem>>, vector<16xi32>,
    %dma_start3A_245 = arith.constant 0 : i32
    %dma_start3A_246 = arith.constant 0 : i32
    %dma_start3A_247 = tpu.memref_slice %arg12[%dma_start3A_245, %dma_start3A_246] : memref<96x64xbf16, #tpu.memory_space<vmem>> -> memref<16x64xbf16, #tpu.memory_space<vmem>>
    %dma_start3A_248 = arith.constant 0 : i32
    %dma_start3A_249 = arith.constant 0 : i32
    %dma_start3A_250 = tpu.memref_slice %arg3[%dma_start3A_248, %dma_start3A_249] : memref<1000000x64xbf16, #tpu.memory_space<hbm>> -> memref<1000000x64xbf16, #tpu.memory_space<hbm>>
    tpu.enqueue_indirect_dma source(%dma_start3A_250 : memref<1000000x64xbf16, #tpu.memory_space<hbm>>) target(%dma_start3A_247 : memref<16x64xbf16, #tpu.memory_space<vmem>>) offsets(%get3A_244 : vector<16xi32>) semaphore(%arg22 : memref<!tpu.dma_semaphore, #tpu.memory_space<semaphore_mem>>)
    %get3A_251 = arith.constant 496 : index
    %get3A_252 = tpu.vector_load %arg6[%get3A_251] {strides = array<i32>} : memref<24576xi32, #tpu.memory_space<vmem>>, vector<16xi32>,
    %dma_start3A_253 = arith.constant 16 : i32
    %dma_start3A_254 = arith.constant 0 : i32
    %dma_start3A_255 = tpu.memref_slice %arg12[%dma_start3A_253, %dma_start3A_254] : memref<96x64xbf16, #tpu.memory_space<vmem>> -> memref<16x64xbf16, #tpu.memory_space<vmem>>
    %dma_start3A_256 = arith.constant 0 : i32
    %dma_start3A_257 = arith.constant 0 : i32
    %dma_start3A_258 = tpu.memref_slice %arg3[%dma_start3A_256, %dma_start3A_257] : memref<1000000x64xbf16, #tpu.memory_space<hbm>> -> memref<1000000x64xbf16, #tpu.memory_space<hbm>>
    tpu.enqueue_indirect_dma source(%dma_start3A_258 : memref<1000000x64xbf16, #tpu.memory_space<hbm>>) target(%dma_start3A_255 : memref<16x64xbf16, #tpu.memory_space<vmem>>) offsets(%get3A_252 : vector<16xi32>) semaphore(%arg22 : memref<!tpu.dma_semaphore, #tpu.memory_space<semaphore_mem>>)
    %get3A_259 = arith.constant 512 : index
    %get3A_260 = tpu.vector_load %arg6[%get3A_259] {strides = array<i32>} : memref<24576xi32, #tpu.memory_space<vmem>>, vector<16xi32>,
    %dma_start3A_261 = arith.constant 32 : i32
    %dma_start3A_262 = arith.constant 0 : i32
    %dma_start3A_263 = tpu.memref_slice %arg12[%dma_start3A_261, %dma_start3A_262] : memref<96x64xbf16, #tpu.memory_space<vmem>> -> memref<16x64xbf16, #tpu.memory_space<vmem>>
    %dma_start3A_264 = arith.constant 0 : i32
    %dma_start3A_265 = arith.constant 0 : i32
    %dma_start3A_266 = tpu.memref_slice %arg3[%dma_start3A_264, %dma_start3A_265] : memref<1000000x64xbf16, #tpu.memory_space<hbm>> -> memref<1000000x64xbf16, #tpu.memory_space<hbm>>
    tpu.enqueue_indirect_dma source(%dma_start3A_266 : memref<1000000x64xbf16, #tpu.memory_space<hbm>>) target(%dma_start3A_263 : memref<16x64xbf16, #tpu.memory_space<vmem>>) offsets(%get3A_260 : vector<16xi32>) semaphore(%arg22 : memref<!tpu.dma_semaphore, #tpu.memory_space<semaphore_mem>>)
    %get3A_267 = arith.constant 528 : index
    %get3A_268 = tpu.vector_load %arg6[%get3A_267] {strides = array<i32>} : memref<24576xi32, #tpu.memory_space<vmem>>, vector<16xi32>,
    %dma_start3A_269 = arith.constant 48 : i32
    %dma_start3A_270 = arith.constant 0 : i32
    %dma_start3A_271 = tpu.memref_slice %arg12[%dma_start3A_269, %dma_start3A_270] : memref<96x64xbf16, #tpu.memory_space<vmem>> -> memref<16x64xbf16, #tpu.memory_space<vmem>>
    %dma_start3A_272 = arith.constant 0 : i32
    %dma_start3A_273 = arith.constant 0 : i32
    %dma_start3A_274 = tpu.memref_slice %arg3[%dma_start3A_272, %dma_start3A_273] : memref<1000000x64xbf16, #tpu.memory_space<hbm>> -> memref<1000000x64xbf16, #tpu.memory_space<hbm>>
    tpu.enqueue_indirect_dma source(%dma_start3A_274 : memref<1000000x64xbf16, #tpu.memory_space<hbm>>) target(%dma_start3A_271 : memref<16x64xbf16, #tpu.memory_space<vmem>>) offsets(%get3A_268 : vector<16xi32>) semaphore(%arg22 : memref<!tpu.dma_semaphore, #tpu.memory_space<semaphore_mem>>)
    %get3A_275 = arith.constant 544 : index
    %get3A_276 = tpu.vector_load %arg6[%get3A_275] {strides = array<i32>} : memref<24576xi32, #tpu.memory_space<vmem>>, vector<16xi32>,
    %dma_start3A_277 = arith.constant 64 : i32
    %dma_start3A_278 = arith.constant 0 : i32
    %dma_start3A_279 = tpu.memref_slice %arg12[%dma_start3A_277, %dma_start3A_278] : memref<96x64xbf16, #tpu.memory_space<vmem>> -> memref<16x64xbf16, #tpu.memory_space<vmem>>
    %dma_start3A_280 = arith.constant 0 : i32
    %dma_start3A_281 = arith.constant 0 : i32
    %dma_start3A_282 = tpu.memref_slice %arg3[%dma_start3A_280, %dma_start3A_281] : memref<1000000x64xbf16, #tpu.memory_space<hbm>> -> memref<1000000x64xbf16, #tpu.memory_space<hbm>>
    tpu.enqueue_indirect_dma source(%dma_start3A_282 : memref<1000000x64xbf16, #tpu.memory_space<hbm>>) target(%dma_start3A_279 : memref<16x64xbf16, #tpu.memory_space<vmem>>) offsets(%get3A_276 : vector<16xi32>) semaphore(%arg22 : memref<!tpu.dma_semaphore, #tpu.memory_space<semaphore_mem>>)
    %get3A_283 = arith.constant 560 : index
    %get3A_284 = tpu.vector_load %arg6[%get3A_283] {strides = array<i32>} : memref<24576xi32, #tpu.memory_space<vmem>>, vector<16xi32>,
    %dma_start3A_285 = arith.constant 80 : i32
    %dma_start3A_286 = arith.constant 0 : i32
    %dma_start3A_287 = tpu.memref_slice %arg12[%dma_start3A_285, %dma_start3A_286] : memref<96x64xbf16, #tpu.memory_space<vmem>> -> memref<16x64xbf16, #tpu.memory_space<vmem>>
    %dma_start3A_288 = arith.constant 0 : i32
    %dma_start3A_289 = arith.constant 0 : i32
    %dma_start3A_290 = tpu.memref_slice %arg3[%dma_start3A_288, %dma_start3A_289] : memref<1000000x64xbf16, #tpu.memory_space<hbm>> -> memref<1000000x64xbf16, #tpu.memory_space<hbm>>
    tpu.enqueue_indirect_dma source(%dma_start3A_290 : memref<1000000x64xbf16, #tpu.memory_space<hbm>>) target(%dma_start3A_287 : memref<16x64xbf16, #tpu.memory_space<vmem>>) offsets(%get3A_284 : vector<16xi32>) semaphore(%arg22 : memref<!tpu.dma_semaphore, #tpu.memory_space<semaphore_mem>>)
    %get3A_291 = arith.constant 576 : index
    %get3A_292 = tpu.vector_load %arg6[%get3A_291] {strides = array<i32>} : memref<24576xi32, #tpu.memory_space<vmem>>, vector<16xi32>,
    %dma_start3A_293 = arith.constant 0 : i32
    %dma_start3A_294 = arith.constant 0 : i32
    %dma_start3A_295 = tpu.memref_slice %arg13[%dma_start3A_293, %dma_start3A_294] : memref<96x64xbf16, #tpu.memory_space<vmem>> -> memref<16x64xbf16, #tpu.memory_space<vmem>>
    %dma_start3A_296 = arith.constant 0 : i32
    %dma_start3A_297 = arith.constant 0 : i32
    %dma_start3A_298 = tpu.memref_slice %arg3[%dma_start3A_296, %dma_start3A_297] : memref<1000000x64xbf16, #tpu.memory_space<hbm>> -> memref<1000000x64xbf16, #tpu.memory_space<hbm>>
    tpu.enqueue_indirect_dma source(%dma_start3A_298 : memref<1000000x64xbf16, #tpu.memory_space<hbm>>) target(%dma_start3A_295 : memref<16x64xbf16, #tpu.memory_space<vmem>>) offsets(%get3A_292 : vector<16xi32>) semaphore(%arg23 : memref<!tpu.dma_semaphore, #tpu.memory_space<semaphore_mem>>)
    %get3A_299 = arith.constant 592 : index
    %get3A_300 = tpu.vector_load %arg6[%get3A_299] {strides = array<i32>} : memref<24576xi32, #tpu.memory_space<vmem>>, vector<16xi32>,
    %dma_start3A_301 = arith.constant 16 : i32
    %dma_start3A_302 = arith.constant 0 : i32
    %dma_start3A_303 = tpu.memref_slice %arg13[%dma_start3A_301, %dma_start3A_302] : memref<96x64xbf16, #tpu.memory_space<vmem>> -> memref<16x64xbf16, #tpu.memory_space<vmem>>
    %dma_start3A_304 = arith.constant 0 : i32
    %dma_start3A_305 = arith.constant 0 : i32
    %dma_start3A_306 = tpu.memref_slice %arg3[%dma_start3A_304, %dma_start3A_305] : memref<1000000x64xbf16, #tpu.memory_space<hbm>> -> memref<1000000x64xbf16, #tpu.memory_space<hbm>>
    tpu.enqueue_indirect_dma source(%dma_start3A_306 : memref<1000000x64xbf16, #tpu.memory_space<hbm>>) target(%dma_start3A_303 : memref<16x64xbf16, #tpu.memory_space<vmem>>) offsets(%get3A_300 : vector<16xi32>) semaphore(%arg23 : memref<!tpu.dma_semaphore, #tpu.memory_space<semaphore_mem>>)
    %get3A_307 = arith.constant 608 : index
    %get3A_308 = tpu.vector_load %arg6[%get3A_307] {strides = array<i32>} : memref<24576xi32, #tpu.memory_space<vmem>>, vector<16xi32>,
    %dma_start3A_309 = arith.constant 32 : i32
    %dma_start3A_310 = arith.constant 0 : i32
    %dma_start3A_311 = tpu.memref_slice %arg13[%dma_start3A_309, %dma_start3A_310] : memref<96x64xbf16, #tpu.memory_space<vmem>> -> memref<16x64xbf16, #tpu.memory_space<vmem>>
    %dma_start3A_312 = arith.constant 0 : i32
    %dma_start3A_313 = arith.constant 0 : i32
    %dma_start3A_314 = tpu.memref_slice %arg3[%dma_start3A_312, %dma_start3A_313] : memref<1000000x64xbf16, #tpu.memory_space<hbm>> -> memref<1000000x64xbf16, #tpu.memory_space<hbm>>
    tpu.enqueue_indirect_dma source(%dma_start3A_314 : memref<1000000x64xbf16, #tpu.memory_space<hbm>>) target(%dma_start3A_311 : memref<16x64xbf16, #tpu.memory_space<vmem>>) offsets(%get3A_308 : vector<16xi32>) semaphore(%arg23 : memref<!tpu.dma_semaphore, #tpu.memory_space<semaphore_mem>>)
    %get3A_315 = arith.constant 624 : index
    %get3A_316 = tpu.vector_load %arg6[%get3A_315] {strides = array<i32>} : memref<24576xi32, #tpu.memory_space<vmem>>, vector<16xi32>,
    %dma_start3A_317 = arith.constant 48 : i32
    %dma_start3A_318 = arith.constant 0 : i32
    %dma_start3A_319 = tpu.memref_slice %arg13[%dma_start3A_317, %dma_start3A_318] : memref<96x64xbf16, #tpu.memory_space<vmem>> -> memref<16x64xbf16, #tpu.memory_space<vmem>>
    %dma_start3A_320 = arith.constant 0 : i32
    %dma_start3A_321 = arith.constant 0 : i32
    %dma_start3A_322 = tpu.memref_slice %arg3[%dma_start3A_320, %dma_start3A_321] : memref<1000000x64xbf16, #tpu.memory_space<hbm>> -> memref<1000000x64xbf16, #tpu.memory_space<hbm>>
    tpu.enqueue_indirect_dma source(%dma_start3A_322 : memref<1000000x64xbf16, #tpu.memory_space<hbm>>) target(%dma_start3A_319 : memref<16x64xbf16, #tpu.memory_space<vmem>>) offsets(%get3A_316 : vector<16xi32>) semaphore(%arg23 : memref<!tpu.dma_semaphore, #tpu.memory_space<semaphore_mem>>)
    %get3A_323 = arith.constant 640 : index
    %get3A_324 = tpu.vector_load %arg6[%get3A_323] {strides = array<i32>} : memref<24576xi32, #tpu.memory_space<vmem>>, vector<16xi32>,
    %dma_start3A_325 = arith.constant 64 : i32
    %dma_start3A_326 = arith.constant 0 : i32
    %dma_start3A_327 = tpu.memref_slice %arg13[%dma_start3A_325, %dma_start3A_326] : memref<96x64xbf16, #tpu.memory_space<vmem>> -> memref<16x64xbf16, #tpu.memory_space<vmem>>
    %dma_start3A_328 = arith.constant 0 : i32
    %dma_start3A_329 = arith.constant 0 : i32
    %dma_start3A_330 = tpu.memref_slice %arg3[%dma_start3A_328, %dma_start3A_329] : memref<1000000x64xbf16, #tpu.memory_space<hbm>> -> memref<1000000x64xbf16, #tpu.memory_space<hbm>>
    tpu.enqueue_indirect_dma source(%dma_start3A_330 : memref<1000000x64xbf16, #tpu.memory_space<hbm>>) target(%dma_start3A_327 : memref<16x64xbf16, #tpu.memory_space<vmem>>) offsets(%get3A_324 : vector<16xi32>) semaphore(%arg23 : memref<!tpu.dma_semaphore, #tpu.memory_space<semaphore_mem>>)
    %get3A_331 = arith.constant 656 : index
    %get3A_332 = tpu.vector_load %arg6[%get3A_331] {strides = array<i32>} : memref<24576xi32, #tpu.memory_space<vmem>>, vector<16xi32>,
    %dma_start3A_333 = arith.constant 80 : i32
    %dma_start3A_334 = arith.constant 0 : i32
    %dma_start3A_335 = tpu.memref_slice %arg13[%dma_start3A_333, %dma_start3A_334] : memref<96x64xbf16, #tpu.memory_space<vmem>> -> memref<16x64xbf16, #tpu.memory_space<vmem>>
    %dma_start3A_336 = arith.constant 0 : i32
    %dma_start3A_337 = arith.constant 0 : i32
    %dma_start3A_338 = tpu.memref_slice %arg3[%dma_start3A_336, %dma_start3A_337] : memref<1000000x64xbf16, #tpu.memory_space<hbm>> -> memref<1000000x64xbf16, #tpu.memory_space<hbm>>
    tpu.enqueue_indirect_dma source(%dma_start3A_338 : memref<1000000x64xbf16, #tpu.memory_space<hbm>>) target(%dma_start3A_335 : memref<16x64xbf16, #tpu.memory_space<vmem>>) offsets(%get3A_332 : vector<16xi32>) semaphore(%arg23 : memref<!tpu.dma_semaphore, #tpu.memory_space<semaphore_mem>>)
    %get3A_339 = arith.constant 672 : index
    %get3A_340 = tpu.vector_load %arg6[%get3A_339] {strides = array<i32>} : memref<24576xi32, #tpu.memory_space<vmem>>, vector<16xi32>,
    %dma_start3A_341 = arith.constant 0 : i32
    %dma_start3A_342 = arith.constant 0 : i32
    %dma_start3A_343 = tpu.memref_slice %arg14[%dma_start3A_341, %dma_start3A_342] : memref<96x64xbf16, #tpu.memory_space<vmem>> -> memref<16x64xbf16, #tpu.memory_space<vmem>>
    %dma_start3A_344 = arith.constant 0 : i32
    %dma_start3A_345 = arith.constant 0 : i32
    %dma_start3A_346 = tpu.memref_slice %arg3[%dma_start3A_344, %dma_start3A_345] : memref<1000000x64xbf16, #tpu.memory_space<hbm>> -> memref<1000000x64xbf16, #tpu.memory_space<hbm>>
    tpu.enqueue_indirect_dma source(%dma_start3A_346 : memref<1000000x64xbf16, #tpu.memory_space<hbm>>) target(%dma_start3A_343 : memref<16x64xbf16, #tpu.memory_space<vmem>>) offsets(%get3A_340 : vector<16xi32>) semaphore(%arg24 : memref<!tpu.dma_semaphore, #tpu.memory_space<semaphore_mem>>)
    %get3A_347 = arith.constant 688 : index
    %get3A_348 = tpu.vector_load %arg6[%get3A_347] {strides = array<i32>} : memref<24576xi32, #tpu.memory_space<vmem>>, vector<16xi32>,
    %dma_start3A_349 = arith.constant 16 : i32
    %dma_start3A_350 = arith.constant 0 : i32
    %dma_start3A_351 = tpu.memref_slice %arg14[%dma_start3A_349, %dma_start3A_350] : memref<96x64xbf16, #tpu.memory_space<vmem>> -> memref<16x64xbf16, #tpu.memory_space<vmem>>
    %dma_start3A_352 = arith.constant 0 : i32
    %dma_start3A_353 = arith.constant 0 : i32
    %dma_start3A_354 = tpu.memref_slice %arg3[%dma_start3A_352, %dma_start3A_353] : memref<1000000x64xbf16, #tpu.memory_space<hbm>> -> memref<1000000x64xbf16, #tpu.memory_space<hbm>>
    tpu.enqueue_indirect_dma source(%dma_start3A_354 : memref<1000000x64xbf16, #tpu.memory_space<hbm>>) target(%dma_start3A_351 : memref<16x64xbf16, #tpu.memory_space<vmem>>) offsets(%get3A_348 : vector<16xi32>) semaphore(%arg24 : memref<!tpu.dma_semaphore, #tpu.memory_space<semaphore_mem>>)
    %get3A_355 = arith.constant 704 : index
    %get3A_356 = tpu.vector_load %arg6[%get3A_355] {strides = array<i32>} : memref<24576xi32, #tpu.memory_space<vmem>>, vector<16xi32>,
    %dma_start3A_357 = arith.constant 32 : i32
    %dma_start3A_358 = arith.constant 0 : i32
    %dma_start3A_359 = tpu.memref_slice %arg14[%dma_start3A_357, %dma_start3A_358] : memref<96x64xbf16, #tpu.memory_space<vmem>> -> memref<16x64xbf16, #tpu.memory_space<vmem>>
    %dma_start3A_360 = arith.constant 0 : i32
    %dma_start3A_361 = arith.constant 0 : i32
    %dma_start3A_362 = tpu.memref_slice %arg3[%dma_start3A_360, %dma_start3A_361] : memref<1000000x64xbf16, #tpu.memory_space<hbm>> -> memref<1000000x64xbf16, #tpu.memory_space<hbm>>
    tpu.enqueue_indirect_dma source(%dma_start3A_362 : memref<1000000x64xbf16, #tpu.memory_space<hbm>>) target(%dma_start3A_359 : memref<16x64xbf16, #tpu.memory_space<vmem>>) offsets(%get3A_356 : vector<16xi32>) semaphore(%arg24 : memref<!tpu.dma_semaphore, #tpu.memory_space<semaphore_mem>>)
    %get3A_363 = arith.constant 720 : index
    %get3A_364 = tpu.vector_load %arg6[%get3A_363] {strides = array<i32>} : memref<24576xi32, #tpu.memory_space<vmem>>, vector<16xi32>,
    %dma_start3A_365 = arith.constant 48 : i32
    %dma_start3A_366 = arith.constant 0 : i32
    %dma_start3A_367 = tpu.memref_slice %arg14[%dma_start3A_365, %dma_start3A_366] : memref<96x64xbf16, #tpu.memory_space<vmem>> -> memref<16x64xbf16, #tpu.memory_space<vmem>>
    %dma_start3A_368 = arith.constant 0 : i32
    %dma_start3A_369 = arith.constant 0 : i32
    %dma_start3A_370 = tpu.memref_slice %arg3[%dma_start3A_368, %dma_start3A_369] : memref<1000000x64xbf16, #tpu.memory_space<hbm>> -> memref<1000000x64xbf16, #tpu.memory_space<hbm>>
    tpu.enqueue_indirect_dma source(%dma_start3A_370 : memref<1000000x64xbf16, #tpu.memory_space<hbm>>) target(%dma_start3A_367 : memref<16x64xbf16, #tpu.memory_space<vmem>>) offsets(%get3A_364 : vector<16xi32>) semaphore(%arg24 : memref<!tpu.dma_semaphore, #tpu.memory_space<semaphore_mem>>)
    %get3A_371 = arith.constant 736 : index
    %get3A_372 = tpu.vector_load %arg6[%get3A_371] {strides = array<i32>} : memref<24576xi32, #tpu.memory_space<vmem>>, vector<16xi32>,
    %dma_start3A_373 = arith.constant 64 : i32
    %dma_start3A_374 = arith.constant 0 : i32
    %dma_start3A_375 = tpu.memref_slice %arg14[%dma_start3A_373, %dma_start3A_374] : memref<96x64xbf16, #tpu.memory_space<vmem>> -> memref<16x64xbf16, #tpu.memory_space<vmem>>
    %dma_start3A_376 = arith.constant 0 : i32
    %dma_start3A_377 = arith.constant 0 : i32
    %dma_start3A_378 = tpu.memref_slice %arg3[%dma_start3A_376, %dma_start3A_377] : memref<1000000x64xbf16, #tpu.memory_space<hbm>> -> memref<1000000x64xbf16, #tpu.memory_space<hbm>>
    tpu.enqueue_indirect_dma source(%dma_start3A_378 : memref<1000000x64xbf16, #tpu.memory_space<hbm>>) target(%dma_start3A_375 : memref<16x64xbf16, #tpu.memory_space<vmem>>) offsets(%get3A_372 : vector<16xi32>) semaphore(%arg24 : memref<!tpu.dma_semaphore, #tpu.memory_space<semaphore_mem>>)
    %get3A_379 = arith.constant 752 : index
    %get3A_380 = tpu.vector_load %arg6[%get3A_379] {strides = array<i32>} : memref<24576xi32, #tpu.memory_space<vmem>>, vector<16xi32>,
    %dma_start3A_381 = arith.constant 80 : i32
    %dma_start3A_382 = arith.constant 0 : i32
    %dma_start3A_383 = tpu.memref_slice %arg14[%dma_start3A_381, %dma_start3A_382] : memref<96x64xbf16, #tpu.memory_space<vmem>> -> memref<16x64xbf16, #tpu.memory_space<vmem>>
    %dma_start3A_384 = arith.constant 0 : i32
    %dma_start3A_385 = arith.constant 0 : i32
    %dma_start3A_386 = tpu.memref_slice %arg3[%dma_start3A_384, %dma_start3A_385] : memref<1000000x64xbf16, #tpu.memory_space<hbm>> -> memref<1000000x64xbf16, #tpu.memory_space<hbm>>
    tpu.enqueue_indirect_dma source(%dma_start3A_386 : memref<1000000x64xbf16, #tpu.memory_space<hbm>>) target(%dma_start3A_383 : memref<16x64xbf16, #tpu.memory_space<vmem>>) offsets(%get3A_380 : vector<16xi32>) semaphore(%arg24 : memref<!tpu.dma_semaphore, #tpu.memory_space<semaphore_mem>>)
    %get3A_387 = arith.constant 16 : index
    %get3A_388 = tpu.vector_load %arg16[%get3A_387] {strides = array<i32>} : memref<80xf32, #tpu.memory_space<vmem>>, vector<16xf32>,
    %get3A_389 = arith.constant 32 : index
    %get3A_390 = tpu.vector_load %arg16[%get3A_389] {strides = array<i32>} : memref<80xf32, #tpu.memory_space<vmem>>, vector<16xf32>,
    %get3A_391 = arith.constant 48 : index
    %get3A_392 = tpu.vector_load %arg16[%get3A_391] {strides = array<i32>} : memref<80xf32, #tpu.memory_space<vmem>>, vector<16xf32>,
    %get3A_393 = arith.constant 64 : index
    %get3A_394 = tpu.vector_load %arg16[%get3A_393] {strides = array<i32>} : memref<80xf32, #tpu.memory_space<vmem>>, vector<16xf32>,
    %get3A_395 = arith.constant 0 : index
    %get3A_396 = tpu.vector_load %arg16[%get3A_395] {strides = array<i32>} : memref<80xf32, #tpu.memory_space<vmem>>, vector<16xf32>,
    %iota3A = tpu.iota {dimensions = array<i32: 0>} : vector<16xi32>
    %scan3A = arith.constant 0 : i32
    %scan3A_397 = arith.constant 0 : i32
    %scan3A_398 = arith.constant 8 : i32
    %scan3A_399 = arith.addi %scan3A_397, %scan3A_398 : i32
    %scan3A_400 = arith.constant 1 : i32
    %scan3A_401 = scf.for %scan3A_403 = %scan3A_397 to %scan3A_399 step %scan3A_400 iter_args(%scan3A_404 = %scan3A) -> (i32)  : i32 {
      %broadcast_in_dim3A = arith.constant 0.000000e+00 : f32
      %broadcast_in_dim3A_405 = vector.broadcast %broadcast_in_dim3A : f32 to vector<16xf32>
      %scan3A_406 = arith.constant 0 : i32
      %scan3A_407 = arith.constant 4 : i32
      %scan3A_408 = arith.addi %scan3A_406, %scan3A_407 : i32
      %scan3A_409 = arith.constant 1 : i32
      %scan3A_410:2 = scf.for %scan3A_459 = %scan3A_406 to %scan3A_408 step %scan3A_409 iter_args(%scan3A_460 = %broadcast_in_dim3A_405, %scan3A_461 = %broadcast_in_dim3A_405) -> (vector<16xf32>, vector<16xf32>)  : i32 {
        %mul3A_462 = arith.constant 4 : i32
        %mul3A_463 = arith.muli %mul3A_462, %scan3A_459 : i32
        %add3A_464 = arith.constant 0 : i32
        %add3A_465 = arith.addi %mul3A_463, %add3A_464 : i32
        %mul3A_466 = arith.constant 16 : i32
        %mul3A_467 = arith.muli %scan3A_403, %mul3A_466 : i32
        %add3A_468 = arith.addi %mul3A_467, %add3A_465 : i32
        %broadcast_in_dim3A_469 = arith.constant 0.000000e+00 : f32
        %broadcast_in_dim3A_470 = vector.broadcast %broadcast_in_dim3A_469 : f32 to vector<16xf32>
        %mul3A_471 = arith.constant 2 : i32
        %mul3A_472 = arith.muli %mul3A_471, %add3A_468 : i32
        %add3A_473 = arith.constant 0 : i32
        %add3A_474 = arith.addi %mul3A_472, %add3A_473 : i32
        %dma_wait3A = arith.constant 0 : i32
        %dma_wait3A_475 = arith.constant 0 : i32
        %dma_wait3A_476 = tpu.memref_slice %arg3[%dma_wait3A, %dma_wait3A_475] : memref<1000000x64xbf16, #tpu.memory_space<hbm>> -> memref<96x64xbf16, #tpu.memory_space<hbm>>
        %dma_wait3A_477 = arith.constant 0 : i32
        %dma_wait3A_478 = arith.constant 0 : i32
        %dma_wait3A_479 = tpu.memref_slice %arg3[%dma_wait3A_477, %dma_wait3A_478] : memref<1000000x64xbf16, #tpu.memory_space<hbm>> -> memref<96x64xbf16, #tpu.memory_space<hbm>>
        tpu.wait_dma2 semaphore(%arg17 : memref<!tpu.dma_semaphore, #tpu.memory_space<semaphore_mem>>) src(%dma_wait3A_479 : memref<96x64xbf16, #tpu.memory_space<hbm>>) dst(%arg7 : memref<96x64xbf16, #tpu.memory_space<vmem>>)
        %scan3A_480 = arith.constant 0 : i32
        %scan3A_481 = arith.constant 48 : i32
        %scan3A_482 = arith.addi %scan3A_480, %scan3A_481 : i32
        %scan3A_483 = arith.constant 6 : i32
        %scan3A_484:8 = scf.for %scan3A_803 = %scan3A_480 to %scan3A_482 step %scan3A_483 iter_args(%scan3A_804 = %broadcast_in_dim3A_470, %scan3A_805 = %broadcast_in_dim3A_470, %scan3A_806 = %broadcast_in_dim3A_470, %scan3A_807 = %broadcast_in_dim3A_470, %scan3A_808 = %broadcast_in_dim3A_470, %scan3A_809 = %broadcast_in_dim3A_470, %scan3A_810 = %broadcast_in_dim3A_470, %scan3A_811 = %broadcast_in_dim3A_470) -> (vector<16xf32>, vector<16xf32>, vector<16xf32>, vector<16xf32>, vector<16xf32>, vector<16xf32>, vector<16xf32>, vector<16xf32>)  : i32 {
          %mul3A_812 = arith.constant 2 : i32
          %mul3A_813 = arith.muli %mul3A_812, %scan3A_803 : i32
          %get3A_814 = arith.index_cast %mul3A_813 : i32 to index
          %get3A_815 = arith.constant 0 : index
          %get3A_816 = tpu.vector_load %arg7[%get3A_814, %get3A_815] {strides = array<i32>} : memref<96x64xbf16, #tpu.memory_space<vmem>>, vector<32xbf16>,
          %unpack3A = tpu.unpack_subelements %get3A_816, 0 {pack_format = #tpu.pack_format<interleaved>} : vector<32xbf16> -> vector<16xf32>
          %unpack3A_817 = tpu.unpack_subelements %get3A_816, 1 {pack_format = #tpu.pack_format<interleaved>} : vector<32xbf16> -> vector<16xf32>
          %mul3A_818 = arith.constant 2 : i32
          %mul3A_819 = arith.muli %mul3A_818, %scan3A_803 : i32
          %get3A_820 = arith.index_cast %mul3A_819 : i32 to index
          %get3A_821 = arith.constant 32 : index
          %get3A_822 = tpu.vector_load %arg7[%get3A_820, %get3A_821] {strides = array<i32>} : memref<96x64xbf16, #tpu.memory_space<vmem>>, vector<32xbf16>,
          %unpack3A_823 = tpu.unpack_subelements %get3A_822, 0 {pack_format = #tpu.pack_format<interleaved>} : vector<32xbf16> -> vector<16xf32>
          %unpack3A_824 = tpu.unpack_subelements %get3A_822, 1 {pack_format = #tpu.pack_format<interleaved>} : vector<32xbf16> -> vector<16xf32>
          %mul3A_825 = arith.constant 2 : i32
          %mul3A_826 = arith.muli %mul3A_825, %scan3A_803 : i32
          %add3A_827 = arith.constant 1 : i32
          %add3A_828 = arith.addi %mul3A_826, %add3A_827 : i32
          %get3A_829 = arith.index_cast %add3A_828 : i32 to index
          %get3A_830 = arith.constant 0 : index
          %get3A_831 = tpu.vector_load %arg7[%get3A_829, %get3A_830] {strides = array<i32>} : memref<96x64xbf16, #tpu.memory_space<vmem>>, vector<32xbf16>,
          %unpack3A_832 = tpu.unpack_subelements %get3A_831, 0 {pack_format = #tpu.pack_format<interleaved>} : vector<32xbf16> -> vector<16xf32>
          %unpack3A_833 = tpu.unpack_subelements %get3A_831, 1 {pack_format = #tpu.pack_format<interleaved>} : vector<32xbf16> -> vector<16xf32>
          %mul3A_834 = arith.constant 2 : i32
          %mul3A_835 = arith.muli %mul3A_834, %scan3A_803 : i32
          %add3A_836 = arith.constant 1 : i32
          %add3A_837 = arith.addi %mul3A_835, %add3A_836 : i32
          %get3A_838 = arith.index_cast %add3A_837 : i32 to index
          %get3A_839 = arith.constant 32 : index
          %get3A_840 = tpu.vector_load %arg7[%get3A_838, %get3A_839] {strides = array<i32>} : memref<96x64xbf16, #tpu.memory_space<vmem>>, vector<32xbf16>,
          %unpack3A_841 = tpu.unpack_subelements %get3A_840, 0 {pack_format = #tpu.pack_format<interleaved>} : vector<32xbf16> -> vector<16xf32>
          %unpack3A_842 = tpu.unpack_subelements %get3A_840, 1 {pack_format = #tpu.pack_format<interleaved>} : vector<32xbf16> -> vector<16xf32>
          %add3A_843 = arith.addf %scan3A_804, %unpack3A : vector<16xf32>
          %add3A_844 = arith.addf %scan3A_805, %unpack3A_817 : vector<16xf32>
          %add3A_845 = arith.addf %scan3A_806, %unpack3A_823 : vector<16xf32>
          %add3A_846 = arith.addf %scan3A_807, %unpack3A_824 : vector<16xf32>
          %add3A_847 = arith.addf %scan3A_808, %unpack3A_832 : vector<16xf32>
          %add3A_848 = arith.addf %scan3A_809, %unpack3A_833 : vector<16xf32>
          %add3A_849 = arith.addf %scan3A_810, %unpack3A_841 : vector<16xf32>
          %add3A_850 = arith.addf %scan3A_811, %unpack3A_842 : vector<16xf32>
          %scan3A_851 = arith.constant 1 : i32
          %scan3A_852 = arith.addi %scan3A_803, %scan3A_851 : i32
          %mul3A_853 = arith.constant 2 : i32
          %mul3A_854 = arith.muli %mul3A_853, %scan3A_852 : i32
          %get3A_855 = arith.index_cast %mul3A_854 : i32 to index
          %get3A_856 = arith.constant 0 : index
          %get3A_857 = tpu.vector_load %arg7[%get3A_855, %get3A_856] {strides = array<i32>} : memref<96x64xbf16, #tpu.memory_space<vmem>>, vector<32xbf16>,
          %unpack3A_858 = tpu.unpack_subelements %get3A_857, 0 {pack_format = #tpu.pack_format<interleaved>} : vector<32xbf16> -> vector<16xf32>
          %unpack3A_859 = tpu.unpack_subelements %get3A_857, 1 {pack_format = #tpu.pack_format<interleaved>} : vector<32xbf16> -> vector<16xf32>
          %mul3A_860 = arith.constant 2 : i32
          %mul3A_861 = arith.muli %mul3A_860, %scan3A_852 : i32
          %get3A_862 = arith.index_cast %mul3A_861 : i32 to index
          %get3A_863 = arith.constant 32 : index
          %get3A_864 = tpu.vector_load %arg7[%get3A_862, %get3A_863] {strides = array<i32>} : memref<96x64xbf16, #tpu.memory_space<vmem>>, vector<32xbf16>,
          %unpack3A_865 = tpu.unpack_subelements %get3A_864, 0 {pack_format = #tpu.pack_format<interleaved>} : vector<32xbf16> -> vector<16xf32>
          %unpack3A_866 = tpu.unpack_subelements %get3A_864, 1 {pack_format = #tpu.pack_format<interleaved>} : vector<32xbf16> -> vector<16xf32>
          %mul3A_867 = arith.constant 2 : i32
          %mul3A_868 = arith.muli %mul3A_867, %scan3A_852 : i32
          %add3A_869 = arith.constant 1 : i32
          %add3A_870 = arith.addi %mul3A_868, %add3A_869 : i32
          %get3A_871 = arith.index_cast %add3A_870 : i32 to index
          %get3A_872 = arith.constant 0 : index
          %get3A_873 = tpu.vector_load %arg7[%get3A_871, %get3A_872] {strides = array<i32>} : memref<96x64xbf16, #tpu.memory_space<vmem>>, vector<32xbf16>,
          %unpack3A_874 = tpu.unpack_subelements %get3A_873, 0 {pack_format = #tpu.pack_format<interleaved>} : vector<32xbf16> -> vector<16xf32>
          %unpack3A_875 = tpu.unpack_subelements %get3A_873, 1 {pack_format = #tpu.pack_format<interleaved>} : vector<32xbf16> -> vector<16xf32>
          %mul3A_876 = arith.constant 2 : i32
          %mul3A_877 = arith.muli %mul3A_876, %scan3A_852 : i32
          %add3A_878 = arith.constant 1 : i32
          %add3A_879 = arith.addi %mul3A_877, %add3A_878 : i32
          %get3A_880 = arith.index_cast %add3A_879 : i32 to index
          %get3A_881 = arith.constant 32 : index
          %get3A_882 = tpu.vector_load %arg7[%get3A_880, %get3A_881] {strides = array<i32>} : memref<96x64xbf16, #tpu.memory_space<vmem>>, vector<32xbf16>,
          %unpack3A_883 = tpu.unpack_subelements %get3A_882, 0 {pack_format = #tpu.pack_format<interleaved>} : vector<32xbf16> -> vector<16xf32>
          %unpack3A_884 = tpu.unpack_subelements %get3A_882, 1 {pack_format = #tpu.pack_format<interleaved>} : vector<32xbf16> -> vector<16xf32>
          %add3A_885 = arith.addf %add3A_843, %unpack3A_858 : vector<16xf32>
          %add3A_886 = arith.addf %add3A_844, %unpack3A_859 : vector<16xf32>
          %add3A_887 = arith.addf %add3A_845, %unpack3A_865 : vector<16xf32>
          %add3A_888 = arith.addf %add3A_846, %unpack3A_866 : vector<16xf32>
          %add3A_889 = arith.addf %add3A_847, %unpack3A_874 : vector<16xf32>
          %add3A_890 = arith.addf %add3A_848, %unpack3A_875 : vector<16xf32>
          %add3A_891 = arith.addf %add3A_849, %unpack3A_883 : vector<16xf32>
          %add3A_892 = arith.addf %add3A_850, %unpack3A_884 : vector<16xf32>
          %scan3A_893 = arith.constant 2 : i32
          %scan3A_894 = arith.addi %scan3A_803, %scan3A_893 : i32
          %mul3A_895 = arith.constant 2 : i32
          %mul3A_896 = arith.muli %mul3A_895, %scan3A_894 : i32
          %get3A_897 = arith.index_cast %mul3A_896 : i32 to index
          %get3A_898 = arith.constant 0 : index
          %get3A_899 = tpu.vector_load %arg7[%get3A_897, %get3A_898] {strides = array<i32>} : memref<96x64xbf16, #tpu.memory_space<vmem>>, vector<32xbf16>,
          %unpack3A_900 = tpu.unpack_subelements %get3A_899, 0 {pack_format = #tpu.pack_format<interleaved>} : vector<32xbf16> -> vector<16xf32>
          %unpack3A_901 = tpu.unpack_subelements %get3A_899, 1 {pack_format = #tpu.pack_format<interleaved>} : vector<32xbf16> -> vector<16xf32>
          %mul3A_902 = arith.constant 2 : i32
          %mul3A_903 = arith.muli %mul3A_902, %scan3A_894 : i32
          %get3A_904 = arith.index_cast %mul3A_903 : i32 to index
          %get3A_905 = arith.constant 32 : index
          %get3A_906 = tpu.vector_load %arg7[%get3A_904, %get3A_905] {strides = array<i32>} : memref<96x64xbf16, #tpu.memory_space<vmem>>, vector<32xbf16>,
          %unpack3A_907 = tpu.unpack_subelements %get3A_906, 0 {pack_format = #tpu.pack_format<interleaved>} : vector<32xbf16> -> vector<16xf32>
          %unpack3A_908 = tpu.unpack_subelements %get3A_906, 1 {pack_format = #tpu.pack_format<interleaved>} : vector<32xbf16> -> vector<16xf32>
          %mul3A_909 = arith.constant 2 : i32
          %mul3A_910 = arith.muli %mul3A_909, %scan3A_894 : i32
          %add3A_911 = arith.constant 1 : i32
          %add3A_912 = arith.addi %mul3A_910, %add3A_911 : i32
          %get3A_913 = arith.index_cast %add3A_912 : i32 to index
          %get3A_914 = arith.constant 0 : index
          %get3A_915 = tpu.vector_load %arg7[%get3A_913, %get3A_914] {strides = array<i32>} : memref<96x64xbf16, #tpu.memory_space<vmem>>, vector<32xbf16>,
          %unpack3A_916 = tpu.unpack_subelements %get3A_915, 0 {pack_format = #tpu.pack_format<interleaved>} : vector<32xbf16> -> vector<16xf32>
          %unpack3A_917 = tpu.unpack_subelements %get3A_915, 1 {pack_format = #tpu.pack_format<interleaved>} : vector<32xbf16> -> vector<16xf32>
          %mul3A_918 = arith.constant 2 : i32
          %mul3A_919 = arith.muli %mul3A_918, %scan3A_894 : i32
          %add3A_920 = arith.constant 1 : i32
          %add3A_921 = arith.addi %mul3A_919, %add3A_920 : i32
          %get3A_922 = arith.index_cast %add3A_921 : i32 to index
          %get3A_923 = arith.constant 32 : index
          %get3A_924 = tpu.vector_load %arg7[%get3A_922, %get3A_923] {strides = array<i32>} : memref<96x64xbf16, #tpu.memory_space<vmem>>, vector<32xbf16>,
          %unpack3A_925 = tpu.unpack_subelements %get3A_924, 0 {pack_format = #tpu.pack_format<interleaved>} : vector<32xbf16> -> vector<16xf32>
          %unpack3A_926 = tpu.unpack_subelements %get3A_924, 1 {pack_format = #tpu.pack_format<interleaved>} : vector<32xbf16> -> vector<16xf32>
          %add3A_927 = arith.addf %add3A_885, %unpack3A_900 : vector<16xf32>
          %add3A_928 = arith.addf %add3A_886, %unpack3A_901 : vector<16xf32>
          %add3A_929 = arith.addf %add3A_887, %unpack3A_907 : vector<16xf32>
          %add3A_930 = arith.addf %add3A_888, %unpack3A_908 : vector<16xf32>
          %add3A_931 = arith.addf %add3A_889, %unpack3A_916 : vector<16xf32>
          %add3A_932 = arith.addf %add3A_890, %unpack3A_917 : vector<16xf32>
          %add3A_933 = arith.addf %add3A_891, %unpack3A_925 : vector<16xf32>
          %add3A_934 = arith.addf %add3A_892, %unpack3A_926 : vector<16xf32>
          %scan3A_935 = arith.constant 3 : i32
          %scan3A_936 = arith.addi %scan3A_803, %scan3A_935 : i32
          %mul3A_937 = arith.constant 2 : i32
          %mul3A_938 = arith.muli %mul3A_937, %scan3A_936 : i32
          %get3A_939 = arith.index_cast %mul3A_938 : i32 to index
          %get3A_940 = arith.constant 0 : index
          %get3A_941 = tpu.vector_load %arg7[%get3A_939, %get3A_940] {strides = array<i32>} : memref<96x64xbf16, #tpu.memory_space<vmem>>, vector<32xbf16>,
          %unpack3A_942 = tpu.unpack_subelements %get3A_941, 0 {pack_format = #tpu.pack_format<interleaved>} : vector<32xbf16> -> vector<16xf32>
          %unpack3A_943 = tpu.unpack_subelements %get3A_941, 1 {pack_format = #tpu.pack_format<interleaved>} : vector<32xbf16> -> vector<16xf32>
          %mul3A_944 = arith.constant 2 : i32
          %mul3A_945 = arith.muli %mul3A_944, %scan3A_936 : i32
          %get3A_946 = arith.index_cast %mul3A_945 : i32 to index
          %get3A_947 = arith.constant 32 : index
          %get3A_948 = tpu.vector_load %arg7[%get3A_946, %get3A_947] {strides = array<i32>} : memref<96x64xbf16, #tpu.memory_space<vmem>>, vector<32xbf16>,
          %unpack3A_949 = tpu.unpack_subelements %get3A_948, 0 {pack_format = #tpu.pack_format<interleaved>} : vector<32xbf16> -> vector<16xf32>
          %unpack3A_950 = tpu.unpack_subelements %get3A_948, 1 {pack_format = #tpu.pack_format<interleaved>} : vector<32xbf16> -> vector<16xf32>
          %mul3A_951 = arith.constant 2 : i32
          %mul3A_952 = arith.muli %mul3A_951, %scan3A_936 : i32
          %add3A_953 = arith.constant 1 : i32
          %add3A_954 = arith.addi %mul3A_952, %add3A_953 : i32
          %get3A_955 = arith.index_cast %add3A_954 : i32 to index
          %get3A_956 = arith.constant 0 : index
          %get3A_957 = tpu.vector_load %arg7[%get3A_955, %get3A_956] {strides = array<i32>} : memref<96x64xbf16, #tpu.memory_space<vmem>>, vector<32xbf16>,
          %unpack3A_958 = tpu.unpack_subelements %get3A_957, 0 {pack_format = #tpu.pack_format<interleaved>} : vector<32xbf16> -> vector<16xf32>
          %unpack3A_959 = tpu.unpack_subelements %get3A_957, 1 {pack_format = #tpu.pack_format<interleaved>} : vector<32xbf16> -> vector<16xf32>
          %mul3A_960 = arith.constant 2 : i32
          %mul3A_961 = arith.muli %mul3A_960, %scan3A_936 : i32
          %add3A_962 = arith.constant 1 : i32
          %add3A_963 = arith.addi %mul3A_961, %add3A_962 : i32
          %get3A_964 = arith.index_cast %add3A_963 : i32 to index
          %get3A_965 = arith.constant 32 : index
          %get3A_966 = tpu.vector_load %arg7[%get3A_964, %get3A_965] {strides = array<i32>} : memref<96x64xbf16, #tpu.memory_space<vmem>>, vector<32xbf16>,
          %unpack3A_967 = tpu.unpack_subelements %get3A_966, 0 {pack_format = #tpu.pack_format<interleaved>} : vector<32xbf16> -> vector<16xf32>
          %unpack3A_968 = tpu.unpack_subelements %get3A_966, 1 {pack_format = #tpu.pack_format<interleaved>} : vector<32xbf16> -> vector<16xf32>
          %add3A_969 = arith.addf %add3A_927, %unpack3A_942 : vector<16xf32>
          %add3A_970 = arith.addf %add3A_928, %unpack3A_943 : vector<16xf32>
          %add3A_971 = arith.addf %add3A_929, %unpack3A_949 : vector<16xf32>
          %add3A_972 = arith.addf %add3A_930, %unpack3A_950 : vector<16xf32>
          %add3A_973 = arith.addf %add3A_931, %unpack3A_958 : vector<16xf32>
          %add3A_974 = arith.addf %add3A_932, %unpack3A_959 : vector<16xf32>
          %add3A_975 = arith.addf %add3A_933, %unpack3A_967 : vector<16xf32>
          %add3A_976 = arith.addf %add3A_934, %unpack3A_968 : vector<16xf32>
          %scan3A_977 = arith.constant 4 : i32
          %scan3A_978 = arith.addi %scan3A_803, %scan3A_977 : i32
          %mul3A_979 = arith.constant 2 : i32
          %mul3A_980 = arith.muli %mul3A_979, %scan3A_978 : i32
          %get3A_981 = arith.index_cast %mul3A_980 : i32 to index
          %get3A_982 = arith.constant 0 : index
          %get3A_983 = tpu.vector_load %arg7[%get3A_981, %get3A_982] {strides = array<i32>} : memref<96x64xbf16, #tpu.memory_space<vmem>>, vector<32xbf16>,
          %unpack3A_984 = tpu.unpack_subelements %get3A_983, 0 {pack_format = #tpu.pack_format<interleaved>} : vector<32xbf16> -> vector<16xf32>
          %unpack3A_985 = tpu.unpack_subelements %get3A_983, 1 {pack_format = #tpu.pack_format<interleaved>} : vector<32xbf16> -> vector<16xf32>
          %mul3A_986 = arith.constant 2 : i32
          %mul3A_987 = arith.muli %mul3A_986, %scan3A_978 : i32
          %get3A_988 = arith.index_cast %mul3A_987 : i32 to index
          %get3A_989 = arith.constant 32 : index
          %get3A_990 = tpu.vector_load %arg7[%get3A_988, %get3A_989] {strides = array<i32>} : memref<96x64xbf16, #tpu.memory_space<vmem>>, vector<32xbf16>,
          %unpack3A_991 = tpu.unpack_subelements %get3A_990, 0 {pack_format = #tpu.pack_format<interleaved>} : vector<32xbf16> -> vector<16xf32>
          %unpack3A_992 = tpu.unpack_subelements %get3A_990, 1 {pack_format = #tpu.pack_format<interleaved>} : vector<32xbf16> -> vector<16xf32>
          %mul3A_993 = arith.constant 2 : i32
          %mul3A_994 = arith.muli %mul3A_993, %scan3A_978 : i32
          %add3A_995 = arith.constant 1 : i32
          %add3A_996 = arith.addi %mul3A_994, %add3A_995 : i32
          %get3A_997 = arith.index_cast %add3A_996 : i32 to index
          %get3A_998 = arith.constant 0 : index
          %get3A_999 = tpu.vector_load %arg7[%get3A_997, %get3A_998] {strides = array<i32>} : memref<96x64xbf16, #tpu.memory_space<vmem>>, vector<32xbf16>,
          %unpack3A_1000 = tpu.unpack_subelements %get3A_999, 0 {pack_format = #tpu.pack_format<interleaved>} : vector<32xbf16> -> vector<16xf32>
          %unpack3A_1001 = tpu.unpack_subelements %get3A_999, 1 {pack_format = #tpu.pack_format<interleaved>} : vector<32xbf16> -> vector<16xf32>
          %mul3A_1002 = arith.constant 2 : i32
          %mul3A_1003 = arith.muli %mul3A_1002, %scan3A_978 : i32
          %add3A_1004 = arith.constant 1 : i32
          %add3A_1005 = arith.addi %mul3A_1003, %add3A_1004 : i32
          %get3A_1006 = arith.index_cast %add3A_1005 : i32 to index
          %get3A_1007 = arith.constant 32 : index
          %get3A_1008 = tpu.vector_load %arg7[%get3A_1006, %get3A_1007] {strides = array<i32>} : memref<96x64xbf16, #tpu.memory_space<vmem>>, vector<32xbf16>,
          %unpack3A_1009 = tpu.unpack_subelements %get3A_1008, 0 {pack_format = #tpu.pack_format<interleaved>} : vector<32xbf16> -> vector<16xf32>
          %unpack3A_1010 = tpu.unpack_subelements %get3A_1008, 1 {pack_format = #tpu.pack_format<interleaved>} : vector<32xbf16> -> vector<16xf32>
          %add3A_1011 = arith.addf %add3A_969, %unpack3A_984 : vector<16xf32>
          %add3A_1012 = arith.addf %add3A_970, %unpack3A_985 : vector<16xf32>
          %add3A_1013 = arith.addf %add3A_971, %unpack3A_991 : vector<16xf32>
          %add3A_1014 = arith.addf %add3A_972, %unpack3A_992 : vector<16xf32>
          %add3A_1015 = arith.addf %add3A_973, %unpack3A_1000 : vector<16xf32>
          %add3A_1016 = arith.addf %add3A_974, %unpack3A_1001 : vector<16xf32>
          %add3A_1017 = arith.addf %add3A_975, %unpack3A_1009 : vector<16xf32>
          %add3A_1018 = arith.addf %add3A_976, %unpack3A_1010 : vector<16xf32>
          %scan3A_1019 = arith.constant 5 : i32
          %scan3A_1020 = arith.addi %scan3A_803, %scan3A_1019 : i32
          %mul3A_1021 = arith.constant 2 : i32
          %mul3A_1022 = arith.muli %mul3A_1021, %scan3A_1020 : i32
          %get3A_1023 = arith.index_cast %mul3A_1022 : i32 to index
          %get3A_1024 = arith.constant 0 : index
          %get3A_1025 = tpu.vector_load %arg7[%get3A_1023, %get3A_1024] {strides = array<i32>} : memref<96x64xbf16, #tpu.memory_space<vmem>>, vector<32xbf16>,
          %unpack3A_1026 = tpu.unpack_subelements %get3A_1025, 0 {pack_format = #tpu.pack_format<interleaved>} : vector<32xbf16> -> vector<16xf32>
          %unpack3A_1027 = tpu.unpack_subelements %get3A_1025, 1 {pack_format = #tpu.pack_format<interleaved>} : vector<32xbf16> -> vector<16xf32>
          %mul3A_1028 = arith.constant 2 : i32
          %mul3A_1029 = arith.muli %mul3A_1028, %scan3A_1020 : i32
          %get3A_1030 = arith.index_cast %mul3A_1029 : i32 to index
          %get3A_1031 = arith.constant 32 : index
          %get3A_1032 = tpu.vector_load %arg7[%get3A_1030, %get3A_1031] {strides = array<i32>} : memref<96x64xbf16, #tpu.memory_space<vmem>>, vector<32xbf16>,
          %unpack3A_1033 = tpu.unpack_subelements %get3A_1032, 0 {pack_format = #tpu.pack_format<interleaved>} : vector<32xbf16> -> vector<16xf32>
          %unpack3A_1034 = tpu.unpack_subelements %get3A_1032, 1 {pack_format = #tpu.pack_format<interleaved>} : vector<32xbf16> -> vector<16xf32>
          %mul3A_1035 = arith.constant 2 : i32
          %mul3A_1036 = arith.muli %mul3A_1035, %scan3A_1020 : i32
          %add3A_1037 = arith.constant 1 : i32
          %add3A_1038 = arith.addi %mul3A_1036, %add3A_1037 : i32
          %get3A_1039 = arith.index_cast %add3A_1038 : i32 to index
          %get3A_1040 = arith.constant 0 : index
          %get3A_1041 = tpu.vector_load %arg7[%get3A_1039, %get3A_1040] {strides = array<i32>} : memref<96x64xbf16, #tpu.memory_space<vmem>>, vector<32xbf16>,
          %unpack3A_1042 = tpu.unpack_subelements %get3A_1041, 0 {pack_format = #tpu.pack_format<interleaved>} : vector<32xbf16> -> vector<16xf32>
          %unpack3A_1043 = tpu.unpack_subelements %get3A_1041, 1 {pack_format = #tpu.pack_format<interleaved>} : vector<32xbf16> -> vector<16xf32>
          %mul3A_1044 = arith.constant 2 : i32
          %mul3A_1045 = arith.muli %mul3A_1044, %scan3A_1020 : i32
          %add3A_1046 = arith.constant 1 : i32
          %add3A_1047 = arith.addi %mul3A_1045, %add3A_1046 : i32
          %get3A_1048 = arith.index_cast %add3A_1047 : i32 to index
          %get3A_1049 = arith.constant 32 : index
          %get3A_1050 = tpu.vector_load %arg7[%get3A_1048, %get3A_1049] {strides = array<i32>} : memref<96x64xbf16, #tpu.memory_space<vmem>>, vector<32xbf16>,
          %unpack3A_1051 = tpu.unpack_subelements %get3A_1050, 0 {pack_format = #tpu.pack_format<interleaved>} : vector<32xbf16> -> vector<16xf32>
          %unpack3A_1052 = tpu.unpack_subelements %get3A_1050, 1 {pack_format = #tpu.pack_format<interleaved>} : vector<32xbf16> -> vector<16xf32>
          %add3A_1053 = arith.addf %add3A_1011, %unpack3A_1026 : vector<16xf32>
          %add3A_1054 = arith.addf %add3A_1012, %unpack3A_1027 : vector<16xf32>
          %add3A_1055 = arith.addf %add3A_1013, %unpack3A_1033 : vector<16xf32>
          %add3A_1056 = arith.addf %add3A_1014, %unpack3A_1034 : vector<16xf32>
          %add3A_1057 = arith.addf %add3A_1015, %unpack3A_1042 : vector<16xf32>
          %add3A_1058 = arith.addf %add3A_1016, %unpack3A_1043 : vector<16xf32>
          %add3A_1059 = arith.addf %add3A_1017, %unpack3A_1051 : vector<16xf32>
          %add3A_1060 = arith.addf %add3A_1018, %unpack3A_1052 : vector<16xf32>
          scf.yield %add3A_1053, %add3A_1054, %add3A_1055, %add3A_1056, %add3A_1057, %add3A_1058, %add3A_1059, %add3A_1060 : vector<16xf32>, vector<16xf32>, vector<16xf32>, vector<16xf32>, vector<16xf32>, vector<16xf32>, vector<16xf32>, vector<16xf32>
        }
        %scan3A_485 = arith.constant 48 : i32
        %add3A_486 = arith.constant 8 : i32
        %add3A_487 = arith.addi %add3A_474, %add3A_486 : i32
        %lt3A = arith.constant 256 : i32
        %lt3A_488 = arith.cmpi slt, %add3A_487, %lt3A : i32
        %convert_element_type3A = arith.extui %lt3A_488 : i1 to i32
        %cond3A = arith.constant 0 : i32
        %cond3A_489 = arith.cmpi ne, %convert_element_type3A, %cond3A : i32
        scf.if %cond3A_489 {
          %add3A_803 = arith.constant 8 : i32
          %add3A_804 = arith.addi %add3A_474, %add3A_803 : i32
          %mul3A_805 = arith.constant 96 : i32
          %mul3A_806 = arith.muli %add3A_804, %mul3A_805 : i32
          %add3A_807 = arith.constant 0 : i32
          %add3A_808 = arith.addi %mul3A_806, %add3A_807 : i32
          %get3A_809 = arith.index_cast %add3A_808 : i32 to index
          %get3A_810 = tpu.vector_load %arg6[%get3A_809] {strides = array<i32>} : memref<24576xi32, #tpu.memory_space<vmem>>, vector<16xi32>,
          %dma_start3A_811 = arith.constant 0 : i32
          %dma_start3A_812 = arith.constant 0 : i32
          %dma_start3A_813 = tpu.memref_slice %arg7[%dma_start3A_811, %dma_start3A_812] : memref<96x64xbf16, #tpu.memory_space<vmem>> -> memref<16x64xbf16, #tpu.memory_space<vmem>>
          %dma_start3A_814 = arith.constant 0 : i32
          %dma_start3A_815 = arith.constant 0 : i32
          %dma_start3A_816 = tpu.memref_slice %arg3[%dma_start3A_814, %dma_start3A_815] : memref<1000000x64xbf16, #tpu.memory_space<hbm>> -> memref<1000000x64xbf16, #tpu.memory_space<hbm>>
          tpu.enqueue_indirect_dma source(%dma_start3A_816 : memref<1000000x64xbf16, #tpu.memory_space<hbm>>) target(%dma_start3A_813 : memref<16x64xbf16, #tpu.memory_space<vmem>>) offsets(%get3A_810 : vector<16xi32>) semaphore(%arg17 : memref<!tpu.dma_semaphore, #tpu.memory_space<semaphore_mem>>)
          %mul3A_817 = arith.constant 96 : i32
          %mul3A_818 = arith.muli %add3A_804, %mul3A_817 : i32
          %add3A_819 = arith.constant 16 : i32
          %add3A_820 = arith.addi %mul3A_818, %add3A_819 : i32
          %get3A_821 = arith.index_cast %add3A_820 : i32 to index
          %get3A_822 = tpu.vector_load %arg6[%get3A_821] {strides = array<i32>} : memref<24576xi32, #tpu.memory_space<vmem>>, vector<16xi32>,
          %dma_start3A_823 = arith.constant 16 : i32
          %dma_start3A_824 = arith.constant 0 : i32
          %dma_start3A_825 = tpu.memref_slice %arg7[%dma_start3A_823, %dma_start3A_824] : memref<96x64xbf16, #tpu.memory_space<vmem>> -> memref<16x64xbf16, #tpu.memory_space<vmem>>
          %dma_start3A_826 = arith.constant 0 : i32
          %dma_start3A_827 = arith.constant 0 : i32
          %dma_start3A_828 = tpu.memref_slice %arg3[%dma_start3A_826, %dma_start3A_827] : memref<1000000x64xbf16, #tpu.memory_space<hbm>> -> memref<1000000x64xbf16, #tpu.memory_space<hbm>>
          tpu.enqueue_indirect_dma source(%dma_start3A_828 : memref<1000000x64xbf16, #tpu.memory_space<hbm>>) target(%dma_start3A_825 : memref<16x64xbf16, #tpu.memory_space<vmem>>) offsets(%get3A_822 : vector<16xi32>) semaphore(%arg17 : memref<!tpu.dma_semaphore, #tpu.memory_space<semaphore_mem>>)
          %mul3A_829 = arith.constant 96 : i32
          %mul3A_830 = arith.muli %add3A_804, %mul3A_829 : i32
          %add3A_831 = arith.constant 32 : i32
          %add3A_832 = arith.addi %mul3A_830, %add3A_831 : i32
          %get3A_833 = arith.index_cast %add3A_832 : i32 to index
          %get3A_834 = tpu.vector_load %arg6[%get3A_833] {strides = array<i32>} : memref<24576xi32, #tpu.memory_space<vmem>>, vector<16xi32>,
          %dma_start3A_835 = arith.constant 32 : i32
          %dma_start3A_836 = arith.constant 0 : i32
          %dma_start3A_837 = tpu.memref_slice %arg7[%dma_start3A_835, %dma_start3A_836] : memref<96x64xbf16, #tpu.memory_space<vmem>> -> memref<16x64xbf16, #tpu.memory_space<vmem>>
          %dma_start3A_838 = arith.constant 0 : i32
          %dma_start3A_839 = arith.constant 0 : i32
          %dma_start3A_840 = tpu.memref_slice %arg3[%dma_start3A_838, %dma_start3A_839] : memref<1000000x64xbf16, #tpu.memory_space<hbm>> -> memref<1000000x64xbf16, #tpu.memory_space<hbm>>
          tpu.enqueue_indirect_dma source(%dma_start3A_840 : memref<1000000x64xbf16, #tpu.memory_space<hbm>>) target(%dma_start3A_837 : memref<16x64xbf16, #tpu.memory_space<vmem>>) offsets(%get3A_834 : vector<16xi32>) semaphore(%arg17 : memref<!tpu.dma_semaphore, #tpu.memory_space<semaphore_mem>>)
          %mul3A_841 = arith.constant 96 : i32
          %mul3A_842 = arith.muli %add3A_804, %mul3A_841 : i32
          %add3A_843 = arith.constant 48 : i32
          %add3A_844 = arith.addi %mul3A_842, %add3A_843 : i32
          %get3A_845 = arith.index_cast %add3A_844 : i32 to index
          %get3A_846 = tpu.vector_load %arg6[%get3A_845] {strides = array<i32>} : memref<24576xi32, #tpu.memory_space<vmem>>, vector<16xi32>,
          %dma_start3A_847 = arith.constant 48 : i32
          %dma_start3A_848 = arith.constant 0 : i32
          %dma_start3A_849 = tpu.memref_slice %arg7[%dma_start3A_847, %dma_start3A_848] : memref<96x64xbf16, #tpu.memory_space<vmem>> -> memref<16x64xbf16, #tpu.memory_space<vmem>>
          %dma_start3A_850 = arith.constant 0 : i32
          %dma_start3A_851 = arith.constant 0 : i32
          %dma_start3A_852 = tpu.memref_slice %arg3[%dma_start3A_850, %dma_start3A_851] : memref<1000000x64xbf16, #tpu.memory_space<hbm>> -> memref<1000000x64xbf16, #tpu.memory_space<hbm>>
          tpu.enqueue_indirect_dma source(%dma_start3A_852 : memref<1000000x64xbf16, #tpu.memory_space<hbm>>) target(%dma_start3A_849 : memref<16x64xbf16, #tpu.memory_space<vmem>>) offsets(%get3A_846 : vector<16xi32>) semaphore(%arg17 : memref<!tpu.dma_semaphore, #tpu.memory_space<semaphore_mem>>)
          %mul3A_853 = arith.constant 96 : i32
          %mul3A_854 = arith.muli %add3A_804, %mul3A_853 : i32
          %add3A_855 = arith.constant 64 : i32
          %add3A_856 = arith.addi %mul3A_854, %add3A_855 : i32
          %get3A_857 = arith.index_cast %add3A_856 : i32 to index
          %get3A_858 = tpu.vector_load %arg6[%get3A_857] {strides = array<i32>} : memref<24576xi32, #tpu.memory_space<vmem>>, vector<16xi32>,
          %dma_start3A_859 = arith.constant 64 : i32
          %dma_start3A_860 = arith.constant 0 : i32
          %dma_start3A_861 = tpu.memref_slice %arg7[%dma_start3A_859, %dma_start3A_860] : memref<96x64xbf16, #tpu.memory_space<vmem>> -> memref<16x64xbf16, #tpu.memory_space<vmem>>
          %dma_start3A_862 = arith.constant 0 : i32
          %dma_start3A_863 = arith.constant 0 : i32
          %dma_start3A_864 = tpu.memref_slice %arg3[%dma_start3A_862, %dma_start3A_863] : memref<1000000x64xbf16, #tpu.memory_space<hbm>> -> memref<1000000x64xbf16, #tpu.memory_space<hbm>>
          tpu.enqueue_indirect_dma source(%dma_start3A_864 : memref<1000000x64xbf16, #tpu.memory_space<hbm>>) target(%dma_start3A_861 : memref<16x64xbf16, #tpu.memory_space<vmem>>) offsets(%get3A_858 : vector<16xi32>) semaphore(%arg17 : memref<!tpu.dma_semaphore, #tpu.memory_space<semaphore_mem>>)
          %mul3A_865 = arith.constant 96 : i32
          %mul3A_866 = arith.muli %add3A_804, %mul3A_865 : i32
          %add3A_867 = arith.constant 80 : i32
          %add3A_868 = arith.addi %mul3A_866, %add3A_867 : i32
          %get3A_869 = arith.index_cast %add3A_868 : i32 to index
          %get3A_870 = tpu.vector_load %arg6[%get3A_869] {strides = array<i32>} : memref<24576xi32, #tpu.memory_space<vmem>>, vector<16xi32>,
          %dma_start3A_871 = arith.constant 80 : i32
          %dma_start3A_872 = arith.constant 0 : i32
          %dma_start3A_873 = tpu.memref_slice %arg7[%dma_start3A_871, %dma_start3A_872] : memref<96x64xbf16, #tpu.memory_space<vmem>> -> memref<16x64xbf16, #tpu.memory_space<vmem>>
          %dma_start3A_874 = arith.constant 0 : i32
          %dma_start3A_875 = arith.constant 0 : i32
          %dma_start3A_876 = tpu.memref_slice %arg3[%dma_start3A_874, %dma_start3A_875] : memref<1000000x64xbf16, #tpu.memory_space<hbm>> -> memref<1000000x64xbf16, #tpu.memory_space<hbm>>
          tpu.enqueue_indirect_dma source(%dma_start3A_876 : memref<1000000x64xbf16, #tpu.memory_space<hbm>>) target(%dma_start3A_873 : memref<16x64xbf16, #tpu.memory_space<vmem>>) offsets(%get3A_870 : vector<16xi32>) semaphore(%arg17 : memref<!tpu.dma_semaphore, #tpu.memory_space<semaphore_mem>>)
        } else {
        }
        %mul3A_490 = arith.constant 2 : i32
        %mul3A_491 = arith.muli %mul3A_490, %add3A_468 : i32
        %add3A_492 = arith.constant 1 : i32
        %add3A_493 = arith.addi %mul3A_491, %add3A_492 : i32
        %dma_wait3A_494 = arith.constant 0 : i32
        %dma_wait3A_495 = arith.constant 0 : i32
        %dma_wait3A_496 = tpu.memref_slice %arg3[%dma_wait3A_494, %dma_wait3A_495] : memref<1000000x64xbf16, #tpu.memory_space<hbm>> -> memref<96x64xbf16, #tpu.memory_space<hbm>>
        %dma_wait3A_497 = arith.constant 0 : i32
        %dma_wait3A_498 = arith.constant 0 : i32
        %dma_wait3A_499 = tpu.memref_slice %arg3[%dma_wait3A_497, %dma_wait3A_498] : memref<1000000x64xbf16, #tpu.memory_space<hbm>> -> memref<96x64xbf16, #tpu.memory_space<hbm>>
        tpu.wait_dma2 semaphore(%arg18 : memref<!tpu.dma_semaphore, #tpu.memory_space<semaphore_mem>>) src(%dma_wait3A_499 : memref<96x64xbf16, #tpu.memory_space<hbm>>) dst(%arg8 : memref<96x64xbf16, #tpu.memory_space<vmem>>)
        %scan3A_500 = arith.constant 0 : i32
        %scan3A_501 = arith.constant 42 : i32
        %scan3A_502 = arith.addi %scan3A_500, %scan3A_501 : i32
        %scan3A_503 = arith.constant 6 : i32
        %scan3A_504:8 = scf.for %scan3A_803 = %scan3A_500 to %scan3A_502 step %scan3A_503 iter_args(%scan3A_804 = %scan3A_484#0, %scan3A_805 = %scan3A_484#1, %scan3A_806 = %scan3A_484#2, %scan3A_807 = %scan3A_484#3, %scan3A_808 = %scan3A_484#4, %scan3A_809 = %scan3A_484#5, %scan3A_810 = %scan3A_484#6, %scan3A_811 = %scan3A_484#7) -> (vector<16xf32>, vector<16xf32>, vector<16xf32>, vector<16xf32>, vector<16xf32>, vector<16xf32>, vector<16xf32>, vector<16xf32>)  : i32 {
          %mul3A_812 = arith.constant 2 : i32
          %mul3A_813 = arith.muli %mul3A_812, %scan3A_803 : i32
          %get3A_814 = arith.index_cast %mul3A_813 : i32 to index
          %get3A_815 = arith.constant 0 : index
          %get3A_816 = tpu.vector_load %arg8[%get3A_814, %get3A_815] {strides = array<i32>} : memref<96x64xbf16, #tpu.memory_space<vmem>>, vector<32xbf16>,
          %unpack3A = tpu.unpack_subelements %get3A_816, 0 {pack_format = #tpu.pack_format<interleaved>} : vector<32xbf16> -> vector<16xf32>
          %unpack3A_817 = tpu.unpack_subelements %get3A_816, 1 {pack_format = #tpu.pack_format<interleaved>} : vector<32xbf16> -> vector<16xf32>
          %mul3A_818 = arith.constant 2 : i32
          %mul3A_819 = arith.muli %mul3A_818, %scan3A_803 : i32
          %get3A_820 = arith.index_cast %mul3A_819 : i32 to index
          %get3A_821 = arith.constant 32 : index
          %get3A_822 = tpu.vector_load %arg8[%get3A_820, %get3A_821] {strides = array<i32>} : memref<96x64xbf16, #tpu.memory_space<vmem>>, vector<32xbf16>,
          %unpack3A_823 = tpu.unpack_subelements %get3A_822, 0 {pack_format = #tpu.pack_format<interleaved>} : vector<32xbf16> -> vector<16xf32>
          %unpack3A_824 = tpu.unpack_subelements %get3A_822, 1 {pack_format = #tpu.pack_format<interleaved>} : vector<32xbf16> -> vector<16xf32>
          %mul3A_825 = arith.constant 2 : i32
          %mul3A_826 = arith.muli %mul3A_825, %scan3A_803 : i32
          %add3A_827 = arith.constant 1 : i32
          %add3A_828 = arith.addi %mul3A_826, %add3A_827 : i32
          %get3A_829 = arith.index_cast %add3A_828 : i32 to index
          %get3A_830 = arith.constant 0 : index
          %get3A_831 = tpu.vector_load %arg8[%get3A_829, %get3A_830] {strides = array<i32>} : memref<96x64xbf16, #tpu.memory_space<vmem>>, vector<32xbf16>,
          %unpack3A_832 = tpu.unpack_subelements %get3A_831, 0 {pack_format = #tpu.pack_format<interleaved>} : vector<32xbf16> -> vector<16xf32>
          %unpack3A_833 = tpu.unpack_subelements %get3A_831, 1 {pack_format = #tpu.pack_format<interleaved>} : vector<32xbf16> -> vector<16xf32>
          %mul3A_834 = arith.constant 2 : i32
          %mul3A_835 = arith.muli %mul3A_834, %scan3A_803 : i32
          %add3A_836 = arith.constant 1 : i32
          %add3A_837 = arith.addi %mul3A_835, %add3A_836 : i32
          %get3A_838 = arith.index_cast %add3A_837 : i32 to index
          %get3A_839 = arith.constant 32 : index
          %get3A_840 = tpu.vector_load %arg8[%get3A_838, %get3A_839] {strides = array<i32>} : memref<96x64xbf16, #tpu.memory_space<vmem>>, vector<32xbf16>,
          %unpack3A_841 = tpu.unpack_subelements %get3A_840, 0 {pack_format = #tpu.pack_format<interleaved>} : vector<32xbf16> -> vector<16xf32>
          %unpack3A_842 = tpu.unpack_subelements %get3A_840, 1 {pack_format = #tpu.pack_format<interleaved>} : vector<32xbf16> -> vector<16xf32>
          %add3A_843 = arith.addf %scan3A_804, %unpack3A : vector<16xf32>
          %add3A_844 = arith.addf %scan3A_805, %unpack3A_817 : vector<16xf32>
          %add3A_845 = arith.addf %scan3A_806, %unpack3A_823 : vector<16xf32>
          %add3A_846 = arith.addf %scan3A_807, %unpack3A_824 : vector<16xf32>
          %add3A_847 = arith.addf %scan3A_808, %unpack3A_832 : vector<16xf32>
          %add3A_848 = arith.addf %scan3A_809, %unpack3A_833 : vector<16xf32>
          %add3A_849 = arith.addf %scan3A_810, %unpack3A_841 : vector<16xf32>
          %add3A_850 = arith.addf %scan3A_811, %unpack3A_842 : vector<16xf32>
          %scan3A_851 = arith.constant 1 : i32
          %scan3A_852 = arith.addi %scan3A_803, %scan3A_851 : i32
          %mul3A_853 = arith.constant 2 : i32
          %mul3A_854 = arith.muli %mul3A_853, %scan3A_852 : i32
          %get3A_855 = arith.index_cast %mul3A_854 : i32 to index
          %get3A_856 = arith.constant 0 : index
          %get3A_857 = tpu.vector_load %arg8[%get3A_855, %get3A_856] {strides = array<i32>} : memref<96x64xbf16, #tpu.memory_space<vmem>>, vector<32xbf16>,
          %unpack3A_858 = tpu.unpack_subelements %get3A_857, 0 {pack_format = #tpu.pack_format<interleaved>} : vector<32xbf16> -> vector<16xf32>
          %unpack3A_859 = tpu.unpack_subelements %get3A_857, 1 {pack_format = #tpu.pack_format<interleaved>} : vector<32xbf16> -> vector<16xf32>
          %mul3A_860 = arith.constant 2 : i32
          %mul3A_861 = arith.muli %mul3A_860, %scan3A_852 : i32
          %get3A_862 = arith.index_cast %mul3A_861 : i32 to index
          %get3A_863 = arith.constant 32 : index
          %get3A_864 = tpu.vector_load %arg8[%get3A_862, %get3A_863] {strides = array<i32>} : memref<96x64xbf16, #tpu.memory_space<vmem>>, vector<32xbf16>,
          %unpack3A_865 = tpu.unpack_subelements %get3A_864, 0 {pack_format = #tpu.pack_format<interleaved>} : vector<32xbf16> -> vector<16xf32>
          %unpack3A_866 = tpu.unpack_subelements %get3A_864, 1 {pack_format = #tpu.pack_format<interleaved>} : vector<32xbf16> -> vector<16xf32>
          %mul3A_867 = arith.constant 2 : i32
          %mul3A_868 = arith.muli %mul3A_867, %scan3A_852 : i32
          %add3A_869 = arith.constant 1 : i32
          %add3A_870 = arith.addi %mul3A_868, %add3A_869 : i32
          %get3A_871 = arith.index_cast %add3A_870 : i32 to index
          %get3A_872 = arith.constant 0 : index
          %get3A_873 = tpu.vector_load %arg8[%get3A_871, %get3A_872] {strides = array<i32>} : memref<96x64xbf16, #tpu.memory_space<vmem>>, vector<32xbf16>,
          %unpack3A_874 = tpu.unpack_subelements %get3A_873, 0 {pack_format = #tpu.pack_format<interleaved>} : vector<32xbf16> -> vector<16xf32>
          %unpack3A_875 = tpu.unpack_subelements %get3A_873, 1 {pack_format = #tpu.pack_format<interleaved>} : vector<32xbf16> -> vector<16xf32>
          %mul3A_876 = arith.constant 2 : i32
          %mul3A_877 = arith.muli %mul3A_876, %scan3A_852 : i32
          %add3A_878 = arith.constant 1 : i32
          %add3A_879 = arith.addi %mul3A_877, %add3A_878 : i32
          %get3A_880 = arith.index_cast %add3A_879 : i32 to index
          %get3A_881 = arith.constant 32 : index
          %get3A_882 = tpu.vector_load %arg8[%get3A_880, %get3A_881] {strides = array<i32>} : memref<96x64xbf16, #tpu.memory_space<vmem>>, vector<32xbf16>,
          %unpack3A_883 = tpu.unpack_subelements %get3A_882, 0 {pack_format = #tpu.pack_format<interleaved>} : vector<32xbf16> -> vector<16xf32>
          %unpack3A_884 = tpu.unpack_subelements %get3A_882, 1 {pack_format = #tpu.pack_format<interleaved>} : vector<32xbf16> -> vector<16xf32>
          %add3A_885 = arith.addf %add3A_843, %unpack3A_858 : vector<16xf32>
          %add3A_886 = arith.addf %add3A_844, %unpack3A_859 : vector<16xf32>
          %add3A_887 = arith.addf %add3A_845, %unpack3A_865 : vector<16xf32>
          %add3A_888 = arith.addf %add3A_846, %unpack3A_866 : vector<16xf32>
          %add3A_889 = arith.addf %add3A_847, %unpack3A_874 : vector<16xf32>
          %add3A_890 = arith.addf %add3A_848, %unpack3A_875 : vector<16xf32>
          %add3A_891 = arith.addf %add3A_849, %unpack3A_883 : vector<16xf32>
          %add3A_892 = arith.addf %add3A_850, %unpack3A_884 : vector<16xf32>
          %scan3A_893 = arith.constant 2 : i32
          %scan3A_894 = arith.addi %scan3A_803, %scan3A_893 : i32
          %mul3A_895 = arith.constant 2 : i32
          %mul3A_896 = arith.muli %mul3A_895, %scan3A_894 : i32
          %get3A_897 = arith.index_cast %mul3A_896 : i32 to index
          %get3A_898 = arith.constant 0 : index
          %get3A_899 = tpu.vector_load %arg8[%get3A_897, %get3A_898] {strides = array<i32>} : memref<96x64xbf16, #tpu.memory_space<vmem>>, vector<32xbf16>,
          %unpack3A_900 = tpu.unpack_subelements %get3A_899, 0 {pack_format = #tpu.pack_format<interleaved>} : vector<32xbf16> -> vector<16xf32>
          %unpack3A_901 = tpu.unpack_subelements %get3A_899, 1 {pack_format = #tpu.pack_format<interleaved>} : vector<32xbf16> -> vector<16xf32>
          %mul3A_902 = arith.constant 2 : i32
          %mul3A_903 = arith.muli %mul3A_902, %scan3A_894 : i32
          %get3A_904 = arith.index_cast %mul3A_903 : i32 to index
          %get3A_905 = arith.constant 32 : index
          %get3A_906 = tpu.vector_load %arg8[%get3A_904, %get3A_905] {strides = array<i32>} : memref<96x64xbf16, #tpu.memory_space<vmem>>, vector<32xbf16>,
          %unpack3A_907 = tpu.unpack_subelements %get3A_906, 0 {pack_format = #tpu.pack_format<interleaved>} : vector<32xbf16> -> vector<16xf32>
          %unpack3A_908 = tpu.unpack_subelements %get3A_906, 1 {pack_format = #tpu.pack_format<interleaved>} : vector<32xbf16> -> vector<16xf32>
          %mul3A_909 = arith.constant 2 : i32
          %mul3A_910 = arith.muli %mul3A_909, %scan3A_894 : i32
          %add3A_911 = arith.constant 1 : i32
          %add3A_912 = arith.addi %mul3A_910, %add3A_911 : i32
          %get3A_913 = arith.index_cast %add3A_912 : i32 to index
          %get3A_914 = arith.constant 0 : index
          %get3A_915 = tpu.vector_load %arg8[%get3A_913, %get3A_914] {strides = array<i32>} : memref<96x64xbf16, #tpu.memory_space<vmem>>, vector<32xbf16>,
          %unpack3A_916 = tpu.unpack_subelements %get3A_915, 0 {pack_format = #tpu.pack_format<interleaved>} : vector<32xbf16> -> vector<16xf32>
          %unpack3A_917 = tpu.unpack_subelements %get3A_915, 1 {pack_format = #tpu.pack_format<interleaved>} : vector<32xbf16> -> vector<16xf32>
          %mul3A_918 = arith.constant 2 : i32
          %mul3A_919 = arith.muli %mul3A_918, %scan3A_894 : i32
          %add3A_920 = arith.constant 1 : i32
          %add3A_921 = arith.addi %mul3A_919, %add3A_920 : i32
          %get3A_922 = arith.index_cast %add3A_921 : i32 to index
          %get3A_923 = arith.constant 32 : index
          %get3A_924 = tpu.vector_load %arg8[%get3A_922, %get3A_923] {strides = array<i32>} : memref<96x64xbf16, #tpu.memory_space<vmem>>, vector<32xbf16>,
          %unpack3A_925 = tpu.unpack_subelements %get3A_924, 0 {pack_format = #tpu.pack_format<interleaved>} : vector<32xbf16> -> vector<16xf32>
          %unpack3A_926 = tpu.unpack_subelements %get3A_924, 1 {pack_format = #tpu.pack_format<interleaved>} : vector<32xbf16> -> vector<16xf32>
          %add3A_927 = arith.addf %add3A_885, %unpack3A_900 : vector<16xf32>
          %add3A_928 = arith.addf %add3A_886, %unpack3A_901 : vector<16xf32>
          %add3A_929 = arith.addf %add3A_887, %unpack3A_907 : vector<16xf32>
          %add3A_930 = arith.addf %add3A_888, %unpack3A_908 : vector<16xf32>
          %add3A_931 = arith.addf %add3A_889, %unpack3A_916 : vector<16xf32>
          %add3A_932 = arith.addf %add3A_890, %unpack3A_917 : vector<16xf32>
          %add3A_933 = arith.addf %add3A_891, %unpack3A_925 : vector<16xf32>
          %add3A_934 = arith.addf %add3A_892, %unpack3A_926 : vector<16xf32>
          %scan3A_935 = arith.constant 3 : i32
          %scan3A_936 = arith.addi %scan3A_803, %scan3A_935 : i32
          %mul3A_937 = arith.constant 2 : i32
          %mul3A_938 = arith.muli %mul3A_937, %scan3A_936 : i32
          %get3A_939 = arith.index_cast %mul3A_938 : i32 to index
          %get3A_940 = arith.constant 0 : index
          %get3A_941 = tpu.vector_load %arg8[%get3A_939, %get3A_940] {strides = array<i32>} : memref<96x64xbf16, #tpu.memory_space<vmem>>, vector<32xbf16>,
          %unpack3A_942 = tpu.unpack_subelements %get3A_941, 0 {pack_format = #tpu.pack_format<interleaved>} : vector<32xbf16> -> vector<16xf32>
          %unpack3A_943 = tpu.unpack_subelements %get3A_941, 1 {pack_format = #tpu.pack_format<interleaved>} : vector<32xbf16> -> vector<16xf32>
          %mul3A_944 = arith.constant 2 : i32
          %mul3A_945 = arith.muli %mul3A_944, %scan3A_936 : i32
          %get3A_946 = arith.index_cast %mul3A_945 : i32 to index
          %get3A_947 = arith.constant 32 : index
          %get3A_948 = tpu.vector_load %arg8[%get3A_946, %get3A_947] {strides = array<i32>} : memref<96x64xbf16, #tpu.memory_space<vmem>>, vector<32xbf16>,
          %unpack3A_949 = tpu.unpack_subelements %get3A_948, 0 {pack_format = #tpu.pack_format<interleaved>} : vector<32xbf16> -> vector<16xf32>
          %unpack3A_950 = tpu.unpack_subelements %get3A_948, 1 {pack_format = #tpu.pack_format<interleaved>} : vector<32xbf16> -> vector<16xf32>
          %mul3A_951 = arith.constant 2 : i32
          %mul3A_952 = arith.muli %mul3A_951, %scan3A_936 : i32
          %add3A_953 = arith.constant 1 : i32
          %add3A_954 = arith.addi %mul3A_952, %add3A_953 : i32
          %get3A_955 = arith.index_cast %add3A_954 : i32 to index
          %get3A_956 = arith.constant 0 : index
          %get3A_957 = tpu.vector_load %arg8[%get3A_955, %get3A_956] {strides = array<i32>} : memref<96x64xbf16, #tpu.memory_space<vmem>>, vector<32xbf16>,
          %unpack3A_958 = tpu.unpack_subelements %get3A_957, 0 {pack_format = #tpu.pack_format<interleaved>} : vector<32xbf16> -> vector<16xf32>
          %unpack3A_959 = tpu.unpack_subelements %get3A_957, 1 {pack_format = #tpu.pack_format<interleaved>} : vector<32xbf16> -> vector<16xf32>
          %mul3A_960 = arith.constant 2 : i32
          %mul3A_961 = arith.muli %mul3A_960, %scan3A_936 : i32
          %add3A_962 = arith.constant 1 : i32
          %add3A_963 = arith.addi %mul3A_961, %add3A_962 : i32
          %get3A_964 = arith.index_cast %add3A_963 : i32 to index
          %get3A_965 = arith.constant 32 : index
          %get3A_966 = tpu.vector_load %arg8[%get3A_964, %get3A_965] {strides = array<i32>} : memref<96x64xbf16, #tpu.memory_space<vmem>>, vector<32xbf16>,
          %unpack3A_967 = tpu.unpack_subelements %get3A_966, 0 {pack_format = #tpu.pack_format<interleaved>} : vector<32xbf16> -> vector<16xf32>
          %unpack3A_968 = tpu.unpack_subelements %get3A_966, 1 {pack_format = #tpu.pack_format<interleaved>} : vector<32xbf16> -> vector<16xf32>
          %add3A_969 = arith.addf %add3A_927, %unpack3A_942 : vector<16xf32>
          %add3A_970 = arith.addf %add3A_928, %unpack3A_943 : vector<16xf32>
          %add3A_971 = arith.addf %add3A_929, %unpack3A_949 : vector<16xf32>
          %add3A_972 = arith.addf %add3A_930, %unpack3A_950 : vector<16xf32>
          %add3A_973 = arith.addf %add3A_931, %unpack3A_958 : vector<16xf32>
          %add3A_974 = arith.addf %add3A_932, %unpack3A_959 : vector<16xf32>
          %add3A_975 = arith.addf %add3A_933, %unpack3A_967 : vector<16xf32>
          %add3A_976 = arith.addf %add3A_934, %unpack3A_968 : vector<16xf32>
          %scan3A_977 = arith.constant 4 : i32
          %scan3A_978 = arith.addi %scan3A_803, %scan3A_977 : i32
          %mul3A_979 = arith.constant 2 : i32
          %mul3A_980 = arith.muli %mul3A_979, %scan3A_978 : i32
          %get3A_981 = arith.index_cast %mul3A_980 : i32 to index
          %get3A_982 = arith.constant 0 : index
          %get3A_983 = tpu.vector_load %arg8[%get3A_981, %get3A_982] {strides = array<i32>} : memref<96x64xbf16, #tpu.memory_space<vmem>>, vector<32xbf16>,
          %unpack3A_984 = tpu.unpack_subelements %get3A_983, 0 {pack_format = #tpu.pack_format<interleaved>} : vector<32xbf16> -> vector<16xf32>
          %unpack3A_985 = tpu.unpack_subelements %get3A_983, 1 {pack_format = #tpu.pack_format<interleaved>} : vector<32xbf16> -> vector<16xf32>
          %mul3A_986 = arith.constant 2 : i32
          %mul3A_987 = arith.muli %mul3A_986, %scan3A_978 : i32
          %get3A_988 = arith.index_cast %mul3A_987 : i32 to index
          %get3A_989 = arith.constant 32 : index
          %get3A_990 = tpu.vector_load %arg8[%get3A_988, %get3A_989] {strides = array<i32>} : memref<96x64xbf16, #tpu.memory_space<vmem>>, vector<32xbf16>,
          %unpack3A_991 = tpu.unpack_subelements %get3A_990, 0 {pack_format = #tpu.pack_format<interleaved>} : vector<32xbf16> -> vector<16xf32>
          %unpack3A_992 = tpu.unpack_subelements %get3A_990, 1 {pack_format = #tpu.pack_format<interleaved>} : vector<32xbf16> -> vector<16xf32>
          %mul3A_993 = arith.constant 2 : i32
          %mul3A_994 = arith.muli %mul3A_993, %scan3A_978 : i32
          %add3A_995 = arith.constant 1 : i32
          %add3A_996 = arith.addi %mul3A_994, %add3A_995 : i32
          %get3A_997 = arith.index_cast %add3A_996 : i32 to index
          %get3A_998 = arith.constant 0 : index
          %get3A_999 = tpu.vector_load %arg8[%get3A_997, %get3A_998] {strides = array<i32>} : memref<96x64xbf16, #tpu.memory_space<vmem>>, vector<32xbf16>,
          %unpack3A_1000 = tpu.unpack_subelements %get3A_999, 0 {pack_format = #tpu.pack_format<interleaved>} : vector<32xbf16> -> vector<16xf32>
          %unpack3A_1001 = tpu.unpack_subelements %get3A_999, 1 {pack_format = #tpu.pack_format<interleaved>} : vector<32xbf16> -> vector<16xf32>
          %mul3A_1002 = arith.constant 2 : i32
          %mul3A_1003 = arith.muli %mul3A_1002, %scan3A_978 : i32
          %add3A_1004 = arith.constant 1 : i32
          %add3A_1005 = arith.addi %mul3A_1003, %add3A_1004 : i32
          %get3A_1006 = arith.index_cast %add3A_1005 : i32 to index
          %get3A_1007 = arith.constant 32 : index
          %get3A_1008 = tpu.vector_load %arg8[%get3A_1006, %get3A_1007] {strides = array<i32>} : memref<96x64xbf16, #tpu.memory_space<vmem>>, vector<32xbf16>,
          %unpack3A_1009 = tpu.unpack_subelements %get3A_1008, 0 {pack_format = #tpu.pack_format<interleaved>} : vector<32xbf16> -> vector<16xf32>
          %unpack3A_1010 = tpu.unpack_subelements %get3A_1008, 1 {pack_format = #tpu.pack_format<interleaved>} : vector<32xbf16> -> vector<16xf32>
          %add3A_1011 = arith.addf %add3A_969, %unpack3A_984 : vector<16xf32>
          %add3A_1012 = arith.addf %add3A_970, %unpack3A_985 : vector<16xf32>
          %add3A_1013 = arith.addf %add3A_971, %unpack3A_991 : vector<16xf32>
          %add3A_1014 = arith.addf %add3A_972, %unpack3A_992 : vector<16xf32>
          %add3A_1015 = arith.addf %add3A_973, %unpack3A_1000 : vector<16xf32>
          %add3A_1016 = arith.addf %add3A_974, %unpack3A_1001 : vector<16xf32>
          %add3A_1017 = arith.addf %add3A_975, %unpack3A_1009 : vector<16xf32>
          %add3A_1018 = arith.addf %add3A_976, %unpack3A_1010 : vector<16xf32>
          %scan3A_1019 = arith.constant 5 : i32
          %scan3A_1020 = arith.addi %scan3A_803, %scan3A_1019 : i32
          %mul3A_1021 = arith.constant 2 : i32
          %mul3A_1022 = arith.muli %mul3A_1021, %scan3A_1020 : i32
          %get3A_1023 = arith.index_cast %mul3A_1022 : i32 to index
          %get3A_1024 = arith.constant 0 : index
          %get3A_1025 = tpu.vector_load %arg8[%get3A_1023, %get3A_1024] {strides = array<i32>} : memref<96x64xbf16, #tpu.memory_space<vmem>>, vector<32xbf16>,
          %unpack3A_1026 = tpu.unpack_subelements %get3A_1025, 0 {pack_format = #tpu.pack_format<interleaved>} : vector<32xbf16> -> vector<16xf32>
          %unpack3A_1027 = tpu.unpack_subelements %get3A_1025, 1 {pack_format = #tpu.pack_format<interleaved>} : vector<32xbf16> -> vector<16xf32>
          %mul3A_1028 = arith.constant 2 : i32
          %mul3A_1029 = arith.muli %mul3A_1028, %scan3A_1020 : i32
          %get3A_1030 = arith.index_cast %mul3A_1029 : i32 to index
          %get3A_1031 = arith.constant 32 : index
          %get3A_1032 = tpu.vector_load %arg8[%get3A_1030, %get3A_1031] {strides = array<i32>} : memref<96x64xbf16, #tpu.memory_space<vmem>>, vector<32xbf16>,
          %unpack3A_1033 = tpu.unpack_subelements %get3A_1032, 0 {pack_format = #tpu.pack_format<interleaved>} : vector<32xbf16> -> vector<16xf32>
          %unpack3A_1034 = tpu.unpack_subelements %get3A_1032, 1 {pack_format = #tpu.pack_format<interleaved>} : vector<32xbf16> -> vector<16xf32>
          %mul3A_1035 = arith.constant 2 : i32
          %mul3A_1036 = arith.muli %mul3A_1035, %scan3A_1020 : i32
          %add3A_1037 = arith.constant 1 : i32
          %add3A_1038 = arith.addi %mul3A_1036, %add3A_1037 : i32
          %get3A_1039 = arith.index_cast %add3A_1038 : i32 to index
          %get3A_1040 = arith.constant 0 : index
          %get3A_1041 = tpu.vector_load %arg8[%get3A_1039, %get3A_1040] {strides = array<i32>} : memref<96x64xbf16, #tpu.memory_space<vmem>>, vector<32xbf16>,
          %unpack3A_1042 = tpu.unpack_subelements %get3A_1041, 0 {pack_format = #tpu.pack_format<interleaved>} : vector<32xbf16> -> vector<16xf32>
          %unpack3A_1043 = tpu.unpack_subelements %get3A_1041, 1 {pack_format = #tpu.pack_format<interleaved>} : vector<32xbf16> -> vector<16xf32>
          %mul3A_1044 = arith.constant 2 : i32
          %mul3A_1045 = arith.muli %mul3A_1044, %scan3A_1020 : i32
          %add3A_1046 = arith.constant 1 : i32
          %add3A_1047 = arith.addi %mul3A_1045, %add3A_1046 : i32
          %get3A_1048 = arith.index_cast %add3A_1047 : i32 to index
          %get3A_1049 = arith.constant 32 : index
          %get3A_1050 = tpu.vector_load %arg8[%get3A_1048, %get3A_1049] {strides = array<i32>} : memref<96x64xbf16, #tpu.memory_space<vmem>>, vector<32xbf16>,
          %unpack3A_1051 = tpu.unpack_subelements %get3A_1050, 0 {pack_format = #tpu.pack_format<interleaved>} : vector<32xbf16> -> vector<16xf32>
          %unpack3A_1052 = tpu.unpack_subelements %get3A_1050, 1 {pack_format = #tpu.pack_format<interleaved>} : vector<32xbf16> -> vector<16xf32>
          %add3A_1053 = arith.addf %add3A_1011, %unpack3A_1026 : vector<16xf32>
          %add3A_1054 = arith.addf %add3A_1012, %unpack3A_1027 : vector<16xf32>
          %add3A_1055 = arith.addf %add3A_1013, %unpack3A_1033 : vector<16xf32>
          %add3A_1056 = arith.addf %add3A_1014, %unpack3A_1034 : vector<16xf32>
          %add3A_1057 = arith.addf %add3A_1015, %unpack3A_1042 : vector<16xf32>
          %add3A_1058 = arith.addf %add3A_1016, %unpack3A_1043 : vector<16xf32>
          %add3A_1059 = arith.addf %add3A_1017, %unpack3A_1051 : vector<16xf32>
          %add3A_1060 = arith.addf %add3A_1018, %unpack3A_1052 : vector<16xf32>
          scf.yield %add3A_1053, %add3A_1054, %add3A_1055, %add3A_1056, %add3A_1057, %add3A_1058, %add3A_1059, %add3A_1060 : vector<16xf32>, vector<16xf32>, vector<16xf32>, vector<16xf32>, vector<16xf32>, vector<16xf32>, vector<16xf32>, vector<16xf32>
        }
        %scan3A_505 = arith.constant 42 : i32
        %add3A_506 = arith.constant 8 : i32
        %add3A_507 = arith.addi %add3A_493, %add3A_506 : i32
        %lt3A_508 = arith.constant 256 : i32
        %lt3A_509 = arith.cmpi slt, %add3A_507, %lt3A_508 : i32
        %convert_element_type3A_510 = arith.extui %lt3A_509 : i1 to i32
        %cond3A_511 = arith.constant 0 : i32
        %cond3A_512 = arith.cmpi ne, %convert_element_type3A_510, %cond3A_511 : i32
        scf.if %cond3A_512 {
          %add3A_803 = arith.constant 8 : i32
          %add3A_804 = arith.addi %add3A_493, %add3A_803 : i32
          %mul3A_805 = arith.constant 96 : i32
          %mul3A_806 = arith.muli %add3A_804, %mul3A_805 : i32
          %add3A_807 = arith.constant 0 : i32
          %add3A_808 = arith.addi %mul3A_806, %add3A_807 : i32
          %get3A_809 = arith.index_cast %add3A_808 : i32 to index
          %get3A_810 = tpu.vector_load %arg6[%get3A_809] {strides = array<i32>} : memref<24576xi32, #tpu.memory_space<vmem>>, vector<16xi32>,
          %dma_start3A_811 = arith.constant 0 : i32
          %dma_start3A_812 = arith.constant 0 : i32
          %dma_start3A_813 = tpu.memref_slice %arg8[%dma_start3A_811, %dma_start3A_812] : memref<96x64xbf16, #tpu.memory_space<vmem>> -> memref<16x64xbf16, #tpu.memory_space<vmem>>
          %dma_start3A_814 = arith.constant 0 : i32
          %dma_start3A_815 = arith.constant 0 : i32
          %dma_start3A_816 = tpu.memref_slice %arg3[%dma_start3A_814, %dma_start3A_815] : memref<1000000x64xbf16, #tpu.memory_space<hbm>> -> memref<1000000x64xbf16, #tpu.memory_space<hbm>>
          tpu.enqueue_indirect_dma source(%dma_start3A_816 : memref<1000000x64xbf16, #tpu.memory_space<hbm>>) target(%dma_start3A_813 : memref<16x64xbf16, #tpu.memory_space<vmem>>) offsets(%get3A_810 : vector<16xi32>) semaphore(%arg18 : memref<!tpu.dma_semaphore, #tpu.memory_space<semaphore_mem>>)
          %mul3A_817 = arith.constant 96 : i32
          %mul3A_818 = arith.muli %add3A_804, %mul3A_817 : i32
          %add3A_819 = arith.constant 16 : i32
          %add3A_820 = arith.addi %mul3A_818, %add3A_819 : i32
          %get3A_821 = arith.index_cast %add3A_820 : i32 to index
          %get3A_822 = tpu.vector_load %arg6[%get3A_821] {strides = array<i32>} : memref<24576xi32, #tpu.memory_space<vmem>>, vector<16xi32>,
          %dma_start3A_823 = arith.constant 16 : i32
          %dma_start3A_824 = arith.constant 0 : i32
          %dma_start3A_825 = tpu.memref_slice %arg8[%dma_start3A_823, %dma_start3A_824] : memref<96x64xbf16, #tpu.memory_space<vmem>> -> memref<16x64xbf16, #tpu.memory_space<vmem>>
          %dma_start3A_826 = arith.constant 0 : i32
          %dma_start3A_827 = arith.constant 0 : i32
          %dma_start3A_828 = tpu.memref_slice %arg3[%dma_start3A_826, %dma_start3A_827] : memref<1000000x64xbf16, #tpu.memory_space<hbm>> -> memref<1000000x64xbf16, #tpu.memory_space<hbm>>
          tpu.enqueue_indirect_dma source(%dma_start3A_828 : memref<1000000x64xbf16, #tpu.memory_space<hbm>>) target(%dma_start3A_825 : memref<16x64xbf16, #tpu.memory_space<vmem>>) offsets(%get3A_822 : vector<16xi32>) semaphore(%arg18 : memref<!tpu.dma_semaphore, #tpu.memory_space<semaphore_mem>>)
          %mul3A_829 = arith.constant 96 : i32
          %mul3A_830 = arith.muli %add3A_804, %mul3A_829 : i32
          %add3A_831 = arith.constant 32 : i32
          %add3A_832 = arith.addi %mul3A_830, %add3A_831 : i32
          %get3A_833 = arith.index_cast %add3A_832 : i32 to index
          %get3A_834 = tpu.vector_load %arg6[%get3A_833] {strides = array<i32>} : memref<24576xi32, #tpu.memory_space<vmem>>, vector<16xi32>,
          %dma_start3A_835 = arith.constant 32 : i32
          %dma_start3A_836 = arith.constant 0 : i32
          %dma_start3A_837 = tpu.memref_slice %arg8[%dma_start3A_835, %dma_start3A_836] : memref<96x64xbf16, #tpu.memory_space<vmem>> -> memref<16x64xbf16, #tpu.memory_space<vmem>>
          %dma_start3A_838 = arith.constant 0 : i32
          %dma_start3A_839 = arith.constant 0 : i32
          %dma_start3A_840 = tpu.memref_slice %arg3[%dma_start3A_838, %dma_start3A_839] : memref<1000000x64xbf16, #tpu.memory_space<hbm>> -> memref<1000000x64xbf16, #tpu.memory_space<hbm>>
          tpu.enqueue_indirect_dma source(%dma_start3A_840 : memref<1000000x64xbf16, #tpu.memory_space<hbm>>) target(%dma_start3A_837 : memref<16x64xbf16, #tpu.memory_space<vmem>>) offsets(%get3A_834 : vector<16xi32>) semaphore(%arg18 : memref<!tpu.dma_semaphore, #tpu.memory_space<semaphore_mem>>)
          %mul3A_841 = arith.constant 96 : i32
          %mul3A_842 = arith.muli %add3A_804, %mul3A_841 : i32
          %add3A_843 = arith.constant 48 : i32
          %add3A_844 = arith.addi %mul3A_842, %add3A_843 : i32
          %get3A_845 = arith.index_cast %add3A_844 : i32 to index
          %get3A_846 = tpu.vector_load %arg6[%get3A_845] {strides = array<i32>} : memref<24576xi32, #tpu.memory_space<vmem>>, vector<16xi32>,
          %dma_start3A_847 = arith.constant 48 : i32
          %dma_start3A_848 = arith.constant 0 : i32
          %dma_start3A_849 = tpu.memref_slice %arg8[%dma_start3A_847, %dma_start3A_848] : memref<96x64xbf16, #tpu.memory_space<vmem>> -> memref<16x64xbf16, #tpu.memory_space<vmem>>
          %dma_start3A_850 = arith.constant 0 : i32
          %dma_start3A_851 = arith.constant 0 : i32
          %dma_start3A_852 = tpu.memref_slice %arg3[%dma_start3A_850, %dma_start3A_851] : memref<1000000x64xbf16, #tpu.memory_space<hbm>> -> memref<1000000x64xbf16, #tpu.memory_space<hbm>>
          tpu.enqueue_indirect_dma source(%dma_start3A_852 : memref<1000000x64xbf16, #tpu.memory_space<hbm>>) target(%dma_start3A_849 : memref<16x64xbf16, #tpu.memory_space<vmem>>) offsets(%get3A_846 : vector<16xi32>) semaphore(%arg18 : memref<!tpu.dma_semaphore, #tpu.memory_space<semaphore_mem>>)
          %mul3A_853 = arith.constant 96 : i32
          %mul3A_854 = arith.muli %add3A_804, %mul3A_853 : i32
          %add3A_855 = arith.constant 64 : i32
          %add3A_856 = arith.addi %mul3A_854, %add3A_855 : i32
          %get3A_857 = arith.index_cast %add3A_856 : i32 to index
          %get3A_858 = tpu.vector_load %arg6[%get3A_857] {strides = array<i32>} : memref<24576xi32, #tpu.memory_space<vmem>>, vector<16xi32>,
          %dma_start3A_859 = arith.constant 64 : i32
          %dma_start3A_860 = arith.constant 0 : i32
          %dma_start3A_861 = tpu.memref_slice %arg8[%dma_start3A_859, %dma_start3A_860] : memref<96x64xbf16, #tpu.memory_space<vmem>> -> memref<16x64xbf16, #tpu.memory_space<vmem>>
          %dma_start3A_862 = arith.constant 0 : i32
          %dma_start3A_863 = arith.constant 0 : i32
          %dma_start3A_864 = tpu.memref_slice %arg3[%dma_start3A_862, %dma_start3A_863] : memref<1000000x64xbf16, #tpu.memory_space<hbm>> -> memref<1000000x64xbf16, #tpu.memory_space<hbm>>
          tpu.enqueue_indirect_dma source(%dma_start3A_864 : memref<1000000x64xbf16, #tpu.memory_space<hbm>>) target(%dma_start3A_861 : memref<16x64xbf16, #tpu.memory_space<vmem>>) offsets(%get3A_858 : vector<16xi32>) semaphore(%arg18 : memref<!tpu.dma_semaphore, #tpu.memory_space<semaphore_mem>>)
          %mul3A_865 = arith.constant 96 : i32
          %mul3A_866 = arith.muli %add3A_804, %mul3A_865 : i32
          %add3A_867 = arith.constant 80 : i32
          %add3A_868 = arith.addi %mul3A_866, %add3A_867 : i32
          %get3A_869 = arith.index_cast %add3A_868 : i32 to index
          %get3A_870 = tpu.vector_load %arg6[%get3A_869] {strides = array<i32>} : memref<24576xi32, #tpu.memory_space<vmem>>, vector<16xi32>,
          %dma_start3A_871 = arith.constant 80 : i32
          %dma_start3A_872 = arith.constant 0 : i32
          %dma_start3A_873 = tpu.memref_slice %arg8[%dma_start3A_871, %dma_start3A_872] : memref<96x64xbf16, #tpu.memory_space<vmem>> -> memref<16x64xbf16, #tpu.memory_space<vmem>>
          %dma_start3A_874 = arith.constant 0 : i32
          %dma_start3A_875 = arith.constant 0 : i32
          %dma_start3A_876 = tpu.memref_slice %arg3[%dma_start3A_874, %dma_start3A_875] : memref<1000000x64xbf16, #tpu.memory_space<hbm>> -> memref<1000000x64xbf16, #tpu.memory_space<hbm>>
          tpu.enqueue_indirect_dma source(%dma_start3A_876 : memref<1000000x64xbf16, #tpu.memory_space<hbm>>) target(%dma_start3A_873 : memref<16x64xbf16, #tpu.memory_space<vmem>>) offsets(%get3A_870 : vector<16xi32>) semaphore(%arg18 : memref<!tpu.dma_semaphore, #tpu.memory_space<semaphore_mem>>)
        } else {
        }
        %add3A_513 = arith.addf %scan3A_504#0, %scan3A_504#4 : vector<16xf32>
        %add3A_514 = arith.addf %scan3A_504#1, %scan3A_504#5 : vector<16xf32>
        %add3A_515 = arith.addf %scan3A_504#2, %scan3A_504#6 : vector<16xf32>
        %add3A_516 = arith.addf %scan3A_504#3, %scan3A_504#7 : vector<16xf32>
        %mul3A_517 = arith.mulf %add3A_513, %add3A_513 : vector<16xf32>
        %mul3A_518 = arith.mulf %add3A_514, %add3A_514 : vector<16xf32>
        %add3A_519 = arith.addf %mul3A_517, %mul3A_518 : vector<16xf32>
        %mul3A_520 = arith.mulf %add3A_515, %add3A_515 : vector<16xf32>
        %add3A_521 = arith.addf %add3A_519, %mul3A_520 : vector<16xf32>
        %mul3A_522 = arith.mulf %add3A_516, %add3A_516 : vector<16xf32>
        %add3A_523 = arith.addf %add3A_521, %mul3A_522 : vector<16xf32>
        %mul3A_524 = arith.mulf %add3A_513, %get3A_388 : vector<16xf32>
        %mul3A_525 = arith.mulf %add3A_514, %get3A_390 : vector<16xf32>
        %add3A_526 = arith.addf %mul3A_524, %mul3A_525 : vector<16xf32>
        %mul3A_527 = arith.mulf %add3A_515, %get3A_392 : vector<16xf32>
        %add3A_528 = arith.addf %add3A_526, %mul3A_527 : vector<16xf32>
        %mul3A_529 = arith.mulf %add3A_516, %get3A_394 : vector<16xf32>
        %add3A_530 = arith.addf %add3A_528, %mul3A_529 : vector<16xf32>
        %reduce_sum3A = arith.constant true
        %reduce_sum3A_531 = vector.broadcast %reduce_sum3A : i1 to vector<16xi1>
        %reduce_sum3A_532 = tpu.scan <sum>, %add3A_523 masked %reduce_sum3A_531 : vector<16xf32>, vector<16xi1> -> vector<16xf32>
        %reduce_sum3A_533 = vector.extract %reduce_sum3A_532[15] : f32 from vector<16xf32>
        %reduce_sum3A_534 = arith.constant true
        %reduce_sum3A_535 = vector.broadcast %reduce_sum3A_534 : i1 to vector<16xi1>
        %reduce_sum3A_536 = tpu.scan <sum>, %add3A_530 masked %reduce_sum3A_535 : vector<16xf32>, vector<16xi1> -> vector<16xf32>
        %reduce_sum3A_537 = vector.extract %reduce_sum3A_536[15] : f32 from vector<16xf32>
        %eq3A = vector.broadcast %add3A_465 : i32 to vector<16xi32>
        %eq3A_538 = arith.cmpi eq, %iota3A, %eq3A : vector<16xi32>
        %broadcast_in_dim3A_539 = vector.broadcast %reduce_sum3A_533 : f32 to vector<16xf32>
        %select_n3A = arith.select %eq3A_538, %broadcast_in_dim3A_539, %scan3A_460 : vector<16xi1>, vector<16xf32>
        %broadcast_in_dim3A_540 = vector.broadcast %reduce_sum3A_537 : f32 to vector<16xf32>
        %select_n3A_541 = arith.select %eq3A_538, %broadcast_in_dim3A_540, %scan3A_461 : vector<16xi1>, vector<16xf32>
        %mul3A_542 = arith.constant 4 : i32
        %mul3A_543 = arith.muli %mul3A_542, %scan3A_459 : i32
        %add3A_544 = arith.constant 1 : i32
        %add3A_545 = arith.addi %mul3A_543, %add3A_544 : i32
        %mul3A_546 = arith.constant 16 : i32
        %mul3A_547 = arith.muli %scan3A_403, %mul3A_546 : i32
        %add3A_548 = arith.addi %mul3A_547, %add3A_545 : i32
        %broadcast_in_dim3A_549 = arith.constant 0.000000e+00 : f32
        %broadcast_in_dim3A_550 = vector.broadcast %broadcast_in_dim3A_549 : f32 to vector<16xf32>
        %mul3A_551 = arith.constant 2 : i32
        %mul3A_552 = arith.muli %mul3A_551, %add3A_548 : i32
        %add3A_553 = arith.constant 0 : i32
        %add3A_554 = arith.addi %mul3A_552, %add3A_553 : i32
        %dma_wait3A_555 = arith.constant 0 : i32
        %dma_wait3A_556 = arith.constant 0 : i32
        %dma_wait3A_557 = tpu.memref_slice %arg3[%dma_wait3A_555, %dma_wait3A_556] : memref<1000000x64xbf16, #tpu.memory_space<hbm>> -> memref<96x64xbf16, #tpu.memory_space<hbm>>
        %dma_wait3A_558 = arith.constant 0 : i32
        %dma_wait3A_559 = arith.constant 0 : i32
        %dma_wait3A_560 = tpu.memref_slice %arg3[%dma_wait3A_558, %dma_wait3A_559] : memref<1000000x64xbf16, #tpu.memory_space<hbm>> -> memref<96x64xbf16, #tpu.memory_space<hbm>>
        tpu.wait_dma2 semaphore(%arg19 : memref<!tpu.dma_semaphore, #tpu.memory_space<semaphore_mem>>) src(%dma_wait3A_560 : memref<96x64xbf16, #tpu.memory_space<hbm>>) dst(%arg9 : memref<96x64xbf16, #tpu.memory_space<vmem>>)
        %scan3A_561 = arith.constant 0 : i32
        %scan3A_562 = arith.constant 48 : i32
        %scan3A_563 = arith.addi %scan3A_561, %scan3A_562 : i32
        %scan3A_564 = arith.constant 6 : i32
        %scan3A_565:8 = scf.for %scan3A_803 = %scan3A_561 to %scan3A_563 step %scan3A_564 iter_args(%scan3A_804 = %broadcast_in_dim3A_550, %scan3A_805 = %broadcast_in_dim3A_550, %scan3A_806 = %broadcast_in_dim3A_550, %scan3A_807 = %broadcast_in_dim3A_550, %scan3A_808 = %broadcast_in_dim3A_550, %scan3A_809 = %broadcast_in_dim3A_550, %scan3A_810 = %broadcast_in_dim3A_550, %scan3A_811 = %broadcast_in_dim3A_550) -> (vector<16xf32>, vector<16xf32>, vector<16xf32>, vector<16xf32>, vector<16xf32>, vector<16xf32>, vector<16xf32>, vector<16xf32>)  : i32 {
          %mul3A_812 = arith.constant 2 : i32
          %mul3A_813 = arith.muli %mul3A_812, %scan3A_803 : i32
          %get3A_814 = arith.index_cast %mul3A_813 : i32 to index
          %get3A_815 = arith.constant 0 : index
          %get3A_816 = tpu.vector_load %arg9[%get3A_814, %get3A_815] {strides = array<i32>} : memref<96x64xbf16, #tpu.memory_space<vmem>>, vector<32xbf16>,
          %unpack3A = tpu.unpack_subelements %get3A_816, 0 {pack_format = #tpu.pack_format<interleaved>} : vector<32xbf16> -> vector<16xf32>
          %unpack3A_817 = tpu.unpack_subelements %get3A_816, 1 {pack_format = #tpu.pack_format<interleaved>} : vector<32xbf16> -> vector<16xf32>
          %mul3A_818 = arith.constant 2 : i32
          %mul3A_819 = arith.muli %mul3A_818, %scan3A_803 : i32
          %get3A_820 = arith.index_cast %mul3A_819 : i32 to index
          %get3A_821 = arith.constant 32 : index
          %get3A_822 = tpu.vector_load %arg9[%get3A_820, %get3A_821] {strides = array<i32>} : memref<96x64xbf16, #tpu.memory_space<vmem>>, vector<32xbf16>,
          %unpack3A_823 = tpu.unpack_subelements %get3A_822, 0 {pack_format = #tpu.pack_format<interleaved>} : vector<32xbf16> -> vector<16xf32>
          %unpack3A_824 = tpu.unpack_subelements %get3A_822, 1 {pack_format = #tpu.pack_format<interleaved>} : vector<32xbf16> -> vector<16xf32>
          %mul3A_825 = arith.constant 2 : i32
          %mul3A_826 = arith.muli %mul3A_825, %scan3A_803 : i32
          %add3A_827 = arith.constant 1 : i32
          %add3A_828 = arith.addi %mul3A_826, %add3A_827 : i32
          %get3A_829 = arith.index_cast %add3A_828 : i32 to index
          %get3A_830 = arith.constant 0 : index
          %get3A_831 = tpu.vector_load %arg9[%get3A_829, %get3A_830] {strides = array<i32>} : memref<96x64xbf16, #tpu.memory_space<vmem>>, vector<32xbf16>,
          %unpack3A_832 = tpu.unpack_subelements %get3A_831, 0 {pack_format = #tpu.pack_format<interleaved>} : vector<32xbf16> -> vector<16xf32>
          %unpack3A_833 = tpu.unpack_subelements %get3A_831, 1 {pack_format = #tpu.pack_format<interleaved>} : vector<32xbf16> -> vector<16xf32>
          %mul3A_834 = arith.constant 2 : i32
          %mul3A_835 = arith.muli %mul3A_834, %scan3A_803 : i32
          %add3A_836 = arith.constant 1 : i32
          %add3A_837 = arith.addi %mul3A_835, %add3A_836 : i32
          %get3A_838 = arith.index_cast %add3A_837 : i32 to index
          %get3A_839 = arith.constant 32 : index
          %get3A_840 = tpu.vector_load %arg9[%get3A_838, %get3A_839] {strides = array<i32>} : memref<96x64xbf16, #tpu.memory_space<vmem>>, vector<32xbf16>,
          %unpack3A_841 = tpu.unpack_subelements %get3A_840, 0 {pack_format = #tpu.pack_format<interleaved>} : vector<32xbf16> -> vector<16xf32>
          %unpack3A_842 = tpu.unpack_subelements %get3A_840, 1 {pack_format = #tpu.pack_format<interleaved>} : vector<32xbf16> -> vector<16xf32>
          %add3A_843 = arith.addf %scan3A_804, %unpack3A : vector<16xf32>
          %add3A_844 = arith.addf %scan3A_805, %unpack3A_817 : vector<16xf32>
          %add3A_845 = arith.addf %scan3A_806, %unpack3A_823 : vector<16xf32>
          %add3A_846 = arith.addf %scan3A_807, %unpack3A_824 : vector<16xf32>
          %add3A_847 = arith.addf %scan3A_808, %unpack3A_832 : vector<16xf32>
          %add3A_848 = arith.addf %scan3A_809, %unpack3A_833 : vector<16xf32>
          %add3A_849 = arith.addf %scan3A_810, %unpack3A_841 : vector<16xf32>
          %add3A_850 = arith.addf %scan3A_811, %unpack3A_842 : vector<16xf32>
          %scan3A_851 = arith.constant 1 : i32
          %scan3A_852 = arith.addi %scan3A_803, %scan3A_851 : i32
          %mul3A_853 = arith.constant 2 : i32
          %mul3A_854 = arith.muli %mul3A_853, %scan3A_852 : i32
          %get3A_855 = arith.index_cast %mul3A_854 : i32 to index
          %get3A_856 = arith.constant 0 : index
          %get3A_857 = tpu.vector_load %arg9[%get3A_855, %get3A_856] {strides = array<i32>} : memref<96x64xbf16, #tpu.memory_space<vmem>>, vector<32xbf16>,
          %unpack3A_858 = tpu.unpack_subelements %get3A_857, 0 {pack_format = #tpu.pack_format<interleaved>} : vector<32xbf16> -> vector<16xf32>
          %unpack3A_859 = tpu.unpack_subelements %get3A_857, 1 {pack_format = #tpu.pack_format<interleaved>} : vector<32xbf16> -> vector<16xf32>
          %mul3A_860 = arith.constant 2 : i32
          %mul3A_861 = arith.muli %mul3A_860, %scan3A_852 : i32
          %get3A_862 = arith.index_cast %mul3A_861 : i32 to index
          %get3A_863 = arith.constant 32 : index
          %get3A_864 = tpu.vector_load %arg9[%get3A_862, %get3A_863] {strides = array<i32>} : memref<96x64xbf16, #tpu.memory_space<vmem>>, vector<32xbf16>,
          %unpack3A_865 = tpu.unpack_subelements %get3A_864, 0 {pack_format = #tpu.pack_format<interleaved>} : vector<32xbf16> -> vector<16xf32>
          %unpack3A_866 = tpu.unpack_subelements %get3A_864, 1 {pack_format = #tpu.pack_format<interleaved>} : vector<32xbf16> -> vector<16xf32>
          %mul3A_867 = arith.constant 2 : i32
          %mul3A_868 = arith.muli %mul3A_867, %scan3A_852 : i32
          %add3A_869 = arith.constant 1 : i32
          %add3A_870 = arith.addi %mul3A_868, %add3A_869 : i32
          %get3A_871 = arith.index_cast %add3A_870 : i32 to index
          %get3A_872 = arith.constant 0 : index
          %get3A_873 = tpu.vector_load %arg9[%get3A_871, %get3A_872] {strides = array<i32>} : memref<96x64xbf16, #tpu.memory_space<vmem>>, vector<32xbf16>,
          %unpack3A_874 = tpu.unpack_subelements %get3A_873, 0 {pack_format = #tpu.pack_format<interleaved>} : vector<32xbf16> -> vector<16xf32>
          %unpack3A_875 = tpu.unpack_subelements %get3A_873, 1 {pack_format = #tpu.pack_format<interleaved>} : vector<32xbf16> -> vector<16xf32>
          %mul3A_876 = arith.constant 2 : i32
          %mul3A_877 = arith.muli %mul3A_876, %scan3A_852 : i32
          %add3A_878 = arith.constant 1 : i32
          %add3A_879 = arith.addi %mul3A_877, %add3A_878 : i32
          %get3A_880 = arith.index_cast %add3A_879 : i32 to index
          %get3A_881 = arith.constant 32 : index
          %get3A_882 = tpu.vector_load %arg9[%get3A_880, %get3A_881] {strides = array<i32>} : memref<96x64xbf16, #tpu.memory_space<vmem>>, vector<32xbf16>,
          %unpack3A_883 = tpu.unpack_subelements %get3A_882, 0 {pack_format = #tpu.pack_format<interleaved>} : vector<32xbf16> -> vector<16xf32>
          %unpack3A_884 = tpu.unpack_subelements %get3A_882, 1 {pack_format = #tpu.pack_format<interleaved>} : vector<32xbf16> -> vector<16xf32>
          %add3A_885 = arith.addf %add3A_843, %unpack3A_858 : vector<16xf32>
          %add3A_886 = arith.addf %add3A_844, %unpack3A_859 : vector<16xf32>
          %add3A_887 = arith.addf %add3A_845, %unpack3A_865 : vector<16xf32>
          %add3A_888 = arith.addf %add3A_846, %unpack3A_866 : vector<16xf32>
          %add3A_889 = arith.addf %add3A_847, %unpack3A_874 : vector<16xf32>
          %add3A_890 = arith.addf %add3A_848, %unpack3A_875 : vector<16xf32>
          %add3A_891 = arith.addf %add3A_849, %unpack3A_883 : vector<16xf32>
          %add3A_892 = arith.addf %add3A_850, %unpack3A_884 : vector<16xf32>
          %scan3A_893 = arith.constant 2 : i32
          %scan3A_894 = arith.addi %scan3A_803, %scan3A_893 : i32
          %mul3A_895 = arith.constant 2 : i32
          %mul3A_896 = arith.muli %mul3A_895, %scan3A_894 : i32
          %get3A_897 = arith.index_cast %mul3A_896 : i32 to index
          %get3A_898 = arith.constant 0 : index
          %get3A_899 = tpu.vector_load %arg9[%get3A_897, %get3A_898] {strides = array<i32>} : memref<96x64xbf16, #tpu.memory_space<vmem>>, vector<32xbf16>,
          %unpack3A_900 = tpu.unpack_subelements %get3A_899, 0 {pack_format = #tpu.pack_format<interleaved>} : vector<32xbf16> -> vector<16xf32>
          %unpack3A_901 = tpu.unpack_subelements %get3A_899, 1 {pack_format = #tpu.pack_format<interleaved>} : vector<32xbf16> -> vector<16xf32>
          %mul3A_902 = arith.constant 2 : i32
          %mul3A_903 = arith.muli %mul3A_902, %scan3A_894 : i32
          %get3A_904 = arith.index_cast %mul3A_903 : i32 to index
          %get3A_905 = arith.constant 32 : index
          %get3A_906 = tpu.vector_load %arg9[%get3A_904, %get3A_905] {strides = array<i32>} : memref<96x64xbf16, #tpu.memory_space<vmem>>, vector<32xbf16>,
          %unpack3A_907 = tpu.unpack_subelements %get3A_906, 0 {pack_format = #tpu.pack_format<interleaved>} : vector<32xbf16> -> vector<16xf32>
          %unpack3A_908 = tpu.unpack_subelements %get3A_906, 1 {pack_format = #tpu.pack_format<interleaved>} : vector<32xbf16> -> vector<16xf32>
          %mul3A_909 = arith.constant 2 : i32
          %mul3A_910 = arith.muli %mul3A_909, %scan3A_894 : i32
          %add3A_911 = arith.constant 1 : i32
          %add3A_912 = arith.addi %mul3A_910, %add3A_911 : i32
          %get3A_913 = arith.index_cast %add3A_912 : i32 to index
          %get3A_914 = arith.constant 0 : index
          %get3A_915 = tpu.vector_load %arg9[%get3A_913, %get3A_914] {strides = array<i32>} : memref<96x64xbf16, #tpu.memory_space<vmem>>, vector<32xbf16>,
          %unpack3A_916 = tpu.unpack_subelements %get3A_915, 0 {pack_format = #tpu.pack_format<interleaved>} : vector<32xbf16> -> vector<16xf32>
          %unpack3A_917 = tpu.unpack_subelements %get3A_915, 1 {pack_format = #tpu.pack_format<interleaved>} : vector<32xbf16> -> vector<16xf32>
          %mul3A_918 = arith.constant 2 : i32
          %mul3A_919 = arith.muli %mul3A_918, %scan3A_894 : i32
          %add3A_920 = arith.constant 1 : i32
          %add3A_921 = arith.addi %mul3A_919, %add3A_920 : i32
          %get3A_922 = arith.index_cast %add3A_921 : i32 to index
          %get3A_923 = arith.constant 32 : index
          %get3A_924 = tpu.vector_load %arg9[%get3A_922, %get3A_923] {strides = array<i32>} : memref<96x64xbf16, #tpu.memory_space<vmem>>, vector<32xbf16>,
          %unpack3A_925 = tpu.unpack_subelements %get3A_924, 0 {pack_format = #tpu.pack_format<interleaved>} : vector<32xbf16> -> vector<16xf32>
          %unpack3A_926 = tpu.unpack_subelements %get3A_924, 1 {pack_format = #tpu.pack_format<interleaved>} : vector<32xbf16> -> vector<16xf32>
          %add3A_927 = arith.addf %add3A_885, %unpack3A_900 : vector<16xf32>
          %add3A_928 = arith.addf %add3A_886, %unpack3A_901 : vector<16xf32>
          %add3A_929 = arith.addf %add3A_887, %unpack3A_907 : vector<16xf32>
          %add3A_930 = arith.addf %add3A_888, %unpack3A_908 : vector<16xf32>
          %add3A_931 = arith.addf %add3A_889, %unpack3A_916 : vector<16xf32>
          %add3A_932 = arith.addf %add3A_890, %unpack3A_917 : vector<16xf32>
          %add3A_933 = arith.addf %add3A_891, %unpack3A_925 : vector<16xf32>
          %add3A_934 = arith.addf %add3A_892, %unpack3A_926 : vector<16xf32>
          %scan3A_935 = arith.constant 3 : i32
          %scan3A_936 = arith.addi %scan3A_803, %scan3A_935 : i32
          %mul3A_937 = arith.constant 2 : i32
          %mul3A_938 = arith.muli %mul3A_937, %scan3A_936 : i32
          %get3A_939 = arith.index_cast %mul3A_938 : i32 to index
          %get3A_940 = arith.constant 0 : index
          %get3A_941 = tpu.vector_load %arg9[%get3A_939, %get3A_940] {strides = array<i32>} : memref<96x64xbf16, #tpu.memory_space<vmem>>, vector<32xbf16>,
          %unpack3A_942 = tpu.unpack_subelements %get3A_941, 0 {pack_format = #tpu.pack_format<interleaved>} : vector<32xbf16> -> vector<16xf32>
          %unpack3A_943 = tpu.unpack_subelements %get3A_941, 1 {pack_format = #tpu.pack_format<interleaved>} : vector<32xbf16> -> vector<16xf32>
          %mul3A_944 = arith.constant 2 : i32
          %mul3A_945 = arith.muli %mul3A_944, %scan3A_936 : i32
          %get3A_946 = arith.index_cast %mul3A_945 : i32 to index
          %get3A_947 = arith.constant 32 : index
          %get3A_948 = tpu.vector_load %arg9[%get3A_946, %get3A_947] {strides = array<i32>} : memref<96x64xbf16, #tpu.memory_space<vmem>>, vector<32xbf16>,
          %unpack3A_949 = tpu.unpack_subelements %get3A_948, 0 {pack_format = #tpu.pack_format<interleaved>} : vector<32xbf16> -> vector<16xf32>
          %unpack3A_950 = tpu.unpack_subelements %get3A_948, 1 {pack_format = #tpu.pack_format<interleaved>} : vector<32xbf16> -> vector<16xf32>
          %mul3A_951 = arith.constant 2 : i32
          %mul3A_952 = arith.muli %mul3A_951, %scan3A_936 : i32
          %add3A_953 = arith.constant 1 : i32
          %add3A_954 = arith.addi %mul3A_952, %add3A_953 : i32
          %get3A_955 = arith.index_cast %add3A_954 : i32 to index
          %get3A_956 = arith.constant 0 : index
          %get3A_957 = tpu.vector_load %arg9[%get3A_955, %get3A_956] {strides = array<i32>} : memref<96x64xbf16, #tpu.memory_space<vmem>>, vector<32xbf16>,
          %unpack3A_958 = tpu.unpack_subelements %get3A_957, 0 {pack_format = #tpu.pack_format<interleaved>} : vector<32xbf16> -> vector<16xf32>
          %unpack3A_959 = tpu.unpack_subelements %get3A_957, 1 {pack_format = #tpu.pack_format<interleaved>} : vector<32xbf16> -> vector<16xf32>
          %mul3A_960 = arith.constant 2 : i32
          %mul3A_961 = arith.muli %mul3A_960, %scan3A_936 : i32
          %add3A_962 = arith.constant 1 : i32
          %add3A_963 = arith.addi %mul3A_961, %add3A_962 : i32
          %get3A_964 = arith.index_cast %add3A_963 : i32 to index
          %get3A_965 = arith.constant 32 : index
          %get3A_966 = tpu.vector_load %arg9[%get3A_964, %get3A_965] {strides = array<i32>} : memref<96x64xbf16, #tpu.memory_space<vmem>>, vector<32xbf16>,
          %unpack3A_967 = tpu.unpack_subelements %get3A_966, 0 {pack_format = #tpu.pack_format<interleaved>} : vector<32xbf16> -> vector<16xf32>
          %unpack3A_968 = tpu.unpack_subelements %get3A_966, 1 {pack_format = #tpu.pack_format<interleaved>} : vector<32xbf16> -> vector<16xf32>
          %add3A_969 = arith.addf %add3A_927, %unpack3A_942 : vector<16xf32>
          %add3A_970 = arith.addf %add3A_928, %unpack3A_943 : vector<16xf32>
          %add3A_971 = arith.addf %add3A_929, %unpack3A_949 : vector<16xf32>
          %add3A_972 = arith.addf %add3A_930, %unpack3A_950 : vector<16xf32>
          %add3A_973 = arith.addf %add3A_931, %unpack3A_958 : vector<16xf32>
          %add3A_974 = arith.addf %add3A_932, %unpack3A_959 : vector<16xf32>
          %add3A_975 = arith.addf %add3A_933, %unpack3A_967 : vector<16xf32>
          %add3A_976 = arith.addf %add3A_934, %unpack3A_968 : vector<16xf32>
          %scan3A_977 = arith.constant 4 : i32
          %scan3A_978 = arith.addi %scan3A_803, %scan3A_977 : i32
          %mul3A_979 = arith.constant 2 : i32
          %mul3A_980 = arith.muli %mul3A_979, %scan3A_978 : i32
          %get3A_981 = arith.index_cast %mul3A_980 : i32 to index
          %get3A_982 = arith.constant 0 : index
          %get3A_983 = tpu.vector_load %arg9[%get3A_981, %get3A_982] {strides = array<i32>} : memref<96x64xbf16, #tpu.memory_space<vmem>>, vector<32xbf16>,
          %unpack3A_984 = tpu.unpack_subelements %get3A_983, 0 {pack_format = #tpu.pack_format<interleaved>} : vector<32xbf16> -> vector<16xf32>
          %unpack3A_985 = tpu.unpack_subelements %get3A_983, 1 {pack_format = #tpu.pack_format<interleaved>} : vector<32xbf16> -> vector<16xf32>
          %mul3A_986 = arith.constant 2 : i32
          %mul3A_987 = arith.muli %mul3A_986, %scan3A_978 : i32
          %get3A_988 = arith.index_cast %mul3A_987 : i32 to index
          %get3A_989 = arith.constant 32 : index
          %get3A_990 = tpu.vector_load %arg9[%get3A_988, %get3A_989] {strides = array<i32>} : memref<96x64xbf16, #tpu.memory_space<vmem>>, vector<32xbf16>,
          %unpack3A_991 = tpu.unpack_subelements %get3A_990, 0 {pack_format = #tpu.pack_format<interleaved>} : vector<32xbf16> -> vector<16xf32>
          %unpack3A_992 = tpu.unpack_subelements %get3A_990, 1 {pack_format = #tpu.pack_format<interleaved>} : vector<32xbf16> -> vector<16xf32>
          %mul3A_993 = arith.constant 2 : i32
          %mul3A_994 = arith.muli %mul3A_993, %scan3A_978 : i32
          %add3A_995 = arith.constant 1 : i32
          %add3A_996 = arith.addi %mul3A_994, %add3A_995 : i32
          %get3A_997 = arith.index_cast %add3A_996 : i32 to index
          %get3A_998 = arith.constant 0 : index
          %get3A_999 = tpu.vector_load %arg9[%get3A_997, %get3A_998] {strides = array<i32>} : memref<96x64xbf16, #tpu.memory_space<vmem>>, vector<32xbf16>,
          %unpack3A_1000 = tpu.unpack_subelements %get3A_999, 0 {pack_format = #tpu.pack_format<interleaved>} : vector<32xbf16> -> vector<16xf32>
          %unpack3A_1001 = tpu.unpack_subelements %get3A_999, 1 {pack_format = #tpu.pack_format<interleaved>} : vector<32xbf16> -> vector<16xf32>
          %mul3A_1002 = arith.constant 2 : i32
          %mul3A_1003 = arith.muli %mul3A_1002, %scan3A_978 : i32
          %add3A_1004 = arith.constant 1 : i32
          %add3A_1005 = arith.addi %mul3A_1003, %add3A_1004 : i32
          %get3A_1006 = arith.index_cast %add3A_1005 : i32 to index
          %get3A_1007 = arith.constant 32 : index
          %get3A_1008 = tpu.vector_load %arg9[%get3A_1006, %get3A_1007] {strides = array<i32>} : memref<96x64xbf16, #tpu.memory_space<vmem>>, vector<32xbf16>,
          %unpack3A_1009 = tpu.unpack_subelements %get3A_1008, 0 {pack_format = #tpu.pack_format<interleaved>} : vector<32xbf16> -> vector<16xf32>
          %unpack3A_1010 = tpu.unpack_subelements %get3A_1008, 1 {pack_format = #tpu.pack_format<interleaved>} : vector<32xbf16> -> vector<16xf32>
          %add3A_1011 = arith.addf %add3A_969, %unpack3A_984 : vector<16xf32>
          %add3A_1012 = arith.addf %add3A_970, %unpack3A_985 : vector<16xf32>
          %add3A_1013 = arith.addf %add3A_971, %unpack3A_991 : vector<16xf32>
          %add3A_1014 = arith.addf %add3A_972, %unpack3A_992 : vector<16xf32>
          %add3A_1015 = arith.addf %add3A_973, %unpack3A_1000 : vector<16xf32>
          %add3A_1016 = arith.addf %add3A_974, %unpack3A_1001 : vector<16xf32>
          %add3A_1017 = arith.addf %add3A_975, %unpack3A_1009 : vector<16xf32>
          %add3A_1018 = arith.addf %add3A_976, %unpack3A_1010 : vector<16xf32>
          %scan3A_1019 = arith.constant 5 : i32
          %scan3A_1020 = arith.addi %scan3A_803, %scan3A_1019 : i32
          %mul3A_1021 = arith.constant 2 : i32
          %mul3A_1022 = arith.muli %mul3A_1021, %scan3A_1020 : i32
          %get3A_1023 = arith.index_cast %mul3A_1022 : i32 to index
          %get3A_1024 = arith.constant 0 : index
          %get3A_1025 = tpu.vector_load %arg9[%get3A_1023, %get3A_1024] {strides = array<i32>} : memref<96x64xbf16, #tpu.memory_space<vmem>>, vector<32xbf16>,
          %unpack3A_1026 = tpu.unpack_subelements %get3A_1025, 0 {pack_format = #tpu.pack_format<interleaved>} : vector<32xbf16> -> vector<16xf32>
          %unpack3A_1027 = tpu.unpack_subelements %get3A_1025, 1 {pack_format = #tpu.pack_format<interleaved>} : vector<32xbf16> -> vector<16xf32>
          %mul3A_1028 = arith.constant 2 : i32
          %mul3A_1029 = arith.muli %mul3A_1028, %scan3A_1020 : i32
          %get3A_1030 = arith.index_cast %mul3A_1029 : i32 to index
          %get3A_1031 = arith.constant 32 : index
          %get3A_1032 = tpu.vector_load %arg9[%get3A_1030, %get3A_1031] {strides = array<i32>} : memref<96x64xbf16, #tpu.memory_space<vmem>>, vector<32xbf16>,
          %unpack3A_1033 = tpu.unpack_subelements %get3A_1032, 0 {pack_format = #tpu.pack_format<interleaved>} : vector<32xbf16> -> vector<16xf32>
          %unpack3A_1034 = tpu.unpack_subelements %get3A_1032, 1 {pack_format = #tpu.pack_format<interleaved>} : vector<32xbf16> -> vector<16xf32>
          %mul3A_1035 = arith.constant 2 : i32
          %mul3A_1036 = arith.muli %mul3A_1035, %scan3A_1020 : i32
          %add3A_1037 = arith.constant 1 : i32
          %add3A_1038 = arith.addi %mul3A_1036, %add3A_1037 : i32
          %get3A_1039 = arith.index_cast %add3A_1038 : i32 to index
          %get3A_1040 = arith.constant 0 : index
          %get3A_1041 = tpu.vector_load %arg9[%get3A_1039, %get3A_1040] {strides = array<i32>} : memref<96x64xbf16, #tpu.memory_space<vmem>>, vector<32xbf16>,
          %unpack3A_1042 = tpu.unpack_subelements %get3A_1041, 0 {pack_format = #tpu.pack_format<interleaved>} : vector<32xbf16> -> vector<16xf32>
          %unpack3A_1043 = tpu.unpack_subelements %get3A_1041, 1 {pack_format = #tpu.pack_format<interleaved>} : vector<32xbf16> -> vector<16xf32>
          %mul3A_1044 = arith.constant 2 : i32
          %mul3A_1045 = arith.muli %mul3A_1044, %scan3A_1020 : i32
          %add3A_1046 = arith.constant 1 : i32
          %add3A_1047 = arith.addi %mul3A_1045, %add3A_1046 : i32
          %get3A_1048 = arith.index_cast %add3A_1047 : i32 to index
          %get3A_1049 = arith.constant 32 : index
          %get3A_1050 = tpu.vector_load %arg9[%get3A_1048, %get3A_1049] {strides = array<i32>} : memref<96x64xbf16, #tpu.memory_space<vmem>>, vector<32xbf16>,
          %unpack3A_1051 = tpu.unpack_subelements %get3A_1050, 0 {pack_format = #tpu.pack_format<interleaved>} : vector<32xbf16> -> vector<16xf32>
          %unpack3A_1052 = tpu.unpack_subelements %get3A_1050, 1 {pack_format = #tpu.pack_format<interleaved>} : vector<32xbf16> -> vector<16xf32>
          %add3A_1053 = arith.addf %add3A_1011, %unpack3A_1026 : vector<16xf32>
          %add3A_1054 = arith.addf %add3A_1012, %unpack3A_1027 : vector<16xf32>
          %add3A_1055 = arith.addf %add3A_1013, %unpack3A_1033 : vector<16xf32>
          %add3A_1056 = arith.addf %add3A_1014, %unpack3A_1034 : vector<16xf32>
          %add3A_1057 = arith.addf %add3A_1015, %unpack3A_1042 : vector<16xf32>
          %add3A_1058 = arith.addf %add3A_1016, %unpack3A_1043 : vector<16xf32>
          %add3A_1059 = arith.addf %add3A_1017, %unpack3A_1051 : vector<16xf32>
          %add3A_1060 = arith.addf %add3A_1018, %unpack3A_1052 : vector<16xf32>
          scf.yield %add3A_1053, %add3A_1054, %add3A_1055, %add3A_1056, %add3A_1057, %add3A_1058, %add3A_1059, %add3A_1060 : vector<16xf32>, vector<16xf32>, vector<16xf32>, vector<16xf32>, vector<16xf32>, vector<16xf32>, vector<16xf32>, vector<16xf32>
        }
        %scan3A_566 = arith.constant 48 : i32
        %add3A_567 = arith.constant 8 : i32
        %add3A_568 = arith.addi %add3A_554, %add3A_567 : i32
        %lt3A_569 = arith.constant 256 : i32
        %lt3A_570 = arith.cmpi slt, %add3A_568, %lt3A_569 : i32
        %convert_element_type3A_571 = arith.extui %lt3A_570 : i1 to i32
        %cond3A_572 = arith.constant 0 : i32
        %cond3A_573 = arith.cmpi ne, %convert_element_type3A_571, %cond3A_572 : i32
        scf.if %cond3A_573 {
          %add3A_803 = arith.constant 8 : i32
          %add3A_804 = arith.addi %add3A_554, %add3A_803 : i32
          %mul3A_805 = arith.constant 96 : i32
          %mul3A_806 = arith.muli %add3A_804, %mul3A_805 : i32
          %add3A_807 = arith.constant 0 : i32
          %add3A_808 = arith.addi %mul3A_806, %add3A_807 : i32
          %get3A_809 = arith.index_cast %add3A_808 : i32 to index
          %get3A_810 = tpu.vector_load %arg6[%get3A_809] {strides = array<i32>} : memref<24576xi32, #tpu.memory_space<vmem>>, vector<16xi32>,
          %dma_start3A_811 = arith.constant 0 : i32
          %dma_start3A_812 = arith.constant 0 : i32
          %dma_start3A_813 = tpu.memref_slice %arg9[%dma_start3A_811, %dma_start3A_812] : memref<96x64xbf16, #tpu.memory_space<vmem>> -> memref<16x64xbf16, #tpu.memory_space<vmem>>
          %dma_start3A_814 = arith.constant 0 : i32
          %dma_start3A_815 = arith.constant 0 : i32
          %dma_start3A_816 = tpu.memref_slice %arg3[%dma_start3A_814, %dma_start3A_815] : memref<1000000x64xbf16, #tpu.memory_space<hbm>> -> memref<1000000x64xbf16, #tpu.memory_space<hbm>>
          tpu.enqueue_indirect_dma source(%dma_start3A_816 : memref<1000000x64xbf16, #tpu.memory_space<hbm>>) target(%dma_start3A_813 : memref<16x64xbf16, #tpu.memory_space<vmem>>) offsets(%get3A_810 : vector<16xi32>) semaphore(%arg19 : memref<!tpu.dma_semaphore, #tpu.memory_space<semaphore_mem>>)
          %mul3A_817 = arith.constant 96 : i32
          %mul3A_818 = arith.muli %add3A_804, %mul3A_817 : i32
          %add3A_819 = arith.constant 16 : i32
          %add3A_820 = arith.addi %mul3A_818, %add3A_819 : i32
          %get3A_821 = arith.index_cast %add3A_820 : i32 to index
          %get3A_822 = tpu.vector_load %arg6[%get3A_821] {strides = array<i32>} : memref<24576xi32, #tpu.memory_space<vmem>>, vector<16xi32>,
          %dma_start3A_823 = arith.constant 16 : i32
          %dma_start3A_824 = arith.constant 0 : i32
          %dma_start3A_825 = tpu.memref_slice %arg9[%dma_start3A_823, %dma_start3A_824] : memref<96x64xbf16, #tpu.memory_space<vmem>> -> memref<16x64xbf16, #tpu.memory_space<vmem>>
          %dma_start3A_826 = arith.constant 0 : i32
          %dma_start3A_827 = arith.constant 0 : i32
          %dma_start3A_828 = tpu.memref_slice %arg3[%dma_start3A_826, %dma_start3A_827] : memref<1000000x64xbf16, #tpu.memory_space<hbm>> -> memref<1000000x64xbf16, #tpu.memory_space<hbm>>
          tpu.enqueue_indirect_dma source(%dma_start3A_828 : memref<1000000x64xbf16, #tpu.memory_space<hbm>>) target(%dma_start3A_825 : memref<16x64xbf16, #tpu.memory_space<vmem>>) offsets(%get3A_822 : vector<16xi32>) semaphore(%arg19 : memref<!tpu.dma_semaphore, #tpu.memory_space<semaphore_mem>>)
          %mul3A_829 = arith.constant 96 : i32
          %mul3A_830 = arith.muli %add3A_804, %mul3A_829 : i32
          %add3A_831 = arith.constant 32 : i32
          %add3A_832 = arith.addi %mul3A_830, %add3A_831 : i32
          %get3A_833 = arith.index_cast %add3A_832 : i32 to index
          %get3A_834 = tpu.vector_load %arg6[%get3A_833] {strides = array<i32>} : memref<24576xi32, #tpu.memory_space<vmem>>, vector<16xi32>,
          %dma_start3A_835 = arith.constant 32 : i32
          %dma_start3A_836 = arith.constant 0 : i32
          %dma_start3A_837 = tpu.memref_slice %arg9[%dma_start3A_835, %dma_start3A_836] : memref<96x64xbf16, #tpu.memory_space<vmem>> -> memref<16x64xbf16, #tpu.memory_space<vmem>>
          %dma_start3A_838 = arith.constant 0 : i32
          %dma_start3A_839 = arith.constant 0 : i32
          %dma_start3A_840 = tpu.memref_slice %arg3[%dma_start3A_838, %dma_start3A_839] : memref<1000000x64xbf16, #tpu.memory_space<hbm>> -> memref<1000000x64xbf16, #tpu.memory_space<hbm>>
          tpu.enqueue_indirect_dma source(%dma_start3A_840 : memref<1000000x64xbf16, #tpu.memory_space<hbm>>) target(%dma_start3A_837 : memref<16x64xbf16, #tpu.memory_space<vmem>>) offsets(%get3A_834 : vector<16xi32>) semaphore(%arg19 : memref<!tpu.dma_semaphore, #tpu.memory_space<semaphore_mem>>)
          %mul3A_841 = arith.constant 96 : i32
          %mul3A_842 = arith.muli %add3A_804, %mul3A_841 : i32
          %add3A_843 = arith.constant 48 : i32
          %add3A_844 = arith.addi %mul3A_842, %add3A_843 : i32
          %get3A_845 = arith.index_cast %add3A_844 : i32 to index
          %get3A_846 = tpu.vector_load %arg6[%get3A_845] {strides = array<i32>} : memref<24576xi32, #tpu.memory_space<vmem>>, vector<16xi32>,
          %dma_start3A_847 = arith.constant 48 : i32
          %dma_start3A_848 = arith.constant 0 : i32
          %dma_start3A_849 = tpu.memref_slice %arg9[%dma_start3A_847, %dma_start3A_848] : memref<96x64xbf16, #tpu.memory_space<vmem>> -> memref<16x64xbf16, #tpu.memory_space<vmem>>
          %dma_start3A_850 = arith.constant 0 : i32
          %dma_start3A_851 = arith.constant 0 : i32
          %dma_start3A_852 = tpu.memref_slice %arg3[%dma_start3A_850, %dma_start3A_851] : memref<1000000x64xbf16, #tpu.memory_space<hbm>> -> memref<1000000x64xbf16, #tpu.memory_space<hbm>>
          tpu.enqueue_indirect_dma source(%dma_start3A_852 : memref<1000000x64xbf16, #tpu.memory_space<hbm>>) target(%dma_start3A_849 : memref<16x64xbf16, #tpu.memory_space<vmem>>) offsets(%get3A_846 : vector<16xi32>) semaphore(%arg19 : memref<!tpu.dma_semaphore, #tpu.memory_space<semaphore_mem>>)
          %mul3A_853 = arith.constant 96 : i32
          %mul3A_854 = arith.muli %add3A_804, %mul3A_853 : i32
          %add3A_855 = arith.constant 64 : i32
          %add3A_856 = arith.addi %mul3A_854, %add3A_855 : i32
          %get3A_857 = arith.index_cast %add3A_856 : i32 to index
          %get3A_858 = tpu.vector_load %arg6[%get3A_857] {strides = array<i32>} : memref<24576xi32, #tpu.memory_space<vmem>>, vector<16xi32>,
          %dma_start3A_859 = arith.constant 64 : i32
          %dma_start3A_860 = arith.constant 0 : i32
          %dma_start3A_861 = tpu.memref_slice %arg9[%dma_start3A_859, %dma_start3A_860] : memref<96x64xbf16, #tpu.memory_space<vmem>> -> memref<16x64xbf16, #tpu.memory_space<vmem>>
          %dma_start3A_862 = arith.constant 0 : i32
          %dma_start3A_863 = arith.constant 0 : i32
          %dma_start3A_864 = tpu.memref_slice %arg3[%dma_start3A_862, %dma_start3A_863] : memref<1000000x64xbf16, #tpu.memory_space<hbm>> -> memref<1000000x64xbf16, #tpu.memory_space<hbm>>
          tpu.enqueue_indirect_dma source(%dma_start3A_864 : memref<1000000x64xbf16, #tpu.memory_space<hbm>>) target(%dma_start3A_861 : memref<16x64xbf16, #tpu.memory_space<vmem>>) offsets(%get3A_858 : vector<16xi32>) semaphore(%arg19 : memref<!tpu.dma_semaphore, #tpu.memory_space<semaphore_mem>>)
          %mul3A_865 = arith.constant 96 : i32
          %mul3A_866 = arith.muli %add3A_804, %mul3A_865 : i32
          %add3A_867 = arith.constant 80 : i32
          %add3A_868 = arith.addi %mul3A_866, %add3A_867 : i32
          %get3A_869 = arith.index_cast %add3A_868 : i32 to index
          %get3A_870 = tpu.vector_load %arg6[%get3A_869] {strides = array<i32>} : memref<24576xi32, #tpu.memory_space<vmem>>, vector<16xi32>,
          %dma_start3A_871 = arith.constant 80 : i32
          %dma_start3A_872 = arith.constant 0 : i32
          %dma_start3A_873 = tpu.memref_slice %arg9[%dma_start3A_871, %dma_start3A_872] : memref<96x64xbf16, #tpu.memory_space<vmem>> -> memref<16x64xbf16, #tpu.memory_space<vmem>>
          %dma_start3A_874 = arith.constant 0 : i32
          %dma_start3A_875 = arith.constant 0 : i32
          %dma_start3A_876 = tpu.memref_slice %arg3[%dma_start3A_874, %dma_start3A_875] : memref<1000000x64xbf16, #tpu.memory_space<hbm>> -> memref<1000000x64xbf16, #tpu.memory_space<hbm>>
          tpu.enqueue_indirect_dma source(%dma_start3A_876 : memref<1000000x64xbf16, #tpu.memory_space<hbm>>) target(%dma_start3A_873 : memref<16x64xbf16, #tpu.memory_space<vmem>>) offsets(%get3A_870 : vector<16xi32>) semaphore(%arg19 : memref<!tpu.dma_semaphore, #tpu.memory_space<semaphore_mem>>)
        } else {
        }
        %mul3A_574 = arith.constant 2 : i32
        %mul3A_575 = arith.muli %mul3A_574, %add3A_548 : i32
        %add3A_576 = arith.constant 1 : i32
        %add3A_577 = arith.addi %mul3A_575, %add3A_576 : i32
        %dma_wait3A_578 = arith.constant 0 : i32
        %dma_wait3A_579 = arith.constant 0 : i32
        %dma_wait3A_580 = tpu.memref_slice %arg3[%dma_wait3A_578, %dma_wait3A_579] : memref<1000000x64xbf16, #tpu.memory_space<hbm>> -> memref<96x64xbf16, #tpu.memory_space<hbm>>
        %dma_wait3A_581 = arith.constant 0 : i32
        %dma_wait3A_582 = arith.constant 0 : i32
        %dma_wait3A_583 = tpu.memref_slice %arg3[%dma_wait3A_581, %dma_wait3A_582] : memref<1000000x64xbf16, #tpu.memory_space<hbm>> -> memref<96x64xbf16, #tpu.memory_space<hbm>>
        tpu.wait_dma2 semaphore(%arg20 : memref<!tpu.dma_semaphore, #tpu.memory_space<semaphore_mem>>) src(%dma_wait3A_583 : memref<96x64xbf16, #tpu.memory_space<hbm>>) dst(%arg10 : memref<96x64xbf16, #tpu.memory_space<vmem>>)
        %scan3A_584 = arith.constant 0 : i32
        %scan3A_585 = arith.constant 42 : i32
        %scan3A_586 = arith.addi %scan3A_584, %scan3A_585 : i32
        %scan3A_587 = arith.constant 6 : i32
        %scan3A_588:8 = scf.for %scan3A_803 = %scan3A_584 to %scan3A_586 step %scan3A_587 iter_args(%scan3A_804 = %scan3A_565#0, %scan3A_805 = %scan3A_565#1, %scan3A_806 = %scan3A_565#2, %scan3A_807 = %scan3A_565#3, %scan3A_808 = %scan3A_565#4, %scan3A_809 = %scan3A_565#5, %scan3A_810 = %scan3A_565#6, %scan3A_811 = %scan3A_565#7) -> (vector<16xf32>, vector<16xf32>, vector<16xf32>, vector<16xf32>, vector<16xf32>, vector<16xf32>, vector<16xf32>, vector<16xf32>)  : i32 {
          %mul3A_812 = arith.constant 2 : i32
          %mul3A_813 = arith.muli %mul3A_812, %scan3A_803 : i32
          %get3A_814 = arith.index_cast %mul3A_813 : i32 to index
          %get3A_815 = arith.constant 0 : index
          %get3A_816 = tpu.vector_load %arg10[%get3A_814, %get3A_815] {strides = array<i32>} : memref<96x64xbf16, #tpu.memory_space<vmem>>, vector<32xbf16>,
          %unpack3A = tpu.unpack_subelements %get3A_816, 0 {pack_format = #tpu.pack_format<interleaved>} : vector<32xbf16> -> vector<16xf32>
          %unpack3A_817 = tpu.unpack_subelements %get3A_816, 1 {pack_format = #tpu.pack_format<interleaved>} : vector<32xbf16> -> vector<16xf32>
          %mul3A_818 = arith.constant 2 : i32
          %mul3A_819 = arith.muli %mul3A_818, %scan3A_803 : i32
          %get3A_820 = arith.index_cast %mul3A_819 : i32 to index
          %get3A_821 = arith.constant 32 : index
          %get3A_822 = tpu.vector_load %arg10[%get3A_820, %get3A_821] {strides = array<i32>} : memref<96x64xbf16, #tpu.memory_space<vmem>>, vector<32xbf16>,
          %unpack3A_823 = tpu.unpack_subelements %get3A_822, 0 {pack_format = #tpu.pack_format<interleaved>} : vector<32xbf16> -> vector<16xf32>
          %unpack3A_824 = tpu.unpack_subelements %get3A_822, 1 {pack_format = #tpu.pack_format<interleaved>} : vector<32xbf16> -> vector<16xf32>
          %mul3A_825 = arith.constant 2 : i32
          %mul3A_826 = arith.muli %mul3A_825, %scan3A_803 : i32
          %add3A_827 = arith.constant 1 : i32
          %add3A_828 = arith.addi %mul3A_826, %add3A_827 : i32
          %get3A_829 = arith.index_cast %add3A_828 : i32 to index
          %get3A_830 = arith.constant 0 : index
          %get3A_831 = tpu.vector_load %arg10[%get3A_829, %get3A_830] {strides = array<i32>} : memref<96x64xbf16, #tpu.memory_space<vmem>>, vector<32xbf16>,
          %unpack3A_832 = tpu.unpack_subelements %get3A_831, 0 {pack_format = #tpu.pack_format<interleaved>} : vector<32xbf16> -> vector<16xf32>
          %unpack3A_833 = tpu.unpack_subelements %get3A_831, 1 {pack_format = #tpu.pack_format<interleaved>} : vector<32xbf16> -> vector<16xf32>
          %mul3A_834 = arith.constant 2 : i32
          %mul3A_835 = arith.muli %mul3A_834, %scan3A_803 : i32
          %add3A_836 = arith.constant 1 : i32
          %add3A_837 = arith.addi %mul3A_835, %add3A_836 : i32
          %get3A_838 = arith.index_cast %add3A_837 : i32 to index
          %get3A_839 = arith.constant 32 : index
          %get3A_840 = tpu.vector_load %arg10[%get3A_838, %get3A_839] {strides = array<i32>} : memref<96x64xbf16, #tpu.memory_space<vmem>>, vector<32xbf16>,
          %unpack3A_841 = tpu.unpack_subelements %get3A_840, 0 {pack_format = #tpu.pack_format<interleaved>} : vector<32xbf16> -> vector<16xf32>
          %unpack3A_842 = tpu.unpack_subelements %get3A_840, 1 {pack_format = #tpu.pack_format<interleaved>} : vector<32xbf16> -> vector<16xf32>
          %add3A_843 = arith.addf %scan3A_804, %unpack3A : vector<16xf32>
          %add3A_844 = arith.addf %scan3A_805, %unpack3A_817 : vector<16xf32>
          %add3A_845 = arith.addf %scan3A_806, %unpack3A_823 : vector<16xf32>
          %add3A_846 = arith.addf %scan3A_807, %unpack3A_824 : vector<16xf32>
          %add3A_847 = arith.addf %scan3A_808, %unpack3A_832 : vector<16xf32>
          %add3A_848 = arith.addf %scan3A_809, %unpack3A_833 : vector<16xf32>
          %add3A_849 = arith.addf %scan3A_810, %unpack3A_841 : vector<16xf32>
          %add3A_850 = arith.addf %scan3A_811, %unpack3A_842 : vector<16xf32>
          %scan3A_851 = arith.constant 1 : i32
          %scan3A_852 = arith.addi %scan3A_803, %scan3A_851 : i32
          %mul3A_853 = arith.constant 2 : i32
          %mul3A_854 = arith.muli %mul3A_853, %scan3A_852 : i32
          %get3A_855 = arith.index_cast %mul3A_854 : i32 to index
          %get3A_856 = arith.constant 0 : index
          %get3A_857 = tpu.vector_load %arg10[%get3A_855, %get3A_856] {strides = array<i32>} : memref<96x64xbf16, #tpu.memory_space<vmem>>, vector<32xbf16>,
          %unpack3A_858 = tpu.unpack_subelements %get3A_857, 0 {pack_format = #tpu.pack_format<interleaved>} : vector<32xbf16> -> vector<16xf32>
          %unpack3A_859 = tpu.unpack_subelements %get3A_857, 1 {pack_format = #tpu.pack_format<interleaved>} : vector<32xbf16> -> vector<16xf32>
          %mul3A_860 = arith.constant 2 : i32
          %mul3A_861 = arith.muli %mul3A_860, %scan3A_852 : i32
          %get3A_862 = arith.index_cast %mul3A_861 : i32 to index
          %get3A_863 = arith.constant 32 : index
          %get3A_864 = tpu.vector_load %arg10[%get3A_862, %get3A_863] {strides = array<i32>} : memref<96x64xbf16, #tpu.memory_space<vmem>>, vector<32xbf16>,
          %unpack3A_865 = tpu.unpack_subelements %get3A_864, 0 {pack_format = #tpu.pack_format<interleaved>} : vector<32xbf16> -> vector<16xf32>
          %unpack3A_866 = tpu.unpack_subelements %get3A_864, 1 {pack_format = #tpu.pack_format<interleaved>} : vector<32xbf16> -> vector<16xf32>
          %mul3A_867 = arith.constant 2 : i32
          %mul3A_868 = arith.muli %mul3A_867, %scan3A_852 : i32
          %add3A_869 = arith.constant 1 : i32
          %add3A_870 = arith.addi %mul3A_868, %add3A_869 : i32
          %get3A_871 = arith.index_cast %add3A_870 : i32 to index
          %get3A_872 = arith.constant 0 : index
          %get3A_873 = tpu.vector_load %arg10[%get3A_871, %get3A_872] {strides = array<i32>} : memref<96x64xbf16, #tpu.memory_space<vmem>>, vector<32xbf16>,
          %unpack3A_874 = tpu.unpack_subelements %get3A_873, 0 {pack_format = #tpu.pack_format<interleaved>} : vector<32xbf16> -> vector<16xf32>
          %unpack3A_875 = tpu.unpack_subelements %get3A_873, 1 {pack_format = #tpu.pack_format<interleaved>} : vector<32xbf16> -> vector<16xf32>
          %mul3A_876 = arith.constant 2 : i32
          %mul3A_877 = arith.muli %mul3A_876, %scan3A_852 : i32
          %add3A_878 = arith.constant 1 : i32
          %add3A_879 = arith.addi %mul3A_877, %add3A_878 : i32
          %get3A_880 = arith.index_cast %add3A_879 : i32 to index
          %get3A_881 = arith.constant 32 : index
          %get3A_882 = tpu.vector_load %arg10[%get3A_880, %get3A_881] {strides = array<i32>} : memref<96x64xbf16, #tpu.memory_space<vmem>>, vector<32xbf16>,
          %unpack3A_883 = tpu.unpack_subelements %get3A_882, 0 {pack_format = #tpu.pack_format<interleaved>} : vector<32xbf16> -> vector<16xf32>
          %unpack3A_884 = tpu.unpack_subelements %get3A_882, 1 {pack_format = #tpu.pack_format<interleaved>} : vector<32xbf16> -> vector<16xf32>
          %add3A_885 = arith.addf %add3A_843, %unpack3A_858 : vector<16xf32>
          %add3A_886 = arith.addf %add3A_844, %unpack3A_859 : vector<16xf32>
          %add3A_887 = arith.addf %add3A_845, %unpack3A_865 : vector<16xf32>
          %add3A_888 = arith.addf %add3A_846, %unpack3A_866 : vector<16xf32>
          %add3A_889 = arith.addf %add3A_847, %unpack3A_874 : vector<16xf32>
          %add3A_890 = arith.addf %add3A_848, %unpack3A_875 : vector<16xf32>
          %add3A_891 = arith.addf %add3A_849, %unpack3A_883 : vector<16xf32>
          %add3A_892 = arith.addf %add3A_850, %unpack3A_884 : vector<16xf32>
          %scan3A_893 = arith.constant 2 : i32
          %scan3A_894 = arith.addi %scan3A_803, %scan3A_893 : i32
          %mul3A_895 = arith.constant 2 : i32
          %mul3A_896 = arith.muli %mul3A_895, %scan3A_894 : i32
          %get3A_897 = arith.index_cast %mul3A_896 : i32 to index
          %get3A_898 = arith.constant 0 : index
          %get3A_899 = tpu.vector_load %arg10[%get3A_897, %get3A_898] {strides = array<i32>} : memref<96x64xbf16, #tpu.memory_space<vmem>>, vector<32xbf16>,
          %unpack3A_900 = tpu.unpack_subelements %get3A_899, 0 {pack_format = #tpu.pack_format<interleaved>} : vector<32xbf16> -> vector<16xf32>
          %unpack3A_901 = tpu.unpack_subelements %get3A_899, 1 {pack_format = #tpu.pack_format<interleaved>} : vector<32xbf16> -> vector<16xf32>
          %mul3A_902 = arith.constant 2 : i32
          %mul3A_903 = arith.muli %mul3A_902, %scan3A_894 : i32
          %get3A_904 = arith.index_cast %mul3A_903 : i32 to index
          %get3A_905 = arith.constant 32 : index
          %get3A_906 = tpu.vector_load %arg10[%get3A_904, %get3A_905] {strides = array<i32>} : memref<96x64xbf16, #tpu.memory_space<vmem>>, vector<32xbf16>,
          %unpack3A_907 = tpu.unpack_subelements %get3A_906, 0 {pack_format = #tpu.pack_format<interleaved>} : vector<32xbf16> -> vector<16xf32>
          %unpack3A_908 = tpu.unpack_subelements %get3A_906, 1 {pack_format = #tpu.pack_format<interleaved>} : vector<32xbf16> -> vector<16xf32>
          %mul3A_909 = arith.constant 2 : i32
          %mul3A_910 = arith.muli %mul3A_909, %scan3A_894 : i32
          %add3A_911 = arith.constant 1 : i32
          %add3A_912 = arith.addi %mul3A_910, %add3A_911 : i32
          %get3A_913 = arith.index_cast %add3A_912 : i32 to index
          %get3A_914 = arith.constant 0 : index
          %get3A_915 = tpu.vector_load %arg10[%get3A_913, %get3A_914] {strides = array<i32>} : memref<96x64xbf16, #tpu.memory_space<vmem>>, vector<32xbf16>,
          %unpack3A_916 = tpu.unpack_subelements %get3A_915, 0 {pack_format = #tpu.pack_format<interleaved>} : vector<32xbf16> -> vector<16xf32>
          %unpack3A_917 = tpu.unpack_subelements %get3A_915, 1 {pack_format = #tpu.pack_format<interleaved>} : vector<32xbf16> -> vector<16xf32>
          %mul3A_918 = arith.constant 2 : i32
          %mul3A_919 = arith.muli %mul3A_918, %scan3A_894 : i32
          %add3A_920 = arith.constant 1 : i32
          %add3A_921 = arith.addi %mul3A_919, %add3A_920 : i32
          %get3A_922 = arith.index_cast %add3A_921 : i32 to index
          %get3A_923 = arith.constant 32 : index
          %get3A_924 = tpu.vector_load %arg10[%get3A_922, %get3A_923] {strides = array<i32>} : memref<96x64xbf16, #tpu.memory_space<vmem>>, vector<32xbf16>,
          %unpack3A_925 = tpu.unpack_subelements %get3A_924, 0 {pack_format = #tpu.pack_format<interleaved>} : vector<32xbf16> -> vector<16xf32>
          %unpack3A_926 = tpu.unpack_subelements %get3A_924, 1 {pack_format = #tpu.pack_format<interleaved>} : vector<32xbf16> -> vector<16xf32>
          %add3A_927 = arith.addf %add3A_885, %unpack3A_900 : vector<16xf32>
          %add3A_928 = arith.addf %add3A_886, %unpack3A_901 : vector<16xf32>
          %add3A_929 = arith.addf %add3A_887, %unpack3A_907 : vector<16xf32>
          %add3A_930 = arith.addf %add3A_888, %unpack3A_908 : vector<16xf32>
          %add3A_931 = arith.addf %add3A_889, %unpack3A_916 : vector<16xf32>
          %add3A_932 = arith.addf %add3A_890, %unpack3A_917 : vector<16xf32>
          %add3A_933 = arith.addf %add3A_891, %unpack3A_925 : vector<16xf32>
          %add3A_934 = arith.addf %add3A_892, %unpack3A_926 : vector<16xf32>
          %scan3A_935 = arith.constant 3 : i32
          %scan3A_936 = arith.addi %scan3A_803, %scan3A_935 : i32
          %mul3A_937 = arith.constant 2 : i32
          %mul3A_938 = arith.muli %mul3A_937, %scan3A_936 : i32
          %get3A_939 = arith.index_cast %mul3A_938 : i32 to index
          %get3A_940 = arith.constant 0 : index
          %get3A_941 = tpu.vector_load %arg10[%get3A_939, %get3A_940] {strides = array<i32>} : memref<96x64xbf16, #tpu.memory_space<vmem>>, vector<32xbf16>,
          %unpack3A_942 = tpu.unpack_subelements %get3A_941, 0 {pack_format = #tpu.pack_format<interleaved>} : vector<32xbf16> -> vector<16xf32>
          %unpack3A_943 = tpu.unpack_subelements %get3A_941, 1 {pack_format = #tpu.pack_format<interleaved>} : vector<32xbf16> -> vector<16xf32>
          %mul3A_944 = arith.constant 2 : i32
          %mul3A_945 = arith.muli %mul3A_944, %scan3A_936 : i32
          %get3A_946 = arith.index_cast %mul3A_945 : i32 to index
          %get3A_947 = arith.constant 32 : index
          %get3A_948 = tpu.vector_load %arg10[%get3A_946, %get3A_947] {strides = array<i32>} : memref<96x64xbf16, #tpu.memory_space<vmem>>, vector<32xbf16>,
          %unpack3A_949 = tpu.unpack_subelements %get3A_948, 0 {pack_format = #tpu.pack_format<interleaved>} : vector<32xbf16> -> vector<16xf32>
          %unpack3A_950 = tpu.unpack_subelements %get3A_948, 1 {pack_format = #tpu.pack_format<interleaved>} : vector<32xbf16> -> vector<16xf32>
          %mul3A_951 = arith.constant 2 : i32
          %mul3A_952 = arith.muli %mul3A_951, %scan3A_936 : i32
          %add3A_953 = arith.constant 1 : i32
          %add3A_954 = arith.addi %mul3A_952, %add3A_953 : i32
          %get3A_955 = arith.index_cast %add3A_954 : i32 to index
          %get3A_956 = arith.constant 0 : index
          %get3A_957 = tpu.vector_load %arg10[%get3A_955, %get3A_956] {strides = array<i32>} : memref<96x64xbf16, #tpu.memory_space<vmem>>, vector<32xbf16>,
          %unpack3A_958 = tpu.unpack_subelements %get3A_957, 0 {pack_format = #tpu.pack_format<interleaved>} : vector<32xbf16> -> vector<16xf32>
          %unpack3A_959 = tpu.unpack_subelements %get3A_957, 1 {pack_format = #tpu.pack_format<interleaved>} : vector<32xbf16> -> vector<16xf32>
          %mul3A_960 = arith.constant 2 : i32
          %mul3A_961 = arith.muli %mul3A_960, %scan3A_936 : i32
          %add3A_962 = arith.constant 1 : i32
          %add3A_963 = arith.addi %mul3A_961, %add3A_962 : i32
          %get3A_964 = arith.index_cast %add3A_963 : i32 to index
          %get3A_965 = arith.constant 32 : index
          %get3A_966 = tpu.vector_load %arg10[%get3A_964, %get3A_965] {strides = array<i32>} : memref<96x64xbf16, #tpu.memory_space<vmem>>, vector<32xbf16>,
          %unpack3A_967 = tpu.unpack_subelements %get3A_966, 0 {pack_format = #tpu.pack_format<interleaved>} : vector<32xbf16> -> vector<16xf32>
          %unpack3A_968 = tpu.unpack_subelements %get3A_966, 1 {pack_format = #tpu.pack_format<interleaved>} : vector<32xbf16> -> vector<16xf32>
          %add3A_969 = arith.addf %add3A_927, %unpack3A_942 : vector<16xf32>
          %add3A_970 = arith.addf %add3A_928, %unpack3A_943 : vector<16xf32>
          %add3A_971 = arith.addf %add3A_929, %unpack3A_949 : vector<16xf32>
          %add3A_972 = arith.addf %add3A_930, %unpack3A_950 : vector<16xf32>
          %add3A_973 = arith.addf %add3A_931, %unpack3A_958 : vector<16xf32>
          %add3A_974 = arith.addf %add3A_932, %unpack3A_959 : vector<16xf32>
          %add3A_975 = arith.addf %add3A_933, %unpack3A_967 : vector<16xf32>
          %add3A_976 = arith.addf %add3A_934, %unpack3A_968 : vector<16xf32>
          %scan3A_977 = arith.constant 4 : i32
          %scan3A_978 = arith.addi %scan3A_803, %scan3A_977 : i32
          %mul3A_979 = arith.constant 2 : i32
          %mul3A_980 = arith.muli %mul3A_979, %scan3A_978 : i32
          %get3A_981 = arith.index_cast %mul3A_980 : i32 to index
          %get3A_982 = arith.constant 0 : index
          %get3A_983 = tpu.vector_load %arg10[%get3A_981, %get3A_982] {strides = array<i32>} : memref<96x64xbf16, #tpu.memory_space<vmem>>, vector<32xbf16>,
          %unpack3A_984 = tpu.unpack_subelements %get3A_983, 0 {pack_format = #tpu.pack_format<interleaved>} : vector<32xbf16> -> vector<16xf32>
          %unpack3A_985 = tpu.unpack_subelements %get3A_983, 1 {pack_format = #tpu.pack_format<interleaved>} : vector<32xbf16> -> vector<16xf32>
          %mul3A_986 = arith.constant 2 : i32
          %mul3A_987 = arith.muli %mul3A_986, %scan3A_978 : i32
          %get3A_988 = arith.index_cast %mul3A_987 : i32 to index
          %get3A_989 = arith.constant 32 : index
          %get3A_990 = tpu.vector_load %arg10[%get3A_988, %get3A_989] {strides = array<i32>} : memref<96x64xbf16, #tpu.memory_space<vmem>>, vector<32xbf16>,
          %unpack3A_991 = tpu.unpack_subelements %get3A_990, 0 {pack_format = #tpu.pack_format<interleaved>} : vector<32xbf16> -> vector<16xf32>
          %unpack3A_992 = tpu.unpack_subelements %get3A_990, 1 {pack_format = #tpu.pack_format<interleaved>} : vector<32xbf16> -> vector<16xf32>
          %mul3A_993 = arith.constant 2 : i32
          %mul3A_994 = arith.muli %mul3A_993, %scan3A_978 : i32
          %add3A_995 = arith.constant 1 : i32
          %add3A_996 = arith.addi %mul3A_994, %add3A_995 : i32
          %get3A_997 = arith.index_cast %add3A_996 : i32 to index
          %get3A_998 = arith.constant 0 : index
          %get3A_999 = tpu.vector_load %arg10[%get3A_997, %get3A_998] {strides = array<i32>} : memref<96x64xbf16, #tpu.memory_space<vmem>>, vector<32xbf16>,
          %unpack3A_1000 = tpu.unpack_subelements %get3A_999, 0 {pack_format = #tpu.pack_format<interleaved>} : vector<32xbf16> -> vector<16xf32>
          %unpack3A_1001 = tpu.unpack_subelements %get3A_999, 1 {pack_format = #tpu.pack_format<interleaved>} : vector<32xbf16> -> vector<16xf32>
          %mul3A_1002 = arith.constant 2 : i32
          %mul3A_1003 = arith.muli %mul3A_1002, %scan3A_978 : i32
          %add3A_1004 = arith.constant 1 : i32
          %add3A_1005 = arith.addi %mul3A_1003, %add3A_1004 : i32
          %get3A_1006 = arith.index_cast %add3A_1005 : i32 to index
          %get3A_1007 = arith.constant 32 : index
          %get3A_1008 = tpu.vector_load %arg10[%get3A_1006, %get3A_1007] {strides = array<i32>} : memref<96x64xbf16, #tpu.memory_space<vmem>>, vector<32xbf16>,
          %unpack3A_1009 = tpu.unpack_subelements %get3A_1008, 0 {pack_format = #tpu.pack_format<interleaved>} : vector<32xbf16> -> vector<16xf32>
          %unpack3A_1010 = tpu.unpack_subelements %get3A_1008, 1 {pack_format = #tpu.pack_format<interleaved>} : vector<32xbf16> -> vector<16xf32>
          %add3A_1011 = arith.addf %add3A_969, %unpack3A_984 : vector<16xf32>
          %add3A_1012 = arith.addf %add3A_970, %unpack3A_985 : vector<16xf32>
          %add3A_1013 = arith.addf %add3A_971, %unpack3A_991 : vector<16xf32>
          %add3A_1014 = arith.addf %add3A_972, %unpack3A_992 : vector<16xf32>
          %add3A_1015 = arith.addf %add3A_973, %unpack3A_1000 : vector<16xf32>
          %add3A_1016 = arith.addf %add3A_974, %unpack3A_1001 : vector<16xf32>
          %add3A_1017 = arith.addf %add3A_975, %unpack3A_1009 : vector<16xf32>
          %add3A_1018 = arith.addf %add3A_976, %unpack3A_1010 : vector<16xf32>
          %scan3A_1019 = arith.constant 5 : i32
          %scan3A_1020 = arith.addi %scan3A_803, %scan3A_1019 : i32
          %mul3A_1021 = arith.constant 2 : i32
          %mul3A_1022 = arith.muli %mul3A_1021, %scan3A_1020 : i32
          %get3A_1023 = arith.index_cast %mul3A_1022 : i32 to index
          %get3A_1024 = arith.constant 0 : index
          %get3A_1025 = tpu.vector_load %arg10[%get3A_1023, %get3A_1024] {strides = array<i32>} : memref<96x64xbf16, #tpu.memory_space<vmem>>, vector<32xbf16>,
          %unpack3A_1026 = tpu.unpack_subelements %get3A_1025, 0 {pack_format = #tpu.pack_format<interleaved>} : vector<32xbf16> -> vector<16xf32>
          %unpack3A_1027 = tpu.unpack_subelements %get3A_1025, 1 {pack_format = #tpu.pack_format<interleaved>} : vector<32xbf16> -> vector<16xf32>
          %mul3A_1028 = arith.constant 2 : i32
          %mul3A_1029 = arith.muli %mul3A_1028, %scan3A_1020 : i32
          %get3A_1030 = arith.index_cast %mul3A_1029 : i32 to index
          %get3A_1031 = arith.constant 32 : index
          %get3A_1032 = tpu.vector_load %arg10[%get3A_1030, %get3A_1031] {strides = array<i32>} : memref<96x64xbf16, #tpu.memory_space<vmem>>, vector<32xbf16>,
          %unpack3A_1033 = tpu.unpack_subelements %get3A_1032, 0 {pack_format = #tpu.pack_format<interleaved>} : vector<32xbf16> -> vector<16xf32>
          %unpack3A_1034 = tpu.unpack_subelements %get3A_1032, 1 {pack_format = #tpu.pack_format<interleaved>} : vector<32xbf16> -> vector<16xf32>
          %mul3A_1035 = arith.constant 2 : i32
          %mul3A_1036 = arith.muli %mul3A_1035, %scan3A_1020 : i32
          %add3A_1037 = arith.constant 1 : i32
          %add3A_1038 = arith.addi %mul3A_1036, %add3A_1037 : i32
          %get3A_1039 = arith.index_cast %add3A_1038 : i32 to index
          %get3A_1040 = arith.constant 0 : index
          %get3A_1041 = tpu.vector_load %arg10[%get3A_1039, %get3A_1040] {strides = array<i32>} : memref<96x64xbf16, #tpu.memory_space<vmem>>, vector<32xbf16>,
          %unpack3A_1042 = tpu.unpack_subelements %get3A_1041, 0 {pack_format = #tpu.pack_format<interleaved>} : vector<32xbf16> -> vector<16xf32>
          %unpack3A_1043 = tpu.unpack_subelements %get3A_1041, 1 {pack_format = #tpu.pack_format<interleaved>} : vector<32xbf16> -> vector<16xf32>
          %mul3A_1044 = arith.constant 2 : i32
          %mul3A_1045 = arith.muli %mul3A_1044, %scan3A_1020 : i32
          %add3A_1046 = arith.constant 1 : i32
          %add3A_1047 = arith.addi %mul3A_1045, %add3A_1046 : i32
          %get3A_1048 = arith.index_cast %add3A_1047 : i32 to index
          %get3A_1049 = arith.constant 32 : index
          %get3A_1050 = tpu.vector_load %arg10[%get3A_1048, %get3A_1049] {strides = array<i32>} : memref<96x64xbf16, #tpu.memory_space<vmem>>, vector<32xbf16>,
          %unpack3A_1051 = tpu.unpack_subelements %get3A_1050, 0 {pack_format = #tpu.pack_format<interleaved>} : vector<32xbf16> -> vector<16xf32>
          %unpack3A_1052 = tpu.unpack_subelements %get3A_1050, 1 {pack_format = #tpu.pack_format<interleaved>} : vector<32xbf16> -> vector<16xf32>
          %add3A_1053 = arith.addf %add3A_1011, %unpack3A_1026 : vector<16xf32>
          %add3A_1054 = arith.addf %add3A_1012, %unpack3A_1027 : vector<16xf32>
          %add3A_1055 = arith.addf %add3A_1013, %unpack3A_1033 : vector<16xf32>
          %add3A_1056 = arith.addf %add3A_1014, %unpack3A_1034 : vector<16xf32>
          %add3A_1057 = arith.addf %add3A_1015, %unpack3A_1042 : vector<16xf32>
          %add3A_1058 = arith.addf %add3A_1016, %unpack3A_1043 : vector<16xf32>
          %add3A_1059 = arith.addf %add3A_1017, %unpack3A_1051 : vector<16xf32>
          %add3A_1060 = arith.addf %add3A_1018, %unpack3A_1052 : vector<16xf32>
          scf.yield %add3A_1053, %add3A_1054, %add3A_1055, %add3A_1056, %add3A_1057, %add3A_1058, %add3A_1059, %add3A_1060 : vector<16xf32>, vector<16xf32>, vector<16xf32>, vector<16xf32>, vector<16xf32>, vector<16xf32>, vector<16xf32>, vector<16xf32>
        }
        %scan3A_589 = arith.constant 42 : i32
        %add3A_590 = arith.constant 8 : i32
        %add3A_591 = arith.addi %add3A_577, %add3A_590 : i32
        %lt3A_592 = arith.constant 256 : i32
        %lt3A_593 = arith.cmpi slt, %add3A_591, %lt3A_592 : i32
        %convert_element_type3A_594 = arith.extui %lt3A_593 : i1 to i32
        %cond3A_595 = arith.constant 0 : i32
        %cond3A_596 = arith.cmpi ne, %convert_element_type3A_594, %cond3A_595 : i32
        scf.if %cond3A_596 {
          %add3A_803 = arith.constant 8 : i32
          %add3A_804 = arith.addi %add3A_577, %add3A_803 : i32
          %mul3A_805 = arith.constant 96 : i32
          %mul3A_806 = arith.muli %add3A_804, %mul3A_805 : i32
          %add3A_807 = arith.constant 0 : i32
          %add3A_808 = arith.addi %mul3A_806, %add3A_807 : i32
          %get3A_809 = arith.index_cast %add3A_808 : i32 to index
          %get3A_810 = tpu.vector_load %arg6[%get3A_809] {strides = array<i32>} : memref<24576xi32, #tpu.memory_space<vmem>>, vector<16xi32>,
          %dma_start3A_811 = arith.constant 0 : i32
          %dma_start3A_812 = arith.constant 0 : i32
          %dma_start3A_813 = tpu.memref_slice %arg10[%dma_start3A_811, %dma_start3A_812] : memref<96x64xbf16, #tpu.memory_space<vmem>> -> memref<16x64xbf16, #tpu.memory_space<vmem>>
          %dma_start3A_814 = arith.constant 0 : i32
          %dma_start3A_815 = arith.constant 0 : i32
          %dma_start3A_816 = tpu.memref_slice %arg3[%dma_start3A_814, %dma_start3A_815] : memref<1000000x64xbf16, #tpu.memory_space<hbm>> -> memref<1000000x64xbf16, #tpu.memory_space<hbm>>
          tpu.enqueue_indirect_dma source(%dma_start3A_816 : memref<1000000x64xbf16, #tpu.memory_space<hbm>>) target(%dma_start3A_813 : memref<16x64xbf16, #tpu.memory_space<vmem>>) offsets(%get3A_810 : vector<16xi32>) semaphore(%arg20 : memref<!tpu.dma_semaphore, #tpu.memory_space<semaphore_mem>>)
          %mul3A_817 = arith.constant 96 : i32
          %mul3A_818 = arith.muli %add3A_804, %mul3A_817 : i32
          %add3A_819 = arith.constant 16 : i32
          %add3A_820 = arith.addi %mul3A_818, %add3A_819 : i32
          %get3A_821 = arith.index_cast %add3A_820 : i32 to index
          %get3A_822 = tpu.vector_load %arg6[%get3A_821] {strides = array<i32>} : memref<24576xi32, #tpu.memory_space<vmem>>, vector<16xi32>,
          %dma_start3A_823 = arith.constant 16 : i32
          %dma_start3A_824 = arith.constant 0 : i32
          %dma_start3A_825 = tpu.memref_slice %arg10[%dma_start3A_823, %dma_start3A_824] : memref<96x64xbf16, #tpu.memory_space<vmem>> -> memref<16x64xbf16, #tpu.memory_space<vmem>>
          %dma_start3A_826 = arith.constant 0 : i32
          %dma_start3A_827 = arith.constant 0 : i32
          %dma_start3A_828 = tpu.memref_slice %arg3[%dma_start3A_826, %dma_start3A_827] : memref<1000000x64xbf16, #tpu.memory_space<hbm>> -> memref<1000000x64xbf16, #tpu.memory_space<hbm>>
          tpu.enqueue_indirect_dma source(%dma_start3A_828 : memref<1000000x64xbf16, #tpu.memory_space<hbm>>) target(%dma_start3A_825 : memref<16x64xbf16, #tpu.memory_space<vmem>>) offsets(%get3A_822 : vector<16xi32>) semaphore(%arg20 : memref<!tpu.dma_semaphore, #tpu.memory_space<semaphore_mem>>)
          %mul3A_829 = arith.constant 96 : i32
          %mul3A_830 = arith.muli %add3A_804, %mul3A_829 : i32
          %add3A_831 = arith.constant 32 : i32
          %add3A_832 = arith.addi %mul3A_830, %add3A_831 : i32
          %get3A_833 = arith.index_cast %add3A_832 : i32 to index
          %get3A_834 = tpu.vector_load %arg6[%get3A_833] {strides = array<i32>} : memref<24576xi32, #tpu.memory_space<vmem>>, vector<16xi32>,
          %dma_start3A_835 = arith.constant 32 : i32
          %dma_start3A_836 = arith.constant 0 : i32
          %dma_start3A_837 = tpu.memref_slice %arg10[%dma_start3A_835, %dma_start3A_836] : memref<96x64xbf16, #tpu.memory_space<vmem>> -> memref<16x64xbf16, #tpu.memory_space<vmem>>
          %dma_start3A_838 = arith.constant 0 : i32
          %dma_start3A_839 = arith.constant 0 : i32
          %dma_start3A_840 = tpu.memref_slice %arg3[%dma_start3A_838, %dma_start3A_839] : memref<1000000x64xbf16, #tpu.memory_space<hbm>> -> memref<1000000x64xbf16, #tpu.memory_space<hbm>>
          tpu.enqueue_indirect_dma source(%dma_start3A_840 : memref<1000000x64xbf16, #tpu.memory_space<hbm>>) target(%dma_start3A_837 : memref<16x64xbf16, #tpu.memory_space<vmem>>) offsets(%get3A_834 : vector<16xi32>) semaphore(%arg20 : memref<!tpu.dma_semaphore, #tpu.memory_space<semaphore_mem>>)
          %mul3A_841 = arith.constant 96 : i32
          %mul3A_842 = arith.muli %add3A_804, %mul3A_841 : i32
          %add3A_843 = arith.constant 48 : i32
          %add3A_844 = arith.addi %mul3A_842, %add3A_843 : i32
          %get3A_845 = arith.index_cast %add3A_844 : i32 to index
          %get3A_846 = tpu.vector_load %arg6[%get3A_845] {strides = array<i32>} : memref<24576xi32, #tpu.memory_space<vmem>>, vector<16xi32>,
          %dma_start3A_847 = arith.constant 48 : i32
          %dma_start3A_848 = arith.constant 0 : i32
          %dma_start3A_849 = tpu.memref_slice %arg10[%dma_start3A_847, %dma_start3A_848] : memref<96x64xbf16, #tpu.memory_space<vmem>> -> memref<16x64xbf16, #tpu.memory_space<vmem>>
          %dma_start3A_850 = arith.constant 0 : i32
          %dma_start3A_851 = arith.constant 0 : i32
          %dma_start3A_852 = tpu.memref_slice %arg3[%dma_start3A_850, %dma_start3A_851] : memref<1000000x64xbf16, #tpu.memory_space<hbm>> -> memref<1000000x64xbf16, #tpu.memory_space<hbm>>
          tpu.enqueue_indirect_dma source(%dma_start3A_852 : memref<1000000x64xbf16, #tpu.memory_space<hbm>>) target(%dma_start3A_849 : memref<16x64xbf16, #tpu.memory_space<vmem>>) offsets(%get3A_846 : vector<16xi32>) semaphore(%arg20 : memref<!tpu.dma_semaphore, #tpu.memory_space<semaphore_mem>>)
          %mul3A_853 = arith.constant 96 : i32
          %mul3A_854 = arith.muli %add3A_804, %mul3A_853 : i32
          %add3A_855 = arith.constant 64 : i32
          %add3A_856 = arith.addi %mul3A_854, %add3A_855 : i32
          %get3A_857 = arith.index_cast %add3A_856 : i32 to index
          %get3A_858 = tpu.vector_load %arg6[%get3A_857] {strides = array<i32>} : memref<24576xi32, #tpu.memory_space<vmem>>, vector<16xi32>,
          %dma_start3A_859 = arith.constant 64 : i32
          %dma_start3A_860 = arith.constant 0 : i32
          %dma_start3A_861 = tpu.memref_slice %arg10[%dma_start3A_859, %dma_start3A_860] : memref<96x64xbf16, #tpu.memory_space<vmem>> -> memref<16x64xbf16, #tpu.memory_space<vmem>>
          %dma_start3A_862 = arith.constant 0 : i32
          %dma_start3A_863 = arith.constant 0 : i32
          %dma_start3A_864 = tpu.memref_slice %arg3[%dma_start3A_862, %dma_start3A_863] : memref<1000000x64xbf16, #tpu.memory_space<hbm>> -> memref<1000000x64xbf16, #tpu.memory_space<hbm>>
          tpu.enqueue_indirect_dma source(%dma_start3A_864 : memref<1000000x64xbf16, #tpu.memory_space<hbm>>) target(%dma_start3A_861 : memref<16x64xbf16, #tpu.memory_space<vmem>>) offsets(%get3A_858 : vector<16xi32>) semaphore(%arg20 : memref<!tpu.dma_semaphore, #tpu.memory_space<semaphore_mem>>)
          %mul3A_865 = arith.constant 96 : i32
          %mul3A_866 = arith.muli %add3A_804, %mul3A_865 : i32
          %add3A_867 = arith.constant 80 : i32
          %add3A_868 = arith.addi %mul3A_866, %add3A_867 : i32
          %get3A_869 = arith.index_cast %add3A_868 : i32 to index
          %get3A_870 = tpu.vector_load %arg6[%get3A_869] {strides = array<i32>} : memref<24576xi32, #tpu.memory_space<vmem>>, vector<16xi32>,
          %dma_start3A_871 = arith.constant 80 : i32
          %dma_start3A_872 = arith.constant 0 : i32
          %dma_start3A_873 = tpu.memref_slice %arg10[%dma_start3A_871, %dma_start3A_872] : memref<96x64xbf16, #tpu.memory_space<vmem>> -> memref<16x64xbf16, #tpu.memory_space<vmem>>
          %dma_start3A_874 = arith.constant 0 : i32
          %dma_start3A_875 = arith.constant 0 : i32
          %dma_start3A_876 = tpu.memref_slice %arg3[%dma_start3A_874, %dma_start3A_875] : memref<1000000x64xbf16, #tpu.memory_space<hbm>> -> memref<1000000x64xbf16, #tpu.memory_space<hbm>>
          tpu.enqueue_indirect_dma source(%dma_start3A_876 : memref<1000000x64xbf16, #tpu.memory_space<hbm>>) target(%dma_start3A_873 : memref<16x64xbf16, #tpu.memory_space<vmem>>) offsets(%get3A_870 : vector<16xi32>) semaphore(%arg20 : memref<!tpu.dma_semaphore, #tpu.memory_space<semaphore_mem>>)
        } else {
        }
        %add3A_597 = arith.addf %scan3A_588#0, %scan3A_588#4 : vector<16xf32>
        %add3A_598 = arith.addf %scan3A_588#1, %scan3A_588#5 : vector<16xf32>
        %add3A_599 = arith.addf %scan3A_588#2, %scan3A_588#6 : vector<16xf32>
        %add3A_600 = arith.addf %scan3A_588#3, %scan3A_588#7 : vector<16xf32>
        %mul3A_601 = arith.mulf %add3A_597, %add3A_597 : vector<16xf32>
        %mul3A_602 = arith.mulf %add3A_598, %add3A_598 : vector<16xf32>
        %add3A_603 = arith.addf %mul3A_601, %mul3A_602 : vector<16xf32>
        %mul3A_604 = arith.mulf %add3A_599, %add3A_599 : vector<16xf32>
        %add3A_605 = arith.addf %add3A_603, %mul3A_604 : vector<16xf32>
        %mul3A_606 = arith.mulf %add3A_600, %add3A_600 : vector<16xf32>
        %add3A_607 = arith.addf %add3A_605, %mul3A_606 : vector<16xf32>
        %mul3A_608 = arith.mulf %add3A_597, %get3A_388 : vector<16xf32>
        %mul3A_609 = arith.mulf %add3A_598, %get3A_390 : vector<16xf32>
        %add3A_610 = arith.addf %mul3A_608, %mul3A_609 : vector<16xf32>
        %mul3A_611 = arith.mulf %add3A_599, %get3A_392 : vector<16xf32>
        %add3A_612 = arith.addf %add3A_610, %mul3A_611 : vector<16xf32>
        %mul3A_613 = arith.mulf %add3A_600, %get3A_394 : vector<16xf32>
        %add3A_614 = arith.addf %add3A_612, %mul3A_613 : vector<16xf32>
        %reduce_sum3A_615 = arith.constant true
        %reduce_sum3A_616 = vector.broadcast %reduce_sum3A_615 : i1 to vector<16xi1>
        %reduce_sum3A_617 = tpu.scan <sum>, %add3A_607 masked %reduce_sum3A_616 : vector<16xf32>, vector<16xi1> -> vector<16xf32>
        %reduce_sum3A_618 = vector.extract %reduce_sum3A_617[15] : f32 from vector<16xf32>
        %reduce_sum3A_619 = arith.constant true
        %reduce_sum3A_620 = vector.broadcast %reduce_sum3A_619 : i1 to vector<16xi1>
        %reduce_sum3A_621 = tpu.scan <sum>, %add3A_614 masked %reduce_sum3A_620 : vector<16xf32>, vector<16xi1> -> vector<16xf32>
        %reduce_sum3A_622 = vector.extract %reduce_sum3A_621[15] : f32 from vector<16xf32>
        %eq3A_623 = vector.broadcast %add3A_545 : i32 to vector<16xi32>
        %eq3A_624 = arith.cmpi eq, %iota3A, %eq3A_623 : vector<16xi32>
        %broadcast_in_dim3A_625 = vector.broadcast %reduce_sum3A_618 : f32 to vector<16xf32>
        %select_n3A_626 = arith.select %eq3A_624, %broadcast_in_dim3A_625, %select_n3A : vector<16xi1>, vector<16xf32>
        %broadcast_in_dim3A_627 = vector.broadcast %reduce_sum3A_622 : f32 to vector<16xf32>
        %select_n3A_628 = arith.select %eq3A_624, %broadcast_in_dim3A_627, %select_n3A_541 : vector<16xi1>, vector<16xf32>
        %mul3A_629 = arith.constant 4 : i32
        %mul3A_630 = arith.muli %mul3A_629, %scan3A_459 : i32
        %add3A_631 = arith.constant 2 : i32
        %add3A_632 = arith.addi %mul3A_630, %add3A_631 : i32
        %mul3A_633 = arith.constant 16 : i32
        %mul3A_634 = arith.muli %scan3A_403, %mul3A_633 : i32
        %add3A_635 = arith.addi %mul3A_634, %add3A_632 : i32
        %broadcast_in_dim3A_636 = arith.constant 0.000000e+00 : f32
        %broadcast_in_dim3A_637 = vector.broadcast %broadcast_in_dim3A_636 : f32 to vector<16xf32>
        %mul3A_638 = arith.constant 2 : i32
        %mul3A_639 = arith.muli %mul3A_638, %add3A_635 : i32
        %add3A_640 = arith.constant 0 : i32
        %add3A_641 = arith.addi %mul3A_639, %add3A_640 : i32
        %dma_wait3A_642 = arith.constant 0 : i32
        %dma_wait3A_643 = arith.constant 0 : i32
        %dma_wait3A_644 = tpu.memref_slice %arg3[%dma_wait3A_642, %dma_wait3A_643] : memref<1000000x64xbf16, #tpu.memory_space<hbm>> -> memref<96x64xbf16, #tpu.memory_space<hbm>>
        %dma_wait3A_645 = arith.constant 0 : i32
        %dma_wait3A_646 = arith.constant 0 : i32
        %dma_wait3A_647 = tpu.memref_slice %arg3[%dma_wait3A_645, %dma_wait3A_646] : memref<1000000x64xbf16, #tpu.memory_space<hbm>> -> memref<96x64xbf16, #tpu.memory_space<hbm>>
        tpu.wait_dma2 semaphore(%arg21 : memref<!tpu.dma_semaphore, #tpu.memory_space<semaphore_mem>>) src(%dma_wait3A_647 : memref<96x64xbf16, #tpu.memory_space<hbm>>) dst(%arg11 : memref<96x64xbf16, #tpu.memory_space<vmem>>)
        %scan3A_648 = arith.constant 0 : i32
        %scan3A_649 = arith.constant 48 : i32
        %scan3A_650 = arith.addi %scan3A_648, %scan3A_649 : i32
        %scan3A_651 = arith.constant 6 : i32
        %scan3A_652:8 = scf.for %scan3A_803 = %scan3A_648 to %scan3A_650 step %scan3A_651 iter_args(%scan3A_804 = %broadcast_in_dim3A_637, %scan3A_805 = %broadcast_in_dim3A_637, %scan3A_806 = %broadcast_in_dim3A_637, %scan3A_807 = %broadcast_in_dim3A_637, %scan3A_808 = %broadcast_in_dim3A_637, %scan3A_809 = %broadcast_in_dim3A_637, %scan3A_810 = %broadcast_in_dim3A_637, %scan3A_811 = %broadcast_in_dim3A_637) -> (vector<16xf32>, vector<16xf32>, vector<16xf32>, vector<16xf32>, vector<16xf32>, vector<16xf32>, vector<16xf32>, vector<16xf32>)  : i32 {
          %mul3A_812 = arith.constant 2 : i32
          %mul3A_813 = arith.muli %mul3A_812, %scan3A_803 : i32
          %get3A_814 = arith.index_cast %mul3A_813 : i32 to index
          %get3A_815 = arith.constant 0 : index
          %get3A_816 = tpu.vector_load %arg11[%get3A_814, %get3A_815] {strides = array<i32>} : memref<96x64xbf16, #tpu.memory_space<vmem>>, vector<32xbf16>,
          %unpack3A = tpu.unpack_subelements %get3A_816, 0 {pack_format = #tpu.pack_format<interleaved>} : vector<32xbf16> -> vector<16xf32>
          %unpack3A_817 = tpu.unpack_subelements %get3A_816, 1 {pack_format = #tpu.pack_format<interleaved>} : vector<32xbf16> -> vector<16xf32>
          %mul3A_818 = arith.constant 2 : i32
          %mul3A_819 = arith.muli %mul3A_818, %scan3A_803 : i32
          %get3A_820 = arith.index_cast %mul3A_819 : i32 to index
          %get3A_821 = arith.constant 32 : index
          %get3A_822 = tpu.vector_load %arg11[%get3A_820, %get3A_821] {strides = array<i32>} : memref<96x64xbf16, #tpu.memory_space<vmem>>, vector<32xbf16>,
          %unpack3A_823 = tpu.unpack_subelements %get3A_822, 0 {pack_format = #tpu.pack_format<interleaved>} : vector<32xbf16> -> vector<16xf32>
          %unpack3A_824 = tpu.unpack_subelements %get3A_822, 1 {pack_format = #tpu.pack_format<interleaved>} : vector<32xbf16> -> vector<16xf32>
          %mul3A_825 = arith.constant 2 : i32
          %mul3A_826 = arith.muli %mul3A_825, %scan3A_803 : i32
          %add3A_827 = arith.constant 1 : i32
          %add3A_828 = arith.addi %mul3A_826, %add3A_827 : i32
          %get3A_829 = arith.index_cast %add3A_828 : i32 to index
          %get3A_830 = arith.constant 0 : index
          %get3A_831 = tpu.vector_load %arg11[%get3A_829, %get3A_830] {strides = array<i32>} : memref<96x64xbf16, #tpu.memory_space<vmem>>, vector<32xbf16>,
          %unpack3A_832 = tpu.unpack_subelements %get3A_831, 0 {pack_format = #tpu.pack_format<interleaved>} : vector<32xbf16> -> vector<16xf32>
          %unpack3A_833 = tpu.unpack_subelements %get3A_831, 1 {pack_format = #tpu.pack_format<interleaved>} : vector<32xbf16> -> vector<16xf32>
          %mul3A_834 = arith.constant 2 : i32
          %mul3A_835 = arith.muli %mul3A_834, %scan3A_803 : i32
          %add3A_836 = arith.constant 1 : i32
          %add3A_837 = arith.addi %mul3A_835, %add3A_836 : i32
          %get3A_838 = arith.index_cast %add3A_837 : i32 to index
          %get3A_839 = arith.constant 32 : index
          %get3A_840 = tpu.vector_load %arg11[%get3A_838, %get3A_839] {strides = array<i32>} : memref<96x64xbf16, #tpu.memory_space<vmem>>, vector<32xbf16>,
          %unpack3A_841 = tpu.unpack_subelements %get3A_840, 0 {pack_format = #tpu.pack_format<interleaved>} : vector<32xbf16> -> vector<16xf32>
          %unpack3A_842 = tpu.unpack_subelements %get3A_840, 1 {pack_format = #tpu.pack_format<interleaved>} : vector<32xbf16> -> vector<16xf32>
          %add3A_843 = arith.addf %scan3A_804, %unpack3A : vector<16xf32>
          %add3A_844 = arith.addf %scan3A_805, %unpack3A_817 : vector<16xf32>
          %add3A_845 = arith.addf %scan3A_806, %unpack3A_823 : vector<16xf32>
          %add3A_846 = arith.addf %scan3A_807, %unpack3A_824 : vector<16xf32>
          %add3A_847 = arith.addf %scan3A_808, %unpack3A_832 : vector<16xf32>
          %add3A_848 = arith.addf %scan3A_809, %unpack3A_833 : vector<16xf32>
          %add3A_849 = arith.addf %scan3A_810, %unpack3A_841 : vector<16xf32>
          %add3A_850 = arith.addf %scan3A_811, %unpack3A_842 : vector<16xf32>
          %scan3A_851 = arith.constant 1 : i32
          %scan3A_852 = arith.addi %scan3A_803, %scan3A_851 : i32
          %mul3A_853 = arith.constant 2 : i32
          %mul3A_854 = arith.muli %mul3A_853, %scan3A_852 : i32
          %get3A_855 = arith.index_cast %mul3A_854 : i32 to index
          %get3A_856 = arith.constant 0 : index
          %get3A_857 = tpu.vector_load %arg11[%get3A_855, %get3A_856] {strides = array<i32>} : memref<96x64xbf16, #tpu.memory_space<vmem>>, vector<32xbf16>,
          %unpack3A_858 = tpu.unpack_subelements %get3A_857, 0 {pack_format = #tpu.pack_format<interleaved>} : vector<32xbf16> -> vector<16xf32>
          %unpack3A_859 = tpu.unpack_subelements %get3A_857, 1 {pack_format = #tpu.pack_format<interleaved>} : vector<32xbf16> -> vector<16xf32>
          %mul3A_860 = arith.constant 2 : i32
          %mul3A_861 = arith.muli %mul3A_860, %scan3A_852 : i32
          %get3A_862 = arith.index_cast %mul3A_861 : i32 to index
          %get3A_863 = arith.constant 32 : index
          %get3A_864 = tpu.vector_load %arg11[%get3A_862, %get3A_863] {strides = array<i32>} : memref<96x64xbf16, #tpu.memory_space<vmem>>, vector<32xbf16>,
          %unpack3A_865 = tpu.unpack_subelements %get3A_864, 0 {pack_format = #tpu.pack_format<interleaved>} : vector<32xbf16> -> vector<16xf32>
          %unpack3A_866 = tpu.unpack_subelements %get3A_864, 1 {pack_format = #tpu.pack_format<interleaved>} : vector<32xbf16> -> vector<16xf32>
          %mul3A_867 = arith.constant 2 : i32
          %mul3A_868 = arith.muli %mul3A_867, %scan3A_852 : i32
          %add3A_869 = arith.constant 1 : i32
          %add3A_870 = arith.addi %mul3A_868, %add3A_869 : i32
          %get3A_871 = arith.index_cast %add3A_870 : i32 to index
          %get3A_872 = arith.constant 0 : index
          %get3A_873 = tpu.vector_load %arg11[%get3A_871, %get3A_872] {strides = array<i32>} : memref<96x64xbf16, #tpu.memory_space<vmem>>, vector<32xbf16>,
          %unpack3A_874 = tpu.unpack_subelements %get3A_873, 0 {pack_format = #tpu.pack_format<interleaved>} : vector<32xbf16> -> vector<16xf32>
          %unpack3A_875 = tpu.unpack_subelements %get3A_873, 1 {pack_format = #tpu.pack_format<interleaved>} : vector<32xbf16> -> vector<16xf32>
          %mul3A_876 = arith.constant 2 : i32
          %mul3A_877 = arith.muli %mul3A_876, %scan3A_852 : i32
          %add3A_878 = arith.constant 1 : i32
          %add3A_879 = arith.addi %mul3A_877, %add3A_878 : i32
          %get3A_880 = arith.index_cast %add3A_879 : i32 to index
          %get3A_881 = arith.constant 32 : index
          %get3A_882 = tpu.vector_load %arg11[%get3A_880, %get3A_881] {strides = array<i32>} : memref<96x64xbf16, #tpu.memory_space<vmem>>, vector<32xbf16>,
          %unpack3A_883 = tpu.unpack_subelements %get3A_882, 0 {pack_format = #tpu.pack_format<interleaved>} : vector<32xbf16> -> vector<16xf32>
          %unpack3A_884 = tpu.unpack_subelements %get3A_882, 1 {pack_format = #tpu.pack_format<interleaved>} : vector<32xbf16> -> vector<16xf32>
          %add3A_885 = arith.addf %add3A_843, %unpack3A_858 : vector<16xf32>
          %add3A_886 = arith.addf %add3A_844, %unpack3A_859 : vector<16xf32>
          %add3A_887 = arith.addf %add3A_845, %unpack3A_865 : vector<16xf32>
          %add3A_888 = arith.addf %add3A_846, %unpack3A_866 : vector<16xf32>
          %add3A_889 = arith.addf %add3A_847, %unpack3A_874 : vector<16xf32>
          %add3A_890 = arith.addf %add3A_848, %unpack3A_875 : vector<16xf32>
          %add3A_891 = arith.addf %add3A_849, %unpack3A_883 : vector<16xf32>
          %add3A_892 = arith.addf %add3A_850, %unpack3A_884 : vector<16xf32>
          %scan3A_893 = arith.constant 2 : i32
          %scan3A_894 = arith.addi %scan3A_803, %scan3A_893 : i32
          %mul3A_895 = arith.constant 2 : i32
          %mul3A_896 = arith.muli %mul3A_895, %scan3A_894 : i32
          %get3A_897 = arith.index_cast %mul3A_896 : i32 to index
          %get3A_898 = arith.constant 0 : index
          %get3A_899 = tpu.vector_load %arg11[%get3A_897, %get3A_898] {strides = array<i32>} : memref<96x64xbf16, #tpu.memory_space<vmem>>, vector<32xbf16>,
          %unpack3A_900 = tpu.unpack_subelements %get3A_899, 0 {pack_format = #tpu.pack_format<interleaved>} : vector<32xbf16> -> vector<16xf32>
          %unpack3A_901 = tpu.unpack_subelements %get3A_899, 1 {pack_format = #tpu.pack_format<interleaved>} : vector<32xbf16> -> vector<16xf32>
          %mul3A_902 = arith.constant 2 : i32
          %mul3A_903 = arith.muli %mul3A_902, %scan3A_894 : i32
          %get3A_904 = arith.index_cast %mul3A_903 : i32 to index
          %get3A_905 = arith.constant 32 : index
          %get3A_906 = tpu.vector_load %arg11[%get3A_904, %get3A_905] {strides = array<i32>} : memref<96x64xbf16, #tpu.memory_space<vmem>>, vector<32xbf16>,
          %unpack3A_907 = tpu.unpack_subelements %get3A_906, 0 {pack_format = #tpu.pack_format<interleaved>} : vector<32xbf16> -> vector<16xf32>
          %unpack3A_908 = tpu.unpack_subelements %get3A_906, 1 {pack_format = #tpu.pack_format<interleaved>} : vector<32xbf16> -> vector<16xf32>
          %mul3A_909 = arith.constant 2 : i32
          %mul3A_910 = arith.muli %mul3A_909, %scan3A_894 : i32
          %add3A_911 = arith.constant 1 : i32
          %add3A_912 = arith.addi %mul3A_910, %add3A_911 : i32
          %get3A_913 = arith.index_cast %add3A_912 : i32 to index
          %get3A_914 = arith.constant 0 : index
          %get3A_915 = tpu.vector_load %arg11[%get3A_913, %get3A_914] {strides = array<i32>} : memref<96x64xbf16, #tpu.memory_space<vmem>>, vector<32xbf16>,
          %unpack3A_916 = tpu.unpack_subelements %get3A_915, 0 {pack_format = #tpu.pack_format<interleaved>} : vector<32xbf16> -> vector<16xf32>
          %unpack3A_917 = tpu.unpack_subelements %get3A_915, 1 {pack_format = #tpu.pack_format<interleaved>} : vector<32xbf16> -> vector<16xf32>
          %mul3A_918 = arith.constant 2 : i32
          %mul3A_919 = arith.muli %mul3A_918, %scan3A_894 : i32
          %add3A_920 = arith.constant 1 : i32
          %add3A_921 = arith.addi %mul3A_919, %add3A_920 : i32
          %get3A_922 = arith.index_cast %add3A_921 : i32 to index
          %get3A_923 = arith.constant 32 : index
          %get3A_924 = tpu.vector_load %arg11[%get3A_922, %get3A_923] {strides = array<i32>} : memref<96x64xbf16, #tpu.memory_space<vmem>>, vector<32xbf16>,
          %unpack3A_925 = tpu.unpack_subelements %get3A_924, 0 {pack_format = #tpu.pack_format<interleaved>} : vector<32xbf16> -> vector<16xf32>
          %unpack3A_926 = tpu.unpack_subelements %get3A_924, 1 {pack_format = #tpu.pack_format<interleaved>} : vector<32xbf16> -> vector<16xf32>
          %add3A_927 = arith.addf %add3A_885, %unpack3A_900 : vector<16xf32>
          %add3A_928 = arith.addf %add3A_886, %unpack3A_901 : vector<16xf32>
          %add3A_929 = arith.addf %add3A_887, %unpack3A_907 : vector<16xf32>
          %add3A_930 = arith.addf %add3A_888, %unpack3A_908 : vector<16xf32>
          %add3A_931 = arith.addf %add3A_889, %unpack3A_916 : vector<16xf32>
          %add3A_932 = arith.addf %add3A_890, %unpack3A_917 : vector<16xf32>
          %add3A_933 = arith.addf %add3A_891, %unpack3A_925 : vector<16xf32>
          %add3A_934 = arith.addf %add3A_892, %unpack3A_926 : vector<16xf32>
          %scan3A_935 = arith.constant 3 : i32
          %scan3A_936 = arith.addi %scan3A_803, %scan3A_935 : i32
          %mul3A_937 = arith.constant 2 : i32
          %mul3A_938 = arith.muli %mul3A_937, %scan3A_936 : i32
          %get3A_939 = arith.index_cast %mul3A_938 : i32 to index
          %get3A_940 = arith.constant 0 : index
          %get3A_941 = tpu.vector_load %arg11[%get3A_939, %get3A_940] {strides = array<i32>} : memref<96x64xbf16, #tpu.memory_space<vmem>>, vector<32xbf16>,
          %unpack3A_942 = tpu.unpack_subelements %get3A_941, 0 {pack_format = #tpu.pack_format<interleaved>} : vector<32xbf16> -> vector<16xf32>
          %unpack3A_943 = tpu.unpack_subelements %get3A_941, 1 {pack_format = #tpu.pack_format<interleaved>} : vector<32xbf16> -> vector<16xf32>
          %mul3A_944 = arith.constant 2 : i32
          %mul3A_945 = arith.muli %mul3A_944, %scan3A_936 : i32
          %get3A_946 = arith.index_cast %mul3A_945 : i32 to index
          %get3A_947 = arith.constant 32 : index
          %get3A_948 = tpu.vector_load %arg11[%get3A_946, %get3A_947] {strides = array<i32>} : memref<96x64xbf16, #tpu.memory_space<vmem>>, vector<32xbf16>,
          %unpack3A_949 = tpu.unpack_subelements %get3A_948, 0 {pack_format = #tpu.pack_format<interleaved>} : vector<32xbf16> -> vector<16xf32>
          %unpack3A_950 = tpu.unpack_subelements %get3A_948, 1 {pack_format = #tpu.pack_format<interleaved>} : vector<32xbf16> -> vector<16xf32>
          %mul3A_951 = arith.constant 2 : i32
          %mul3A_952 = arith.muli %mul3A_951, %scan3A_936 : i32
          %add3A_953 = arith.constant 1 : i32
          %add3A_954 = arith.addi %mul3A_952, %add3A_953 : i32
          %get3A_955 = arith.index_cast %add3A_954 : i32 to index
          %get3A_956 = arith.constant 0 : index
          %get3A_957 = tpu.vector_load %arg11[%get3A_955, %get3A_956] {strides = array<i32>} : memref<96x64xbf16, #tpu.memory_space<vmem>>, vector<32xbf16>,
          %unpack3A_958 = tpu.unpack_subelements %get3A_957, 0 {pack_format = #tpu.pack_format<interleaved>} : vector<32xbf16> -> vector<16xf32>
          %unpack3A_959 = tpu.unpack_subelements %get3A_957, 1 {pack_format = #tpu.pack_format<interleaved>} : vector<32xbf16> -> vector<16xf32>
          %mul3A_960 = arith.constant 2 : i32
          %mul3A_961 = arith.muli %mul3A_960, %scan3A_936 : i32
          %add3A_962 = arith.constant 1 : i32
          %add3A_963 = arith.addi %mul3A_961, %add3A_962 : i32
          %get3A_964 = arith.index_cast %add3A_963 : i32 to index
          %get3A_965 = arith.constant 32 : index
          %get3A_966 = tpu.vector_load %arg11[%get3A_964, %get3A_965] {strides = array<i32>} : memref<96x64xbf16, #tpu.memory_space<vmem>>, vector<32xbf16>,
          %unpack3A_967 = tpu.unpack_subelements %get3A_966, 0 {pack_format = #tpu.pack_format<interleaved>} : vector<32xbf16> -> vector<16xf32>
          %unpack3A_968 = tpu.unpack_subelements %get3A_966, 1 {pack_format = #tpu.pack_format<interleaved>} : vector<32xbf16> -> vector<16xf32>
          %add3A_969 = arith.addf %add3A_927, %unpack3A_942 : vector<16xf32>
          %add3A_970 = arith.addf %add3A_928, %unpack3A_943 : vector<16xf32>
          %add3A_971 = arith.addf %add3A_929, %unpack3A_949 : vector<16xf32>
          %add3A_972 = arith.addf %add3A_930, %unpack3A_950 : vector<16xf32>
          %add3A_973 = arith.addf %add3A_931, %unpack3A_958 : vector<16xf32>
          %add3A_974 = arith.addf %add3A_932, %unpack3A_959 : vector<16xf32>
          %add3A_975 = arith.addf %add3A_933, %unpack3A_967 : vector<16xf32>
          %add3A_976 = arith.addf %add3A_934, %unpack3A_968 : vector<16xf32>
          %scan3A_977 = arith.constant 4 : i32
          %scan3A_978 = arith.addi %scan3A_803, %scan3A_977 : i32
          %mul3A_979 = arith.constant 2 : i32
          %mul3A_980 = arith.muli %mul3A_979, %scan3A_978 : i32
          %get3A_981 = arith.index_cast %mul3A_980 : i32 to index
          %get3A_982 = arith.constant 0 : index
          %get3A_983 = tpu.vector_load %arg11[%get3A_981, %get3A_982] {strides = array<i32>} : memref<96x64xbf16, #tpu.memory_space<vmem>>, vector<32xbf16>,
          %unpack3A_984 = tpu.unpack_subelements %get3A_983, 0 {pack_format = #tpu.pack_format<interleaved>} : vector<32xbf16> -> vector<16xf32>
          %unpack3A_985 = tpu.unpack_subelements %get3A_983, 1 {pack_format = #tpu.pack_format<interleaved>} : vector<32xbf16> -> vector<16xf32>
          %mul3A_986 = arith.constant 2 : i32
          %mul3A_987 = arith.muli %mul3A_986, %scan3A_978 : i32
          %get3A_988 = arith.index_cast %mul3A_987 : i32 to index
          %get3A_989 = arith.constant 32 : index
          %get3A_990 = tpu.vector_load %arg11[%get3A_988, %get3A_989] {strides = array<i32>} : memref<96x64xbf16, #tpu.memory_space<vmem>>, vector<32xbf16>,
          %unpack3A_991 = tpu.unpack_subelements %get3A_990, 0 {pack_format = #tpu.pack_format<interleaved>} : vector<32xbf16> -> vector<16xf32>
          %unpack3A_992 = tpu.unpack_subelements %get3A_990, 1 {pack_format = #tpu.pack_format<interleaved>} : vector<32xbf16> -> vector<16xf32>
          %mul3A_993 = arith.constant 2 : i32
          %mul3A_994 = arith.muli %mul3A_993, %scan3A_978 : i32
          %add3A_995 = arith.constant 1 : i32
          %add3A_996 = arith.addi %mul3A_994, %add3A_995 : i32
          %get3A_997 = arith.index_cast %add3A_996 : i32 to index
          %get3A_998 = arith.constant 0 : index
          %get3A_999 = tpu.vector_load %arg11[%get3A_997, %get3A_998] {strides = array<i32>} : memref<96x64xbf16, #tpu.memory_space<vmem>>, vector<32xbf16>,
          %unpack3A_1000 = tpu.unpack_subelements %get3A_999, 0 {pack_format = #tpu.pack_format<interleaved>} : vector<32xbf16> -> vector<16xf32>
          %unpack3A_1001 = tpu.unpack_subelements %get3A_999, 1 {pack_format = #tpu.pack_format<interleaved>} : vector<32xbf16> -> vector<16xf32>
          %mul3A_1002 = arith.constant 2 : i32
          %mul3A_1003 = arith.muli %mul3A_1002, %scan3A_978 : i32
          %add3A_1004 = arith.constant 1 : i32
          %add3A_1005 = arith.addi %mul3A_1003, %add3A_1004 : i32
          %get3A_1006 = arith.index_cast %add3A_1005 : i32 to index
          %get3A_1007 = arith.constant 32 : index
          %get3A_1008 = tpu.vector_load %arg11[%get3A_1006, %get3A_1007] {strides = array<i32>} : memref<96x64xbf16, #tpu.memory_space<vmem>>, vector<32xbf16>,
          %unpack3A_1009 = tpu.unpack_subelements %get3A_1008, 0 {pack_format = #tpu.pack_format<interleaved>} : vector<32xbf16> -> vector<16xf32>
          %unpack3A_1010 = tpu.unpack_subelements %get3A_1008, 1 {pack_format = #tpu.pack_format<interleaved>} : vector<32xbf16> -> vector<16xf32>
          %add3A_1011 = arith.addf %add3A_969, %unpack3A_984 : vector<16xf32>
          %add3A_1012 = arith.addf %add3A_970, %unpack3A_985 : vector<16xf32>
          %add3A_1013 = arith.addf %add3A_971, %unpack3A_991 : vector<16xf32>
          %add3A_1014 = arith.addf %add3A_972, %unpack3A_992 : vector<16xf32>
          %add3A_1015 = arith.addf %add3A_973, %unpack3A_1000 : vector<16xf32>
          %add3A_1016 = arith.addf %add3A_974, %unpack3A_1001 : vector<16xf32>
          %add3A_1017 = arith.addf %add3A_975, %unpack3A_1009 : vector<16xf32>
          %add3A_1018 = arith.addf %add3A_976, %unpack3A_1010 : vector<16xf32>
          %scan3A_1019 = arith.constant 5 : i32
          %scan3A_1020 = arith.addi %scan3A_803, %scan3A_1019 : i32
          %mul3A_1021 = arith.constant 2 : i32
          %mul3A_1022 = arith.muli %mul3A_1021, %scan3A_1020 : i32
          %get3A_1023 = arith.index_cast %mul3A_1022 : i32 to index
          %get3A_1024 = arith.constant 0 : index
          %get3A_1025 = tpu.vector_load %arg11[%get3A_1023, %get3A_1024] {strides = array<i32>} : memref<96x64xbf16, #tpu.memory_space<vmem>>, vector<32xbf16>,
          %unpack3A_1026 = tpu.unpack_subelements %get3A_1025, 0 {pack_format = #tpu.pack_format<interleaved>} : vector<32xbf16> -> vector<16xf32>
          %unpack3A_1027 = tpu.unpack_subelements %get3A_1025, 1 {pack_format = #tpu.pack_format<interleaved>} : vector<32xbf16> -> vector<16xf32>
          %mul3A_1028 = arith.constant 2 : i32
          %mul3A_1029 = arith.muli %mul3A_1028, %scan3A_1020 : i32
          %get3A_1030 = arith.index_cast %mul3A_1029 : i32 to index
          %get3A_1031 = arith.constant 32 : index
          %get3A_1032 = tpu.vector_load %arg11[%get3A_1030, %get3A_1031] {strides = array<i32>} : memref<96x64xbf16, #tpu.memory_space<vmem>>, vector<32xbf16>,
          %unpack3A_1033 = tpu.unpack_subelements %get3A_1032, 0 {pack_format = #tpu.pack_format<interleaved>} : vector<32xbf16> -> vector<16xf32>
          %unpack3A_1034 = tpu.unpack_subelements %get3A_1032, 1 {pack_format = #tpu.pack_format<interleaved>} : vector<32xbf16> -> vector<16xf32>
          %mul3A_1035 = arith.constant 2 : i32
          %mul3A_1036 = arith.muli %mul3A_1035, %scan3A_1020 : i32
          %add3A_1037 = arith.constant 1 : i32
          %add3A_1038 = arith.addi %mul3A_1036, %add3A_1037 : i32
          %get3A_1039 = arith.index_cast %add3A_1038 : i32 to index
          %get3A_1040 = arith.constant 0 : index
          %get3A_1041 = tpu.vector_load %arg11[%get3A_1039, %get3A_1040] {strides = array<i32>} : memref<96x64xbf16, #tpu.memory_space<vmem>>, vector<32xbf16>,
          %unpack3A_1042 = tpu.unpack_subelements %get3A_1041, 0 {pack_format = #tpu.pack_format<interleaved>} : vector<32xbf16> -> vector<16xf32>
          %unpack3A_1043 = tpu.unpack_subelements %get3A_1041, 1 {pack_format = #tpu.pack_format<interleaved>} : vector<32xbf16> -> vector<16xf32>
          %mul3A_1044 = arith.constant 2 : i32
          %mul3A_1045 = arith.muli %mul3A_1044, %scan3A_1020 : i32
          %add3A_1046 = arith.constant 1 : i32
          %add3A_1047 = arith.addi %mul3A_1045, %add3A_1046 : i32
          %get3A_1048 = arith.index_cast %add3A_1047 : i32 to index
          %get3A_1049 = arith.constant 32 : index
          %get3A_1050 = tpu.vector_load %arg11[%get3A_1048, %get3A_1049] {strides = array<i32>} : memref<96x64xbf16, #tpu.memory_space<vmem>>, vector<32xbf16>,
          %unpack3A_1051 = tpu.unpack_subelements %get3A_1050, 0 {pack_format = #tpu.pack_format<interleaved>} : vector<32xbf16> -> vector<16xf32>
          %unpack3A_1052 = tpu.unpack_subelements %get3A_1050, 1 {pack_format = #tpu.pack_format<interleaved>} : vector<32xbf16> -> vector<16xf32>
          %add3A_1053 = arith.addf %add3A_1011, %unpack3A_1026 : vector<16xf32>
          %add3A_1054 = arith.addf %add3A_1012, %unpack3A_1027 : vector<16xf32>
          %add3A_1055 = arith.addf %add3A_1013, %unpack3A_1033 : vector<16xf32>
          %add3A_1056 = arith.addf %add3A_1014, %unpack3A_1034 : vector<16xf32>
          %add3A_1057 = arith.addf %add3A_1015, %unpack3A_1042 : vector<16xf32>
          %add3A_1058 = arith.addf %add3A_1016, %unpack3A_1043 : vector<16xf32>
          %add3A_1059 = arith.addf %add3A_1017, %unpack3A_1051 : vector<16xf32>
          %add3A_1060 = arith.addf %add3A_1018, %unpack3A_1052 : vector<16xf32>
          scf.yield %add3A_1053, %add3A_1054, %add3A_1055, %add3A_1056, %add3A_1057, %add3A_1058, %add3A_1059, %add3A_1060 : vector<16xf32>, vector<16xf32>, vector<16xf32>, vector<16xf32>, vector<16xf32>, vector<16xf32>, vector<16xf32>, vector<16xf32>
        }
        %scan3A_653 = arith.constant 48 : i32
        %add3A_654 = arith.constant 8 : i32
        %add3A_655 = arith.addi %add3A_641, %add3A_654 : i32
        %lt3A_656 = arith.constant 256 : i32
        %lt3A_657 = arith.cmpi slt, %add3A_655, %lt3A_656 : i32
        %convert_element_type3A_658 = arith.extui %lt3A_657 : i1 to i32
        %cond3A_659 = arith.constant 0 : i32
        %cond3A_660 = arith.cmpi ne, %convert_element_type3A_658, %cond3A_659 : i32
        scf.if %cond3A_660 {
          %add3A_803 = arith.constant 8 : i32
          %add3A_804 = arith.addi %add3A_641, %add3A_803 : i32
          %mul3A_805 = arith.constant 96 : i32
          %mul3A_806 = arith.muli %add3A_804, %mul3A_805 : i32
          %add3A_807 = arith.constant 0 : i32
          %add3A_808 = arith.addi %mul3A_806, %add3A_807 : i32
          %get3A_809 = arith.index_cast %add3A_808 : i32 to index
          %get3A_810 = tpu.vector_load %arg6[%get3A_809] {strides = array<i32>} : memref<24576xi32, #tpu.memory_space<vmem>>, vector<16xi32>,
          %dma_start3A_811 = arith.constant 0 : i32
          %dma_start3A_812 = arith.constant 0 : i32
          %dma_start3A_813 = tpu.memref_slice %arg11[%dma_start3A_811, %dma_start3A_812] : memref<96x64xbf16, #tpu.memory_space<vmem>> -> memref<16x64xbf16, #tpu.memory_space<vmem>>
          %dma_start3A_814 = arith.constant 0 : i32
          %dma_start3A_815 = arith.constant 0 : i32
          %dma_start3A_816 = tpu.memref_slice %arg3[%dma_start3A_814, %dma_start3A_815] : memref<1000000x64xbf16, #tpu.memory_space<hbm>> -> memref<1000000x64xbf16, #tpu.memory_space<hbm>>
          tpu.enqueue_indirect_dma source(%dma_start3A_816 : memref<1000000x64xbf16, #tpu.memory_space<hbm>>) target(%dma_start3A_813 : memref<16x64xbf16, #tpu.memory_space<vmem>>) offsets(%get3A_810 : vector<16xi32>) semaphore(%arg21 : memref<!tpu.dma_semaphore, #tpu.memory_space<semaphore_mem>>)
          %mul3A_817 = arith.constant 96 : i32
          %mul3A_818 = arith.muli %add3A_804, %mul3A_817 : i32
          %add3A_819 = arith.constant 16 : i32
          %add3A_820 = arith.addi %mul3A_818, %add3A_819 : i32
          %get3A_821 = arith.index_cast %add3A_820 : i32 to index
          %get3A_822 = tpu.vector_load %arg6[%get3A_821] {strides = array<i32>} : memref<24576xi32, #tpu.memory_space<vmem>>, vector<16xi32>,
          %dma_start3A_823 = arith.constant 16 : i32
          %dma_start3A_824 = arith.constant 0 : i32
          %dma_start3A_825 = tpu.memref_slice %arg11[%dma_start3A_823, %dma_start3A_824] : memref<96x64xbf16, #tpu.memory_space<vmem>> -> memref<16x64xbf16, #tpu.memory_space<vmem>>
          %dma_start3A_826 = arith.constant 0 : i32
          %dma_start3A_827 = arith.constant 0 : i32
          %dma_start3A_828 = tpu.memref_slice %arg3[%dma_start3A_826, %dma_start3A_827] : memref<1000000x64xbf16, #tpu.memory_space<hbm>> -> memref<1000000x64xbf16, #tpu.memory_space<hbm>>
          tpu.enqueue_indirect_dma source(%dma_start3A_828 : memref<1000000x64xbf16, #tpu.memory_space<hbm>>) target(%dma_start3A_825 : memref<16x64xbf16, #tpu.memory_space<vmem>>) offsets(%get3A_822 : vector<16xi32>) semaphore(%arg21 : memref<!tpu.dma_semaphore, #tpu.memory_space<semaphore_mem>>)
          %mul3A_829 = arith.constant 96 : i32
          %mul3A_830 = arith.muli %add3A_804, %mul3A_829 : i32
          %add3A_831 = arith.constant 32 : i32
          %add3A_832 = arith.addi %mul3A_830, %add3A_831 : i32
          %get3A_833 = arith.index_cast %add3A_832 : i32 to index
          %get3A_834 = tpu.vector_load %arg6[%get3A_833] {strides = array<i32>} : memref<24576xi32, #tpu.memory_space<vmem>>, vector<16xi32>,
          %dma_start3A_835 = arith.constant 32 : i32
          %dma_start3A_836 = arith.constant 0 : i32
          %dma_start3A_837 = tpu.memref_slice %arg11[%dma_start3A_835, %dma_start3A_836] : memref<96x64xbf16, #tpu.memory_space<vmem>> -> memref<16x64xbf16, #tpu.memory_space<vmem>>
          %dma_start3A_838 = arith.constant 0 : i32
          %dma_start3A_839 = arith.constant 0 : i32
          %dma_start3A_840 = tpu.memref_slice %arg3[%dma_start3A_838, %dma_start3A_839] : memref<1000000x64xbf16, #tpu.memory_space<hbm>> -> memref<1000000x64xbf16, #tpu.memory_space<hbm>>
          tpu.enqueue_indirect_dma source(%dma_start3A_840 : memref<1000000x64xbf16, #tpu.memory_space<hbm>>) target(%dma_start3A_837 : memref<16x64xbf16, #tpu.memory_space<vmem>>) offsets(%get3A_834 : vector<16xi32>) semaphore(%arg21 : memref<!tpu.dma_semaphore, #tpu.memory_space<semaphore_mem>>)
          %mul3A_841 = arith.constant 96 : i32
          %mul3A_842 = arith.muli %add3A_804, %mul3A_841 : i32
          %add3A_843 = arith.constant 48 : i32
          %add3A_844 = arith.addi %mul3A_842, %add3A_843 : i32
          %get3A_845 = arith.index_cast %add3A_844 : i32 to index
          %get3A_846 = tpu.vector_load %arg6[%get3A_845] {strides = array<i32>} : memref<24576xi32, #tpu.memory_space<vmem>>, vector<16xi32>,
          %dma_start3A_847 = arith.constant 48 : i32
          %dma_start3A_848 = arith.constant 0 : i32
          %dma_start3A_849 = tpu.memref_slice %arg11[%dma_start3A_847, %dma_start3A_848] : memref<96x64xbf16, #tpu.memory_space<vmem>> -> memref<16x64xbf16, #tpu.memory_space<vmem>>
          %dma_start3A_850 = arith.constant 0 : i32
          %dma_start3A_851 = arith.constant 0 : i32
          %dma_start3A_852 = tpu.memref_slice %arg3[%dma_start3A_850, %dma_start3A_851] : memref<1000000x64xbf16, #tpu.memory_space<hbm>> -> memref<1000000x64xbf16, #tpu.memory_space<hbm>>
          tpu.enqueue_indirect_dma source(%dma_start3A_852 : memref<1000000x64xbf16, #tpu.memory_space<hbm>>) target(%dma_start3A_849 : memref<16x64xbf16, #tpu.memory_space<vmem>>) offsets(%get3A_846 : vector<16xi32>) semaphore(%arg21 : memref<!tpu.dma_semaphore, #tpu.memory_space<semaphore_mem>>)
          %mul3A_853 = arith.constant 96 : i32
          %mul3A_854 = arith.muli %add3A_804, %mul3A_853 : i32
          %add3A_855 = arith.constant 64 : i32
          %add3A_856 = arith.addi %mul3A_854, %add3A_855 : i32
          %get3A_857 = arith.index_cast %add3A_856 : i32 to index
          %get3A_858 = tpu.vector_load %arg6[%get3A_857] {strides = array<i32>} : memref<24576xi32, #tpu.memory_space<vmem>>, vector<16xi32>,
          %dma_start3A_859 = arith.constant 64 : i32
          %dma_start3A_860 = arith.constant 0 : i32
          %dma_start3A_861 = tpu.memref_slice %arg11[%dma_start3A_859, %dma_start3A_860] : memref<96x64xbf16, #tpu.memory_space<vmem>> -> memref<16x64xbf16, #tpu.memory_space<vmem>>
          %dma_start3A_862 = arith.constant 0 : i32
          %dma_start3A_863 = arith.constant 0 : i32
          %dma_start3A_864 = tpu.memref_slice %arg3[%dma_start3A_862, %dma_start3A_863] : memref<1000000x64xbf16, #tpu.memory_space<hbm>> -> memref<1000000x64xbf16, #tpu.memory_space<hbm>>
          tpu.enqueue_indirect_dma source(%dma_start3A_864 : memref<1000000x64xbf16, #tpu.memory_space<hbm>>) target(%dma_start3A_861 : memref<16x64xbf16, #tpu.memory_space<vmem>>) offsets(%get3A_858 : vector<16xi32>) semaphore(%arg21 : memref<!tpu.dma_semaphore, #tpu.memory_space<semaphore_mem>>)
          %mul3A_865 = arith.constant 96 : i32
          %mul3A_866 = arith.muli %add3A_804, %mul3A_865 : i32
          %add3A_867 = arith.constant 80 : i32
          %add3A_868 = arith.addi %mul3A_866, %add3A_867 : i32
          %get3A_869 = arith.index_cast %add3A_868 : i32 to index
          %get3A_870 = tpu.vector_load %arg6[%get3A_869] {strides = array<i32>} : memref<24576xi32, #tpu.memory_space<vmem>>, vector<16xi32>,
          %dma_start3A_871 = arith.constant 80 : i32
          %dma_start3A_872 = arith.constant 0 : i32
          %dma_start3A_873 = tpu.memref_slice %arg11[%dma_start3A_871, %dma_start3A_872] : memref<96x64xbf16, #tpu.memory_space<vmem>> -> memref<16x64xbf16, #tpu.memory_space<vmem>>
          %dma_start3A_874 = arith.constant 0 : i32
          %dma_start3A_875 = arith.constant 0 : i32
          %dma_start3A_876 = tpu.memref_slice %arg3[%dma_start3A_874, %dma_start3A_875] : memref<1000000x64xbf16, #tpu.memory_space<hbm>> -> memref<1000000x64xbf16, #tpu.memory_space<hbm>>
          tpu.enqueue_indirect_dma source(%dma_start3A_876 : memref<1000000x64xbf16, #tpu.memory_space<hbm>>) target(%dma_start3A_873 : memref<16x64xbf16, #tpu.memory_space<vmem>>) offsets(%get3A_870 : vector<16xi32>) semaphore(%arg21 : memref<!tpu.dma_semaphore, #tpu.memory_space<semaphore_mem>>)
        } else {
        }
        %mul3A_661 = arith.constant 2 : i32
        %mul3A_662 = arith.muli %mul3A_661, %add3A_635 : i32
        %add3A_663 = arith.constant 1 : i32
        %add3A_664 = arith.addi %mul3A_662, %add3A_663 : i32
        %dma_wait3A_665 = arith.constant 0 : i32
        %dma_wait3A_666 = arith.constant 0 : i32
        %dma_wait3A_667 = tpu.memref_slice %arg3[%dma_wait3A_665, %dma_wait3A_666] : memref<1000000x64xbf16, #tpu.memory_space<hbm>> -> memref<96x64xbf16, #tpu.memory_space<hbm>>
        %dma_wait3A_668 = arith.constant 0 : i32
        %dma_wait3A_669 = arith.constant 0 : i32
        %dma_wait3A_670 = tpu.memref_slice %arg3[%dma_wait3A_668, %dma_wait3A_669] : memref<1000000x64xbf16, #tpu.memory_space<hbm>> -> memref<96x64xbf16, #tpu.memory_space<hbm>>
        tpu.wait_dma2 semaphore(%arg22 : memref<!tpu.dma_semaphore, #tpu.memory_space<semaphore_mem>>) src(%dma_wait3A_670 : memref<96x64xbf16, #tpu.memory_space<hbm>>) dst(%arg12 : memref<96x64xbf16, #tpu.memory_space<vmem>>)
        %scan3A_671 = arith.constant 0 : i32
        %scan3A_672 = arith.constant 42 : i32
        %scan3A_673 = arith.addi %scan3A_671, %scan3A_672 : i32
        %scan3A_674 = arith.constant 6 : i32
        %scan3A_675:8 = scf.for %scan3A_803 = %scan3A_671 to %scan3A_673 step %scan3A_674 iter_args(%scan3A_804 = %scan3A_652#0, %scan3A_805 = %scan3A_652#1, %scan3A_806 = %scan3A_652#2, %scan3A_807 = %scan3A_652#3, %scan3A_808 = %scan3A_652#4, %scan3A_809 = %scan3A_652#5, %scan3A_810 = %scan3A_652#6, %scan3A_811 = %scan3A_652#7) -> (vector<16xf32>, vector<16xf32>, vector<16xf32>, vector<16xf32>, vector<16xf32>, vector<16xf32>, vector<16xf32>, vector<16xf32>)  : i32 {
          %mul3A_812 = arith.constant 2 : i32
          %mul3A_813 = arith.muli %mul3A_812, %scan3A_803 : i32
          %get3A_814 = arith.index_cast %mul3A_813 : i32 to index
          %get3A_815 = arith.constant 0 : index
          %get3A_816 = tpu.vector_load %arg12[%get3A_814, %get3A_815] {strides = array<i32>} : memref<96x64xbf16, #tpu.memory_space<vmem>>, vector<32xbf16>,
          %unpack3A = tpu.unpack_subelements %get3A_816, 0 {pack_format = #tpu.pack_format<interleaved>} : vector<32xbf16> -> vector<16xf32>
          %unpack3A_817 = tpu.unpack_subelements %get3A_816, 1 {pack_format = #tpu.pack_format<interleaved>} : vector<32xbf16> -> vector<16xf32>
          %mul3A_818 = arith.constant 2 : i32
          %mul3A_819 = arith.muli %mul3A_818, %scan3A_803 : i32
          %get3A_820 = arith.index_cast %mul3A_819 : i32 to index
          %get3A_821 = arith.constant 32 : index
          %get3A_822 = tpu.vector_load %arg12[%get3A_820, %get3A_821] {strides = array<i32>} : memref<96x64xbf16, #tpu.memory_space<vmem>>, vector<32xbf16>,
          %unpack3A_823 = tpu.unpack_subelements %get3A_822, 0 {pack_format = #tpu.pack_format<interleaved>} : vector<32xbf16> -> vector<16xf32>
          %unpack3A_824 = tpu.unpack_subelements %get3A_822, 1 {pack_format = #tpu.pack_format<interleaved>} : vector<32xbf16> -> vector<16xf32>
          %mul3A_825 = arith.constant 2 : i32
          %mul3A_826 = arith.muli %mul3A_825, %scan3A_803 : i32
          %add3A_827 = arith.constant 1 : i32
          %add3A_828 = arith.addi %mul3A_826, %add3A_827 : i32
          %get3A_829 = arith.index_cast %add3A_828 : i32 to index
          %get3A_830 = arith.constant 0 : index
          %get3A_831 = tpu.vector_load %arg12[%get3A_829, %get3A_830] {strides = array<i32>} : memref<96x64xbf16, #tpu.memory_space<vmem>>, vector<32xbf16>,
          %unpack3A_832 = tpu.unpack_subelements %get3A_831, 0 {pack_format = #tpu.pack_format<interleaved>} : vector<32xbf16> -> vector<16xf32>
          %unpack3A_833 = tpu.unpack_subelements %get3A_831, 1 {pack_format = #tpu.pack_format<interleaved>} : vector<32xbf16> -> vector<16xf32>
          %mul3A_834 = arith.constant 2 : i32
          %mul3A_835 = arith.muli %mul3A_834, %scan3A_803 : i32
          %add3A_836 = arith.constant 1 : i32
          %add3A_837 = arith.addi %mul3A_835, %add3A_836 : i32
          %get3A_838 = arith.index_cast %add3A_837 : i32 to index
          %get3A_839 = arith.constant 32 : index
          %get3A_840 = tpu.vector_load %arg12[%get3A_838, %get3A_839] {strides = array<i32>} : memref<96x64xbf16, #tpu.memory_space<vmem>>, vector<32xbf16>,
          %unpack3A_841 = tpu.unpack_subelements %get3A_840, 0 {pack_format = #tpu.pack_format<interleaved>} : vector<32xbf16> -> vector<16xf32>
          %unpack3A_842 = tpu.unpack_subelements %get3A_840, 1 {pack_format = #tpu.pack_format<interleaved>} : vector<32xbf16> -> vector<16xf32>
          %add3A_843 = arith.addf %scan3A_804, %unpack3A : vector<16xf32>
          %add3A_844 = arith.addf %scan3A_805, %unpack3A_817 : vector<16xf32>
          %add3A_845 = arith.addf %scan3A_806, %unpack3A_823 : vector<16xf32>
          %add3A_846 = arith.addf %scan3A_807, %unpack3A_824 : vector<16xf32>
          %add3A_847 = arith.addf %scan3A_808, %unpack3A_832 : vector<16xf32>
          %add3A_848 = arith.addf %scan3A_809, %unpack3A_833 : vector<16xf32>
          %add3A_849 = arith.addf %scan3A_810, %unpack3A_841 : vector<16xf32>
          %add3A_850 = arith.addf %scan3A_811, %unpack3A_842 : vector<16xf32>
          %scan3A_851 = arith.constant 1 : i32
          %scan3A_852 = arith.addi %scan3A_803, %scan3A_851 : i32
          %mul3A_853 = arith.constant 2 : i32
          %mul3A_854 = arith.muli %mul3A_853, %scan3A_852 : i32
          %get3A_855 = arith.index_cast %mul3A_854 : i32 to index
          %get3A_856 = arith.constant 0 : index
          %get3A_857 = tpu.vector_load %arg12[%get3A_855, %get3A_856] {strides = array<i32>} : memref<96x64xbf16, #tpu.memory_space<vmem>>, vector<32xbf16>,
          %unpack3A_858 = tpu.unpack_subelements %get3A_857, 0 {pack_format = #tpu.pack_format<interleaved>} : vector<32xbf16> -> vector<16xf32>
          %unpack3A_859 = tpu.unpack_subelements %get3A_857, 1 {pack_format = #tpu.pack_format<interleaved>} : vector<32xbf16> -> vector<16xf32>
          %mul3A_860 = arith.constant 2 : i32
          %mul3A_861 = arith.muli %mul3A_860, %scan3A_852 : i32
          %get3A_862 = arith.index_cast %mul3A_861 : i32 to index
          %get3A_863 = arith.constant 32 : index
          %get3A_864 = tpu.vector_load %arg12[%get3A_862, %get3A_863] {strides = array<i32>} : memref<96x64xbf16, #tpu.memory_space<vmem>>, vector<32xbf16>,
          %unpack3A_865 = tpu.unpack_subelements %get3A_864, 0 {pack_format = #tpu.pack_format<interleaved>} : vector<32xbf16> -> vector<16xf32>
          %unpack3A_866 = tpu.unpack_subelements %get3A_864, 1 {pack_format = #tpu.pack_format<interleaved>} : vector<32xbf16> -> vector<16xf32>
          %mul3A_867 = arith.constant 2 : i32
          %mul3A_868 = arith.muli %mul3A_867, %scan3A_852 : i32
          %add3A_869 = arith.constant 1 : i32
          %add3A_870 = arith.addi %mul3A_868, %add3A_869 : i32
          %get3A_871 = arith.index_cast %add3A_870 : i32 to index
          %get3A_872 = arith.constant 0 : index
          %get3A_873 = tpu.vector_load %arg12[%get3A_871, %get3A_872] {strides = array<i32>} : memref<96x64xbf16, #tpu.memory_space<vmem>>, vector<32xbf16>,
          %unpack3A_874 = tpu.unpack_subelements %get3A_873, 0 {pack_format = #tpu.pack_format<interleaved>} : vector<32xbf16> -> vector<16xf32>
          %unpack3A_875 = tpu.unpack_subelements %get3A_873, 1 {pack_format = #tpu.pack_format<interleaved>} : vector<32xbf16> -> vector<16xf32>
          %mul3A_876 = arith.constant 2 : i32
          %mul3A_877 = arith.muli %mul3A_876, %scan3A_852 : i32
          %add3A_878 = arith.constant 1 : i32
          %add3A_879 = arith.addi %mul3A_877, %add3A_878 : i32
          %get3A_880 = arith.index_cast %add3A_879 : i32 to index
          %get3A_881 = arith.constant 32 : index
          %get3A_882 = tpu.vector_load %arg12[%get3A_880, %get3A_881] {strides = array<i32>} : memref<96x64xbf16, #tpu.memory_space<vmem>>, vector<32xbf16>,
          %unpack3A_883 = tpu.unpack_subelements %get3A_882, 0 {pack_format = #tpu.pack_format<interleaved>} : vector<32xbf16> -> vector<16xf32>
          %unpack3A_884 = tpu.unpack_subelements %get3A_882, 1 {pack_format = #tpu.pack_format<interleaved>} : vector<32xbf16> -> vector<16xf32>
          %add3A_885 = arith.addf %add3A_843, %unpack3A_858 : vector<16xf32>
          %add3A_886 = arith.addf %add3A_844, %unpack3A_859 : vector<16xf32>
          %add3A_887 = arith.addf %add3A_845, %unpack3A_865 : vector<16xf32>
          %add3A_888 = arith.addf %add3A_846, %unpack3A_866 : vector<16xf32>
          %add3A_889 = arith.addf %add3A_847, %unpack3A_874 : vector<16xf32>
          %add3A_890 = arith.addf %add3A_848, %unpack3A_875 : vector<16xf32>
          %add3A_891 = arith.addf %add3A_849, %unpack3A_883 : vector<16xf32>
          %add3A_892 = arith.addf %add3A_850, %unpack3A_884 : vector<16xf32>
          %scan3A_893 = arith.constant 2 : i32
          %scan3A_894 = arith.addi %scan3A_803, %scan3A_893 : i32
          %mul3A_895 = arith.constant 2 : i32
          %mul3A_896 = arith.muli %mul3A_895, %scan3A_894 : i32
          %get3A_897 = arith.index_cast %mul3A_896 : i32 to index
          %get3A_898 = arith.constant 0 : index
          %get3A_899 = tpu.vector_load %arg12[%get3A_897, %get3A_898] {strides = array<i32>} : memref<96x64xbf16, #tpu.memory_space<vmem>>, vector<32xbf16>,
          %unpack3A_900 = tpu.unpack_subelements %get3A_899, 0 {pack_format = #tpu.pack_format<interleaved>} : vector<32xbf16> -> vector<16xf32>
          %unpack3A_901 = tpu.unpack_subelements %get3A_899, 1 {pack_format = #tpu.pack_format<interleaved>} : vector<32xbf16> -> vector<16xf32>
          %mul3A_902 = arith.constant 2 : i32
          %mul3A_903 = arith.muli %mul3A_902, %scan3A_894 : i32
          %get3A_904 = arith.index_cast %mul3A_903 : i32 to index
          %get3A_905 = arith.constant 32 : index
          %get3A_906 = tpu.vector_load %arg12[%get3A_904, %get3A_905] {strides = array<i32>} : memref<96x64xbf16, #tpu.memory_space<vmem>>, vector<32xbf16>,
          %unpack3A_907 = tpu.unpack_subelements %get3A_906, 0 {pack_format = #tpu.pack_format<interleaved>} : vector<32xbf16> -> vector<16xf32>
          %unpack3A_908 = tpu.unpack_subelements %get3A_906, 1 {pack_format = #tpu.pack_format<interleaved>} : vector<32xbf16> -> vector<16xf32>
          %mul3A_909 = arith.constant 2 : i32
          %mul3A_910 = arith.muli %mul3A_909, %scan3A_894 : i32
          %add3A_911 = arith.constant 1 : i32
          %add3A_912 = arith.addi %mul3A_910, %add3A_911 : i32
          %get3A_913 = arith.index_cast %add3A_912 : i32 to index
          %get3A_914 = arith.constant 0 : index
          %get3A_915 = tpu.vector_load %arg12[%get3A_913, %get3A_914] {strides = array<i32>} : memref<96x64xbf16, #tpu.memory_space<vmem>>, vector<32xbf16>,
          %unpack3A_916 = tpu.unpack_subelements %get3A_915, 0 {pack_format = #tpu.pack_format<interleaved>} : vector<32xbf16> -> vector<16xf32>
          %unpack3A_917 = tpu.unpack_subelements %get3A_915, 1 {pack_format = #tpu.pack_format<interleaved>} : vector<32xbf16> -> vector<16xf32>
          %mul3A_918 = arith.constant 2 : i32
          %mul3A_919 = arith.muli %mul3A_918, %scan3A_894 : i32
          %add3A_920 = arith.constant 1 : i32
          %add3A_921 = arith.addi %mul3A_919, %add3A_920 : i32
          %get3A_922 = arith.index_cast %add3A_921 : i32 to index
          %get3A_923 = arith.constant 32 : index
          %get3A_924 = tpu.vector_load %arg12[%get3A_922, %get3A_923] {strides = array<i32>} : memref<96x64xbf16, #tpu.memory_space<vmem>>, vector<32xbf16>,
          %unpack3A_925 = tpu.unpack_subelements %get3A_924, 0 {pack_format = #tpu.pack_format<interleaved>} : vector<32xbf16> -> vector<16xf32>
          %unpack3A_926 = tpu.unpack_subelements %get3A_924, 1 {pack_format = #tpu.pack_format<interleaved>} : vector<32xbf16> -> vector<16xf32>
          %add3A_927 = arith.addf %add3A_885, %unpack3A_900 : vector<16xf32>
          %add3A_928 = arith.addf %add3A_886, %unpack3A_901 : vector<16xf32>
          %add3A_929 = arith.addf %add3A_887, %unpack3A_907 : vector<16xf32>
          %add3A_930 = arith.addf %add3A_888, %unpack3A_908 : vector<16xf32>
          %add3A_931 = arith.addf %add3A_889, %unpack3A_916 : vector<16xf32>
          %add3A_932 = arith.addf %add3A_890, %unpack3A_917 : vector<16xf32>
          %add3A_933 = arith.addf %add3A_891, %unpack3A_925 : vector<16xf32>
          %add3A_934 = arith.addf %add3A_892, %unpack3A_926 : vector<16xf32>
          %scan3A_935 = arith.constant 3 : i32
          %scan3A_936 = arith.addi %scan3A_803, %scan3A_935 : i32
          %mul3A_937 = arith.constant 2 : i32
          %mul3A_938 = arith.muli %mul3A_937, %scan3A_936 : i32
          %get3A_939 = arith.index_cast %mul3A_938 : i32 to index
          %get3A_940 = arith.constant 0 : index
          %get3A_941 = tpu.vector_load %arg12[%get3A_939, %get3A_940] {strides = array<i32>} : memref<96x64xbf16, #tpu.memory_space<vmem>>, vector<32xbf16>,
          %unpack3A_942 = tpu.unpack_subelements %get3A_941, 0 {pack_format = #tpu.pack_format<interleaved>} : vector<32xbf16> -> vector<16xf32>
          %unpack3A_943 = tpu.unpack_subelements %get3A_941, 1 {pack_format = #tpu.pack_format<interleaved>} : vector<32xbf16> -> vector<16xf32>
          %mul3A_944 = arith.constant 2 : i32
          %mul3A_945 = arith.muli %mul3A_944, %scan3A_936 : i32
          %get3A_946 = arith.index_cast %mul3A_945 : i32 to index
          %get3A_947 = arith.constant 32 : index
          %get3A_948 = tpu.vector_load %arg12[%get3A_946, %get3A_947] {strides = array<i32>} : memref<96x64xbf16, #tpu.memory_space<vmem>>, vector<32xbf16>,
          %unpack3A_949 = tpu.unpack_subelements %get3A_948, 0 {pack_format = #tpu.pack_format<interleaved>} : vector<32xbf16> -> vector<16xf32>
          %unpack3A_950 = tpu.unpack_subelements %get3A_948, 1 {pack_format = #tpu.pack_format<interleaved>} : vector<32xbf16> -> vector<16xf32>
          %mul3A_951 = arith.constant 2 : i32
          %mul3A_952 = arith.muli %mul3A_951, %scan3A_936 : i32
          %add3A_953 = arith.constant 1 : i32
          %add3A_954 = arith.addi %mul3A_952, %add3A_953 : i32
          %get3A_955 = arith.index_cast %add3A_954 : i32 to index
          %get3A_956 = arith.constant 0 : index
          %get3A_957 = tpu.vector_load %arg12[%get3A_955, %get3A_956] {strides = array<i32>} : memref<96x64xbf16, #tpu.memory_space<vmem>>, vector<32xbf16>,
          %unpack3A_958 = tpu.unpack_subelements %get3A_957, 0 {pack_format = #tpu.pack_format<interleaved>} : vector<32xbf16> -> vector<16xf32>
          %unpack3A_959 = tpu.unpack_subelements %get3A_957, 1 {pack_format = #tpu.pack_format<interleaved>} : vector<32xbf16> -> vector<16xf32>
          %mul3A_960 = arith.constant 2 : i32
          %mul3A_961 = arith.muli %mul3A_960, %scan3A_936 : i32
          %add3A_962 = arith.constant 1 : i32
          %add3A_963 = arith.addi %mul3A_961, %add3A_962 : i32
          %get3A_964 = arith.index_cast %add3A_963 : i32 to index
          %get3A_965 = arith.constant 32 : index
          %get3A_966 = tpu.vector_load %arg12[%get3A_964, %get3A_965] {strides = array<i32>} : memref<96x64xbf16, #tpu.memory_space<vmem>>, vector<32xbf16>,
          %unpack3A_967 = tpu.unpack_subelements %get3A_966, 0 {pack_format = #tpu.pack_format<interleaved>} : vector<32xbf16> -> vector<16xf32>
          %unpack3A_968 = tpu.unpack_subelements %get3A_966, 1 {pack_format = #tpu.pack_format<interleaved>} : vector<32xbf16> -> vector<16xf32>
          %add3A_969 = arith.addf %add3A_927, %unpack3A_942 : vector<16xf32>
          %add3A_970 = arith.addf %add3A_928, %unpack3A_943 : vector<16xf32>
          %add3A_971 = arith.addf %add3A_929, %unpack3A_949 : vector<16xf32>
          %add3A_972 = arith.addf %add3A_930, %unpack3A_950 : vector<16xf32>
          %add3A_973 = arith.addf %add3A_931, %unpack3A_958 : vector<16xf32>
          %add3A_974 = arith.addf %add3A_932, %unpack3A_959 : vector<16xf32>
          %add3A_975 = arith.addf %add3A_933, %unpack3A_967 : vector<16xf32>
          %add3A_976 = arith.addf %add3A_934, %unpack3A_968 : vector<16xf32>
          %scan3A_977 = arith.constant 4 : i32
          %scan3A_978 = arith.addi %scan3A_803, %scan3A_977 : i32
          %mul3A_979 = arith.constant 2 : i32
          %mul3A_980 = arith.muli %mul3A_979, %scan3A_978 : i32
          %get3A_981 = arith.index_cast %mul3A_980 : i32 to index
          %get3A_982 = arith.constant 0 : index
          %get3A_983 = tpu.vector_load %arg12[%get3A_981, %get3A_982] {strides = array<i32>} : memref<96x64xbf16, #tpu.memory_space<vmem>>, vector<32xbf16>,
          %unpack3A_984 = tpu.unpack_subelements %get3A_983, 0 {pack_format = #tpu.pack_format<interleaved>} : vector<32xbf16> -> vector<16xf32>
          %unpack3A_985 = tpu.unpack_subelements %get3A_983, 1 {pack_format = #tpu.pack_format<interleaved>} : vector<32xbf16> -> vector<16xf32>
          %mul3A_986 = arith.constant 2 : i32
          %mul3A_987 = arith.muli %mul3A_986, %scan3A_978 : i32
          %get3A_988 = arith.index_cast %mul3A_987 : i32 to index
          %get3A_989 = arith.constant 32 : index
          %get3A_990 = tpu.vector_load %arg12[%get3A_988, %get3A_989] {strides = array<i32>} : memref<96x64xbf16, #tpu.memory_space<vmem>>, vector<32xbf16>,
          %unpack3A_991 = tpu.unpack_subelements %get3A_990, 0 {pack_format = #tpu.pack_format<interleaved>} : vector<32xbf16> -> vector<16xf32>
          %unpack3A_992 = tpu.unpack_subelements %get3A_990, 1 {pack_format = #tpu.pack_format<interleaved>} : vector<32xbf16> -> vector<16xf32>
          %mul3A_993 = arith.constant 2 : i32
          %mul3A_994 = arith.muli %mul3A_993, %scan3A_978 : i32
          %add3A_995 = arith.constant 1 : i32
          %add3A_996 = arith.addi %mul3A_994, %add3A_995 : i32
          %get3A_997 = arith.index_cast %add3A_996 : i32 to index
          %get3A_998 = arith.constant 0 : index
          %get3A_999 = tpu.vector_load %arg12[%get3A_997, %get3A_998] {strides = array<i32>} : memref<96x64xbf16, #tpu.memory_space<vmem>>, vector<32xbf16>,
          %unpack3A_1000 = tpu.unpack_subelements %get3A_999, 0 {pack_format = #tpu.pack_format<interleaved>} : vector<32xbf16> -> vector<16xf32>
          %unpack3A_1001 = tpu.unpack_subelements %get3A_999, 1 {pack_format = #tpu.pack_format<interleaved>} : vector<32xbf16> -> vector<16xf32>
          %mul3A_1002 = arith.constant 2 : i32
          %mul3A_1003 = arith.muli %mul3A_1002, %scan3A_978 : i32
          %add3A_1004 = arith.constant 1 : i32
          %add3A_1005 = arith.addi %mul3A_1003, %add3A_1004 : i32
          %get3A_1006 = arith.index_cast %add3A_1005 : i32 to index
          %get3A_1007 = arith.constant 32 : index
          %get3A_1008 = tpu.vector_load %arg12[%get3A_1006, %get3A_1007] {strides = array<i32>} : memref<96x64xbf16, #tpu.memory_space<vmem>>, vector<32xbf16>,
          %unpack3A_1009 = tpu.unpack_subelements %get3A_1008, 0 {pack_format = #tpu.pack_format<interleaved>} : vector<32xbf16> -> vector<16xf32>
          %unpack3A_1010 = tpu.unpack_subelements %get3A_1008, 1 {pack_format = #tpu.pack_format<interleaved>} : vector<32xbf16> -> vector<16xf32>
          %add3A_1011 = arith.addf %add3A_969, %unpack3A_984 : vector<16xf32>
          %add3A_1012 = arith.addf %add3A_970, %unpack3A_985 : vector<16xf32>
          %add3A_1013 = arith.addf %add3A_971, %unpack3A_991 : vector<16xf32>
          %add3A_1014 = arith.addf %add3A_972, %unpack3A_992 : vector<16xf32>
          %add3A_1015 = arith.addf %add3A_973, %unpack3A_1000 : vector<16xf32>
          %add3A_1016 = arith.addf %add3A_974, %unpack3A_1001 : vector<16xf32>
          %add3A_1017 = arith.addf %add3A_975, %unpack3A_1009 : vector<16xf32>
          %add3A_1018 = arith.addf %add3A_976, %unpack3A_1010 : vector<16xf32>
          %scan3A_1019 = arith.constant 5 : i32
          %scan3A_1020 = arith.addi %scan3A_803, %scan3A_1019 : i32
          %mul3A_1021 = arith.constant 2 : i32
          %mul3A_1022 = arith.muli %mul3A_1021, %scan3A_1020 : i32
          %get3A_1023 = arith.index_cast %mul3A_1022 : i32 to index
          %get3A_1024 = arith.constant 0 : index
          %get3A_1025 = tpu.vector_load %arg12[%get3A_1023, %get3A_1024] {strides = array<i32>} : memref<96x64xbf16, #tpu.memory_space<vmem>>, vector<32xbf16>,
          %unpack3A_1026 = tpu.unpack_subelements %get3A_1025, 0 {pack_format = #tpu.pack_format<interleaved>} : vector<32xbf16> -> vector<16xf32>
          %unpack3A_1027 = tpu.unpack_subelements %get3A_1025, 1 {pack_format = #tpu.pack_format<interleaved>} : vector<32xbf16> -> vector<16xf32>
          %mul3A_1028 = arith.constant 2 : i32
          %mul3A_1029 = arith.muli %mul3A_1028, %scan3A_1020 : i32
          %get3A_1030 = arith.index_cast %mul3A_1029 : i32 to index
          %get3A_1031 = arith.constant 32 : index
          %get3A_1032 = tpu.vector_load %arg12[%get3A_1030, %get3A_1031] {strides = array<i32>} : memref<96x64xbf16, #tpu.memory_space<vmem>>, vector<32xbf16>,
          %unpack3A_1033 = tpu.unpack_subelements %get3A_1032, 0 {pack_format = #tpu.pack_format<interleaved>} : vector<32xbf16> -> vector<16xf32>
          %unpack3A_1034 = tpu.unpack_subelements %get3A_1032, 1 {pack_format = #tpu.pack_format<interleaved>} : vector<32xbf16> -> vector<16xf32>
          %mul3A_1035 = arith.constant 2 : i32
          %mul3A_1036 = arith.muli %mul3A_1035, %scan3A_1020 : i32
          %add3A_1037 = arith.constant 1 : i32
          %add3A_1038 = arith.addi %mul3A_1036, %add3A_1037 : i32
          %get3A_1039 = arith.index_cast %add3A_1038 : i32 to index
          %get3A_1040 = arith.constant 0 : index
          %get3A_1041 = tpu.vector_load %arg12[%get3A_1039, %get3A_1040] {strides = array<i32>} : memref<96x64xbf16, #tpu.memory_space<vmem>>, vector<32xbf16>,
          %unpack3A_1042 = tpu.unpack_subelements %get3A_1041, 0 {pack_format = #tpu.pack_format<interleaved>} : vector<32xbf16> -> vector<16xf32>
          %unpack3A_1043 = tpu.unpack_subelements %get3A_1041, 1 {pack_format = #tpu.pack_format<interleaved>} : vector<32xbf16> -> vector<16xf32>
          %mul3A_1044 = arith.constant 2 : i32
          %mul3A_1045 = arith.muli %mul3A_1044, %scan3A_1020 : i32
          %add3A_1046 = arith.constant 1 : i32
          %add3A_1047 = arith.addi %mul3A_1045, %add3A_1046 : i32
          %get3A_1048 = arith.index_cast %add3A_1047 : i32 to index
          %get3A_1049 = arith.constant 32 : index
          %get3A_1050 = tpu.vector_load %arg12[%get3A_1048, %get3A_1049] {strides = array<i32>} : memref<96x64xbf16, #tpu.memory_space<vmem>>, vector<32xbf16>,
          %unpack3A_1051 = tpu.unpack_subelements %get3A_1050, 0 {pack_format = #tpu.pack_format<interleaved>} : vector<32xbf16> -> vector<16xf32>
          %unpack3A_1052 = tpu.unpack_subelements %get3A_1050, 1 {pack_format = #tpu.pack_format<interleaved>} : vector<32xbf16> -> vector<16xf32>
          %add3A_1053 = arith.addf %add3A_1011, %unpack3A_1026 : vector<16xf32>
          %add3A_1054 = arith.addf %add3A_1012, %unpack3A_1027 : vector<16xf32>
          %add3A_1055 = arith.addf %add3A_1013, %unpack3A_1033 : vector<16xf32>
          %add3A_1056 = arith.addf %add3A_1014, %unpack3A_1034 : vector<16xf32>
          %add3A_1057 = arith.addf %add3A_1015, %unpack3A_1042 : vector<16xf32>
          %add3A_1058 = arith.addf %add3A_1016, %unpack3A_1043 : vector<16xf32>
          %add3A_1059 = arith.addf %add3A_1017, %unpack3A_1051 : vector<16xf32>
          %add3A_1060 = arith.addf %add3A_1018, %unpack3A_1052 : vector<16xf32>
          scf.yield %add3A_1053, %add3A_1054, %add3A_1055, %add3A_1056, %add3A_1057, %add3A_1058, %add3A_1059, %add3A_1060 : vector<16xf32>, vector<16xf32>, vector<16xf32>, vector<16xf32>, vector<16xf32>, vector<16xf32>, vector<16xf32>, vector<16xf32>
        }
        %scan3A_676 = arith.constant 42 : i32
        %add3A_677 = arith.constant 8 : i32
        %add3A_678 = arith.addi %add3A_664, %add3A_677 : i32
        %lt3A_679 = arith.constant 256 : i32
        %lt3A_680 = arith.cmpi slt, %add3A_678, %lt3A_679 : i32
        %convert_element_type3A_681 = arith.extui %lt3A_680 : i1 to i32
        %cond3A_682 = arith.constant 0 : i32
        %cond3A_683 = arith.cmpi ne, %convert_element_type3A_681, %cond3A_682 : i32
        scf.if %cond3A_683 {
          %add3A_803 = arith.constant 8 : i32
          %add3A_804 = arith.addi %add3A_664, %add3A_803 : i32
          %mul3A_805 = arith.constant 96 : i32
          %mul3A_806 = arith.muli %add3A_804, %mul3A_805 : i32
          %add3A_807 = arith.constant 0 : i32
          %add3A_808 = arith.addi %mul3A_806, %add3A_807 : i32
          %get3A_809 = arith.index_cast %add3A_808 : i32 to index
          %get3A_810 = tpu.vector_load %arg6[%get3A_809] {strides = array<i32>} : memref<24576xi32, #tpu.memory_space<vmem>>, vector<16xi32>,
          %dma_start3A_811 = arith.constant 0 : i32
          %dma_start3A_812 = arith.constant 0 : i32
          %dma_start3A_813 = tpu.memref_slice %arg12[%dma_start3A_811, %dma_start3A_812] : memref<96x64xbf16, #tpu.memory_space<vmem>> -> memref<16x64xbf16, #tpu.memory_space<vmem>>
          %dma_start3A_814 = arith.constant 0 : i32
          %dma_start3A_815 = arith.constant 0 : i32
          %dma_start3A_816 = tpu.memref_slice %arg3[%dma_start3A_814, %dma_start3A_815] : memref<1000000x64xbf16, #tpu.memory_space<hbm>> -> memref<1000000x64xbf16, #tpu.memory_space<hbm>>
          tpu.enqueue_indirect_dma source(%dma_start3A_816 : memref<1000000x64xbf16, #tpu.memory_space<hbm>>) target(%dma_start3A_813 : memref<16x64xbf16, #tpu.memory_space<vmem>>) offsets(%get3A_810 : vector<16xi32>) semaphore(%arg22 : memref<!tpu.dma_semaphore, #tpu.memory_space<semaphore_mem>>)
          %mul3A_817 = arith.constant 96 : i32
          %mul3A_818 = arith.muli %add3A_804, %mul3A_817 : i32
          %add3A_819 = arith.constant 16 : i32
          %add3A_820 = arith.addi %mul3A_818, %add3A_819 : i32
          %get3A_821 = arith.index_cast %add3A_820 : i32 to index
          %get3A_822 = tpu.vector_load %arg6[%get3A_821] {strides = array<i32>} : memref<24576xi32, #tpu.memory_space<vmem>>, vector<16xi32>,
          %dma_start3A_823 = arith.constant 16 : i32
          %dma_start3A_824 = arith.constant 0 : i32
          %dma_start3A_825 = tpu.memref_slice %arg12[%dma_start3A_823, %dma_start3A_824] : memref<96x64xbf16, #tpu.memory_space<vmem>> -> memref<16x64xbf16, #tpu.memory_space<vmem>>
          %dma_start3A_826 = arith.constant 0 : i32
          %dma_start3A_827 = arith.constant 0 : i32
          %dma_start3A_828 = tpu.memref_slice %arg3[%dma_start3A_826, %dma_start3A_827] : memref<1000000x64xbf16, #tpu.memory_space<hbm>> -> memref<1000000x64xbf16, #tpu.memory_space<hbm>>
          tpu.enqueue_indirect_dma source(%dma_start3A_828 : memref<1000000x64xbf16, #tpu.memory_space<hbm>>) target(%dma_start3A_825 : memref<16x64xbf16, #tpu.memory_space<vmem>>) offsets(%get3A_822 : vector<16xi32>) semaphore(%arg22 : memref<!tpu.dma_semaphore, #tpu.memory_space<semaphore_mem>>)
          %mul3A_829 = arith.constant 96 : i32
          %mul3A_830 = arith.muli %add3A_804, %mul3A_829 : i32
          %add3A_831 = arith.constant 32 : i32
          %add3A_832 = arith.addi %mul3A_830, %add3A_831 : i32
          %get3A_833 = arith.index_cast %add3A_832 : i32 to index
          %get3A_834 = tpu.vector_load %arg6[%get3A_833] {strides = array<i32>} : memref<24576xi32, #tpu.memory_space<vmem>>, vector<16xi32>,
          %dma_start3A_835 = arith.constant 32 : i32
          %dma_start3A_836 = arith.constant 0 : i32
          %dma_start3A_837 = tpu.memref_slice %arg12[%dma_start3A_835, %dma_start3A_836] : memref<96x64xbf16, #tpu.memory_space<vmem>> -> memref<16x64xbf16, #tpu.memory_space<vmem>>
          %dma_start3A_838 = arith.constant 0 : i32
          %dma_start3A_839 = arith.constant 0 : i32
          %dma_start3A_840 = tpu.memref_slice %arg3[%dma_start3A_838, %dma_start3A_839] : memref<1000000x64xbf16, #tpu.memory_space<hbm>> -> memref<1000000x64xbf16, #tpu.memory_space<hbm>>
          tpu.enqueue_indirect_dma source(%dma_start3A_840 : memref<1000000x64xbf16, #tpu.memory_space<hbm>>) target(%dma_start3A_837 : memref<16x64xbf16, #tpu.memory_space<vmem>>) offsets(%get3A_834 : vector<16xi32>) semaphore(%arg22 : memref<!tpu.dma_semaphore, #tpu.memory_space<semaphore_mem>>)
          %mul3A_841 = arith.constant 96 : i32
          %mul3A_842 = arith.muli %add3A_804, %mul3A_841 : i32
          %add3A_843 = arith.constant 48 : i32
          %add3A_844 = arith.addi %mul3A_842, %add3A_843 : i32
          %get3A_845 = arith.index_cast %add3A_844 : i32 to index
          %get3A_846 = tpu.vector_load %arg6[%get3A_845] {strides = array<i32>} : memref<24576xi32, #tpu.memory_space<vmem>>, vector<16xi32>,
          %dma_start3A_847 = arith.constant 48 : i32
          %dma_start3A_848 = arith.constant 0 : i32
          %dma_start3A_849 = tpu.memref_slice %arg12[%dma_start3A_847, %dma_start3A_848] : memref<96x64xbf16, #tpu.memory_space<vmem>> -> memref<16x64xbf16, #tpu.memory_space<vmem>>
          %dma_start3A_850 = arith.constant 0 : i32
          %dma_start3A_851 = arith.constant 0 : i32
          %dma_start3A_852 = tpu.memref_slice %arg3[%dma_start3A_850, %dma_start3A_851] : memref<1000000x64xbf16, #tpu.memory_space<hbm>> -> memref<1000000x64xbf16, #tpu.memory_space<hbm>>
          tpu.enqueue_indirect_dma source(%dma_start3A_852 : memref<1000000x64xbf16, #tpu.memory_space<hbm>>) target(%dma_start3A_849 : memref<16x64xbf16, #tpu.memory_space<vmem>>) offsets(%get3A_846 : vector<16xi32>) semaphore(%arg22 : memref<!tpu.dma_semaphore, #tpu.memory_space<semaphore_mem>>)
          %mul3A_853 = arith.constant 96 : i32
          %mul3A_854 = arith.muli %add3A_804, %mul3A_853 : i32
          %add3A_855 = arith.constant 64 : i32
          %add3A_856 = arith.addi %mul3A_854, %add3A_855 : i32
          %get3A_857 = arith.index_cast %add3A_856 : i32 to index
          %get3A_858 = tpu.vector_load %arg6[%get3A_857] {strides = array<i32>} : memref<24576xi32, #tpu.memory_space<vmem>>, vector<16xi32>,
          %dma_start3A_859 = arith.constant 64 : i32
          %dma_start3A_860 = arith.constant 0 : i32
          %dma_start3A_861 = tpu.memref_slice %arg12[%dma_start3A_859, %dma_start3A_860] : memref<96x64xbf16, #tpu.memory_space<vmem>> -> memref<16x64xbf16, #tpu.memory_space<vmem>>
          %dma_start3A_862 = arith.constant 0 : i32
          %dma_start3A_863 = arith.constant 0 : i32
          %dma_start3A_864 = tpu.memref_slice %arg3[%dma_start3A_862, %dma_start3A_863] : memref<1000000x64xbf16, #tpu.memory_space<hbm>> -> memref<1000000x64xbf16, #tpu.memory_space<hbm>>
          tpu.enqueue_indirect_dma source(%dma_start3A_864 : memref<1000000x64xbf16, #tpu.memory_space<hbm>>) target(%dma_start3A_861 : memref<16x64xbf16, #tpu.memory_space<vmem>>) offsets(%get3A_858 : vector<16xi32>) semaphore(%arg22 : memref<!tpu.dma_semaphore, #tpu.memory_space<semaphore_mem>>)
          %mul3A_865 = arith.constant 96 : i32
          %mul3A_866 = arith.muli %add3A_804, %mul3A_865 : i32
          %add3A_867 = arith.constant 80 : i32
          %add3A_868 = arith.addi %mul3A_866, %add3A_867 : i32
          %get3A_869 = arith.index_cast %add3A_868 : i32 to index
          %get3A_870 = tpu.vector_load %arg6[%get3A_869] {strides = array<i32>} : memref<24576xi32, #tpu.memory_space<vmem>>, vector<16xi32>,
          %dma_start3A_871 = arith.constant 80 : i32
          %dma_start3A_872 = arith.constant 0 : i32
          %dma_start3A_873 = tpu.memref_slice %arg12[%dma_start3A_871, %dma_start3A_872] : memref<96x64xbf16, #tpu.memory_space<vmem>> -> memref<16x64xbf16, #tpu.memory_space<vmem>>
          %dma_start3A_874 = arith.constant 0 : i32
          %dma_start3A_875 = arith.constant 0 : i32
          %dma_start3A_876 = tpu.memref_slice %arg3[%dma_start3A_874, %dma_start3A_875] : memref<1000000x64xbf16, #tpu.memory_space<hbm>> -> memref<1000000x64xbf16, #tpu.memory_space<hbm>>
          tpu.enqueue_indirect_dma source(%dma_start3A_876 : memref<1000000x64xbf16, #tpu.memory_space<hbm>>) target(%dma_start3A_873 : memref<16x64xbf16, #tpu.memory_space<vmem>>) offsets(%get3A_870 : vector<16xi32>) semaphore(%arg22 : memref<!tpu.dma_semaphore, #tpu.memory_space<semaphore_mem>>)
        } else {
        }
        %add3A_684 = arith.addf %scan3A_675#0, %scan3A_675#4 : vector<16xf32>
        %add3A_685 = arith.addf %scan3A_675#1, %scan3A_675#5 : vector<16xf32>
        %add3A_686 = arith.addf %scan3A_675#2, %scan3A_675#6 : vector<16xf32>
        %add3A_687 = arith.addf %scan3A_675#3, %scan3A_675#7 : vector<16xf32>
        %mul3A_688 = arith.mulf %add3A_684, %add3A_684 : vector<16xf32>
        %mul3A_689 = arith.mulf %add3A_685, %add3A_685 : vector<16xf32>
        %add3A_690 = arith.addf %mul3A_688, %mul3A_689 : vector<16xf32>
        %mul3A_691 = arith.mulf %add3A_686, %add3A_686 : vector<16xf32>
        %add3A_692 = arith.addf %add3A_690, %mul3A_691 : vector<16xf32>
        %mul3A_693 = arith.mulf %add3A_687, %add3A_687 : vector<16xf32>
        %add3A_694 = arith.addf %add3A_692, %mul3A_693 : vector<16xf32>
        %mul3A_695 = arith.mulf %add3A_684, %get3A_388 : vector<16xf32>
        %mul3A_696 = arith.mulf %add3A_685, %get3A_390 : vector<16xf32>
        %add3A_697 = arith.addf %mul3A_695, %mul3A_696 : vector<16xf32>
        %mul3A_698 = arith.mulf %add3A_686, %get3A_392 : vector<16xf32>
        %add3A_699 = arith.addf %add3A_697, %mul3A_698 : vector<16xf32>
        %mul3A_700 = arith.mulf %add3A_687, %get3A_394 : vector<16xf32>
        %add3A_701 = arith.addf %add3A_699, %mul3A_700 : vector<16xf32>
        %reduce_sum3A_702 = arith.constant true
        %reduce_sum3A_703 = vector.broadcast %reduce_sum3A_702 : i1 to vector<16xi1>
        %reduce_sum3A_704 = tpu.scan <sum>, %add3A_694 masked %reduce_sum3A_703 : vector<16xf32>, vector<16xi1> -> vector<16xf32>
        %reduce_sum3A_705 = vector.extract %reduce_sum3A_704[15] : f32 from vector<16xf32>
        %reduce_sum3A_706 = arith.constant true
        %reduce_sum3A_707 = vector.broadcast %reduce_sum3A_706 : i1 to vector<16xi1>
        %reduce_sum3A_708 = tpu.scan <sum>, %add3A_701 masked %reduce_sum3A_707 : vector<16xf32>, vector<16xi1> -> vector<16xf32>
        %reduce_sum3A_709 = vector.extract %reduce_sum3A_708[15] : f32 from vector<16xf32>
        %eq3A_710 = vector.broadcast %add3A_632 : i32 to vector<16xi32>
        %eq3A_711 = arith.cmpi eq, %iota3A, %eq3A_710 : vector<16xi32>
        %broadcast_in_dim3A_712 = vector.broadcast %reduce_sum3A_705 : f32 to vector<16xf32>
        %select_n3A_713 = arith.select %eq3A_711, %broadcast_in_dim3A_712, %select_n3A_626 : vector<16xi1>, vector<16xf32>
        %broadcast_in_dim3A_714 = vector.broadcast %reduce_sum3A_709 : f32 to vector<16xf32>
        %select_n3A_715 = arith.select %eq3A_711, %broadcast_in_dim3A_714, %select_n3A_628 : vector<16xi1>, vector<16xf32>
        %mul3A_716 = arith.constant 4 : i32
        %mul3A_717 = arith.muli %mul3A_716, %scan3A_459 : i32
        %add3A_718 = arith.constant 3 : i32
        %add3A_719 = arith.addi %mul3A_717, %add3A_718 : i32
        %mul3A_720 = arith.constant 16 : i32
        %mul3A_721 = arith.muli %scan3A_403, %mul3A_720 : i32
        %add3A_722 = arith.addi %mul3A_721, %add3A_719 : i32
        %broadcast_in_dim3A_723 = arith.constant 0.000000e+00 : f32
        %broadcast_in_dim3A_724 = vector.broadcast %broadcast_in_dim3A_723 : f32 to vector<16xf32>
        %mul3A_725 = arith.constant 2 : i32
        %mul3A_726 = arith.muli %mul3A_725, %add3A_722 : i32
        %add3A_727 = arith.constant 0 : i32
        %add3A_728 = arith.addi %mul3A_726, %add3A_727 : i32
        %dma_wait3A_729 = arith.constant 0 : i32
        %dma_wait3A_730 = arith.constant 0 : i32
        %dma_wait3A_731 = tpu.memref_slice %arg3[%dma_wait3A_729, %dma_wait3A_730] : memref<1000000x64xbf16, #tpu.memory_space<hbm>> -> memref<96x64xbf16, #tpu.memory_space<hbm>>
        %dma_wait3A_732 = arith.constant 0 : i32
        %dma_wait3A_733 = arith.constant 0 : i32
        %dma_wait3A_734 = tpu.memref_slice %arg3[%dma_wait3A_732, %dma_wait3A_733] : memref<1000000x64xbf16, #tpu.memory_space<hbm>> -> memref<96x64xbf16, #tpu.memory_space<hbm>>
        tpu.wait_dma2 semaphore(%arg23 : memref<!tpu.dma_semaphore, #tpu.memory_space<semaphore_mem>>) src(%dma_wait3A_734 : memref<96x64xbf16, #tpu.memory_space<hbm>>) dst(%arg13 : memref<96x64xbf16, #tpu.memory_space<vmem>>)
        %scan3A_735 = arith.constant 0 : i32
        %scan3A_736 = arith.constant 48 : i32
        %scan3A_737 = arith.addi %scan3A_735, %scan3A_736 : i32
        %scan3A_738 = arith.constant 6 : i32
        %scan3A_739:8 = scf.for %scan3A_803 = %scan3A_735 to %scan3A_737 step %scan3A_738 iter_args(%scan3A_804 = %broadcast_in_dim3A_724, %scan3A_805 = %broadcast_in_dim3A_724, %scan3A_806 = %broadcast_in_dim3A_724, %scan3A_807 = %broadcast_in_dim3A_724, %scan3A_808 = %broadcast_in_dim3A_724, %scan3A_809 = %broadcast_in_dim3A_724, %scan3A_810 = %broadcast_in_dim3A_724, %scan3A_811 = %broadcast_in_dim3A_724) -> (vector<16xf32>, vector<16xf32>, vector<16xf32>, vector<16xf32>, vector<16xf32>, vector<16xf32>, vector<16xf32>, vector<16xf32>)  : i32 {
          %mul3A_812 = arith.constant 2 : i32
          %mul3A_813 = arith.muli %mul3A_812, %scan3A_803 : i32
          %get3A_814 = arith.index_cast %mul3A_813 : i32 to index
          %get3A_815 = arith.constant 0 : index
          %get3A_816 = tpu.vector_load %arg13[%get3A_814, %get3A_815] {strides = array<i32>} : memref<96x64xbf16, #tpu.memory_space<vmem>>, vector<32xbf16>,
          %unpack3A = tpu.unpack_subelements %get3A_816, 0 {pack_format = #tpu.pack_format<interleaved>} : vector<32xbf16> -> vector<16xf32>
          %unpack3A_817 = tpu.unpack_subelements %get3A_816, 1 {pack_format = #tpu.pack_format<interleaved>} : vector<32xbf16> -> vector<16xf32>
          %mul3A_818 = arith.constant 2 : i32
          %mul3A_819 = arith.muli %mul3A_818, %scan3A_803 : i32
          %get3A_820 = arith.index_cast %mul3A_819 : i32 to index
          %get3A_821 = arith.constant 32 : index
          %get3A_822 = tpu.vector_load %arg13[%get3A_820, %get3A_821] {strides = array<i32>} : memref<96x64xbf16, #tpu.memory_space<vmem>>, vector<32xbf16>,
          %unpack3A_823 = tpu.unpack_subelements %get3A_822, 0 {pack_format = #tpu.pack_format<interleaved>} : vector<32xbf16> -> vector<16xf32>
          %unpack3A_824 = tpu.unpack_subelements %get3A_822, 1 {pack_format = #tpu.pack_format<interleaved>} : vector<32xbf16> -> vector<16xf32>
          %mul3A_825 = arith.constant 2 : i32
          %mul3A_826 = arith.muli %mul3A_825, %scan3A_803 : i32
          %add3A_827 = arith.constant 1 : i32
          %add3A_828 = arith.addi %mul3A_826, %add3A_827 : i32
          %get3A_829 = arith.index_cast %add3A_828 : i32 to index
          %get3A_830 = arith.constant 0 : index
          %get3A_831 = tpu.vector_load %arg13[%get3A_829, %get3A_830] {strides = array<i32>} : memref<96x64xbf16, #tpu.memory_space<vmem>>, vector<32xbf16>,
          %unpack3A_832 = tpu.unpack_subelements %get3A_831, 0 {pack_format = #tpu.pack_format<interleaved>} : vector<32xbf16> -> vector<16xf32>
          %unpack3A_833 = tpu.unpack_subelements %get3A_831, 1 {pack_format = #tpu.pack_format<interleaved>} : vector<32xbf16> -> vector<16xf32>
          %mul3A_834 = arith.constant 2 : i32
          %mul3A_835 = arith.muli %mul3A_834, %scan3A_803 : i32
          %add3A_836 = arith.constant 1 : i32
          %add3A_837 = arith.addi %mul3A_835, %add3A_836 : i32
          %get3A_838 = arith.index_cast %add3A_837 : i32 to index
          %get3A_839 = arith.constant 32 : index
          %get3A_840 = tpu.vector_load %arg13[%get3A_838, %get3A_839] {strides = array<i32>} : memref<96x64xbf16, #tpu.memory_space<vmem>>, vector<32xbf16>,
          %unpack3A_841 = tpu.unpack_subelements %get3A_840, 0 {pack_format = #tpu.pack_format<interleaved>} : vector<32xbf16> -> vector<16xf32>
          %unpack3A_842 = tpu.unpack_subelements %get3A_840, 1 {pack_format = #tpu.pack_format<interleaved>} : vector<32xbf16> -> vector<16xf32>
          %add3A_843 = arith.addf %scan3A_804, %unpack3A : vector<16xf32>
          %add3A_844 = arith.addf %scan3A_805, %unpack3A_817 : vector<16xf32>
          %add3A_845 = arith.addf %scan3A_806, %unpack3A_823 : vector<16xf32>
          %add3A_846 = arith.addf %scan3A_807, %unpack3A_824 : vector<16xf32>
          %add3A_847 = arith.addf %scan3A_808, %unpack3A_832 : vector<16xf32>
          %add3A_848 = arith.addf %scan3A_809, %unpack3A_833 : vector<16xf32>
          %add3A_849 = arith.addf %scan3A_810, %unpack3A_841 : vector<16xf32>
          %add3A_850 = arith.addf %scan3A_811, %unpack3A_842 : vector<16xf32>
          %scan3A_851 = arith.constant 1 : i32
          %scan3A_852 = arith.addi %scan3A_803, %scan3A_851 : i32
          %mul3A_853 = arith.constant 2 : i32
          %mul3A_854 = arith.muli %mul3A_853, %scan3A_852 : i32
          %get3A_855 = arith.index_cast %mul3A_854 : i32 to index
          %get3A_856 = arith.constant 0 : index
          %get3A_857 = tpu.vector_load %arg13[%get3A_855, %get3A_856] {strides = array<i32>} : memref<96x64xbf16, #tpu.memory_space<vmem>>, vector<32xbf16>,
          %unpack3A_858 = tpu.unpack_subelements %get3A_857, 0 {pack_format = #tpu.pack_format<interleaved>} : vector<32xbf16> -> vector<16xf32>
          %unpack3A_859 = tpu.unpack_subelements %get3A_857, 1 {pack_format = #tpu.pack_format<interleaved>} : vector<32xbf16> -> vector<16xf32>
          %mul3A_860 = arith.constant 2 : i32
          %mul3A_861 = arith.muli %mul3A_860, %scan3A_852 : i32
          %get3A_862 = arith.index_cast %mul3A_861 : i32 to index
          %get3A_863 = arith.constant 32 : index
          %get3A_864 = tpu.vector_load %arg13[%get3A_862, %get3A_863] {strides = array<i32>} : memref<96x64xbf16, #tpu.memory_space<vmem>>, vector<32xbf16>,
          %unpack3A_865 = tpu.unpack_subelements %get3A_864, 0 {pack_format = #tpu.pack_format<interleaved>} : vector<32xbf16> -> vector<16xf32>
          %unpack3A_866 = tpu.unpack_subelements %get3A_864, 1 {pack_format = #tpu.pack_format<interleaved>} : vector<32xbf16> -> vector<16xf32>
          %mul3A_867 = arith.constant 2 : i32
          %mul3A_868 = arith.muli %mul3A_867, %scan3A_852 : i32
          %add3A_869 = arith.constant 1 : i32
          %add3A_870 = arith.addi %mul3A_868, %add3A_869 : i32
          %get3A_871 = arith.index_cast %add3A_870 : i32 to index
          %get3A_872 = arith.constant 0 : index
          %get3A_873 = tpu.vector_load %arg13[%get3A_871, %get3A_872] {strides = array<i32>} : memref<96x64xbf16, #tpu.memory_space<vmem>>, vector<32xbf16>,
          %unpack3A_874 = tpu.unpack_subelements %get3A_873, 0 {pack_format = #tpu.pack_format<interleaved>} : vector<32xbf16> -> vector<16xf32>
          %unpack3A_875 = tpu.unpack_subelements %get3A_873, 1 {pack_format = #tpu.pack_format<interleaved>} : vector<32xbf16> -> vector<16xf32>
          %mul3A_876 = arith.constant 2 : i32
          %mul3A_877 = arith.muli %mul3A_876, %scan3A_852 : i32
          %add3A_878 = arith.constant 1 : i32
          %add3A_879 = arith.addi %mul3A_877, %add3A_878 : i32
          %get3A_880 = arith.index_cast %add3A_879 : i32 to index
          %get3A_881 = arith.constant 32 : index
          %get3A_882 = tpu.vector_load %arg13[%get3A_880, %get3A_881] {strides = array<i32>} : memref<96x64xbf16, #tpu.memory_space<vmem>>, vector<32xbf16>,
          %unpack3A_883 = tpu.unpack_subelements %get3A_882, 0 {pack_format = #tpu.pack_format<interleaved>} : vector<32xbf16> -> vector<16xf32>
          %unpack3A_884 = tpu.unpack_subelements %get3A_882, 1 {pack_format = #tpu.pack_format<interleaved>} : vector<32xbf16> -> vector<16xf32>
          %add3A_885 = arith.addf %add3A_843, %unpack3A_858 : vector<16xf32>
          %add3A_886 = arith.addf %add3A_844, %unpack3A_859 : vector<16xf32>
          %add3A_887 = arith.addf %add3A_845, %unpack3A_865 : vector<16xf32>
          %add3A_888 = arith.addf %add3A_846, %unpack3A_866 : vector<16xf32>
          %add3A_889 = arith.addf %add3A_847, %unpack3A_874 : vector<16xf32>
          %add3A_890 = arith.addf %add3A_848, %unpack3A_875 : vector<16xf32>
          %add3A_891 = arith.addf %add3A_849, %unpack3A_883 : vector<16xf32>
          %add3A_892 = arith.addf %add3A_850, %unpack3A_884 : vector<16xf32>
          %scan3A_893 = arith.constant 2 : i32
          %scan3A_894 = arith.addi %scan3A_803, %scan3A_893 : i32
          %mul3A_895 = arith.constant 2 : i32
          %mul3A_896 = arith.muli %mul3A_895, %scan3A_894 : i32
          %get3A_897 = arith.index_cast %mul3A_896 : i32 to index
          %get3A_898 = arith.constant 0 : index
          %get3A_899 = tpu.vector_load %arg13[%get3A_897, %get3A_898] {strides = array<i32>} : memref<96x64xbf16, #tpu.memory_space<vmem>>, vector<32xbf16>,
          %unpack3A_900 = tpu.unpack_subelements %get3A_899, 0 {pack_format = #tpu.pack_format<interleaved>} : vector<32xbf16> -> vector<16xf32>
          %unpack3A_901 = tpu.unpack_subelements %get3A_899, 1 {pack_format = #tpu.pack_format<interleaved>} : vector<32xbf16> -> vector<16xf32>
          %mul3A_902 = arith.constant 2 : i32
          %mul3A_903 = arith.muli %mul3A_902, %scan3A_894 : i32
          %get3A_904 = arith.index_cast %mul3A_903 : i32 to index
          %get3A_905 = arith.constant 32 : index
          %get3A_906 = tpu.vector_load %arg13[%get3A_904, %get3A_905] {strides = array<i32>} : memref<96x64xbf16, #tpu.memory_space<vmem>>, vector<32xbf16>,
          %unpack3A_907 = tpu.unpack_subelements %get3A_906, 0 {pack_format = #tpu.pack_format<interleaved>} : vector<32xbf16> -> vector<16xf32>
          %unpack3A_908 = tpu.unpack_subelements %get3A_906, 1 {pack_format = #tpu.pack_format<interleaved>} : vector<32xbf16> -> vector<16xf32>
          %mul3A_909 = arith.constant 2 : i32
          %mul3A_910 = arith.muli %mul3A_909, %scan3A_894 : i32
          %add3A_911 = arith.constant 1 : i32
          %add3A_912 = arith.addi %mul3A_910, %add3A_911 : i32
          %get3A_913 = arith.index_cast %add3A_912 : i32 to index
          %get3A_914 = arith.constant 0 : index
          %get3A_915 = tpu.vector_load %arg13[%get3A_913, %get3A_914] {strides = array<i32>} : memref<96x64xbf16, #tpu.memory_space<vmem>>, vector<32xbf16>,
          %unpack3A_916 = tpu.unpack_subelements %get3A_915, 0 {pack_format = #tpu.pack_format<interleaved>} : vector<32xbf16> -> vector<16xf32>
          %unpack3A_917 = tpu.unpack_subelements %get3A_915, 1 {pack_format = #tpu.pack_format<interleaved>} : vector<32xbf16> -> vector<16xf32>
          %mul3A_918 = arith.constant 2 : i32
          %mul3A_919 = arith.muli %mul3A_918, %scan3A_894 : i32
          %add3A_920 = arith.constant 1 : i32
          %add3A_921 = arith.addi %mul3A_919, %add3A_920 : i32
          %get3A_922 = arith.index_cast %add3A_921 : i32 to index
          %get3A_923 = arith.constant 32 : index
          %get3A_924 = tpu.vector_load %arg13[%get3A_922, %get3A_923] {strides = array<i32>} : memref<96x64xbf16, #tpu.memory_space<vmem>>, vector<32xbf16>,
          %unpack3A_925 = tpu.unpack_subelements %get3A_924, 0 {pack_format = #tpu.pack_format<interleaved>} : vector<32xbf16> -> vector<16xf32>
          %unpack3A_926 = tpu.unpack_subelements %get3A_924, 1 {pack_format = #tpu.pack_format<interleaved>} : vector<32xbf16> -> vector<16xf32>
          %add3A_927 = arith.addf %add3A_885, %unpack3A_900 : vector<16xf32>
          %add3A_928 = arith.addf %add3A_886, %unpack3A_901 : vector<16xf32>
          %add3A_929 = arith.addf %add3A_887, %unpack3A_907 : vector<16xf32>
          %add3A_930 = arith.addf %add3A_888, %unpack3A_908 : vector<16xf32>
          %add3A_931 = arith.addf %add3A_889, %unpack3A_916 : vector<16xf32>
          %add3A_932 = arith.addf %add3A_890, %unpack3A_917 : vector<16xf32>
          %add3A_933 = arith.addf %add3A_891, %unpack3A_925 : vector<16xf32>
          %add3A_934 = arith.addf %add3A_892, %unpack3A_926 : vector<16xf32>
          %scan3A_935 = arith.constant 3 : i32
          %scan3A_936 = arith.addi %scan3A_803, %scan3A_935 : i32
          %mul3A_937 = arith.constant 2 : i32
          %mul3A_938 = arith.muli %mul3A_937, %scan3A_936 : i32
          %get3A_939 = arith.index_cast %mul3A_938 : i32 to index
          %get3A_940 = arith.constant 0 : index
          %get3A_941 = tpu.vector_load %arg13[%get3A_939, %get3A_940] {strides = array<i32>} : memref<96x64xbf16, #tpu.memory_space<vmem>>, vector<32xbf16>,
          %unpack3A_942 = tpu.unpack_subelements %get3A_941, 0 {pack_format = #tpu.pack_format<interleaved>} : vector<32xbf16> -> vector<16xf32>
          %unpack3A_943 = tpu.unpack_subelements %get3A_941, 1 {pack_format = #tpu.pack_format<interleaved>} : vector<32xbf16> -> vector<16xf32>
          %mul3A_944 = arith.constant 2 : i32
          %mul3A_945 = arith.muli %mul3A_944, %scan3A_936 : i32
          %get3A_946 = arith.index_cast %mul3A_945 : i32 to index
          %get3A_947 = arith.constant 32 : index
          %get3A_948 = tpu.vector_load %arg13[%get3A_946, %get3A_947] {strides = array<i32>} : memref<96x64xbf16, #tpu.memory_space<vmem>>, vector<32xbf16>,
          %unpack3A_949 = tpu.unpack_subelements %get3A_948, 0 {pack_format = #tpu.pack_format<interleaved>} : vector<32xbf16> -> vector<16xf32>
          %unpack3A_950 = tpu.unpack_subelements %get3A_948, 1 {pack_format = #tpu.pack_format<interleaved>} : vector<32xbf16> -> vector<16xf32>
          %mul3A_951 = arith.constant 2 : i32
          %mul3A_952 = arith.muli %mul3A_951, %scan3A_936 : i32
          %add3A_953 = arith.constant 1 : i32
          %add3A_954 = arith.addi %mul3A_952, %add3A_953 : i32
          %get3A_955 = arith.index_cast %add3A_954 : i32 to index
          %get3A_956 = arith.constant 0 : index
          %get3A_957 = tpu.vector_load %arg13[%get3A_955, %get3A_956] {strides = array<i32>} : memref<96x64xbf16, #tpu.memory_space<vmem>>, vector<32xbf16>,
          %unpack3A_958 = tpu.unpack_subelements %get3A_957, 0 {pack_format = #tpu.pack_format<interleaved>} : vector<32xbf16> -> vector<16xf32>
          %unpack3A_959 = tpu.unpack_subelements %get3A_957, 1 {pack_format = #tpu.pack_format<interleaved>} : vector<32xbf16> -> vector<16xf32>
          %mul3A_960 = arith.constant 2 : i32
          %mul3A_961 = arith.muli %mul3A_960, %scan3A_936 : i32
          %add3A_962 = arith.constant 1 : i32
          %add3A_963 = arith.addi %mul3A_961, %add3A_962 : i32
          %get3A_964 = arith.index_cast %add3A_963 : i32 to index
          %get3A_965 = arith.constant 32 : index
          %get3A_966 = tpu.vector_load %arg13[%get3A_964, %get3A_965] {strides = array<i32>} : memref<96x64xbf16, #tpu.memory_space<vmem>>, vector<32xbf16>,
          %unpack3A_967 = tpu.unpack_subelements %get3A_966, 0 {pack_format = #tpu.pack_format<interleaved>} : vector<32xbf16> -> vector<16xf32>
          %unpack3A_968 = tpu.unpack_subelements %get3A_966, 1 {pack_format = #tpu.pack_format<interleaved>} : vector<32xbf16> -> vector<16xf32>
          %add3A_969 = arith.addf %add3A_927, %unpack3A_942 : vector<16xf32>
          %add3A_970 = arith.addf %add3A_928, %unpack3A_943 : vector<16xf32>
          %add3A_971 = arith.addf %add3A_929, %unpack3A_949 : vector<16xf32>
          %add3A_972 = arith.addf %add3A_930, %unpack3A_950 : vector<16xf32>
          %add3A_973 = arith.addf %add3A_931, %unpack3A_958 : vector<16xf32>
          %add3A_974 = arith.addf %add3A_932, %unpack3A_959 : vector<16xf32>
          %add3A_975 = arith.addf %add3A_933, %unpack3A_967 : vector<16xf32>
          %add3A_976 = arith.addf %add3A_934, %unpack3A_968 : vector<16xf32>
          %scan3A_977 = arith.constant 4 : i32
          %scan3A_978 = arith.addi %scan3A_803, %scan3A_977 : i32
          %mul3A_979 = arith.constant 2 : i32
          %mul3A_980 = arith.muli %mul3A_979, %scan3A_978 : i32
          %get3A_981 = arith.index_cast %mul3A_980 : i32 to index
          %get3A_982 = arith.constant 0 : index
          %get3A_983 = tpu.vector_load %arg13[%get3A_981, %get3A_982] {strides = array<i32>} : memref<96x64xbf16, #tpu.memory_space<vmem>>, vector<32xbf16>,
          %unpack3A_984 = tpu.unpack_subelements %get3A_983, 0 {pack_format = #tpu.pack_format<interleaved>} : vector<32xbf16> -> vector<16xf32>
          %unpack3A_985 = tpu.unpack_subelements %get3A_983, 1 {pack_format = #tpu.pack_format<interleaved>} : vector<32xbf16> -> vector<16xf32>
          %mul3A_986 = arith.constant 2 : i32
          %mul3A_987 = arith.muli %mul3A_986, %scan3A_978 : i32
          %get3A_988 = arith.index_cast %mul3A_987 : i32 to index
          %get3A_989 = arith.constant 32 : index
          %get3A_990 = tpu.vector_load %arg13[%get3A_988, %get3A_989] {strides = array<i32>} : memref<96x64xbf16, #tpu.memory_space<vmem>>, vector<32xbf16>,
          %unpack3A_991 = tpu.unpack_subelements %get3A_990, 0 {pack_format = #tpu.pack_format<interleaved>} : vector<32xbf16> -> vector<16xf32>
          %unpack3A_992 = tpu.unpack_subelements %get3A_990, 1 {pack_format = #tpu.pack_format<interleaved>} : vector<32xbf16> -> vector<16xf32>
          %mul3A_993 = arith.constant 2 : i32
          %mul3A_994 = arith.muli %mul3A_993, %scan3A_978 : i32
          %add3A_995 = arith.constant 1 : i32
          %add3A_996 = arith.addi %mul3A_994, %add3A_995 : i32
          %get3A_997 = arith.index_cast %add3A_996 : i32 to index
          %get3A_998 = arith.constant 0 : index
          %get3A_999 = tpu.vector_load %arg13[%get3A_997, %get3A_998] {strides = array<i32>} : memref<96x64xbf16, #tpu.memory_space<vmem>>, vector<32xbf16>,
          %unpack3A_1000 = tpu.unpack_subelements %get3A_999, 0 {pack_format = #tpu.pack_format<interleaved>} : vector<32xbf16> -> vector<16xf32>
          %unpack3A_1001 = tpu.unpack_subelements %get3A_999, 1 {pack_format = #tpu.pack_format<interleaved>} : vector<32xbf16> -> vector<16xf32>
          %mul3A_1002 = arith.constant 2 : i32
          %mul3A_1003 = arith.muli %mul3A_1002, %scan3A_978 : i32
          %add3A_1004 = arith.constant 1 : i32
          %add3A_1005 = arith.addi %mul3A_1003, %add3A_1004 : i32
          %get3A_1006 = arith.index_cast %add3A_1005 : i32 to index
          %get3A_1007 = arith.constant 32 : index
          %get3A_1008 = tpu.vector_load %arg13[%get3A_1006, %get3A_1007] {strides = array<i32>} : memref<96x64xbf16, #tpu.memory_space<vmem>>, vector<32xbf16>,
          %unpack3A_1009 = tpu.unpack_subelements %get3A_1008, 0 {pack_format = #tpu.pack_format<interleaved>} : vector<32xbf16> -> vector<16xf32>
          %unpack3A_1010 = tpu.unpack_subelements %get3A_1008, 1 {pack_format = #tpu.pack_format<interleaved>} : vector<32xbf16> -> vector<16xf32>
          %add3A_1011 = arith.addf %add3A_969, %unpack3A_984 : vector<16xf32>
          %add3A_1012 = arith.addf %add3A_970, %unpack3A_985 : vector<16xf32>
          %add3A_1013 = arith.addf %add3A_971, %unpack3A_991 : vector<16xf32>
          %add3A_1014 = arith.addf %add3A_972, %unpack3A_992 : vector<16xf32>
          %add3A_1015 = arith.addf %add3A_973, %unpack3A_1000 : vector<16xf32>
          %add3A_1016 = arith.addf %add3A_974, %unpack3A_1001 : vector<16xf32>
          %add3A_1017 = arith.addf %add3A_975, %unpack3A_1009 : vector<16xf32>
          %add3A_1018 = arith.addf %add3A_976, %unpack3A_1010 : vector<16xf32>
          %scan3A_1019 = arith.constant 5 : i32
          %scan3A_1020 = arith.addi %scan3A_803, %scan3A_1019 : i32
          %mul3A_1021 = arith.constant 2 : i32
          %mul3A_1022 = arith.muli %mul3A_1021, %scan3A_1020 : i32
          %get3A_1023 = arith.index_cast %mul3A_1022 : i32 to index
          %get3A_1024 = arith.constant 0 : index
          %get3A_1025 = tpu.vector_load %arg13[%get3A_1023, %get3A_1024] {strides = array<i32>} : memref<96x64xbf16, #tpu.memory_space<vmem>>, vector<32xbf16>,
          %unpack3A_1026 = tpu.unpack_subelements %get3A_1025, 0 {pack_format = #tpu.pack_format<interleaved>} : vector<32xbf16> -> vector<16xf32>
          %unpack3A_1027 = tpu.unpack_subelements %get3A_1025, 1 {pack_format = #tpu.pack_format<interleaved>} : vector<32xbf16> -> vector<16xf32>
          %mul3A_1028 = arith.constant 2 : i32
          %mul3A_1029 = arith.muli %mul3A_1028, %scan3A_1020 : i32
          %get3A_1030 = arith.index_cast %mul3A_1029 : i32 to index
          %get3A_1031 = arith.constant 32 : index
          %get3A_1032 = tpu.vector_load %arg13[%get3A_1030, %get3A_1031] {strides = array<i32>} : memref<96x64xbf16, #tpu.memory_space<vmem>>, vector<32xbf16>,
          %unpack3A_1033 = tpu.unpack_subelements %get3A_1032, 0 {pack_format = #tpu.pack_format<interleaved>} : vector<32xbf16> -> vector<16xf32>
          %unpack3A_1034 = tpu.unpack_subelements %get3A_1032, 1 {pack_format = #tpu.pack_format<interleaved>} : vector<32xbf16> -> vector<16xf32>
          %mul3A_1035 = arith.constant 2 : i32
          %mul3A_1036 = arith.muli %mul3A_1035, %scan3A_1020 : i32
          %add3A_1037 = arith.constant 1 : i32
          %add3A_1038 = arith.addi %mul3A_1036, %add3A_1037 : i32
          %get3A_1039 = arith.index_cast %add3A_1038 : i32 to index
          %get3A_1040 = arith.constant 0 : index
          %get3A_1041 = tpu.vector_load %arg13[%get3A_1039, %get3A_1040] {strides = array<i32>} : memref<96x64xbf16, #tpu.memory_space<vmem>>, vector<32xbf16>,
          %unpack3A_1042 = tpu.unpack_subelements %get3A_1041, 0 {pack_format = #tpu.pack_format<interleaved>} : vector<32xbf16> -> vector<16xf32>
          %unpack3A_1043 = tpu.unpack_subelements %get3A_1041, 1 {pack_format = #tpu.pack_format<interleaved>} : vector<32xbf16> -> vector<16xf32>
          %mul3A_1044 = arith.constant 2 : i32
          %mul3A_1045 = arith.muli %mul3A_1044, %scan3A_1020 : i32
          %add3A_1046 = arith.constant 1 : i32
          %add3A_1047 = arith.addi %mul3A_1045, %add3A_1046 : i32
          %get3A_1048 = arith.index_cast %add3A_1047 : i32 to index
          %get3A_1049 = arith.constant 32 : index
          %get3A_1050 = tpu.vector_load %arg13[%get3A_1048, %get3A_1049] {strides = array<i32>} : memref<96x64xbf16, #tpu.memory_space<vmem>>, vector<32xbf16>,
          %unpack3A_1051 = tpu.unpack_subelements %get3A_1050, 0 {pack_format = #tpu.pack_format<interleaved>} : vector<32xbf16> -> vector<16xf32>
          %unpack3A_1052 = tpu.unpack_subelements %get3A_1050, 1 {pack_format = #tpu.pack_format<interleaved>} : vector<32xbf16> -> vector<16xf32>
          %add3A_1053 = arith.addf %add3A_1011, %unpack3A_1026 : vector<16xf32>
          %add3A_1054 = arith.addf %add3A_1012, %unpack3A_1027 : vector<16xf32>
          %add3A_1055 = arith.addf %add3A_1013, %unpack3A_1033 : vector<16xf32>
          %add3A_1056 = arith.addf %add3A_1014, %unpack3A_1034 : vector<16xf32>
          %add3A_1057 = arith.addf %add3A_1015, %unpack3A_1042 : vector<16xf32>
          %add3A_1058 = arith.addf %add3A_1016, %unpack3A_1043 : vector<16xf32>
          %add3A_1059 = arith.addf %add3A_1017, %unpack3A_1051 : vector<16xf32>
          %add3A_1060 = arith.addf %add3A_1018, %unpack3A_1052 : vector<16xf32>
          scf.yield %add3A_1053, %add3A_1054, %add3A_1055, %add3A_1056, %add3A_1057, %add3A_1058, %add3A_1059, %add3A_1060 : vector<16xf32>, vector<16xf32>, vector<16xf32>, vector<16xf32>, vector<16xf32>, vector<16xf32>, vector<16xf32>, vector<16xf32>
        }
        %scan3A_740 = arith.constant 48 : i32
        %add3A_741 = arith.constant 8 : i32
        %add3A_742 = arith.addi %add3A_728, %add3A_741 : i32
        %lt3A_743 = arith.constant 256 : i32
        %lt3A_744 = arith.cmpi slt, %add3A_742, %lt3A_743 : i32
        %convert_element_type3A_745 = arith.extui %lt3A_744 : i1 to i32
        %cond3A_746 = arith.constant 0 : i32
        %cond3A_747 = arith.cmpi ne, %convert_element_type3A_745, %cond3A_746 : i32
        scf.if %cond3A_747 {
          %add3A_803 = arith.constant 8 : i32
          %add3A_804 = arith.addi %add3A_728, %add3A_803 : i32
          %mul3A_805 = arith.constant 96 : i32
          %mul3A_806 = arith.muli %add3A_804, %mul3A_805 : i32
          %add3A_807 = arith.constant 0 : i32
          %add3A_808 = arith.addi %mul3A_806, %add3A_807 : i32
          %get3A_809 = arith.index_cast %add3A_808 : i32 to index
          %get3A_810 = tpu.vector_load %arg6[%get3A_809] {strides = array<i32>} : memref<24576xi32, #tpu.memory_space<vmem>>, vector<16xi32>,
          %dma_start3A_811 = arith.constant 0 : i32
          %dma_start3A_812 = arith.constant 0 : i32
          %dma_start3A_813 = tpu.memref_slice %arg13[%dma_start3A_811, %dma_start3A_812] : memref<96x64xbf16, #tpu.memory_space<vmem>> -> memref<16x64xbf16, #tpu.memory_space<vmem>>
          %dma_start3A_814 = arith.constant 0 : i32
          %dma_start3A_815 = arith.constant 0 : i32
          %dma_start3A_816 = tpu.memref_slice %arg3[%dma_start3A_814, %dma_start3A_815] : memref<1000000x64xbf16, #tpu.memory_space<hbm>> -> memref<1000000x64xbf16, #tpu.memory_space<hbm>>
          tpu.enqueue_indirect_dma source(%dma_start3A_816 : memref<1000000x64xbf16, #tpu.memory_space<hbm>>) target(%dma_start3A_813 : memref<16x64xbf16, #tpu.memory_space<vmem>>) offsets(%get3A_810 : vector<16xi32>) semaphore(%arg23 : memref<!tpu.dma_semaphore, #tpu.memory_space<semaphore_mem>>)
          %mul3A_817 = arith.constant 96 : i32
          %mul3A_818 = arith.muli %add3A_804, %mul3A_817 : i32
          %add3A_819 = arith.constant 16 : i32
          %add3A_820 = arith.addi %mul3A_818, %add3A_819 : i32
          %get3A_821 = arith.index_cast %add3A_820 : i32 to index
          %get3A_822 = tpu.vector_load %arg6[%get3A_821] {strides = array<i32>} : memref<24576xi32, #tpu.memory_space<vmem>>, vector<16xi32>,
          %dma_start3A_823 = arith.constant 16 : i32
          %dma_start3A_824 = arith.constant 0 : i32
          %dma_start3A_825 = tpu.memref_slice %arg13[%dma_start3A_823, %dma_start3A_824] : memref<96x64xbf16, #tpu.memory_space<vmem>> -> memref<16x64xbf16, #tpu.memory_space<vmem>>
          %dma_start3A_826 = arith.constant 0 : i32
          %dma_start3A_827 = arith.constant 0 : i32
          %dma_start3A_828 = tpu.memref_slice %arg3[%dma_start3A_826, %dma_start3A_827] : memref<1000000x64xbf16, #tpu.memory_space<hbm>> -> memref<1000000x64xbf16, #tpu.memory_space<hbm>>
          tpu.enqueue_indirect_dma source(%dma_start3A_828 : memref<1000000x64xbf16, #tpu.memory_space<hbm>>) target(%dma_start3A_825 : memref<16x64xbf16, #tpu.memory_space<vmem>>) offsets(%get3A_822 : vector<16xi32>) semaphore(%arg23 : memref<!tpu.dma_semaphore, #tpu.memory_space<semaphore_mem>>)
          %mul3A_829 = arith.constant 96 : i32
          %mul3A_830 = arith.muli %add3A_804, %mul3A_829 : i32
          %add3A_831 = arith.constant 32 : i32
          %add3A_832 = arith.addi %mul3A_830, %add3A_831 : i32
          %get3A_833 = arith.index_cast %add3A_832 : i32 to index
          %get3A_834 = tpu.vector_load %arg6[%get3A_833] {strides = array<i32>} : memref<24576xi32, #tpu.memory_space<vmem>>, vector<16xi32>,
          %dma_start3A_835 = arith.constant 32 : i32
          %dma_start3A_836 = arith.constant 0 : i32
          %dma_start3A_837 = tpu.memref_slice %arg13[%dma_start3A_835, %dma_start3A_836] : memref<96x64xbf16, #tpu.memory_space<vmem>> -> memref<16x64xbf16, #tpu.memory_space<vmem>>
          %dma_start3A_838 = arith.constant 0 : i32
          %dma_start3A_839 = arith.constant 0 : i32
          %dma_start3A_840 = tpu.memref_slice %arg3[%dma_start3A_838, %dma_start3A_839] : memref<1000000x64xbf16, #tpu.memory_space<hbm>> -> memref<1000000x64xbf16, #tpu.memory_space<hbm>>
          tpu.enqueue_indirect_dma source(%dma_start3A_840 : memref<1000000x64xbf16, #tpu.memory_space<hbm>>) target(%dma_start3A_837 : memref<16x64xbf16, #tpu.memory_space<vmem>>) offsets(%get3A_834 : vector<16xi32>) semaphore(%arg23 : memref<!tpu.dma_semaphore, #tpu.memory_space<semaphore_mem>>)
          %mul3A_841 = arith.constant 96 : i32
          %mul3A_842 = arith.muli %add3A_804, %mul3A_841 : i32
          %add3A_843 = arith.constant 48 : i32
          %add3A_844 = arith.addi %mul3A_842, %add3A_843 : i32
          %get3A_845 = arith.index_cast %add3A_844 : i32 to index
          %get3A_846 = tpu.vector_load %arg6[%get3A_845] {strides = array<i32>} : memref<24576xi32, #tpu.memory_space<vmem>>, vector<16xi32>,
          %dma_start3A_847 = arith.constant 48 : i32
          %dma_start3A_848 = arith.constant 0 : i32
          %dma_start3A_849 = tpu.memref_slice %arg13[%dma_start3A_847, %dma_start3A_848] : memref<96x64xbf16, #tpu.memory_space<vmem>> -> memref<16x64xbf16, #tpu.memory_space<vmem>>
          %dma_start3A_850 = arith.constant 0 : i32
          %dma_start3A_851 = arith.constant 0 : i32
          %dma_start3A_852 = tpu.memref_slice %arg3[%dma_start3A_850, %dma_start3A_851] : memref<1000000x64xbf16, #tpu.memory_space<hbm>> -> memref<1000000x64xbf16, #tpu.memory_space<hbm>>
          tpu.enqueue_indirect_dma source(%dma_start3A_852 : memref<1000000x64xbf16, #tpu.memory_space<hbm>>) target(%dma_start3A_849 : memref<16x64xbf16, #tpu.memory_space<vmem>>) offsets(%get3A_846 : vector<16xi32>) semaphore(%arg23 : memref<!tpu.dma_semaphore, #tpu.memory_space<semaphore_mem>>)
          %mul3A_853 = arith.constant 96 : i32
          %mul3A_854 = arith.muli %add3A_804, %mul3A_853 : i32
          %add3A_855 = arith.constant 64 : i32
          %add3A_856 = arith.addi %mul3A_854, %add3A_855 : i32
          %get3A_857 = arith.index_cast %add3A_856 : i32 to index
          %get3A_858 = tpu.vector_load %arg6[%get3A_857] {strides = array<i32>} : memref<24576xi32, #tpu.memory_space<vmem>>, vector<16xi32>,
          %dma_start3A_859 = arith.constant 64 : i32
          %dma_start3A_860 = arith.constant 0 : i32
          %dma_start3A_861 = tpu.memref_slice %arg13[%dma_start3A_859, %dma_start3A_860] : memref<96x64xbf16, #tpu.memory_space<vmem>> -> memref<16x64xbf16, #tpu.memory_space<vmem>>
          %dma_start3A_862 = arith.constant 0 : i32
          %dma_start3A_863 = arith.constant 0 : i32
          %dma_start3A_864 = tpu.memref_slice %arg3[%dma_start3A_862, %dma_start3A_863] : memref<1000000x64xbf16, #tpu.memory_space<hbm>> -> memref<1000000x64xbf16, #tpu.memory_space<hbm>>
          tpu.enqueue_indirect_dma source(%dma_start3A_864 : memref<1000000x64xbf16, #tpu.memory_space<hbm>>) target(%dma_start3A_861 : memref<16x64xbf16, #tpu.memory_space<vmem>>) offsets(%get3A_858 : vector<16xi32>) semaphore(%arg23 : memref<!tpu.dma_semaphore, #tpu.memory_space<semaphore_mem>>)
          %mul3A_865 = arith.constant 96 : i32
          %mul3A_866 = arith.muli %add3A_804, %mul3A_865 : i32
          %add3A_867 = arith.constant 80 : i32
          %add3A_868 = arith.addi %mul3A_866, %add3A_867 : i32
          %get3A_869 = arith.index_cast %add3A_868 : i32 to index
          %get3A_870 = tpu.vector_load %arg6[%get3A_869] {strides = array<i32>} : memref<24576xi32, #tpu.memory_space<vmem>>, vector<16xi32>,
          %dma_start3A_871 = arith.constant 80 : i32
          %dma_start3A_872 = arith.constant 0 : i32
          %dma_start3A_873 = tpu.memref_slice %arg13[%dma_start3A_871, %dma_start3A_872] : memref<96x64xbf16, #tpu.memory_space<vmem>> -> memref<16x64xbf16, #tpu.memory_space<vmem>>
          %dma_start3A_874 = arith.constant 0 : i32
          %dma_start3A_875 = arith.constant 0 : i32
          %dma_start3A_876 = tpu.memref_slice %arg3[%dma_start3A_874, %dma_start3A_875] : memref<1000000x64xbf16, #tpu.memory_space<hbm>> -> memref<1000000x64xbf16, #tpu.memory_space<hbm>>
          tpu.enqueue_indirect_dma source(%dma_start3A_876 : memref<1000000x64xbf16, #tpu.memory_space<hbm>>) target(%dma_start3A_873 : memref<16x64xbf16, #tpu.memory_space<vmem>>) offsets(%get3A_870 : vector<16xi32>) semaphore(%arg23 : memref<!tpu.dma_semaphore, #tpu.memory_space<semaphore_mem>>)
        } else {
        }
        %mul3A_748 = arith.constant 2 : i32
        %mul3A_749 = arith.muli %mul3A_748, %add3A_722 : i32
        %add3A_750 = arith.constant 1 : i32
        %add3A_751 = arith.addi %mul3A_749, %add3A_750 : i32
        %dma_wait3A_752 = arith.constant 0 : i32
        %dma_wait3A_753 = arith.constant 0 : i32
        %dma_wait3A_754 = tpu.memref_slice %arg3[%dma_wait3A_752, %dma_wait3A_753] : memref<1000000x64xbf16, #tpu.memory_space<hbm>> -> memref<96x64xbf16, #tpu.memory_space<hbm>>
        %dma_wait3A_755 = arith.constant 0 : i32
        %dma_wait3A_756 = arith.constant 0 : i32
        %dma_wait3A_757 = tpu.memref_slice %arg3[%dma_wait3A_755, %dma_wait3A_756] : memref<1000000x64xbf16, #tpu.memory_space<hbm>> -> memref<96x64xbf16, #tpu.memory_space<hbm>>
        tpu.wait_dma2 semaphore(%arg24 : memref<!tpu.dma_semaphore, #tpu.memory_space<semaphore_mem>>) src(%dma_wait3A_757 : memref<96x64xbf16, #tpu.memory_space<hbm>>) dst(%arg14 : memref<96x64xbf16, #tpu.memory_space<vmem>>)
        %scan3A_758 = arith.constant 0 : i32
        %scan3A_759 = arith.constant 42 : i32
        %scan3A_760 = arith.addi %scan3A_758, %scan3A_759 : i32
        %scan3A_761 = arith.constant 6 : i32
        %scan3A_762:8 = scf.for %scan3A_803 = %scan3A_758 to %scan3A_760 step %scan3A_761 iter_args(%scan3A_804 = %scan3A_739#0, %scan3A_805 = %scan3A_739#1, %scan3A_806 = %scan3A_739#2, %scan3A_807 = %scan3A_739#3, %scan3A_808 = %scan3A_739#4, %scan3A_809 = %scan3A_739#5, %scan3A_810 = %scan3A_739#6, %scan3A_811 = %scan3A_739#7) -> (vector<16xf32>, vector<16xf32>, vector<16xf32>, vector<16xf32>, vector<16xf32>, vector<16xf32>, vector<16xf32>, vector<16xf32>)  : i32 {
          %mul3A_812 = arith.constant 2 : i32
          %mul3A_813 = arith.muli %mul3A_812, %scan3A_803 : i32
          %get3A_814 = arith.index_cast %mul3A_813 : i32 to index
          %get3A_815 = arith.constant 0 : index
          %get3A_816 = tpu.vector_load %arg14[%get3A_814, %get3A_815] {strides = array<i32>} : memref<96x64xbf16, #tpu.memory_space<vmem>>, vector<32xbf16>,
          %unpack3A = tpu.unpack_subelements %get3A_816, 0 {pack_format = #tpu.pack_format<interleaved>} : vector<32xbf16> -> vector<16xf32>
          %unpack3A_817 = tpu.unpack_subelements %get3A_816, 1 {pack_format = #tpu.pack_format<interleaved>} : vector<32xbf16> -> vector<16xf32>
          %mul3A_818 = arith.constant 2 : i32
          %mul3A_819 = arith.muli %mul3A_818, %scan3A_803 : i32
          %get3A_820 = arith.index_cast %mul3A_819 : i32 to index
          %get3A_821 = arith.constant 32 : index
          %get3A_822 = tpu.vector_load %arg14[%get3A_820, %get3A_821] {strides = array<i32>} : memref<96x64xbf16, #tpu.memory_space<vmem>>, vector<32xbf16>,
          %unpack3A_823 = tpu.unpack_subelements %get3A_822, 0 {pack_format = #tpu.pack_format<interleaved>} : vector<32xbf16> -> vector<16xf32>
          %unpack3A_824 = tpu.unpack_subelements %get3A_822, 1 {pack_format = #tpu.pack_format<interleaved>} : vector<32xbf16> -> vector<16xf32>
          %mul3A_825 = arith.constant 2 : i32
          %mul3A_826 = arith.muli %mul3A_825, %scan3A_803 : i32
          %add3A_827 = arith.constant 1 : i32
          %add3A_828 = arith.addi %mul3A_826, %add3A_827 : i32
          %get3A_829 = arith.index_cast %add3A_828 : i32 to index
          %get3A_830 = arith.constant 0 : index
          %get3A_831 = tpu.vector_load %arg14[%get3A_829, %get3A_830] {strides = array<i32>} : memref<96x64xbf16, #tpu.memory_space<vmem>>, vector<32xbf16>,
          %unpack3A_832 = tpu.unpack_subelements %get3A_831, 0 {pack_format = #tpu.pack_format<interleaved>} : vector<32xbf16> -> vector<16xf32>
          %unpack3A_833 = tpu.unpack_subelements %get3A_831, 1 {pack_format = #tpu.pack_format<interleaved>} : vector<32xbf16> -> vector<16xf32>
          %mul3A_834 = arith.constant 2 : i32
          %mul3A_835 = arith.muli %mul3A_834, %scan3A_803 : i32
          %add3A_836 = arith.constant 1 : i32
          %add3A_837 = arith.addi %mul3A_835, %add3A_836 : i32
          %get3A_838 = arith.index_cast %add3A_837 : i32 to index
          %get3A_839 = arith.constant 32 : index
          %get3A_840 = tpu.vector_load %arg14[%get3A_838, %get3A_839] {strides = array<i32>} : memref<96x64xbf16, #tpu.memory_space<vmem>>, vector<32xbf16>,
          %unpack3A_841 = tpu.unpack_subelements %get3A_840, 0 {pack_format = #tpu.pack_format<interleaved>} : vector<32xbf16> -> vector<16xf32>
          %unpack3A_842 = tpu.unpack_subelements %get3A_840, 1 {pack_format = #tpu.pack_format<interleaved>} : vector<32xbf16> -> vector<16xf32>
          %add3A_843 = arith.addf %scan3A_804, %unpack3A : vector<16xf32>
          %add3A_844 = arith.addf %scan3A_805, %unpack3A_817 : vector<16xf32>
          %add3A_845 = arith.addf %scan3A_806, %unpack3A_823 : vector<16xf32>
          %add3A_846 = arith.addf %scan3A_807, %unpack3A_824 : vector<16xf32>
          %add3A_847 = arith.addf %scan3A_808, %unpack3A_832 : vector<16xf32>
          %add3A_848 = arith.addf %scan3A_809, %unpack3A_833 : vector<16xf32>
          %add3A_849 = arith.addf %scan3A_810, %unpack3A_841 : vector<16xf32>
          %add3A_850 = arith.addf %scan3A_811, %unpack3A_842 : vector<16xf32>
          %scan3A_851 = arith.constant 1 : i32
          %scan3A_852 = arith.addi %scan3A_803, %scan3A_851 : i32
          %mul3A_853 = arith.constant 2 : i32
          %mul3A_854 = arith.muli %mul3A_853, %scan3A_852 : i32
          %get3A_855 = arith.index_cast %mul3A_854 : i32 to index
          %get3A_856 = arith.constant 0 : index
          %get3A_857 = tpu.vector_load %arg14[%get3A_855, %get3A_856] {strides = array<i32>} : memref<96x64xbf16, #tpu.memory_space<vmem>>, vector<32xbf16>,
          %unpack3A_858 = tpu.unpack_subelements %get3A_857, 0 {pack_format = #tpu.pack_format<interleaved>} : vector<32xbf16> -> vector<16xf32>
          %unpack3A_859 = tpu.unpack_subelements %get3A_857, 1 {pack_format = #tpu.pack_format<interleaved>} : vector<32xbf16> -> vector<16xf32>
          %mul3A_860 = arith.constant 2 : i32
          %mul3A_861 = arith.muli %mul3A_860, %scan3A_852 : i32
          %get3A_862 = arith.index_cast %mul3A_861 : i32 to index
          %get3A_863 = arith.constant 32 : index
          %get3A_864 = tpu.vector_load %arg14[%get3A_862, %get3A_863] {strides = array<i32>} : memref<96x64xbf16, #tpu.memory_space<vmem>>, vector<32xbf16>,
          %unpack3A_865 = tpu.unpack_subelements %get3A_864, 0 {pack_format = #tpu.pack_format<interleaved>} : vector<32xbf16> -> vector<16xf32>
          %unpack3A_866 = tpu.unpack_subelements %get3A_864, 1 {pack_format = #tpu.pack_format<interleaved>} : vector<32xbf16> -> vector<16xf32>
          %mul3A_867 = arith.constant 2 : i32
          %mul3A_868 = arith.muli %mul3A_867, %scan3A_852 : i32
          %add3A_869 = arith.constant 1 : i32
          %add3A_870 = arith.addi %mul3A_868, %add3A_869 : i32
          %get3A_871 = arith.index_cast %add3A_870 : i32 to index
          %get3A_872 = arith.constant 0 : index
          %get3A_873 = tpu.vector_load %arg14[%get3A_871, %get3A_872] {strides = array<i32>} : memref<96x64xbf16, #tpu.memory_space<vmem>>, vector<32xbf16>,
          %unpack3A_874 = tpu.unpack_subelements %get3A_873, 0 {pack_format = #tpu.pack_format<interleaved>} : vector<32xbf16> -> vector<16xf32>
          %unpack3A_875 = tpu.unpack_subelements %get3A_873, 1 {pack_format = #tpu.pack_format<interleaved>} : vector<32xbf16> -> vector<16xf32>
          %mul3A_876 = arith.constant 2 : i32
          %mul3A_877 = arith.muli %mul3A_876, %scan3A_852 : i32
          %add3A_878 = arith.constant 1 : i32
          %add3A_879 = arith.addi %mul3A_877, %add3A_878 : i32
          %get3A_880 = arith.index_cast %add3A_879 : i32 to index
          %get3A_881 = arith.constant 32 : index
          %get3A_882 = tpu.vector_load %arg14[%get3A_880, %get3A_881] {strides = array<i32>} : memref<96x64xbf16, #tpu.memory_space<vmem>>, vector<32xbf16>,
          %unpack3A_883 = tpu.unpack_subelements %get3A_882, 0 {pack_format = #tpu.pack_format<interleaved>} : vector<32xbf16> -> vector<16xf32>
          %unpack3A_884 = tpu.unpack_subelements %get3A_882, 1 {pack_format = #tpu.pack_format<interleaved>} : vector<32xbf16> -> vector<16xf32>
          %add3A_885 = arith.addf %add3A_843, %unpack3A_858 : vector<16xf32>
          %add3A_886 = arith.addf %add3A_844, %unpack3A_859 : vector<16xf32>
          %add3A_887 = arith.addf %add3A_845, %unpack3A_865 : vector<16xf32>
          %add3A_888 = arith.addf %add3A_846, %unpack3A_866 : vector<16xf32>
          %add3A_889 = arith.addf %add3A_847, %unpack3A_874 : vector<16xf32>
          %add3A_890 = arith.addf %add3A_848, %unpack3A_875 : vector<16xf32>
          %add3A_891 = arith.addf %add3A_849, %unpack3A_883 : vector<16xf32>
          %add3A_892 = arith.addf %add3A_850, %unpack3A_884 : vector<16xf32>
          %scan3A_893 = arith.constant 2 : i32
          %scan3A_894 = arith.addi %scan3A_803, %scan3A_893 : i32
          %mul3A_895 = arith.constant 2 : i32
          %mul3A_896 = arith.muli %mul3A_895, %scan3A_894 : i32
          %get3A_897 = arith.index_cast %mul3A_896 : i32 to index
          %get3A_898 = arith.constant 0 : index
          %get3A_899 = tpu.vector_load %arg14[%get3A_897, %get3A_898] {strides = array<i32>} : memref<96x64xbf16, #tpu.memory_space<vmem>>, vector<32xbf16>,
          %unpack3A_900 = tpu.unpack_subelements %get3A_899, 0 {pack_format = #tpu.pack_format<interleaved>} : vector<32xbf16> -> vector<16xf32>
          %unpack3A_901 = tpu.unpack_subelements %get3A_899, 1 {pack_format = #tpu.pack_format<interleaved>} : vector<32xbf16> -> vector<16xf32>
          %mul3A_902 = arith.constant 2 : i32
          %mul3A_903 = arith.muli %mul3A_902, %scan3A_894 : i32
          %get3A_904 = arith.index_cast %mul3A_903 : i32 to index
          %get3A_905 = arith.constant 32 : index
          %get3A_906 = tpu.vector_load %arg14[%get3A_904, %get3A_905] {strides = array<i32>} : memref<96x64xbf16, #tpu.memory_space<vmem>>, vector<32xbf16>,
          %unpack3A_907 = tpu.unpack_subelements %get3A_906, 0 {pack_format = #tpu.pack_format<interleaved>} : vector<32xbf16> -> vector<16xf32>
          %unpack3A_908 = tpu.unpack_subelements %get3A_906, 1 {pack_format = #tpu.pack_format<interleaved>} : vector<32xbf16> -> vector<16xf32>
          %mul3A_909 = arith.constant 2 : i32
          %mul3A_910 = arith.muli %mul3A_909, %scan3A_894 : i32
          %add3A_911 = arith.constant 1 : i32
          %add3A_912 = arith.addi %mul3A_910, %add3A_911 : i32
          %get3A_913 = arith.index_cast %add3A_912 : i32 to index
          %get3A_914 = arith.constant 0 : index
          %get3A_915 = tpu.vector_load %arg14[%get3A_913, %get3A_914] {strides = array<i32>} : memref<96x64xbf16, #tpu.memory_space<vmem>>, vector<32xbf16>,
          %unpack3A_916 = tpu.unpack_subelements %get3A_915, 0 {pack_format = #tpu.pack_format<interleaved>} : vector<32xbf16> -> vector<16xf32>
          %unpack3A_917 = tpu.unpack_subelements %get3A_915, 1 {pack_format = #tpu.pack_format<interleaved>} : vector<32xbf16> -> vector<16xf32>
          %mul3A_918 = arith.constant 2 : i32
          %mul3A_919 = arith.muli %mul3A_918, %scan3A_894 : i32
          %add3A_920 = arith.constant 1 : i32
          %add3A_921 = arith.addi %mul3A_919, %add3A_920 : i32
          %get3A_922 = arith.index_cast %add3A_921 : i32 to index
          %get3A_923 = arith.constant 32 : index
          %get3A_924 = tpu.vector_load %arg14[%get3A_922, %get3A_923] {strides = array<i32>} : memref<96x64xbf16, #tpu.memory_space<vmem>>, vector<32xbf16>,
          %unpack3A_925 = tpu.unpack_subelements %get3A_924, 0 {pack_format = #tpu.pack_format<interleaved>} : vector<32xbf16> -> vector<16xf32>
          %unpack3A_926 = tpu.unpack_subelements %get3A_924, 1 {pack_format = #tpu.pack_format<interleaved>} : vector<32xbf16> -> vector<16xf32>
          %add3A_927 = arith.addf %add3A_885, %unpack3A_900 : vector<16xf32>
          %add3A_928 = arith.addf %add3A_886, %unpack3A_901 : vector<16xf32>
          %add3A_929 = arith.addf %add3A_887, %unpack3A_907 : vector<16xf32>
          %add3A_930 = arith.addf %add3A_888, %unpack3A_908 : vector<16xf32>
          %add3A_931 = arith.addf %add3A_889, %unpack3A_916 : vector<16xf32>
          %add3A_932 = arith.addf %add3A_890, %unpack3A_917 : vector<16xf32>
          %add3A_933 = arith.addf %add3A_891, %unpack3A_925 : vector<16xf32>
          %add3A_934 = arith.addf %add3A_892, %unpack3A_926 : vector<16xf32>
          %scan3A_935 = arith.constant 3 : i32
          %scan3A_936 = arith.addi %scan3A_803, %scan3A_935 : i32
          %mul3A_937 = arith.constant 2 : i32
          %mul3A_938 = arith.muli %mul3A_937, %scan3A_936 : i32
          %get3A_939 = arith.index_cast %mul3A_938 : i32 to index
          %get3A_940 = arith.constant 0 : index
          %get3A_941 = tpu.vector_load %arg14[%get3A_939, %get3A_940] {strides = array<i32>} : memref<96x64xbf16, #tpu.memory_space<vmem>>, vector<32xbf16>,
          %unpack3A_942 = tpu.unpack_subelements %get3A_941, 0 {pack_format = #tpu.pack_format<interleaved>} : vector<32xbf16> -> vector<16xf32>
          %unpack3A_943 = tpu.unpack_subelements %get3A_941, 1 {pack_format = #tpu.pack_format<interleaved>} : vector<32xbf16> -> vector<16xf32>
          %mul3A_944 = arith.constant 2 : i32
          %mul3A_945 = arith.muli %mul3A_944, %scan3A_936 : i32
          %get3A_946 = arith.index_cast %mul3A_945 : i32 to index
          %get3A_947 = arith.constant 32 : index
          %get3A_948 = tpu.vector_load %arg14[%get3A_946, %get3A_947] {strides = array<i32>} : memref<96x64xbf16, #tpu.memory_space<vmem>>, vector<32xbf16>,
          %unpack3A_949 = tpu.unpack_subelements %get3A_948, 0 {pack_format = #tpu.pack_format<interleaved>} : vector<32xbf16> -> vector<16xf32>
          %unpack3A_950 = tpu.unpack_subelements %get3A_948, 1 {pack_format = #tpu.pack_format<interleaved>} : vector<32xbf16> -> vector<16xf32>
          %mul3A_951 = arith.constant 2 : i32
          %mul3A_952 = arith.muli %mul3A_951, %scan3A_936 : i32
          %add3A_953 = arith.constant 1 : i32
          %add3A_954 = arith.addi %mul3A_952, %add3A_953 : i32
          %get3A_955 = arith.index_cast %add3A_954 : i32 to index
          %get3A_956 = arith.constant 0 : index
          %get3A_957 = tpu.vector_load %arg14[%get3A_955, %get3A_956] {strides = array<i32>} : memref<96x64xbf16, #tpu.memory_space<vmem>>, vector<32xbf16>,
          %unpack3A_958 = tpu.unpack_subelements %get3A_957, 0 {pack_format = #tpu.pack_format<interleaved>} : vector<32xbf16> -> vector<16xf32>
          %unpack3A_959 = tpu.unpack_subelements %get3A_957, 1 {pack_format = #tpu.pack_format<interleaved>} : vector<32xbf16> -> vector<16xf32>
          %mul3A_960 = arith.constant 2 : i32
          %mul3A_961 = arith.muli %mul3A_960, %scan3A_936 : i32
          %add3A_962 = arith.constant 1 : i32
          %add3A_963 = arith.addi %mul3A_961, %add3A_962 : i32
          %get3A_964 = arith.index_cast %add3A_963 : i32 to index
          %get3A_965 = arith.constant 32 : index
          %get3A_966 = tpu.vector_load %arg14[%get3A_964, %get3A_965] {strides = array<i32>} : memref<96x64xbf16, #tpu.memory_space<vmem>>, vector<32xbf16>,
          %unpack3A_967 = tpu.unpack_subelements %get3A_966, 0 {pack_format = #tpu.pack_format<interleaved>} : vector<32xbf16> -> vector<16xf32>
          %unpack3A_968 = tpu.unpack_subelements %get3A_966, 1 {pack_format = #tpu.pack_format<interleaved>} : vector<32xbf16> -> vector<16xf32>
          %add3A_969 = arith.addf %add3A_927, %unpack3A_942 : vector<16xf32>
          %add3A_970 = arith.addf %add3A_928, %unpack3A_943 : vector<16xf32>
          %add3A_971 = arith.addf %add3A_929, %unpack3A_949 : vector<16xf32>
          %add3A_972 = arith.addf %add3A_930, %unpack3A_950 : vector<16xf32>
          %add3A_973 = arith.addf %add3A_931, %unpack3A_958 : vector<16xf32>
          %add3A_974 = arith.addf %add3A_932, %unpack3A_959 : vector<16xf32>
          %add3A_975 = arith.addf %add3A_933, %unpack3A_967 : vector<16xf32>
          %add3A_976 = arith.addf %add3A_934, %unpack3A_968 : vector<16xf32>
          %scan3A_977 = arith.constant 4 : i32
          %scan3A_978 = arith.addi %scan3A_803, %scan3A_977 : i32
          %mul3A_979 = arith.constant 2 : i32
          %mul3A_980 = arith.muli %mul3A_979, %scan3A_978 : i32
          %get3A_981 = arith.index_cast %mul3A_980 : i32 to index
          %get3A_982 = arith.constant 0 : index
          %get3A_983 = tpu.vector_load %arg14[%get3A_981, %get3A_982] {strides = array<i32>} : memref<96x64xbf16, #tpu.memory_space<vmem>>, vector<32xbf16>,
          %unpack3A_984 = tpu.unpack_subelements %get3A_983, 0 {pack_format = #tpu.pack_format<interleaved>} : vector<32xbf16> -> vector<16xf32>
          %unpack3A_985 = tpu.unpack_subelements %get3A_983, 1 {pack_format = #tpu.pack_format<interleaved>} : vector<32xbf16> -> vector<16xf32>
          %mul3A_986 = arith.constant 2 : i32
          %mul3A_987 = arith.muli %mul3A_986, %scan3A_978 : i32
          %get3A_988 = arith.index_cast %mul3A_987 : i32 to index
          %get3A_989 = arith.constant 32 : index
          %get3A_990 = tpu.vector_load %arg14[%get3A_988, %get3A_989] {strides = array<i32>} : memref<96x64xbf16, #tpu.memory_space<vmem>>, vector<32xbf16>,
          %unpack3A_991 = tpu.unpack_subelements %get3A_990, 0 {pack_format = #tpu.pack_format<interleaved>} : vector<32xbf16> -> vector<16xf32>
          %unpack3A_992 = tpu.unpack_subelements %get3A_990, 1 {pack_format = #tpu.pack_format<interleaved>} : vector<32xbf16> -> vector<16xf32>
          %mul3A_993 = arith.constant 2 : i32
          %mul3A_994 = arith.muli %mul3A_993, %scan3A_978 : i32
          %add3A_995 = arith.constant 1 : i32
          %add3A_996 = arith.addi %mul3A_994, %add3A_995 : i32
          %get3A_997 = arith.index_cast %add3A_996 : i32 to index
          %get3A_998 = arith.constant 0 : index
          %get3A_999 = tpu.vector_load %arg14[%get3A_997, %get3A_998] {strides = array<i32>} : memref<96x64xbf16, #tpu.memory_space<vmem>>, vector<32xbf16>,
          %unpack3A_1000 = tpu.unpack_subelements %get3A_999, 0 {pack_format = #tpu.pack_format<interleaved>} : vector<32xbf16> -> vector<16xf32>
          %unpack3A_1001 = tpu.unpack_subelements %get3A_999, 1 {pack_format = #tpu.pack_format<interleaved>} : vector<32xbf16> -> vector<16xf32>
          %mul3A_1002 = arith.constant 2 : i32
          %mul3A_1003 = arith.muli %mul3A_1002, %scan3A_978 : i32
          %add3A_1004 = arith.constant 1 : i32
          %add3A_1005 = arith.addi %mul3A_1003, %add3A_1004 : i32
          %get3A_1006 = arith.index_cast %add3A_1005 : i32 to index
          %get3A_1007 = arith.constant 32 : index
          %get3A_1008 = tpu.vector_load %arg14[%get3A_1006, %get3A_1007] {strides = array<i32>} : memref<96x64xbf16, #tpu.memory_space<vmem>>, vector<32xbf16>,
          %unpack3A_1009 = tpu.unpack_subelements %get3A_1008, 0 {pack_format = #tpu.pack_format<interleaved>} : vector<32xbf16> -> vector<16xf32>
          %unpack3A_1010 = tpu.unpack_subelements %get3A_1008, 1 {pack_format = #tpu.pack_format<interleaved>} : vector<32xbf16> -> vector<16xf32>
          %add3A_1011 = arith.addf %add3A_969, %unpack3A_984 : vector<16xf32>
          %add3A_1012 = arith.addf %add3A_970, %unpack3A_985 : vector<16xf32>
          %add3A_1013 = arith.addf %add3A_971, %unpack3A_991 : vector<16xf32>
          %add3A_1014 = arith.addf %add3A_972, %unpack3A_992 : vector<16xf32>
          %add3A_1015 = arith.addf %add3A_973, %unpack3A_1000 : vector<16xf32>
          %add3A_1016 = arith.addf %add3A_974, %unpack3A_1001 : vector<16xf32>
          %add3A_1017 = arith.addf %add3A_975, %unpack3A_1009 : vector<16xf32>
          %add3A_1018 = arith.addf %add3A_976, %unpack3A_1010 : vector<16xf32>
          %scan3A_1019 = arith.constant 5 : i32
          %scan3A_1020 = arith.addi %scan3A_803, %scan3A_1019 : i32
          %mul3A_1021 = arith.constant 2 : i32
          %mul3A_1022 = arith.muli %mul3A_1021, %scan3A_1020 : i32
          %get3A_1023 = arith.index_cast %mul3A_1022 : i32 to index
          %get3A_1024 = arith.constant 0 : index
          %get3A_1025 = tpu.vector_load %arg14[%get3A_1023, %get3A_1024] {strides = array<i32>} : memref<96x64xbf16, #tpu.memory_space<vmem>>, vector<32xbf16>,
          %unpack3A_1026 = tpu.unpack_subelements %get3A_1025, 0 {pack_format = #tpu.pack_format<interleaved>} : vector<32xbf16> -> vector<16xf32>
          %unpack3A_1027 = tpu.unpack_subelements %get3A_1025, 1 {pack_format = #tpu.pack_format<interleaved>} : vector<32xbf16> -> vector<16xf32>
          %mul3A_1028 = arith.constant 2 : i32
          %mul3A_1029 = arith.muli %mul3A_1028, %scan3A_1020 : i32
          %get3A_1030 = arith.index_cast %mul3A_1029 : i32 to index
          %get3A_1031 = arith.constant 32 : index
          %get3A_1032 = tpu.vector_load %arg14[%get3A_1030, %get3A_1031] {strides = array<i32>} : memref<96x64xbf16, #tpu.memory_space<vmem>>, vector<32xbf16>,
          %unpack3A_1033 = tpu.unpack_subelements %get3A_1032, 0 {pack_format = #tpu.pack_format<interleaved>} : vector<32xbf16> -> vector<16xf32>
          %unpack3A_1034 = tpu.unpack_subelements %get3A_1032, 1 {pack_format = #tpu.pack_format<interleaved>} : vector<32xbf16> -> vector<16xf32>
          %mul3A_1035 = arith.constant 2 : i32
          %mul3A_1036 = arith.muli %mul3A_1035, %scan3A_1020 : i32
          %add3A_1037 = arith.constant 1 : i32
          %add3A_1038 = arith.addi %mul3A_1036, %add3A_1037 : i32
          %get3A_1039 = arith.index_cast %add3A_1038 : i32 to index
          %get3A_1040 = arith.constant 0 : index
          %get3A_1041 = tpu.vector_load %arg14[%get3A_1039, %get3A_1040] {strides = array<i32>} : memref<96x64xbf16, #tpu.memory_space<vmem>>, vector<32xbf16>,
          %unpack3A_1042 = tpu.unpack_subelements %get3A_1041, 0 {pack_format = #tpu.pack_format<interleaved>} : vector<32xbf16> -> vector<16xf32>
          %unpack3A_1043 = tpu.unpack_subelements %get3A_1041, 1 {pack_format = #tpu.pack_format<interleaved>} : vector<32xbf16> -> vector<16xf32>
          %mul3A_1044 = arith.constant 2 : i32
          %mul3A_1045 = arith.muli %mul3A_1044, %scan3A_1020 : i32
          %add3A_1046 = arith.constant 1 : i32
          %add3A_1047 = arith.addi %mul3A_1045, %add3A_1046 : i32
          %get3A_1048 = arith.index_cast %add3A_1047 : i32 to index
          %get3A_1049 = arith.constant 32 : index
          %get3A_1050 = tpu.vector_load %arg14[%get3A_1048, %get3A_1049] {strides = array<i32>} : memref<96x64xbf16, #tpu.memory_space<vmem>>, vector<32xbf16>,
          %unpack3A_1051 = tpu.unpack_subelements %get3A_1050, 0 {pack_format = #tpu.pack_format<interleaved>} : vector<32xbf16> -> vector<16xf32>
          %unpack3A_1052 = tpu.unpack_subelements %get3A_1050, 1 {pack_format = #tpu.pack_format<interleaved>} : vector<32xbf16> -> vector<16xf32>
          %add3A_1053 = arith.addf %add3A_1011, %unpack3A_1026 : vector<16xf32>
          %add3A_1054 = arith.addf %add3A_1012, %unpack3A_1027 : vector<16xf32>
          %add3A_1055 = arith.addf %add3A_1013, %unpack3A_1033 : vector<16xf32>
          %add3A_1056 = arith.addf %add3A_1014, %unpack3A_1034 : vector<16xf32>
          %add3A_1057 = arith.addf %add3A_1015, %unpack3A_1042 : vector<16xf32>
          %add3A_1058 = arith.addf %add3A_1016, %unpack3A_1043 : vector<16xf32>
          %add3A_1059 = arith.addf %add3A_1017, %unpack3A_1051 : vector<16xf32>
          %add3A_1060 = arith.addf %add3A_1018, %unpack3A_1052 : vector<16xf32>
          scf.yield %add3A_1053, %add3A_1054, %add3A_1055, %add3A_1056, %add3A_1057, %add3A_1058, %add3A_1059, %add3A_1060 : vector<16xf32>, vector<16xf32>, vector<16xf32>, vector<16xf32>, vector<16xf32>, vector<16xf32>, vector<16xf32>, vector<16xf32>
        }
        %scan3A_763 = arith.constant 42 : i32
        %add3A_764 = arith.constant 8 : i32
        %add3A_765 = arith.addi %add3A_751, %add3A_764 : i32
        %lt3A_766 = arith.constant 256 : i32
        %lt3A_767 = arith.cmpi slt, %add3A_765, %lt3A_766 : i32
        %convert_element_type3A_768 = arith.extui %lt3A_767 : i1 to i32
        %cond3A_769 = arith.constant 0 : i32
        %cond3A_770 = arith.cmpi ne, %convert_element_type3A_768, %cond3A_769 : i32
        scf.if %cond3A_770 {
          %add3A_803 = arith.constant 8 : i32
          %add3A_804 = arith.addi %add3A_751, %add3A_803 : i32
          %mul3A_805 = arith.constant 96 : i32
          %mul3A_806 = arith.muli %add3A_804, %mul3A_805 : i32
          %add3A_807 = arith.constant 0 : i32
          %add3A_808 = arith.addi %mul3A_806, %add3A_807 : i32
          %get3A_809 = arith.index_cast %add3A_808 : i32 to index
          %get3A_810 = tpu.vector_load %arg6[%get3A_809] {strides = array<i32>} : memref<24576xi32, #tpu.memory_space<vmem>>, vector<16xi32>,
          %dma_start3A_811 = arith.constant 0 : i32
          %dma_start3A_812 = arith.constant 0 : i32
          %dma_start3A_813 = tpu.memref_slice %arg14[%dma_start3A_811, %dma_start3A_812] : memref<96x64xbf16, #tpu.memory_space<vmem>> -> memref<16x64xbf16, #tpu.memory_space<vmem>>
          %dma_start3A_814 = arith.constant 0 : i32
          %dma_start3A_815 = arith.constant 0 : i32
          %dma_start3A_816 = tpu.memref_slice %arg3[%dma_start3A_814, %dma_start3A_815] : memref<1000000x64xbf16, #tpu.memory_space<hbm>> -> memref<1000000x64xbf16, #tpu.memory_space<hbm>>
          tpu.enqueue_indirect_dma source(%dma_start3A_816 : memref<1000000x64xbf16, #tpu.memory_space<hbm>>) target(%dma_start3A_813 : memref<16x64xbf16, #tpu.memory_space<vmem>>) offsets(%get3A_810 : vector<16xi32>) semaphore(%arg24 : memref<!tpu.dma_semaphore, #tpu.memory_space<semaphore_mem>>)
          %mul3A_817 = arith.constant 96 : i32
          %mul3A_818 = arith.muli %add3A_804, %mul3A_817 : i32
          %add3A_819 = arith.constant 16 : i32
          %add3A_820 = arith.addi %mul3A_818, %add3A_819 : i32
          %get3A_821 = arith.index_cast %add3A_820 : i32 to index
          %get3A_822 = tpu.vector_load %arg6[%get3A_821] {strides = array<i32>} : memref<24576xi32, #tpu.memory_space<vmem>>, vector<16xi32>,
          %dma_start3A_823 = arith.constant 16 : i32
          %dma_start3A_824 = arith.constant 0 : i32
          %dma_start3A_825 = tpu.memref_slice %arg14[%dma_start3A_823, %dma_start3A_824] : memref<96x64xbf16, #tpu.memory_space<vmem>> -> memref<16x64xbf16, #tpu.memory_space<vmem>>
          %dma_start3A_826 = arith.constant 0 : i32
          %dma_start3A_827 = arith.constant 0 : i32
          %dma_start3A_828 = tpu.memref_slice %arg3[%dma_start3A_826, %dma_start3A_827] : memref<1000000x64xbf16, #tpu.memory_space<hbm>> -> memref<1000000x64xbf16, #tpu.memory_space<hbm>>
          tpu.enqueue_indirect_dma source(%dma_start3A_828 : memref<1000000x64xbf16, #tpu.memory_space<hbm>>) target(%dma_start3A_825 : memref<16x64xbf16, #tpu.memory_space<vmem>>) offsets(%get3A_822 : vector<16xi32>) semaphore(%arg24 : memref<!tpu.dma_semaphore, #tpu.memory_space<semaphore_mem>>)
          %mul3A_829 = arith.constant 96 : i32
          %mul3A_830 = arith.muli %add3A_804, %mul3A_829 : i32
          %add3A_831 = arith.constant 32 : i32
          %add3A_832 = arith.addi %mul3A_830, %add3A_831 : i32
          %get3A_833 = arith.index_cast %add3A_832 : i32 to index
          %get3A_834 = tpu.vector_load %arg6[%get3A_833] {strides = array<i32>} : memref<24576xi32, #tpu.memory_space<vmem>>, vector<16xi32>,
          %dma_start3A_835 = arith.constant 32 : i32
          %dma_start3A_836 = arith.constant 0 : i32
          %dma_start3A_837 = tpu.memref_slice %arg14[%dma_start3A_835, %dma_start3A_836] : memref<96x64xbf16, #tpu.memory_space<vmem>> -> memref<16x64xbf16, #tpu.memory_space<vmem>>
          %dma_start3A_838 = arith.constant 0 : i32
          %dma_start3A_839 = arith.constant 0 : i32
          %dma_start3A_840 = tpu.memref_slice %arg3[%dma_start3A_838, %dma_start3A_839] : memref<1000000x64xbf16, #tpu.memory_space<hbm>> -> memref<1000000x64xbf16, #tpu.memory_space<hbm>>
          tpu.enqueue_indirect_dma source(%dma_start3A_840 : memref<1000000x64xbf16, #tpu.memory_space<hbm>>) target(%dma_start3A_837 : memref<16x64xbf16, #tpu.memory_space<vmem>>) offsets(%get3A_834 : vector<16xi32>) semaphore(%arg24 : memref<!tpu.dma_semaphore, #tpu.memory_space<semaphore_mem>>)
          %mul3A_841 = arith.constant 96 : i32
          %mul3A_842 = arith.muli %add3A_804, %mul3A_841 : i32
          %add3A_843 = arith.constant 48 : i32
          %add3A_844 = arith.addi %mul3A_842, %add3A_843 : i32
          %get3A_845 = arith.index_cast %add3A_844 : i32 to index
          %get3A_846 = tpu.vector_load %arg6[%get3A_845] {strides = array<i32>} : memref<24576xi32, #tpu.memory_space<vmem>>, vector<16xi32>,
          %dma_start3A_847 = arith.constant 48 : i32
          %dma_start3A_848 = arith.constant 0 : i32
          %dma_start3A_849 = tpu.memref_slice %arg14[%dma_start3A_847, %dma_start3A_848] : memref<96x64xbf16, #tpu.memory_space<vmem>> -> memref<16x64xbf16, #tpu.memory_space<vmem>>
          %dma_start3A_850 = arith.constant 0 : i32
          %dma_start3A_851 = arith.constant 0 : i32
          %dma_start3A_852 = tpu.memref_slice %arg3[%dma_start3A_850, %dma_start3A_851] : memref<1000000x64xbf16, #tpu.memory_space<hbm>> -> memref<1000000x64xbf16, #tpu.memory_space<hbm>>
          tpu.enqueue_indirect_dma source(%dma_start3A_852 : memref<1000000x64xbf16, #tpu.memory_space<hbm>>) target(%dma_start3A_849 : memref<16x64xbf16, #tpu.memory_space<vmem>>) offsets(%get3A_846 : vector<16xi32>) semaphore(%arg24 : memref<!tpu.dma_semaphore, #tpu.memory_space<semaphore_mem>>)
          %mul3A_853 = arith.constant 96 : i32
          %mul3A_854 = arith.muli %add3A_804, %mul3A_853 : i32
          %add3A_855 = arith.constant 64 : i32
          %add3A_856 = arith.addi %mul3A_854, %add3A_855 : i32
          %get3A_857 = arith.index_cast %add3A_856 : i32 to index
          %get3A_858 = tpu.vector_load %arg6[%get3A_857] {strides = array<i32>} : memref<24576xi32, #tpu.memory_space<vmem>>, vector<16xi32>,
          %dma_start3A_859 = arith.constant 64 : i32
          %dma_start3A_860 = arith.constant 0 : i32
          %dma_start3A_861 = tpu.memref_slice %arg14[%dma_start3A_859, %dma_start3A_860] : memref<96x64xbf16, #tpu.memory_space<vmem>> -> memref<16x64xbf16, #tpu.memory_space<vmem>>
          %dma_start3A_862 = arith.constant 0 : i32
          %dma_start3A_863 = arith.constant 0 : i32
          %dma_start3A_864 = tpu.memref_slice %arg3[%dma_start3A_862, %dma_start3A_863] : memref<1000000x64xbf16, #tpu.memory_space<hbm>> -> memref<1000000x64xbf16, #tpu.memory_space<hbm>>
          tpu.enqueue_indirect_dma source(%dma_start3A_864 : memref<1000000x64xbf16, #tpu.memory_space<hbm>>) target(%dma_start3A_861 : memref<16x64xbf16, #tpu.memory_space<vmem>>) offsets(%get3A_858 : vector<16xi32>) semaphore(%arg24 : memref<!tpu.dma_semaphore, #tpu.memory_space<semaphore_mem>>)
          %mul3A_865 = arith.constant 96 : i32
          %mul3A_866 = arith.muli %add3A_804, %mul3A_865 : i32
          %add3A_867 = arith.constant 80 : i32
          %add3A_868 = arith.addi %mul3A_866, %add3A_867 : i32
          %get3A_869 = arith.index_cast %add3A_868 : i32 to index
          %get3A_870 = tpu.vector_load %arg6[%get3A_869] {strides = array<i32>} : memref<24576xi32, #tpu.memory_space<vmem>>, vector<16xi32>,
          %dma_start3A_871 = arith.constant 80 : i32
          %dma_start3A_872 = arith.constant 0 : i32
          %dma_start3A_873 = tpu.memref_slice %arg14[%dma_start3A_871, %dma_start3A_872] : memref<96x64xbf16, #tpu.memory_space<vmem>> -> memref<16x64xbf16, #tpu.memory_space<vmem>>
          %dma_start3A_874 = arith.constant 0 : i32
          %dma_start3A_875 = arith.constant 0 : i32
          %dma_start3A_876 = tpu.memref_slice %arg3[%dma_start3A_874, %dma_start3A_875] : memref<1000000x64xbf16, #tpu.memory_space<hbm>> -> memref<1000000x64xbf16, #tpu.memory_space<hbm>>
          tpu.enqueue_indirect_dma source(%dma_start3A_876 : memref<1000000x64xbf16, #tpu.memory_space<hbm>>) target(%dma_start3A_873 : memref<16x64xbf16, #tpu.memory_space<vmem>>) offsets(%get3A_870 : vector<16xi32>) semaphore(%arg24 : memref<!tpu.dma_semaphore, #tpu.memory_space<semaphore_mem>>)
        } else {
        }
        %add3A_771 = arith.addf %scan3A_762#0, %scan3A_762#4 : vector<16xf32>
        %add3A_772 = arith.addf %scan3A_762#1, %scan3A_762#5 : vector<16xf32>
        %add3A_773 = arith.addf %scan3A_762#2, %scan3A_762#6 : vector<16xf32>
        %add3A_774 = arith.addf %scan3A_762#3, %scan3A_762#7 : vector<16xf32>
        %mul3A_775 = arith.mulf %add3A_771, %add3A_771 : vector<16xf32>
        %mul3A_776 = arith.mulf %add3A_772, %add3A_772 : vector<16xf32>
        %add3A_777 = arith.addf %mul3A_775, %mul3A_776 : vector<16xf32>
        %mul3A_778 = arith.mulf %add3A_773, %add3A_773 : vector<16xf32>
        %add3A_779 = arith.addf %add3A_777, %mul3A_778 : vector<16xf32>
        %mul3A_780 = arith.mulf %add3A_774, %add3A_774 : vector<16xf32>
        %add3A_781 = arith.addf %add3A_779, %mul3A_780 : vector<16xf32>
        %mul3A_782 = arith.mulf %add3A_771, %get3A_388 : vector<16xf32>
        %mul3A_783 = arith.mulf %add3A_772, %get3A_390 : vector<16xf32>
        %add3A_784 = arith.addf %mul3A_782, %mul3A_783 : vector<16xf32>
        %mul3A_785 = arith.mulf %add3A_773, %get3A_392 : vector<16xf32>
        %add3A_786 = arith.addf %add3A_784, %mul3A_785 : vector<16xf32>
        %mul3A_787 = arith.mulf %add3A_774, %get3A_394 : vector<16xf32>
        %add3A_788 = arith.addf %add3A_786, %mul3A_787 : vector<16xf32>
        %reduce_sum3A_789 = arith.constant true
        %reduce_sum3A_790 = vector.broadcast %reduce_sum3A_789 : i1 to vector<16xi1>
        %reduce_sum3A_791 = tpu.scan <sum>, %add3A_781 masked %reduce_sum3A_790 : vector<16xf32>, vector<16xi1> -> vector<16xf32>
        %reduce_sum3A_792 = vector.extract %reduce_sum3A_791[15] : f32 from vector<16xf32>
        %reduce_sum3A_793 = arith.constant true
        %reduce_sum3A_794 = vector.broadcast %reduce_sum3A_793 : i1 to vector<16xi1>
        %reduce_sum3A_795 = tpu.scan <sum>, %add3A_788 masked %reduce_sum3A_794 : vector<16xf32>, vector<16xi1> -> vector<16xf32>
        %reduce_sum3A_796 = vector.extract %reduce_sum3A_795[15] : f32 from vector<16xf32>
        %eq3A_797 = vector.broadcast %add3A_719 : i32 to vector<16xi32>
        %eq3A_798 = arith.cmpi eq, %iota3A, %eq3A_797 : vector<16xi32>
        %broadcast_in_dim3A_799 = vector.broadcast %reduce_sum3A_792 : f32 to vector<16xf32>
        %select_n3A_800 = arith.select %eq3A_798, %broadcast_in_dim3A_799, %select_n3A_713 : vector<16xi1>, vector<16xf32>
        %broadcast_in_dim3A_801 = vector.broadcast %reduce_sum3A_796 : f32 to vector<16xf32>
        %select_n3A_802 = arith.select %eq3A_798, %broadcast_in_dim3A_801, %select_n3A_715 : vector<16xi1>, vector<16xf32>
        scf.yield %select_n3A_800, %select_n3A_802 : vector<16xf32>, vector<16xf32>
      }
      %scan3A_411 = arith.constant 4 : i32
      %max3A = arith.constant 1.000000e-24 : f32
      %max3A_412 = vector.broadcast %max3A : f32 to vector<16xf32>
      %max3A_413 = arith.maximumf %scan3A_410#0, %max3A_412 : vector<16xf32>
      %bitcast_convert_type3A = tpu.bitcast %max3A_413 : vector<16xf32> -> vector<16xi32>
      %shift_right_logical3A = arith.constant 1 : i32
      %shift_right_logical3A_414 = vector.broadcast %shift_right_logical3A : i32 to vector<16xi32>
      %shift_right_logical3A_415 = arith.shrui %bitcast_convert_type3A, %shift_right_logical3A_414 : vector<16xi32>
      %sub3A = arith.constant 1597463007 : i32
      %sub3A_416 = vector.broadcast %sub3A : i32 to vector<16xi32>
      %sub3A_417 = arith.subi %sub3A_416, %shift_right_logical3A_415 : vector<16xi32>
      %bitcast_convert_type3A_418 = tpu.bitcast %sub3A_417 : vector<16xi32> -> vector<16xf32>
      %mul3A_419 = arith.constant 5.000000e-01 : f32
      %mul3A_420 = vector.broadcast %mul3A_419 : f32 to vector<16xf32>
      %mul3A_421 = arith.mulf %mul3A_420, %max3A_413 : vector<16xf32>
      %mul3A_422 = arith.mulf %mul3A_421, %bitcast_convert_type3A_418 : vector<16xf32>
      %mul3A_423 = arith.mulf %mul3A_422, %bitcast_convert_type3A_418 : vector<16xf32>
      %sub3A_424 = arith.constant 1.500000e+00 : f32
      %sub3A_425 = vector.broadcast %sub3A_424 : f32 to vector<16xf32>
      %sub3A_426 = arith.subf %sub3A_425, %mul3A_423 : vector<16xf32>
      %mul3A_427 = arith.mulf %bitcast_convert_type3A_418, %sub3A_426 : vector<16xf32>
      %mul3A_428 = arith.constant 5.000000e-01 : f32
      %mul3A_429 = vector.broadcast %mul3A_428 : f32 to vector<16xf32>
      %mul3A_430 = arith.mulf %mul3A_429, %max3A_413 : vector<16xf32>
      %mul3A_431 = arith.mulf %mul3A_430, %mul3A_427 : vector<16xf32>
      %mul3A_432 = arith.mulf %mul3A_431, %mul3A_427 : vector<16xf32>
      %sub3A_433 = arith.constant 1.500000e+00 : f32
      %sub3A_434 = vector.broadcast %sub3A_433 : f32 to vector<16xf32>
      %sub3A_435 = arith.subf %sub3A_434, %mul3A_432 : vector<16xf32>
      %mul3A_436 = arith.mulf %mul3A_427, %sub3A_435 : vector<16xf32>
      %mul3A_437 = arith.constant 5.000000e-01 : f32
      %mul3A_438 = vector.broadcast %mul3A_437 : f32 to vector<16xf32>
      %mul3A_439 = arith.mulf %mul3A_438, %max3A_413 : vector<16xf32>
      %mul3A_440 = arith.mulf %mul3A_439, %mul3A_436 : vector<16xf32>
      %mul3A_441 = arith.mulf %mul3A_440, %mul3A_436 : vector<16xf32>
      %sub3A_442 = arith.constant 1.500000e+00 : f32
      %sub3A_443 = vector.broadcast %sub3A_442 : f32 to vector<16xf32>
      %sub3A_444 = arith.subf %sub3A_443, %mul3A_441 : vector<16xf32>
      %mul3A_445 = arith.mulf %mul3A_436, %sub3A_444 : vector<16xf32>
      %mul3A_446 = arith.mulf %scan3A_410#1, %mul3A_445 : vector<16xf32>
      %add3A_447 = arith.addf %mul3A_446, %get3A_396 : vector<16xf32>
      %neg3A = arith.constant 0.000000e+00 : f32
      %neg3A_448 = vector.broadcast %neg3A : f32 to vector<16xf32>
      %neg3A_449 = arith.subf %neg3A_448, %add3A_447 : vector<16xf32>
      %exp3A = math.exp %neg3A_449 : vector<16xf32>
      %add3A_450 = arith.constant 1.000000e+00 : f32
      %add3A_451 = vector.broadcast %add3A_450 : f32 to vector<16xf32>
      %add3A_452 = arith.addf %add3A_451, %exp3A : vector<16xf32>
      %div3A = arith.constant 1.000000e+00 : f32
      %div3A_453 = vector.broadcast %div3A : f32 to vector<16xf32>
      %div3A_454 = arith.divf %div3A_453, %add3A_452 : vector<16xf32>
      %mul3A_455 = arith.constant 16 : i32
      %mul3A_456 = arith.muli %scan3A_403, %mul3A_455 : i32
      %swap3A = arith.index_cast %mul3A_456 : i32 to index
      %swap3A_457 = tpu.vector_load %arg15[%swap3A] {strides = array<i32>} : memref<128xf32, #tpu.memory_space<vmem>>, vector<16xf32>,
      tpu.vector_store %arg15[%swap3A], %div3A_454 {strides = array<i32>} : memref<128xf32, #tpu.memory_space<vmem>>, vector<16xf32>,
      %scan3A_458 = arith.constant 0 : i32
      scf.yield %scan3A_458 : i32
    }
    %scan3A_402 = arith.constant 8 : i32
    "tpu.region"() ({
      %run_scoped3A = tpu.sem_alloc : memref<!tpu.dma_semaphore, #tpu.memory_space<semaphore_mem>>
      %dma_start3A_403 = tpu.memref_slice %arg5[%mul3A_2] : memref<4096xf32, #tpu.memory_space<hbm>> -> memref<128xf32, #tpu.memory_space<hbm>>
      %dma_start3A_404 = tpu.memref_slice %arg5[%mul3A_2] : memref<4096xf32, #tpu.memory_space<hbm>> -> memref<128xf32, #tpu.memory_space<hbm>>
      tpu.enqueue_dma source(%arg15 : memref<128xf32, #tpu.memory_space<vmem>>) target(%dma_start3A_404 : memref<128xf32, #tpu.memory_space<hbm>>) target_semaphore(%run_scoped3A : memref<!tpu.dma_semaphore, #tpu.memory_space<semaphore_mem>>)
      %dma_wait3A = tpu.memref_slice %arg5[%mul3A_2] : memref<4096xf32, #tpu.memory_space<hbm>> -> memref<128xf32, #tpu.memory_space<hbm>>
      %dma_wait3A_405 = tpu.memref_slice %arg5[%mul3A_2] : memref<4096xf32, #tpu.memory_space<hbm>> -> memref<128xf32, #tpu.memory_space<hbm>>
      tpu.wait_dma2 semaphore(%run_scoped3A : memref<!tpu.dma_semaphore, #tpu.memory_space<semaphore_mem>>) src(%arg15 : memref<128xf32, #tpu.memory_space<vmem>>) dst(%dma_wait3A_405 : memref<128xf32, #tpu.memory_space<hbm>>)
      tpu.yield
    }) : () -> ()
    return
  }
}

</mosaic_0001>

<sc_bundles>
// kernel: kernel.3.cloned.1.call-start
scs
__scs_entry_jumppad:
0x0: {  	(pc) =	sbr.rel $0x88, $3  }
0x1: {  	(tag) =	ssettag $0x0;
	lr =	simm.s32 $0x1  }
0x2: {  	[smem:$0x3F9D] =	sst lr;
	_ =	strace $0xD0000000  }
0x3: {  	_ = 	snop  }
0x4: {  	_ = 	snop  }
0x5: {  	_ = 	snop  }
0x6: {  	_ = 	snop  }
0x7: {  	_ = 	snop  }
__scs_overlays_trampoline_lowered:
0x8: {  	[smem:$0x3FAC] =	sst s0  }
0x9: {  	[smem:$0x3FAD] =	sst s1  }
0xa: {  	[smem:$0x3FAE] =	sst s2  }
0xb: {  	[smem:$0x3FAF] =	sst s3  }
0xc: {  	[smem:$0x3FB0] =	sst s4  }
0xd: {  	[smem:$0x3FB1] =	sst s5  }
0xe: {  	[smem:$0x3FB2] =	sst s6  }
0xf: {  	[smem:$0x3FB3] =	sst s7  }
0x10: {  	[smem:$0x3FB4] =	sst s8  }
0x11: {  	[smem:$0x3FB5] =	sst s9;
	s0 =	simm.s32 @!p0 $0x0  }
0x12: {  	s1 =	sld [smem:$0x3F9B];
	s0 =	simm.s32 @p0 $0x1  }
0x13: {  	[smem:$0x3FB6] =	sst s0;
	s0 =	simm.s32 @!p1 $0x0  }
0x14: {  	s2 =	sld [smem:$0x3F9A];
	s0 =	simm.s32 @p1 $0x1  }
0x15: {  	[smem:$0x3FB7] =	sst s0;
	s0 =	simm.s32 @!p2 $0x0  }
0x16: {  	s3 =	sld [smem:$0x3FDB];
	s0 =	simm.s32 @p2 $0x1  }
0x17: {  	s4 =	simm.s32 $0x1BF5;
	[smem:$0x3FB9] =	sst s0  }
0x18: {  	s0 =	sld [smem:$0x3F9C];
	_ =	swait.ge [sflag:s4], $0x0  }
0x19: {  	s7 =	sld [smem:$0x3F9D]  }
0x1a: {  	s8 =	sadd.s32 $0xFFFFE003, lr  }
0x1b: {  	s9 =	sadd.s32 $0xFFFFFEF7, lr;
	s5 =	simm.s32 $0xFFFFFFFF;
	p2 =	slt.u32 s8, $0xFFFFF086  }
0x1c: {  	p1 =	slt.u32 s9, $0xF7A;
	s5 =	simm.s32 @!p2 $0x0  }
0x1d: {  	s5 =	simm.s32 @p1 $0x1;
	p0 =	seq.s32 s7, s2  }
0x1e: {  	s7 =	smul.u32 @!p0 $0xF7A, s2;
	p2 =	seq.s32 @!p0 s5, $0x0  }
0x1f: {  	s9 =	smul.u32 $0xF7A, s1;
	s8 =	simm.s32 @!p0 $0x1BF5;
	p2 =	por !p2, p0  }
0x20: {  	[sflag:s8] =	ssyncset.s32 @!p0 $0xFFFFF086;
	s6 =	sadd.s32 @!p0 s3, s7;
	s7 =	simm.s32 @!p0 $0x108  }
0x21: {  	s3 =	sadd.s32 s3, s9;
	s6 =	sadd.s32 @!p0 $0x88, s6;
	s7 =	simm.s32 @p2 $0x1082  }
0x22: {  	[simem:s7], [sflag:s8] =	dma.local @!p0 [hbm:s6], $0xF7A  }
0x23: {  	s9 =	sor.u32 $0xD0000000, s2;
	s6 =	simm.s32 $0x108;
	_ =	swait.ge @!p0 [sflag:s8], $0x0  }
0x24: {  	s3 =	sadd.s32 $0x88, s3;
	s6 =	simm.s32 @!p1 $0x1082;
	[sflag:s4] =	ssyncset.s32 $0xFFFFF086  }
0x25: {  	[simem:s6], [sflag:s4] =	dma.local [hbm:s3], $0xF7A  }
0x26: {  	[smem:$0x3F9D] =	sst s1;
	(tag) =	ssettag s2;
	_ =	strace s9  }
0x27: {  	s1 =	sld [smem:$0x3FAD]  }
0x28: {  	s2 =	sld [smem:$0x3FAE]  }
0x29: {  	s4 =	sld [smem:$0x3FB0]  }
0x2a: {  	p0 =	seq.s32 s5, $0x0;
	s5 =	sld [smem:$0x3FB1]  }
0x2b: {  	s6 =	sld [smem:$0x3FB2]  }
0x2c: {  	s7 =	sld [smem:$0x3FB3]  }
0x2d: {  	s3 =	simm.s32 $0x108;
	s8 =	sld [smem:$0x3FB4]  }
0x2e: {  	s3 =	simm.s32 @!p0 $0x1082;
	s9 =	sld [smem:$0x3FB5]  }
0x2f: {  	lr =	sadd.s32 s0, s3;
	s0 =	sld [smem:$0x3FAC]  }
0x30: {  	s3 =	sld [smem:$0x3FAF]  }
0x31: {  	[smem:$0x3FB8] =	sst s10  }
0x32: {  	s10 =	sld [smem:$0x3FB6];
	_ =	sdelay $0x3  }
0x33: {  	p0 =	seq.s32 s10, $0x1;
	s10 =	sld [smem:$0x3FB8];
	_ =	sdelay $0x3  }
0x34: {  	[smem:$0x3FB8] =	sst s10  }
0x35: {  	s10 =	sld [smem:$0x3FB7];
	_ =	sdelay $0x3  }
0x36: {  	p1 =	seq.s32 s10, $0x1;
	s10 =	sld [smem:$0x3FB8];
	_ =	sdelay $0x3  }
0x37: {  	[smem:$0x3FB8] =	sst s10  }
0x38: {  	s10 =	sld [smem:$0x3FB9]  }
0x39: {  	_ = 	snop;
	(pc) =	sbr.ind lr, $3  }
0x3a: {  	_ = 	snop  }
0x3b: {  	_ = 	snop  }
0x3c: {  	p2 =	seq.s32 s10, $0x1;
	s10 =	sld [smem:$0x3FB8]  }
0x3d: {  	_ =	shalt  }
0x3e: {  	_ =	shalt  }
0x3f: {  	_ =	shalt  }
0x40: {  	_ =	shalt  }
0x41: {  	_ =	shalt  }
0x42: {  	_ =	shalt  }
0x43: {  	_ =	shalt  }
0x44: {  	_ =	shalt  }
0x45: {  	_ =	shalt  }
0x46: {  	_ =	shalt  }
0x47: {  	_ =	shalt  }
0x48: {  	_ =	shalt  }
0x49: {  	_ =	shalt  }
0x4a: {  	_ =	shalt  }
0x4b: {  	_ =	shalt  }
0x4c: {  	_ =	shalt  }
0x4d: {  	_ =	shalt  }
0x4e: {  	_ =	shalt  }
0x4f: {  	_ =	shalt  }
0x50: {  	_ =	shalt  }
0x51: {  	_ =	shalt  }
0x52: {  	_ =	shalt  }
0x53: {  	_ =	shalt  }
0x54: {  	_ =	shalt  }
0x55: {  	_ =	shalt  }
0x56: {  	_ =	shalt  }
0x57: {  	_ =	shalt  }
0x58: {  	_ =	shalt  }
0x59: {  	_ =	shalt  }
0x5a: {  	_ =	shalt  }
0x5b: {  	_ =	shalt  }
0x5c: {  	_ =	shalt  }
0x5d: {  	_ =	shalt  }
0x5e: {  	_ =	shalt  }
0x5f: {  	_ =	shalt  }
0x60: {  	_ =	shalt  }
0x61: {  	_ =	shalt  }
0x62: {  	_ =	shalt  }
0x63: {  	_ =	shalt  }
0x64: {  	_ =	shalt  }
0x65: {  	_ =	shalt  }
0x66: {  	_ =	shalt  }
0x67: {  	_ =	shalt  }
0x68: {  	_ =	shalt  }
0x69: {  	_ =	shalt  }
0x6a: {  	_ =	shalt  }
0x6b: {  	_ =	shalt  }
0x6c: {  	_ =	shalt  }
0x6d: {  	_ =	shalt  }
0x6e: {  	_ =	shalt  }
0x6f: {  	_ =	shalt  }
0x70: {  	_ =	shalt  }
0x71: {  	_ =	shalt  }
0x72: {  	_ =	shalt  }
0x73: {  	_ =	shalt  }
0x74: {  	_ =	shalt  }
0x75: {  	_ =	shalt  }
0x76: {  	_ =	shalt  }
0x77: {  	_ =	shalt  }
0x78: {  	_ =	shalt  }
0x79: {  	_ =	shalt  }
0x7a: {  	_ =	shalt  }
0x7b: {  	_ =	shalt  }
0x7c: {  	_ =	shalt  }
0x7d: {  	_ =	shalt  }
0x7e: {  	_ =	shalt  }
0x7f: {  	_ =	shalt  }
0x80: {  	_ =	shalt  }
0x81: {  	_ =	shalt  }
0x82: {  	_ =	shalt  }
0x83: {  	_ =	shalt  }
0x84: {  	_ =	shalt  }
0x85: {  	_ =	shalt  }
0x86: {  	_ =	shalt  }
0x87: {  	_ =	shalt  }
.Lfunc_end0:
.L_simem_size_0:
called_computation.2_lowered:
.L_overlay_start_0:
0x88: {  	s2 =	sld [smem:$0x3FD9]  }
0x89: {  	s3 =	sld [smem:$0x3FFE];
	_ =	sdelay $0x1  }
0x8a: {  	s1 =	srdreg.scid  }
0x8b: {  	s0 =	sand.u32 $0x1, s1  }
0x8c: {  	s17 =	sshll.u32 s0, $0xA;
	s2 =	sadd.s32 s3, s2  }
0x8d: {  	s2 =	sadd.s32 s2, s17  }
0x8e: {  	[smem:$0x3FC4] =	sst s2  }
0x8f: {  	_ = 	snop  }
0x90: {  	s2 =	sld [smem:$0x3FD0];
	(tm) =	ssettm $0x1  }
0x91: {  	s18 =	sld [smem:$0x3FFB];
	_ =	sdelay $0x3  }
0x92: {  	_ =	strace s18  }
0x93: {  	s3 =	sld [smem:$0x3FFC];
	_ =	sdelay $0x3  }
0x94: {  	_ =	strace s3  }
0x95: {  	s3 =	sld [smem:$0x3FFD];
	_ =	sdelay $0x3  }
0x96: {  	_ =	strace s3  }
0x97: {  	_ =	strace $0x8FFFFFFF  }
0x98: {  	s19 =	sld [smem:$0x3FDB];
	_ =	sdelay $0x1  }
0x99: {  	s4 =	simm.s32 $_scs_section_size  }
0x9a: {  	s5 =	simm.s32 $_size__tile_overlayer_lowered;
	s6 =	simm.s32 $_tile_overlayer_lowered  }
0x9b: {  	s22 =	simm.s32 $0x1BFF;
	s21 =	sshll.u32 s6, $0x1;
	s3 =	sadd.s32 s4, s19  }
0x9c: {  	s7 =	simm.s32 $0x0;
	s20 =	sshll.u32 s5, $0x1;
	s5 =	sadd.s32 s21, s3  }
0x9d: {  	[timem:s7], [sflag:s22] =	dma.local [hbm:s5], s20  }
0x9e: {  	_ =	swait.ge [sflag:s22], s20  }
0x9f: {  	s4 =	ssub.s32 $0x0, s20;
	[sflag:s22] =	ssyncset.done $0x0  }
0xa0: {  	[sflag:s22] =	ssyncadd.s32 s4;
	_ =	sdelay $0x1  }
0xa1: {  	s23 =	simm.s32 $0x1B8B  }
0xa2: {  	_ =	swait.ge [sflag:s23], $0x1  }
0xa3: {  	[sflag:s23] =	ssyncset.done $0x0  }
0xa4: {  	s25 =	simm.s32 $0x1B8E;
	s24 =	sld [smem:$0x3FFE];
	[sflag:s23] =	ssyncadd.s32 $0xFFFFFFFF  }
0xa5: {  	s26 =	simm.s32 $execute0_lowered;
	[smem:$0x3FD2] =	sst s25  }
0xa6: {  	s5 =	sshll.u32 s26, $0x1;
	_ =	strace $0x8000004C;
	[dreg:$0x1] =	wrdreg $0xFFFFFFFF  }
0xa7: {  	s28 =	simm.s32 $_size_execute0_lowered;
	s3 =	sadd.s32 s3, s5;
	[dreg:$0x0] =	wrdreg $0x0  }
0xa8: {  	s5 =	sshll.u32 s28, $0x1;
	[dreg:$0x2] =	wrdreg s3  }
0xa9: {  	[dreg:$0x3] =	wrdreg s5  }
0xaa: {  	[dreg:$0x4] =	wrdreg $0xC0  }
0xab: {  	_ =	task [dreg:s7], $0x5FFFF  }
0xac: {  	[dreg:$0x1] =	wrdreg $0xFFFFFFFF  }
0xad: {  	[dreg:$0x0] =	wrdreg $0x60  }
0xae: {  	[dreg:$0x2] =	wrdreg s24  }
0xaf: {  	[dreg:$0x3] =	wrdreg s2  }
0xb0: {  	[dreg:$0x4] =	wrdreg $0x9  }
0xb1: {  	_ =	task.clear_ibuf [dreg:s7], $0x5FFFF;
	_ =	strace $0x9000004C  }
0xb2: {  	s29 =	simm.s32 $0x9;
	_ =	strace $0x8000004E  }
0xb3: {  	_ =	swait.ge [sflag:s29], $0x1  }
0xb4: {  	[sflag:s29] =	ssyncadd.s32 $0xFFFFFFFF  }
0xb5: {  	_ =	strace $0x9000004E  }
0xb6: {  	_ =	sfence  }
0xb7: {  	s30 =	sld [smem:$0x0];
	_ =	sdelay $0x2  }
0xb8: {  	s31 =	sshll.u32 s1, $0xD;
	s1 =	sshrl.u32 s1, $0x2  }
0xb9: {  	s3 =	sand.u32 $0x4000, s31;
	s1 =	sadd.s32 s1, s30  }
0xba: {  	s0 =	sor.u32 s3, s0;
	s1 =	sshll.u32 s1, $0x11  }
0xbb: {  	s0 =	sor.u32 s1, s0  }
0xbc: {  	s0 =	sadd.s32 $0x8F2B, s0  }
0xbd: {  	[sflag:s0] =	ssyncadd.remote.s32 $0x1  }
0xbe: {  	_ =	sfence.sel $0xFFFF  }
0xbf: {  	[dreg:$0x0] =	wrdreg $0xFFFFFFFF;
	(pc) =	sbr.abs _section_cstart, $3  }
0xc0: {  	[dreg:$0x1] =	wrdreg $0xFFFFFFFF  }
0xc1: {  	_ =	task.clear_ibuf [dreg:s7], $0x2FFFF;
	_ =	strace $0x9FFFFFFF  }
0xc2: {  	(tm) =	ssettm $0x7FFFFFFF  }
0xc3: {  	_ =	shalt  }
tec
execute0_lowered:
.L_overlay_start_1:
0x0: {  	(tag) =	ssettag $0x1  }
0x1: {  	s0 =	srdreg.scid  }
0x2: {  	s1 =	stileid.u32;
	s2 =	rddreg [dreg:$0x0]  }
0x3: {  	s6 =	rddreg [dreg:$0x1];
	s3 =	simm.s32 $0x0;
	s8 =	simm.s32 $0x9  }
0x4: {  	s30 =	simm.s32 $0xB600;
	s31 =	simm.s32 $0xB800;
	s9 =	simm.s32 $0xBE00  }
0x5: {  	s10 =	simm.s32 $0x1;
	s11 =	simm.s32 $0x2;
	s12 =	simm.s32 $0x3  }
0x6: {  	s13 =	simm.s32 $0x4;
	s14 =	simm.s32 $0x5;
	s15 =	simm.s32 $0x6  }
0x7: {  	s16 =	simm.s32 $0x7;
	s17 =	simm.s32 $0x8;
	s18 =	simm.s32 $0xC000  }
0x8: {  	s19 =	simm.s32 $0x0;
	s0 =	sand.u32 $0x1, s0;
	s1 =	sshll.u32 s1, $0x1  }
0x9: {  	[smem:$0x7FF] =	sst s3;
	s1 =	sor.u32 s0, s1;
	s0 =	ssub.s32 $0x2, s0  }
0xa: {  	s4 =	smul.u32 $0xC00, s1;
	s7 =	sshrl.u32 s0, $0x1;
	s1 =	sshll.u32 s1, $0x4  }
0xb: {  	_ =	strace $0x8000004D;
	s0 =	ssub.s32 s0, s7;
	s6 =	sadd.s32 s6, s1  }
0xc: {  	s1 =	simm.s32 $0xBA00;
	s5 =	sadd.s32 s4, s2;
	s4 =	sadd.s32 $0x7B9400, s2  }
0xd: {  	vm0 =	vmmov $0xffff;
	v0 =	vlaneseq.u32;
	s7 =	smax.u32 s0, $0x1;
	s0 =	simm.s32 $0xBC00;
	s5 =	sadd.s32 $0x7A1400, s5  }
.LBB2_1:
0xe: {  	[tilespmem:s3], [sflag:$0x9] =	stream.linear.gather [hbm4b:s5+s3], $0x6000, $0x38;
	[tilespmem:$0xC0D0] =	vst v63  }
0xf: {  	_ =	swait.ge [sflag:s8], $0x6000  }
0x10: {  	[sflag:s8] =	ssyncset.done $0x0  }
0x11: {  	s20 =	simm.s32 $0xC080;
	[sflag:s8] =	ssyncadd.s32 $0xFFFFA000  }
0x12: {  	[tilespmem:s20], [sflag:$0x9] =	stream.linear.gather [hbm4b:s4+s3], $0x50, $0x38;
	[tilespmem:$0xC0D0] =	vst v63  }
0x13: {  	_ =	swait.ge [sflag:s8], $0x50  }
0x14: {  	[sflag:s8] =	ssyncset.done $0x0  }
0x15: {  	[sflag:s8] =	ssyncadd.s32 $0xFFFFFFB0  }
0x16: {  	v1 =	vld [tilespmem:$0x0];
	_ =	sdelay $0x6  }
0x17: {  	s26 =	simm.s32 $0x6000  }
0x18: {  	[tilespmem:s26], [sflag:$0x1] =	stream.indirect_vreg.gather [hbm4b:s2+s3], $0x20, v1, vm0, $0xb8;
	[tilespmem:$0xC0D0] =	vst v63  }
0x19: {  	v1 =	vld [tilespmem:$0x10];
	_ =	sdelay $0x6  }
0x1a: {  	s28 =	simm.s32 $0x6200  }
0x1b: {  	[tilespmem:s28], [sflag:$0x1] =	stream.indirect_vreg.gather [hbm4b:s2+s3], $0x20, v1, vm0, $0xb8;
	[tilespmem:$0xC0D0] =	vst v63  }
0x1c: {  	v1 =	vld [tilespmem:$0x20];
	_ =	sdelay $0x6  }
0x1d: {  	s29 =	simm.s32 $0x6400  }
0x1e: {  	[tilespmem:s29], [sflag:$0x1] =	stream.indirect_vreg.gather [hbm4b:s2+s3], $0x20, v1, vm0, $0xb8;
	[tilespmem:$0xC0D0] =	vst v63  }
0x1f: {  	v1 =	vld [tilespmem:$0x30];
	_ =	sdelay $0x6  }
0x20: {  	s21 =	simm.s32 $0x6600  }
0x21: {  	[tilespmem:s21], [sflag:$0x1] =	stream.indirect_vreg.gather [hbm4b:s2+s3], $0x20, v1, vm0, $0xb8;
	[tilespmem:$0xC0D0] =	vst v63  }
0x22: {  	v1 =	vld [tilespmem:$0x40];
	_ =	sdelay $0x6  }
0x23: {  	s22 =	simm.s32 $0x6800  }
0x24: {  	[tilespmem:s22], [sflag:$0x1] =	stream.indirect_vreg.gather [hbm4b:s2+s3], $0x20, v1, vm0, $0xb8;
	[tilespmem:$0xC0D0] =	vst v63  }
0x25: {  	v1 =	vld [tilespmem:$0x50];
	_ =	sdelay $0x6  }
0x26: {  	s23 =	simm.s32 $0x6A00  }
0x27: {  	[tilespmem:s23], [sflag:$0x1] =	stream.indirect_vreg.gather [hbm4b:s2+s3], $0x20, v1, vm0, $0xb8;
	[tilespmem:$0xC0D0] =	vst v63  }
0x28: {  	v1 =	vld [tilespmem:$0x60];
	_ =	sdelay $0x6  }
0x29: {  	s24 =	simm.s32 $0x6C00  }
0x2a: {  	[tilespmem:s24], [sflag:$0x2] =	stream.indirect_vreg.gather [hbm4b:s2+s3], $0x20, v1, vm0, $0xb8;
	[tilespmem:$0xC0D0] =	vst v63  }
0x2b: {  	v1 =	vld [tilespmem:$0x70];
	_ =	sdelay $0x6  }
0x2c: {  	s25 =	simm.s32 $0x6E00  }
0x2d: {  	[tilespmem:s25], [sflag:$0x2] =	stream.indirect_vreg.gather [hbm4b:s2+s3], $0x20, v1, vm0, $0xb8;
	[tilespmem:$0xC0D0] =	vst v63  }
0x2e: {  	v1 =	vld [tilespmem:$0x80];
	_ =	sdelay $0x6  }
0x2f: {  	s26 =	simm.s32 $0x7000  }
0x30: {  	[tilespmem:s26], [sflag:$0x2] =	stream.indirect_vreg.gather [hbm4b:s2+s3], $0x20, v1, vm0, $0xb8;
	[tilespmem:$0xC0D0] =	vst v63  }
0x31: {  	v1 =	vld [tilespmem:$0x90];
	_ =	sdelay $0x6  }
0x32: {  	s28 =	simm.s32 $0x7200  }
0x33: {  	[tilespmem:s28], [sflag:$0x2] =	stream.indirect_vreg.gather [hbm4b:s2+s3], $0x20, v1, vm0, $0xb8;
	[tilespmem:$0xC0D0] =	vst v63  }
0x34: {  	v1 =	vld [tilespmem:$0xA0];
	_ =	sdelay $0x6  }
0x35: {  	s29 =	simm.s32 $0x7400  }
0x36: {  	[tilespmem:s29], [sflag:$0x2] =	stream.indirect_vreg.gather [hbm4b:s2+s3], $0x20, v1, vm0, $0xb8;
	[tilespmem:$0xC0D0] =	vst v63  }
0x37: {  	v1 =	vld [tilespmem:$0xB0];
	_ =	sdelay $0x6  }
0x38: {  	s21 =	simm.s32 $0x7600  }
0x39: {  	[tilespmem:s21], [sflag:$0x2] =	stream.indirect_vreg.gather [hbm4b:s2+s3], $0x20, v1, vm0, $0xb8;
	[tilespmem:$0xC0D0] =	vst v63  }
0x3a: {  	v1 =	vld [tilespmem:$0xC0];
	_ =	sdelay $0x6  }
0x3b: {  	s22 =	simm.s32 $0x7800  }
0x3c: {  	[tilespmem:s22], [sflag:$0x3] =	stream.indirect_vreg.gather [hbm4b:s2+s3], $0x20, v1, vm0, $0xb8;
	[tilespmem:$0xC0D0] =	vst v63  }
0x3d: {  	v1 =	vld [tilespmem:$0xD0];
	_ =	sdelay $0x6  }
0x3e: {  	s23 =	simm.s32 $0x7A00  }
0x3f: {  	[tilespmem:s23], [sflag:$0x3] =	stream.indirect_vreg.gather [hbm4b:s2+s3], $0x20, v1, vm0, $0xb8;
	[tilespmem:$0xC0D0] =	vst v63  }
0x40: {  	v1 =	vld [tilespmem:$0xE0];
	_ =	sdelay $0x6  }
0x41: {  	s24 =	simm.s32 $0x7C00  }
0x42: {  	[tilespmem:s24], [sflag:$0x3] =	stream.indirect_vreg.gather [hbm4b:s2+s3], $0x20, v1, vm0, $0xb8;
	[tilespmem:$0xC0D0] =	vst v63  }
0x43: {  	v1 =	vld [tilespmem:$0xF0];
	_ =	sdelay $0x6  }
0x44: {  	s25 =	simm.s32 $0x7E00  }
0x45: {  	[tilespmem:s25], [sflag:$0x3] =	stream.indirect_vreg.gather [hbm4b:s2+s3], $0x20, v1, vm0, $0xb8;
	[tilespmem:$0xC0D0] =	vst v63  }
0x46: {  	v1 =	vld [tilespmem:$0x100];
	_ =	sdelay $0x6  }
0x47: {  	s26 =	simm.s32 $0x8000  }
0x48: {  	[tilespmem:s26], [sflag:$0x3] =	stream.indirect_vreg.gather [hbm4b:s2+s3], $0x20, v1, vm0, $0xb8;
	[tilespmem:$0xC0D0] =	vst v63  }
0x49: {  	v1 =	vld [tilespmem:$0x110];
	_ =	sdelay $0x6  }
0x4a: {  	s28 =	simm.s32 $0x8200  }
0x4b: {  	[tilespmem:s28], [sflag:$0x3] =	stream.indirect_vreg.gather [hbm4b:s2+s3], $0x20, v1, vm0, $0xb8;
	[tilespmem:$0xC0D0] =	vst v63  }
0x4c: {  	v1 =	vld [tilespmem:$0x120];
	_ =	sdelay $0x6  }
0x4d: {  	s29 =	simm.s32 $0x8400  }
0x4e: {  	[tilespmem:s29], [sflag:$0x4] =	stream.indirect_vreg.gather [hbm4b:s2+s3], $0x20, v1, vm0, $0xb8;
	[tilespmem:$0xC0D0] =	vst v63  }
0x4f: {  	v1 =	vld [tilespmem:$0x130];
	_ =	sdelay $0x6  }
0x50: {  	s21 =	simm.s32 $0x8600  }
0x51: {  	[tilespmem:s21], [sflag:$0x4] =	stream.indirect_vreg.gather [hbm4b:s2+s3], $0x20, v1, vm0, $0xb8;
	[tilespmem:$0xC0D0] =	vst v63  }
0x52: {  	v1 =	vld [tilespmem:$0x140];
	_ =	sdelay $0x6  }
0x53: {  	s22 =	simm.s32 $0x8800  }
0x54: {  	[tilespmem:s22], [sflag:$0x4] =	stream.indirect_vreg.gather [hbm4b:s2+s3], $0x20, v1, vm0, $0xb8;
	[tilespmem:$0xC0D0] =	vst v63  }
0x55: {  	v1 =	vld [tilespmem:$0x150];
	_ =	sdelay $0x6  }
0x56: {  	s23 =	simm.s32 $0x8A00  }
0x57: {  	[tilespmem:s23], [sflag:$0x4] =	stream.indirect_vreg.gather [hbm4b:s2+s3], $0x20, v1, vm0, $0xb8;
	[tilespmem:$0xC0D0] =	vst v63  }
0x58: {  	v1 =	vld [tilespmem:$0x160];
	_ =	sdelay $0x6  }
0x59: {  	s24 =	simm.s32 $0x8C00  }
0x5a: {  	[tilespmem:s24], [sflag:$0x4] =	stream.indirect_vreg.gather [hbm4b:s2+s3], $0x20, v1, vm0, $0xb8;
	[tilespmem:$0xC0D0] =	vst v63  }
0x5b: {  	v1 =	vld [tilespmem:$0x170];
	_ =	sdelay $0x6  }
0x5c: {  	s25 =	simm.s32 $0x8E00  }
0x5d: {  	[tilespmem:s25], [sflag:$0x4] =	stream.indirect_vreg.gather [hbm4b:s2+s3], $0x20, v1, vm0, $0xb8;
	[tilespmem:$0xC0D0] =	vst v63  }
0x5e: {  	v1 =	vld [tilespmem:$0x180];
	_ =	sdelay $0x6  }
0x5f: {  	s26 =	simm.s32 $0x9000  }
0x60: {  	[tilespmem:s26], [sflag:$0x5] =	stream.indirect_vreg.gather [hbm4b:s2+s3], $0x20, v1, vm0, $0xb8;
	[tilespmem:$0xC0D0] =	vst v63  }
0x61: {  	v1 =	vld [tilespmem:$0x190];
	_ =	sdelay $0x6  }
0x62: {  	s28 =	simm.s32 $0x9200  }
0x63: {  	[tilespmem:s28], [sflag:$0x5] =	stream.indirect_vreg.gather [hbm4b:s2+s3], $0x20, v1, vm0, $0xb8;
	[tilespmem:$0xC0D0] =	vst v63  }
0x64: {  	v1 =	vld [tilespmem:$0x1A0];
	_ =	sdelay $0x6  }
0x65: {  	s29 =	simm.s32 $0x9400  }
0x66: {  	[tilespmem:s29], [sflag:$0x5] =	stream.indirect_vreg.gather [hbm4b:s2+s3], $0x20, v1, vm0, $0xb8;
	[tilespmem:$0xC0D0] =	vst v63  }
0x67: {  	v1 =	vld [tilespmem:$0x1B0];
	_ =	sdelay $0x6  }
0x68: {  	s21 =	simm.s32 $0x9600  }
0x69: {  	[tilespmem:s21], [sflag:$0x5] =	stream.indirect_vreg.gather [hbm4b:s2+s3], $0x20, v1, vm0, $0xb8;
	[tilespmem:$0xC0D0] =	vst v63  }
0x6a: {  	v1 =	vld [tilespmem:$0x1C0];
	_ =	sdelay $0x6  }
0x6b: {  	s22 =	simm.s32 $0x9800  }
0x6c: {  	[tilespmem:s22], [sflag:$0x5] =	stream.indirect_vreg.gather [hbm4b:s2+s3], $0x20, v1, vm0, $0xb8;
	[tilespmem:$0xC0D0] =	vst v63  }
0x6d: {  	v1 =	vld [tilespmem:$0x1D0];
	_ =	sdelay $0x6  }
0x6e: {  	s23 =	simm.s32 $0x9A00  }
0x6f: {  	[tilespmem:s23], [sflag:$0x5] =	stream.indirect_vreg.gather [hbm4b:s2+s3], $0x20, v1, vm0, $0xb8;
	[tilespmem:$0xC0D0] =	vst v63  }
0x70: {  	v1 =	vld [tilespmem:$0x1E0];
	_ =	sdelay $0x6  }
0x71: {  	s24 =	simm.s32 $0x9C00  }
0x72: {  	[tilespmem:s24], [sflag:$0x6] =	stream.indirect_vreg.gather [hbm4b:s2+s3], $0x20, v1, vm0, $0xb8;
	[tilespmem:$0xC0D0] =	vst v63  }
0x73: {  	v1 =	vld [tilespmem:$0x1F0];
	_ =	sdelay $0x6  }
0x74: {  	s25 =	simm.s32 $0x9E00  }
0x75: {  	[tilespmem:s25], [sflag:$0x6] =	stream.indirect_vreg.gather [hbm4b:s2+s3], $0x20, v1, vm0, $0xb8;
	[tilespmem:$0xC0D0] =	vst v63  }
0x76: {  	v1 =	vld [tilespmem:$0x200];
	_ =	sdelay $0x6  }
0x77: {  	s26 =	simm.s32 $0xA000  }
0x78: {  	[tilespmem:s26], [sflag:$0x6] =	stream.indirect_vreg.gather [hbm4b:s2+s3], $0x20, v1, vm0, $0xb8;
	[tilespmem:$0xC0D0] =	vst v63  }
0x79: {  	v1 =	vld [tilespmem:$0x210];
	_ =	sdelay $0x6  }
0x7a: {  	s28 =	simm.s32 $0xA200  }
0x7b: {  	[tilespmem:s28], [sflag:$0x6] =	stream.indirect_vreg.gather [hbm4b:s2+s3], $0x20, v1, vm0, $0xb8;
	[tilespmem:$0xC0D0] =	vst v63  }
0x7c: {  	v1 =	vld [tilespmem:$0x220];
	_ =	sdelay $0x6  }
0x7d: {  	s29 =	simm.s32 $0xA400  }
0x7e: {  	[tilespmem:s29], [sflag:$0x6] =	stream.indirect_vreg.gather [hbm4b:s2+s3], $0x20, v1, vm0, $0xb8;
	[tilespmem:$0xC0D0] =	vst v63  }
0x7f: {  	v1 =	vld [tilespmem:$0x230];
	_ =	sdelay $0x6  }
0x80: {  	s21 =	simm.s32 $0xA600  }
0x81: {  	[tilespmem:s21], [sflag:$0x6] =	stream.indirect_vreg.gather [hbm4b:s2+s3], $0x20, v1, vm0, $0xb8;
	[tilespmem:$0xC0D0] =	vst v63  }
0x82: {  	v1 =	vld [tilespmem:$0x240];
	_ =	sdelay $0x6  }
0x83: {  	s22 =	simm.s32 $0xA800  }
0x84: {  	[tilespmem:s22], [sflag:$0x7] =	stream.indirect_vreg.gather [hbm4b:s2+s3], $0x20, v1, vm0, $0xb8;
	[tilespmem:$0xC0D0] =	vst v63  }
0x85: {  	v1 =	vld [tilespmem:$0x250];
	_ =	sdelay $0x6  }
0x86: {  	s23 =	simm.s32 $0xAA00  }
0x87: {  	[tilespmem:s23], [sflag:$0x7] =	stream.indirect_vreg.gather [hbm4b:s2+s3], $0x20, v1, vm0, $0xb8;
	[tilespmem:$0xC0D0] =	vst v63  }
0x88: {  	v1 =	vld [tilespmem:$0x260];
	_ =	sdelay $0x6  }
0x89: {  	s24 =	simm.s32 $0xAC00  }
0x8a: {  	[tilespmem:s24], [sflag:$0x7] =	stream.indirect_vreg.gather [hbm4b:s2+s3], $0x20, v1, vm0, $0xb8;
	[tilespmem:$0xC0D0] =	vst v63  }
0x8b: {  	v1 =	vld [tilespmem:$0x270];
	_ =	sdelay $0x6  }
0x8c: {  	s25 =	simm.s32 $0xAE00  }
0x8d: {  	[tilespmem:s25], [sflag:$0x7] =	stream.indirect_vreg.gather [hbm4b:s2+s3], $0x20, v1, vm0, $0xb8;
	[tilespmem:$0xC0D0] =	vst v63  }
0x8e: {  	v1 =	vld [tilespmem:$0x280];
	_ =	sdelay $0x6  }
0x8f: {  	s26 =	simm.s32 $0xB000  }
0x90: {  	[tilespmem:s26], [sflag:$0x7] =	stream.indirect_vreg.gather [hbm4b:s2+s3], $0x20, v1, vm0, $0xb8;
	[tilespmem:$0xC0D0] =	vst v63  }
0x91: {  	v1 =	vld [tilespmem:$0x290];
	_ =	sdelay $0x6  }
0x92: {  	s28 =	simm.s32 $0xB200  }
0x93: {  	[tilespmem:s28], [sflag:$0x7] =	stream.indirect_vreg.gather [hbm4b:s2+s3], $0x20, v1, vm0, $0xb8;
	[tilespmem:$0xC0D0] =	vst v63  }
0x94: {  	v1 =	vld [tilespmem:$0x2A0];
	_ =	sdelay $0x6  }
0x95: {  	s29 =	simm.s32 $0xB400  }
0x96: {  	[tilespmem:s29], [sflag:$0x8] =	stream.indirect_vreg.gather [hbm4b:s2+s3], $0x20, v1, vm0, $0xb8;
	[tilespmem:$0xC0D0] =	vst v63  }
0x97: {  	v1 =	vld [tilespmem:$0x2B0];
	_ =	sdelay $0x7  }
0x98: {  	[tilespmem:s30], [sflag:$0x8] =	stream.indirect_vreg.gather [hbm4b:s2+s3], $0x20, v1, vm0, $0xb8;
	[tilespmem:$0xC0D0] =	vst v63  }
0x99: {  	v1 =	vld [tilespmem:$0x2C0];
	_ =	sdelay $0x7  }
0x9a: {  	[tilespmem:s31], [sflag:$0x8] =	stream.indirect_vreg.gather [hbm4b:s2+s3], $0x20, v1, vm0, $0xb8;
	[tilespmem:$0xC0D0] =	vst v63  }
0x9b: {  	v1 =	vld [tilespmem:$0x2D0];
	_ =	sdelay $0x7  }
0x9c: {  	[tilespmem:s1], [sflag:$0x8] =	stream.indirect_vreg.gather [hbm4b:s2+s3], $0x20, v1, vm0, $0xb8;
	[tilespmem:$0xC0D0] =	vst v63  }
0x9d: {  	v1 =	vld [tilespmem:$0x2E0];
	_ =	sdelay $0x7  }
0x9e: {  	[tilespmem:s0], [sflag:$0x8] =	stream.indirect_vreg.gather [hbm4b:s2+s3], $0x20, v1, vm0, $0xb8;
	[tilespmem:$0xC0D0] =	vst v63  }
0x9f: {  	v1 =	vld [tilespmem:$0x2F0];
	_ =	sdelay $0x7  }
0xa0: {  	[tilespmem:s9], [sflag:$0x8] =	stream.indirect_vreg.gather [hbm4b:s2+s3], $0x20, v1, vm0, $0xb8;
	[tilespmem:$0xC0D0] =	vst v63  }
0xa1: {  	v1 =	vld [tilespmem:$0xC090]  }
0xa2: {  	v2 =	vld [tilespmem:$0xC0A0]  }
0xa3: {  	v3 =	vld [tilespmem:$0xC0B0]  }
0xa4: {  	v4 =	vld [tilespmem:$0xC0C0]  }
0xa5: {  	s20 =	simm.s32 $0x0;
	v5 =	vld [tilespmem:$0xC080]  }
.LBB2_2:
0xa6: {  	s21 =	sshll.u32 s20, $0x4;
	s22 =	simm.s32 $0x0;
	v6 =	vimm.f32 $0.0e+00;
	v7 =	vimm.f32 $0.0e+00;
	v8 =	vimm.f32 $0.0e+00  }
.LBB2_3:
0xa7: {  	_ =	swait.ge [sflag:s10], $0xC00  }
0xa8: {  	[sflag:s10] =	ssyncset.done $0x0  }
0xa9: {  	s25 =	simm.s32 $0x60C0;
	[sflag:s10] =	ssyncadd.s32 $0xFFFFF400  }
0xaa: {  	v9 =	vld [tilespmem:s25+$0x80]  }
0xab: {  	v10 =	vld [tilespmem:s25+$0x90]  }
0xac: {  	v11 =	vld [tilespmem:s25+$0xA0]  }
0xad: {  	v12 =	vld [tilespmem:s25+$0x40]  }
0xae: {  	v13 =	vld [tilespmem:s25+$0x50]  }
0xaf: {  	v14 =	vld [tilespmem:s25+$0x60]  }
0xb0: {  	v15 =	vld [tilespmem:s25+$0x0]  }
0xb1: {  	v17 =	vld [tilespmem:s25+$0x10]  }
0xb2: {  	v19 =	vld [tilespmem:s25+$0x20]  }
0xb3: {  	v20 =	vld [tilespmem:s25+$0xFFFFFFC0];
	v21 =	vunpack.i.u.bf16.f32 v9;
	v22 =	vunpack.i.l.bf16.f32 v9  }
0xb4: {  	v23 =	vld [tilespmem:s25+$0xFFFFFF80];
	v16 =	vunpack.i.u.bf16.f32 v10;
	v18 =	vunpack.i.l.bf16.f32 v10;
	v27 =	vunpack.i.u.bf16.f32 v12  }
0xb5: {  	v24 =	vld [tilespmem:s25+$0xFFFFFF40];
	v9 =	vunpack.i.u.bf16.f32 v11;
	v10 =	vunpack.i.l.bf16.f32 v11;
	v28 =	vunpack.i.l.bf16.f32 v12  }
0xb6: {  	v25 =	vld [tilespmem:s25+$0xFFFFFF50];
	v31 =	vunpack.i.u.bf16.f32 v13;
	v32 =	vunpack.i.l.bf16.f32 v13;
	v26 =	vunpack.i.u.bf16.f32 v15  }
0xb7: {  	v11 =	vunpack.i.u.bf16.f32 v14;
	v12 =	vunpack.i.l.bf16.f32 v14;
	v14 =	vunpack.i.l.bf16.f32 v15  }
0xb8: {  	v29 =	vld [tilespmem:s25+$0xFFFFFF90];
	v30 =	vunpack.i.u.bf16.f32 v17;
	v17 =	vunpack.i.l.bf16.f32 v17;
	v33 =	vunpack.i.u.bf16.f32 v20  }
0xb9: {  	v13 =	vunpack.i.u.bf16.f32 v19;
	v15 =	vunpack.i.l.bf16.f32 v19;
	v19 =	vunpack.i.u.bf16.f32 v23  }
0xba: {  	v34 =	vld [tilespmem:s25+$0xFFFFFFD0];
	v23 =	vunpack.i.l.bf16.f32 v23;
	v20 =	vunpack.i.l.bf16.f32 v20;
	v35 =	vunpack.i.l.bf16.f32 v24  }
0xbb: {  	v37 =	vld [tilespmem:s25+$0xFFFFFFE0];
	v24 =	vunpack.i.u.bf16.f32 v24;
	v36 =	vunpack.i.l.bf16.f32 v25;
	v35 =	vadd.f32 v35, v6  }
0xbc: {  	v25 =	vunpack.i.u.bf16.f32 v25;
	v24 =	vadd.f32 v24, v6;
	v36 =	vadd.f32 v36, v6  }
0xbd: {  	v39 =	vld [tilespmem:s25+$0xFFFFFFA0];
	v38 =	vunpack.i.l.bf16.f32 v29;
	v25 =	vadd.f32 v25, v6;
	v23 =	vadd.f32 v23, v35  }
0xbe: {  	v29 =	vunpack.i.u.bf16.f32 v29;
	v19 =	vadd.f32 v19, v24;
	v24 =	vadd.f32 v38, v36  }
0xbf: {  	v62 =	vld [tilespmem:s25+$0xFFFFFF60];
	v25 =	vadd.f32 v29, v25;
	v29 =	vunpack.i.u.bf16.f32 v34;
	v34 =	vunpack.i.l.bf16.f32 v34  }
0xc0: {  	v20 =	vadd.f32 v20, v23;
	v19 =	vadd.f32 v33, v19;
	v23 =	vunpack.i.u.bf16.f32 v37  }
0xc1: {  	v63 =	vadd.f32 v34, v24;
	v29 =	vadd.f32 v29, v25;
	v24 =	vunpack.i.l.bf16.f32 v37  }
0xc2: {  	v25 =	vunpack.i.u.bf16.f32 v39;
	v14 =	vadd.f32 v14, v20;
	v19 =	vadd.f32 v26, v19  }
0xc3: {  	v17 =	vadd.f32 v17, v63;
	v20 =	vadd.f32 v30, v29;
	v26 =	vunpack.i.l.bf16.f32 v39;
	v29 =	vld [tilespmem:s25+$0xFFFFFF70]  }
0xc4: {  	v30 =	vunpack.i.u.bf16.f32 v62;
	v14 =	vadd.f32 v28, v14;
	v19 =	vadd.f32 v27, v19  }
0xc5: {  	v32 =	vadd.f32 v32, v17;
	v33 =	vadd.f32 v31, v20;
	v31 =	vunpack.i.l.bf16.f32 v62;
	v28 =	vld [tilespmem:s25+$0xFFFFFFB0]  }
0xc6: {  	v20 =	vimm.f32 $0.0e+00;
	v14 =	vadd.f32 v22, v14;
	v17 =	vadd.f32 v21, v19  }
0xc7: {  	s23 =	simm.s32 $0x0;
	s24 =	simm.s32 $0x6240;
	v27 =	vld [tilespmem:s25+$0xFFFFFFF0];
	v19 =	vimm.f32 $0.0e+00;
	v22 =	vimm.f32 $0.0e+00;
	v21 =	vimm.f32 $0.0e+00  }
.LBB2_4:
0xc8: {  	v34 =	vld [tilespmem:s24+$0x80];
	v35 =	vunpack.i.u.bf16.f32 v29;
	v32 =	vadd.f32 v18, v32;
	v33 =	vadd.f32 v16, v33  }
0xc9: {  	v16 =	vunpack.i.l.bf16.f32 v29;
	v18 =	vadd.f32 v31, v19;
	v19 =	vadd.f32 v30, v22;
	v22 =	vld [tilespmem:s25+$0x30]  }
0xca: {  	v16 =	vadd.f32 v16, v20;
	v20 =	vadd.f32 v35, v21;
	v29 =	vld [tilespmem:s24+$0x90];
	v21 =	vunpack.i.u.bf16.f32 v28  }
0xcb: {  	v28 =	vunpack.i.l.bf16.f32 v28;
	v18 =	vadd.f32 v26, v18;
	v19 =	vadd.f32 v25, v19;
	v25 =	vld [tilespmem:s25+$0x70]  }
0xcc: {  	v16 =	vadd.f32 v28, v16;
	v20 =	vadd.f32 v21, v20;
	v26 =	vld [tilespmem:s24+$0xA0];
	v21 =	vunpack.i.u.bf16.f32 v27  }
0xcd: {  	v27 =	vunpack.i.l.bf16.f32 v27;
	v18 =	vadd.f32 v24, v18;
	v19 =	vadd.f32 v23, v19;
	v23 =	vld [tilespmem:s25+$0xB0];
	s25 =	smov.u32 s24  }
0xce: {  	v16 =	vadd.f32 v27, v16;
	v20 =	vadd.f32 v21, v20;
	v24 =	vld [tilespmem:s24+$0x40];
	v21 =	vunpack.i.u.bf16.f32 v22  }
0xcf: {  	v22 =	vunpack.i.l.bf16.f32 v22;
	v15 =	vadd.f32 v15, v18;
	v13 =	vadd.f32 v13, v19;
	v27 =	vld [tilespmem:s24+$0x50]  }
0xd0: {  	v16 =	vadd.f32 v22, v16;
	v18 =	vadd.f32 v21, v20;
	v28 =	vld [tilespmem:s24+$0x60];
	v19 =	vunpack.i.u.bf16.f32 v25  }
0xd1: {  	v20 =	vunpack.i.l.bf16.f32 v25;
	v12 =	vadd.f32 v12, v15;
	v11 =	vadd.f32 v11, v13;
	v30 =	vld [tilespmem:s24+$0x0]  }
0xd2: {  	v15 =	vadd.f32 v20, v16;
	v16 =	vadd.f32 v19, v18;
	v13 =	vld [tilespmem:s24+$0x10];
	v18 =	vunpack.i.u.bf16.f32 v23  }
0xd3: {  	v20 =	vunpack.i.l.bf16.f32 v23;
	v19 =	vadd.f32 v10, v12;
	v22 =	vadd.f32 v9, v11;
	v25 =	vld [tilespmem:s24+$0x20]  }
0xd4: {  	v35 =	vunpack.i.u.bf16.f32 v34;
	v20 =	vadd.f32 v20, v15;
	v21 =	vadd.f32 v18, v16;
	v23 =	vld [tilespmem:s24+$0xFFFFFFC0]  }
0xd5: {  	v34 =	vunpack.i.l.bf16.f32 v34;
	v16 =	vunpack.i.u.bf16.f32 v29;
	v18 =	vunpack.i.l.bf16.f32 v29;
	v31 =	vld [tilespmem:s24+$0xFFFFFF80]  }
0xd6: {  	v9 =	vunpack.i.u.bf16.f32 v26;
	v10 =	vunpack.i.l.bf16.f32 v26;
	v36 =	vunpack.i.u.bf16.f32 v24;
	v29 =	vld [tilespmem:s24+$0xFFFFFF40]  }
0xd7: {  	v37 =	vunpack.i.l.bf16.f32 v24;
	v38 =	vunpack.i.u.bf16.f32 v27;
	v27 =	vunpack.i.l.bf16.f32 v27;
	v26 =	vld [tilespmem:s24+$0xFFFFFF50]  }
0xd8: {  	v11 =	vunpack.i.u.bf16.f32 v28;
	v12 =	vunpack.i.l.bf16.f32 v28;
	v39 =	vunpack.i.u.bf16.f32 v30  }
0xd9: {  	v28 =	vunpack.i.l.bf16.f32 v30;
	v30 =	vunpack.i.u.bf16.f32 v13;
	v40 =	vunpack.i.l.bf16.f32 v13;
	v24 =	vld [tilespmem:s24+$0xFFFFFF90]  }
0xda: {  	v13 =	vunpack.i.u.bf16.f32 v25;
	v15 =	vunpack.i.l.bf16.f32 v25;
	v41 =	vunpack.i.u.bf16.f32 v23  }
0xdb: {  	v23 =	vunpack.i.l.bf16.f32 v23;
	v25 =	vunpack.i.u.bf16.f32 v31;
	v31 =	vunpack.i.l.bf16.f32 v31;
	v42 =	vld [tilespmem:s24+$0xFFFFFFD0]  }
0xdc: {  	v43 =	vunpack.i.u.bf16.f32 v29;
	v29 =	vunpack.i.l.bf16.f32 v29;
	v44 =	vunpack.i.u.bf16.f32 v26  }
0xdd: {  	v26 =	vunpack.i.l.bf16.f32 v26;
	v14 =	vadd.f32 v29, v14;
	v17 =	vadd.f32 v43, v17;
	v43 =	vld [tilespmem:s24+$0xFFFFFFE0]  }
0xde: {  	v26 =	vadd.f32 v26, v32;
	v29 =	vadd.f32 v44, v33;
	v32 =	vunpack.i.u.bf16.f32 v24  }
0xdf: {  	v24 =	vunpack.i.l.bf16.f32 v24;
	v14 =	vadd.f32 v31, v14;
	v17 =	vadd.f32 v25, v17;
	v33 =	vld [tilespmem:s24+$0xFFFFFFA0]  }
0xe0: {  	v24 =	vadd.f32 v24, v26;
	v25 =	vadd.f32 v32, v29;
	v26 =	vunpack.i.u.bf16.f32 v42  }
0xe1: {  	s23 =	sadd.s32 $0x6, s23;
	v29 =	vunpack.i.l.bf16.f32 v42;
	v14 =	vadd.f32 v23, v14;
	v17 =	vadd.f32 v41, v17;
	v31 =	vld [tilespmem:s24+$0xFFFFFF60]  }
0xe2: {  	p0 =	slt.u32 s23, $0x2A;
	v32 =	vadd.f32 v29, v24;
	v26 =	vadd.f32 v26, v25;
	v23 =	vunpack.i.u.bf16.f32 v43  }
.Ltmp0:
0xe3: {  	v24 =	vunpack.i.l.bf16.f32 v43;
	v14 =	vadd.f32 v28, v14;
	v17 =	vadd.f32 v39, v17;
	v29 =	vld [tilespmem:s24+$0xFFFFFF70];
	(pc) =	sbr.rel @p0 .LBB2_4-.Ltmp0, $4  }
0xe4: {  	v32 =	vadd.f32 v40, v32;
	v39 =	vadd.f32 v30, v26;
	v25 =	vunpack.i.u.bf16.f32 v33  }
0xe5: {  	v26 =	vunpack.i.l.bf16.f32 v33;
	v14 =	vadd.f32 v37, v14;
	v17 =	vadd.f32 v36, v17;
	v28 =	vld [tilespmem:s24+$0xFFFFFFB0]  }
0xe6: {  	v32 =	vadd.f32 v27, v32;
	v33 =	vadd.f32 v38, v39;
	v30 =	vunpack.i.u.bf16.f32 v31  }
0xe7: {  	s24 =	sadd.s32 $0x180, s24;
	v31 =	vunpack.i.l.bf16.f32 v31;
	v14 =	vadd.f32 v34, v14;
	v17 =	vadd.f32 v35, v17;
	v27 =	vld [tilespmem:s25+$0xFFFFFFF0]  }
0xe8: {  	s23 =	sshll.u32 s22, $0x2  }
0xe9: {  	s24 =	sor.u32 s21, s23  }
0xea: {  	p0 =	sgt.u32 s24, $0x7B  }
0xeb: {  	s24 =	smul.u32 @!p0 $0x300, s24;
	_ =	sdelay $0x1  }
0xec: {  	s24 =	sshra.s32 @!p0 s24, $0x2  }
0xed: {  	v34 =	vld @!p0 [tilespmem:s24+$0x300];
	_ =	sdelay $0x4  }
0xee: {  	v35 =	vld [tilespmem:s25+$0x30]  }
0xef: {  	v36 =	vld [tilespmem:s25+$0x70]  }
0xf0: {  	v37 =	vld [tilespmem:s25+$0xB0];
	vm1 =	vmmov @!p0 $0xffff;
	s25 =	simm.s32 @!p0 $0x0;
	s26 =	simm.s32 @!p0 $0x6000  }
0xf1: {  	[tilespmem:s26], [sflag:$0x1] =	stream.indirect_vreg.gather @!p0 [hbm4b:s2+s25], $0x20, v34, vm1, $0xb8;
	[tilespmem:$0xC0D0] =	vst v63  }
0xf2: {  	v34 =	vld @!p0 [tilespmem:s24+$0x310];
	_ =	sdelay $0x6  }
0xf3: {  	s26 =	simm.s32 @!p0 $0x6200  }
0xf4: {  	[tilespmem:s26], [sflag:$0x1] =	stream.indirect_vreg.gather @!p0 [hbm4b:s2+s25], $0x20, v34, vm1, $0xb8;
	[tilespmem:$0xC0D0] =	vst v63  }
0xf5: {  	v34 =	vld @!p0 [tilespmem:s24+$0x320];
	_ =	sdelay $0x6  }
0xf6: {  	s26 =	simm.s32 @!p0 $0x6400  }
0xf7: {  	[tilespmem:s26], [sflag:$0x1] =	stream.indirect_vreg.gather @!p0 [hbm4b:s2+s25], $0x20, v34, vm1, $0xb8;
	[tilespmem:$0xC0D0] =	vst v63  }
0xf8: {  	v34 =	vld @!p0 [tilespmem:s24+$0x330];
	_ =	sdelay $0x6  }
0xf9: {  	s26 =	simm.s32 @!p0 $0x6600  }
0xfa: {  	[tilespmem:s26], [sflag:$0x1] =	stream.indirect_vreg.gather @!p0 [hbm4b:s2+s25], $0x20, v34, vm1, $0xb8;
	[tilespmem:$0xC0D0] =	vst v63  }
0xfb: {  	v34 =	vld @!p0 [tilespmem:s24+$0x340];
	_ =	sdelay $0x6  }
0xfc: {  	s26 =	simm.s32 @!p0 $0x6800  }
0xfd: {  	[tilespmem:s26], [sflag:$0x1] =	stream.indirect_vreg.gather @!p0 [hbm4b:s2+s25], $0x20, v34, vm1, $0xb8;
	[tilespmem:$0xC0D0] =	vst v63  }
0xfe: {  	v34 =	vld @!p0 [tilespmem:s24+$0x350];
	_ =	sdelay $0x6  }
0xff: {  	s26 =	simm.s32 @!p0 $0x6A00  }
0x100: {  	[tilespmem:s26], [sflag:$0x1] =	stream.indirect_vreg.gather @!p0 [hbm4b:s2+s25], $0x20, v34, vm1, $0xb8;
	[tilespmem:$0xC0D0] =	vst v63  }
0x101: {  	v53 =	vunpack.i.u.bf16.f32 v29;
	v32 =	vadd.f32 v18, v32;
	v33 =	vadd.f32 v16, v33;
	_ =	swait.ge [sflag:s11], $0xC00  }
0x102: {  	v16 =	vunpack.i.l.bf16.f32 v29;
	v18 =	vadd.f32 v31, v19;
	v19 =	vadd.f32 v30, v22;
	[sflag:s11] =	ssyncset.done $0x0  }
0x103: {  	v16 =	vadd.f32 v16, v20;
	v20 =	vadd.f32 v53, v21;
	v21 =	vunpack.i.u.bf16.f32 v28;
	s25 =	simm.s32 $0x6CC0;
	[sflag:s11] =	ssyncadd.s32 $0xFFFFF400  }
0x104: {  	v22 =	vunpack.i.l.bf16.f32 v28;
	v18 =	vadd.f32 v26, v18;
	v19 =	vadd.f32 v25, v19;
	v25 =	vld [tilespmem:s25+$0x80]  }
0x105: {  	v16 =	vadd.f32 v22, v16;
	v20 =	vadd.f32 v21, v20;
	v21 =	vunpack.i.u.bf16.f32 v27;
	v26 =	vld [tilespmem:s25+$0x90]  }
0x106: {  	v22 =	vunpack.i.l.bf16.f32 v27;
	v18 =	vadd.f32 v24, v18;
	v19 =	vadd.f32 v23, v19;
	v23 =	vld [tilespmem:s25+$0xA0]  }
0x107: {  	v16 =	vadd.f32 v22, v16;
	v20 =	vadd.f32 v21, v20;
	v21 =	vunpack.i.u.bf16.f32 v35;
	v27 =	vld [tilespmem:s25+$0x40]  }
0x108: {  	v22 =	vunpack.i.l.bf16.f32 v35;
	v15 =	vadd.f32 v15, v18;
	v13 =	vadd.f32 v13, v19;
	v28 =	vld [tilespmem:s25+$0x50]  }
0x109: {  	v19 =	vunpack.i.u.bf16.f32 v36;
	v16 =	vadd.f32 v22, v16;
	v18 =	vadd.f32 v21, v20;
	v21 =	vld [tilespmem:s25+$0x60]  }
0x10a: {  	v20 =	vunpack.i.l.bf16.f32 v36;
	v12 =	vadd.f32 v12, v15;
	v11 =	vadd.f32 v11, v13;
	v29 =	vld [tilespmem:s25+$0x0]  }
0x10b: {  	v13 =	vadd.f32 v20, v16;
	v15 =	vadd.f32 v19, v18;
	v16 =	vunpack.i.u.bf16.f32 v37;
	v30 =	vld [tilespmem:s25+$0x10]  }
0x10c: {  	v19 =	vunpack.i.l.bf16.f32 v37;
	v22 =	vadd.f32 v10, v12;
	v18 =	vadd.f32 v9, v11;
	v9 =	vld [tilespmem:s25+$0x20]  }
0x10d: {  	v20 =	vadd.f32 v19, v13;
	v19 =	vadd.f32 v16, v15;
	v10 =	vld [tilespmem:s25+$0xFFFFFFC0];
	v54 =	vunpack.i.u.bf16.f32 v25  }
0x10e: {  	v31 =	vld [tilespmem:s25+$0xFFFFFF80];
	v55 =	vunpack.i.l.bf16.f32 v25;
	v12 =	vunpack.i.u.bf16.f32 v26;
	v24 =	vunpack.i.l.bf16.f32 v26  }
0x10f: {  	v25 =	vld [tilespmem:s25+$0xFFFFFF40];
	v56 =	vunpack.i.u.bf16.f32 v27;
	v11 =	vunpack.i.u.bf16.f32 v23;
	v13 =	vunpack.i.l.bf16.f32 v23  }
0x110: {  	v26 =	vld [tilespmem:s25+$0xFFFFFF50];
	v57 =	vunpack.i.l.bf16.f32 v27;
	v38 =	vunpack.i.u.bf16.f32 v28;
	v28 =	vunpack.i.l.bf16.f32 v28  }
0x111: {  	v39 =	vld [tilespmem:s25+$0xFFFFFF90];
	v27 =	vunpack.i.u.bf16.f32 v29;
	v15 =	vunpack.i.u.bf16.f32 v21;
	v16 =	vunpack.i.l.bf16.f32 v21  }
0x112: {  	v29 =	vunpack.i.l.bf16.f32 v29;
	v40 =	vunpack.i.u.bf16.f32 v30;
	v41 =	vunpack.i.u.bf16.f32 v10  }
0x113: {  	v21 =	vunpack.i.u.bf16.f32 v9;
	v23 =	vunpack.i.l.bf16.f32 v9;
	v9 =	vunpack.i.u.bf16.f32 v31  }
0x114: {  	v42 =	vld [tilespmem:s25+$0xFFFFFFD0];
	v31 =	vunpack.i.l.bf16.f32 v31;
	v43 =	vunpack.i.u.bf16.f32 v25;
	v25 =	vunpack.i.l.bf16.f32 v25  }
0x115: {  	v44 =	vunpack.i.u.bf16.f32 v26;
	v26 =	vunpack.i.l.bf16.f32 v26;
	v14 =	vadd.f32 v25, v14  }
0x116: {  	v59 =	vunpack.i.u.bf16.f32 v39;
	v17 =	vadd.f32 v43, v17;
	v26 =	vadd.f32 v26, v32  }
0x117: {  	v60 =	vld [tilespmem:s25+$0xFFFFFFA0];
	v39 =	vunpack.i.l.bf16.f32 v39;
	v58 =	vadd.f32 v44, v33;
	v14 =	vadd.f32 v31, v14  }
0x118: {  	v10 =	vunpack.i.l.bf16.f32 v10;
	v25 =	vld [tilespmem:s25+$0xFFFFFFE0];
	v9 =	vadd.f32 v9, v17;
	v26 =	vadd.f32 v39, v26  }
0x119: {  	v63 =	vunpack.i.l.bf16.f32 v42;
	v31 =	vadd.f32 v59, v58;
	v10 =	vadd.f32 v10, v14  }
0x11a: {  	v62 =	vld [tilespmem:s25+$0xFFFFFF60];
	v61 =	vunpack.i.u.bf16.f32 v42;
	v9 =	vadd.f32 v41, v9;
	v14 =	vadd.f32 v63, v26  }
0x11b: {  	v30 =	vunpack.i.l.bf16.f32 v30;
	v31 =	vadd.f32 v61, v31;
	v10 =	vadd.f32 v29, v10  }
0x11c: {  	v26 =	vunpack.i.u.bf16.f32 v60;
	v9 =	vadd.f32 v27, v9;
	v14 =	vadd.f32 v30, v14;
	v30 =	vld [tilespmem:s25+$0xFFFFFF70]  }
0x11d: {  	v17 =	vunpack.i.u.bf16.f32 v25;
	v25 =	vunpack.i.l.bf16.f32 v25;
	v32 =	vadd.f32 v40, v31  }
0x11e: {  	v27 =	vunpack.i.l.bf16.f32 v60;
	v29 =	vld [tilespmem:s25+$0xFFFFFFB0];
	v10 =	vadd.f32 v57, v10;
	v36 =	vadd.f32 v56, v9  }
0x11f: {  	v31 =	vunpack.i.u.bf16.f32 v62;
	v14 =	vadd.f32 v28, v14;
	v33 =	vadd.f32 v38, v32  }
0x120: {  	s28 =	simm.s32 $0x6E40;
	s26 =	simm.s32 $0x0;
	v32 =	vunpack.i.l.bf16.f32 v62;
	v28 =	vld [tilespmem:s25+$0xFFFFFFF0];
	v9 =	vadd.f32 v55, v10;
	v10 =	vadd.f32 v54, v36  }
.LBB2_6:
0x121: {  	v34 =	vld [tilespmem:s28+$0x80];
	v35 =	vunpack.i.u.bf16.f32 v30;
	v14 =	vadd.f32 v24, v14;
	v33 =	vadd.f32 v12, v33  }
0x122: {  	v12 =	vunpack.i.l.bf16.f32 v30;
	v22 =	vadd.f32 v32, v22;
	v18 =	vadd.f32 v31, v18;
	v24 =	vld [tilespmem:s25+$0x30]  }
0x123: {  	v12 =	vadd.f32 v12, v20;
	v19 =	vadd.f32 v35, v19;
	v30 =	vld [tilespmem:s28+$0x90];
	v20 =	vunpack.i.u.bf16.f32 v29  }
0x124: {  	v29 =	vunpack.i.l.bf16.f32 v29;
	v22 =	vadd.f32 v27, v22;
	v18 =	vadd.f32 v26, v18;
	v26 =	vld [tilespmem:s25+$0x70]  }
0x125: {  	v12 =	vadd.f32 v29, v12;
	v19 =	vadd.f32 v20, v19;
	v27 =	vld [tilespmem:s28+$0xA0];
	v20 =	vunpack.i.u.bf16.f32 v28  }
0x126: {  	v28 =	vunpack.i.l.bf16.f32 v28;
	v22 =	vadd.f32 v25, v22;
	v17 =	vadd.f32 v17, v18;
	v18 =	vld [tilespmem:s25+$0xB0];
	s25 =	smov.u32 s28  }
0x127: {  	v12 =	vadd.f32 v28, v12;
	v19 =	vadd.f32 v20, v19;
	v25 =	vld [tilespmem:s28+$0x40];
	v20 =	vunpack.i.u.bf16.f32 v24  }
0x128: {  	v24 =	vunpack.i.l.bf16.f32 v24;
	v22 =	vadd.f32 v23, v22;
	v17 =	vadd.f32 v21, v17;
	v28 =	vld [tilespmem:s28+$0x50]  }
0x129: {  	v12 =	vadd.f32 v24, v12;
	v19 =	vadd.f32 v20, v19;
	v21 =	vld [tilespmem:s28+$0x60];
	v20 =	vunpack.i.u.bf16.f32 v26  }
0x12a: {  	v24 =	vunpack.i.l.bf16.f32 v26;
	v16 =	vadd.f32 v16, v22;
	v15 =	vadd.f32 v15, v17;
	v23 =	vld [tilespmem:s28+$0x0]  }
0x12b: {  	v12 =	vadd.f32 v24, v12;
	v19 =	vadd.f32 v20, v19;
	v17 =	vld [tilespmem:s28+$0x10];
	v24 =	vunpack.i.u.bf16.f32 v18  }
0x12c: {  	v20 =	vunpack.i.l.bf16.f32 v18;
	v22 =	vadd.f32 v13, v16;
	v18 =	vadd.f32 v11, v15;
	v26 =	vld [tilespmem:s28+$0x20]  }
0x12d: {  	v35 =	vunpack.i.u.bf16.f32 v34;
	v20 =	vadd.f32 v20, v12;
	v19 =	vadd.f32 v24, v19;
	v29 =	vld [tilespmem:s28+$0xFFFFFFC0]  }
0x12e: {  	v34 =	vunpack.i.l.bf16.f32 v34;
	v12 =	vunpack.i.u.bf16.f32 v30;
	v24 =	vunpack.i.l.bf16.f32 v30;
	v31 =	vld [tilespmem:s28+$0xFFFFFF80]  }
0x12f: {  	v11 =	vunpack.i.u.bf16.f32 v27;
	v13 =	vunpack.i.l.bf16.f32 v27;
	v32 =	vunpack.i.u.bf16.f32 v25;
	v30 =	vld [tilespmem:s28+$0xFFFFFF40]  }
0x130: {  	v36 =	vunpack.i.l.bf16.f32 v25;
	v37 =	vunpack.i.u.bf16.f32 v28;
	v28 =	vunpack.i.l.bf16.f32 v28;
	v27 =	vld [tilespmem:s28+$0xFFFFFF50]  }
0x131: {  	v15 =	vunpack.i.u.bf16.f32 v21;
	v16 =	vunpack.i.l.bf16.f32 v21;
	v38 =	vunpack.i.u.bf16.f32 v23  }
0x132: {  	v39 =	vunpack.i.l.bf16.f32 v23;
	v40 =	vunpack.i.u.bf16.f32 v17;
	v41 =	vunpack.i.l.bf16.f32 v17;
	v25 =	vld [tilespmem:s28+$0xFFFFFF90]  }
0x133: {  	v21 =	vunpack.i.u.bf16.f32 v26;
	v23 =	vunpack.i.l.bf16.f32 v26;
	v17 =	vunpack.i.u.bf16.f32 v29  }
0x134: {  	v29 =	vunpack.i.l.bf16.f32 v29;
	v26 =	vunpack.i.u.bf16.f32 v31;
	v31 =	vunpack.i.l.bf16.f32 v31;
	v42 =	vld [tilespmem:s28+$0xFFFFFFD0]  }
0x135: {  	v43 =	vunpack.i.u.bf16.f32 v30;
	v30 =	vunpack.i.l.bf16.f32 v30;
	v44 =	vunpack.i.u.bf16.f32 v27  }
0x136: {  	v27 =	vunpack.i.l.bf16.f32 v27;
	v9 =	vadd.f32 v30, v9;
	v10 =	vadd.f32 v43, v10;
	v43 =	vld [tilespmem:s28+$0xFFFFFFE0]  }
0x137: {  	v14 =	vadd.f32 v27, v14;
	v27 =	vadd.f32 v44, v33;
	v30 =	vunpack.i.u.bf16.f32 v25  }
0x138: {  	v25 =	vunpack.i.l.bf16.f32 v25;
	v9 =	vadd.f32 v31, v9;
	v10 =	vadd.f32 v26, v10;
	v33 =	vld [tilespmem:s28+$0xFFFFFFA0]  }
0x139: {  	v14 =	vadd.f32 v25, v14;
	v25 =	vadd.f32 v30, v27;
	v26 =	vunpack.i.u.bf16.f32 v42  }
0x13a: {  	s26 =	sadd.s32 $0x6, s26;
	v27 =	vunpack.i.l.bf16.f32 v42;
	v9 =	vadd.f32 v29, v9;
	v10 =	vadd.f32 v17, v10;
	v44 =	vld [tilespmem:s28+$0xFFFFFF60]  }
0x13b: {  	p1 =	slt.u32 s26, $0x24;
	v14 =	vadd.f32 v27, v14;
	v27 =	vadd.f32 v26, v25;
	v17 =	vunpack.i.u.bf16.f32 v43  }
.Ltmp1:
0x13c: {  	v25 =	vunpack.i.l.bf16.f32 v43;
	v9 =	vadd.f32 v39, v9;
	v10 =	vadd.f32 v38, v10;
	v30 =	vld [tilespmem:s28+$0xFFFFFF70];
	(pc) =	sbr.rel @p1 .LBB2_6-.Ltmp1, $4  }
0x13d: {  	v14 =	vadd.f32 v41, v14;
	v38 =	vadd.f32 v40, v27;
	v26 =	vunpack.i.u.bf16.f32 v33  }
0x13e: {  	v27 =	vunpack.i.l.bf16.f32 v33;
	v9 =	vadd.f32 v36, v9;
	v10 =	vadd.f32 v32, v10;
	v29 =	vld [tilespmem:s28+$0xFFFFFFB0]  }
0x13f: {  	v14 =	vadd.f32 v28, v14;
	v33 =	vadd.f32 v37, v38;
	v31 =	vunpack.i.u.bf16.f32 v44  }
0x140: {  	s28 =	sadd.s32 $0x180, s28;
	v32 =	vunpack.i.l.bf16.f32 v44;
	v9 =	vadd.f32 v34, v9;
	v10 =	vadd.f32 v35, v10;
	v28 =	vld [tilespmem:s25+$0xFFFFFFF0]  }
0x141: {  	v34 =	vld @!p0 [tilespmem:s24+$0x360];
	_ =	sdelay $0x4  }
0x142: {  	v35 =	vld [tilespmem:s25+$0x30]  }
0x143: {  	v36 =	vld [tilespmem:s25+$0x70]  }
0x144: {  	v37 =	vld [tilespmem:s25+$0xB0];
	s25 =	simm.s32 @!p0 $0x0;
	s26 =	simm.s32 @!p0 $0x6C00  }
0x145: {  	[tilespmem:s26], [sflag:$0x2] =	stream.indirect_vreg.gather @!p0 [hbm4b:s2+s25], $0x20, v34, vm1, $0xb8;
	[tilespmem:$0xC0D0] =	vst v63  }
0x146: {  	v34 =	vld @!p0 [tilespmem:s24+$0x370];
	_ =	sdelay $0x6  }
0x147: {  	s26 =	simm.s32 @!p0 $0x6E00  }
0x148: {  	[tilespmem:s26], [sflag:$0x2] =	stream.indirect_vreg.gather @!p0 [hbm4b:s2+s25], $0x20, v34, vm1, $0xb8;
	[tilespmem:$0xC0D0] =	vst v63  }
0x149: {  	v34 =	vld @!p0 [tilespmem:s24+$0x380];
	_ =	sdelay $0x6  }
0x14a: {  	s26 =	simm.s32 @!p0 $0x7000  }
0x14b: {  	[tilespmem:s26], [sflag:$0x2] =	stream.indirect_vreg.gather @!p0 [hbm4b:s2+s25], $0x20, v34, vm1, $0xb8;
	[tilespmem:$0xC0D0] =	vst v63  }
0x14c: {  	v34 =	vld @!p0 [tilespmem:s24+$0x390];
	_ =	sdelay $0x6  }
0x14d: {  	s26 =	simm.s32 @!p0 $0x7200  }
0x14e: {  	[tilespmem:s26], [sflag:$0x2] =	stream.indirect_vreg.gather @!p0 [hbm4b:s2+s25], $0x20, v34, vm1, $0xb8;
	[tilespmem:$0xC0D0] =	vst v63  }
0x14f: {  	v34 =	vld @!p0 [tilespmem:s24+$0x3A0];
	_ =	sdelay $0x6  }
0x150: {  	s26 =	simm.s32 @!p0 $0x7400  }
0x151: {  	[tilespmem:s26], [sflag:$0x2] =	stream.indirect_vreg.gather @!p0 [hbm4b:s2+s25], $0x20, v34, vm1, $0xb8;
	[tilespmem:$0xC0D0] =	vst v63  }
0x152: {  	v34 =	vld @!p0 [tilespmem:s24+$0x3B0];
	_ =	sdelay $0x6  }
0x153: {  	s24 =	simm.s32 @!p0 $0x7600  }
0x154: {  	v14 =	vadd.f32 v24, v14;
	[tilespmem:s24], [sflag:$0x2] =	stream.indirect_vreg.gather @!p0 [hbm4b:s2+s25], $0x20, v34, vm1, $0xb8;
	[tilespmem:$0xC0D0] =	vst v63  }
0x155: {  	v12 =	vadd.f32 v12, v33;
	v24 =	vunpack.i.l.bf16.f32 v30;
	v22 =	vadd.f32 v32, v22;
	_ =	swait.ge [sflag:s12], $0xC00  }
0x156: {  	v30 =	vunpack.i.u.bf16.f32 v30;
	v18 =	vadd.f32 v31, v18;
	v20 =	vadd.f32 v24, v20;
	[sflag:s12] =	ssyncset.done $0x0  }
0x157: {  	v19 =	vadd.f32 v30, v19;
	v24 =	vunpack.i.l.bf16.f32 v29;
	v22 =	vadd.f32 v27, v22;
	s26 =	simm.s32 $0x78C0;
	[sflag:s12] =	ssyncadd.s32 $0xFFFFF400  }
0x158: {  	v27 =	vunpack.i.u.bf16.f32 v29;
	v18 =	vadd.f32 v26, v18;
	v20 =	vadd.f32 v24, v20;
	v26 =	vld [tilespmem:s26+$0x80]  }
0x159: {  	v19 =	vadd.f32 v27, v19;
	v24 =	vunpack.i.l.bf16.f32 v28;
	v22 =	vadd.f32 v25, v22;
	v25 =	vld [tilespmem:s26+$0x90]  }
0x15a: {  	v27 =	vunpack.i.u.bf16.f32 v28;
	v17 =	vadd.f32 v17, v18;
	v18 =	vadd.f32 v24, v20;
	v28 =	vld [tilespmem:s26+$0xA0]  }
0x15b: {  	v19 =	vadd.f32 v27, v19;
	v20 =	vunpack.i.l.bf16.f32 v35;
	v22 =	vadd.f32 v23, v22;
	v23 =	vld [tilespmem:s26+$0x40]  }
0x15c: {  	v24 =	vunpack.i.u.bf16.f32 v35;
	v17 =	vadd.f32 v21, v17;
	v18 =	vadd.f32 v20, v18;
	v21 =	vld [tilespmem:s26+$0x50]  }
0x15d: {  	v19 =	vadd.f32 v24, v19;
	v20 =	vunpack.i.l.bf16.f32 v36;
	v16 =	vadd.f32 v16, v22;
	v22 =	vld [tilespmem:s26+$0x60]  }
0x15e: {  	v24 =	vunpack.i.u.bf16.f32 v36;
	v15 =	vadd.f32 v15, v17;
	v17 =	vadd.f32 v20, v18;
	v29 =	vld [tilespmem:s26+$0x0]  }
0x15f: {  	v24 =	vadd.f32 v24, v19;
	v20 =	vunpack.i.l.bf16.f32 v37;
	v18 =	vadd.f32 v13, v16;
	v30 =	vld [tilespmem:s26+$0x10]  }
0x160: {  	v13 =	vunpack.i.u.bf16.f32 v37;
	v19 =	vadd.f32 v11, v15;
	v20 =	vadd.f32 v20, v17;
	v31 =	vld [tilespmem:s26+$0x20]  }
0x161: {  	v17 =	vadd.f32 v13, v24;
	v24 =	vimm.f32 $0.0e+00;
	v56 =	vld [tilespmem:s26+$0xFFFFFFC0];
	v57 =	vunpack.i.u.bf16.f32 v26  }
0x162: {  	v59 =	vld [tilespmem:s26+$0xFFFFFF40];
	v42 =	vunpack.i.l.bf16.f32 v26;
	v26 =	vunpack.i.u.bf16.f32 v25;
	v27 =	vunpack.i.l.bf16.f32 v25  }
0x163: {  	v60 =	vunpack.i.u.bf16.f32 v23;
	v11 =	vunpack.i.u.bf16.f32 v28;
	v13 =	vunpack.i.l.bf16.f32 v28  }
0x164: {  	v58 =	vld [tilespmem:s26+$0xFFFFFF80];
	v61 =	vunpack.i.l.bf16.f32 v23;
	v39 =	vunpack.i.u.bf16.f32 v21;
	v21 =	vunpack.i.l.bf16.f32 v21  }
0x165: {  	v28 =	vld [tilespmem:s26+$0xFFFFFF50];
	v38 =	vunpack.i.u.bf16.f32 v29;
	v15 =	vunpack.i.u.bf16.f32 v22;
	v16 =	vunpack.i.l.bf16.f32 v22  }
0x166: {  	v29 =	vunpack.i.l.bf16.f32 v29;
	v40 =	vunpack.i.u.bf16.f32 v30;
	v30 =	vunpack.i.l.bf16.f32 v30  }
0x167: {  	v22 =	vld [tilespmem:s26+$0xFFFFFF90];
	v41 =	vunpack.i.u.bf16.f32 v56;
	v23 =	vunpack.i.u.bf16.f32 v31;
	v34 =	vunpack.i.l.bf16.f32 v59  }
0x168: {  	v43 =	vld [tilespmem:s26+$0xFFFFFFD0];
	v25 =	vunpack.i.l.bf16.f32 v31;
	v44 =	vunpack.i.u.bf16.f32 v59;
	v34 =	vadd.f32 v34, v24  }
0x169: {  	v31 =	vunpack.i.u.bf16.f32 v58;
	v33 =	vunpack.i.l.bf16.f32 v58;
	v44 =	vadd.f32 v44, v24  }
0x16a: {  	v48 =	vld [tilespmem:s26+$0xFFFFFFA0];
	v33 =	vadd.f32 v33, v34;
	v45 =	vunpack.i.u.bf16.f32 v28;
	v28 =	vunpack.i.l.bf16.f32 v28  }
0x16b: {  	v46 =	vld [tilespmem:s26+$0xFFFFFFE0];
	v32 =	vunpack.i.l.bf16.f32 v56;
	v28 =	vadd.f32 v28, v24;
	v45 =	vadd.f32 v45, v24  }
0x16c: {  	v31 =	vadd.f32 v31, v44;
	v47 =	vunpack.i.u.bf16.f32 v22;
	v22 =	vunpack.i.l.bf16.f32 v22  }
0x16d: {  	v62 =	vunpack.i.u.bf16.f32 v43;
	v22 =	vadd.f32 v22, v28;
	v28 =	vadd.f32 v47, v45  }
0x16e: {  	v63 =	vld [tilespmem:s26+$0xFFFFFF60];
	v43 =	vunpack.i.l.bf16.f32 v43;
	v33 =	vadd.f32 v32, v33;
	v41 =	vadd.f32 v41, v31  }
0x16f: {  	v34 =	vunpack.i.l.bf16.f32 v48;
	v22 =	vadd.f32 v43, v22;
	v28 =	vadd.f32 v62, v28  }
0x170: {  	v31 =	vunpack.i.u.bf16.f32 v46;
	v29 =	vadd.f32 v29, v33;
	v38 =	vadd.f32 v38, v41  }
0x171: {  	v37 =	vld [tilespmem:s26+$0xFFFFFF70];
	v32 =	vunpack.i.l.bf16.f32 v46;
	v22 =	vadd.f32 v30, v22;
	v28 =	vadd.f32 v40, v28  }
0x172: {  	v33 =	vunpack.i.u.bf16.f32 v48;
	v29 =	vadd.f32 v61, v29;
	v30 =	vadd.f32 v60, v38  }
0x173: {  	v36 =	vld [tilespmem:s26+$0xFFFFFFB0];
	v38 =	vunpack.i.u.bf16.f32 v63;
	v40 =	vadd.f32 v21, v22;
	v41 =	vadd.f32 v39, v28  }
0x174: {  	v39 =	vunpack.i.l.bf16.f32 v63;
	v21 =	vadd.f32 v42, v29;
	v22 =	vadd.f32 v57, v30  }
0x175: {  	s24 =	simm.s32 $0x0;
	s25 =	simm.s32 $0x7A40;
	v35 =	vld [tilespmem:s26+$0xFFFFFFF0];
	v30 =	vimm.f32 $0.0e+00;
	v28 =	vimm.f32 $0.0e+00;
	v29 =	vimm.f32 $0.0e+00  }
.LBB2_8:
0x176: {  	v42 =	vld [tilespmem:s25+$0x80];
	v43 =	vunpack.i.u.bf16.f32 v37;
	v40 =	vadd.f32 v27, v40;
	v41 =	vadd.f32 v26, v41  }
0x177: {  	v26 =	vunpack.i.l.bf16.f32 v37;
	v24 =	vadd.f32 v39, v24;
	v27 =	vadd.f32 v38, v30;
	v30 =	vld [tilespmem:s26+$0x30]  }
0x178: {  	v26 =	vadd.f32 v26, v28;
	v28 =	vadd.f32 v43, v29;
	v37 =	vld [tilespmem:s25+$0x90];
	v29 =	vunpack.i.u.bf16.f32 v36  }
0x179: {  	v36 =	vunpack.i.l.bf16.f32 v36;
	v24 =	vadd.f32 v34, v24;
	v27 =	vadd.f32 v33, v27;
	v33 =	vld [tilespmem:s26+$0x70]  }
0x17a: {  	v26 =	vadd.f32 v36, v26;
	v28 =	vadd.f32 v29, v28;
	v34 =	vld [tilespmem:s25+$0xA0];
	v29 =	vunpack.i.u.bf16.f32 v35  }
0x17b: {  	v35 =	vunpack.i.l.bf16.f32 v35;
	v24 =	vadd.f32 v32, v24;
	v27 =	vadd.f32 v31, v27;
	v31 =	vld [tilespmem:s26+$0xB0];
	s26 =	smov.u32 s25  }
0x17c: {  	v26 =	vadd.f32 v35, v26;
	v28 =	vadd.f32 v29, v28;
	v32 =	vld [tilespmem:s25+$0x40];
	v29 =	vunpack.i.u.bf16.f32 v30  }
0x17d: {  	v30 =	vunpack.i.l.bf16.f32 v30;
	v24 =	vadd.f32 v25, v24;
	v23 =	vadd.f32 v23, v27;
	v35 =	vld [tilespmem:s25+$0x50]  }
0x17e: {  	v26 =	vadd.f32 v30, v26;
	v27 =	vadd.f32 v29, v28;
	v25 =	vld [tilespmem:s25+$0x60];
	v28 =	vunpack.i.u.bf16.f32 v33  }
0x17f: {  	v29 =	vunpack.i.l.bf16.f32 v33;
	v16 =	vadd.f32 v16, v24;
	v15 =	vadd.f32 v15, v23;
	v36 =	vld [tilespmem:s25+$0x0]  }
0x180: {  	v26 =	vadd.f32 v29, v26;
	v27 =	vadd.f32 v28, v27;
	v23 =	vld [tilespmem:s25+$0x10];
	v29 =	vunpack.i.u.bf16.f32 v31  }
0x181: {  	v28 =	vunpack.i.l.bf16.f32 v31;
	v24 =	vadd.f32 v13, v16;
	v30 =	vadd.f32 v11, v15;
	v33 =	vld [tilespmem:s25+$0x20]  }
0x182: {  	v43 =	vunpack.i.u.bf16.f32 v42;
	v28 =	vadd.f32 v28, v26;
	v29 =	vadd.f32 v29, v27;
	v31 =	vld [tilespmem:s25+$0xFFFFFFC0]  }
0x183: {  	v42 =	vunpack.i.l.bf16.f32 v42;
	v26 =	vunpack.i.u.bf16.f32 v37;
	v27 =	vunpack.i.l.bf16.f32 v37;
	v38 =	vld [tilespmem:s25+$0xFFFFFF80]  }
0x184: {  	v11 =	vunpack.i.u.bf16.f32 v34;
	v13 =	vunpack.i.l.bf16.f32 v34;
	v39 =	vunpack.i.u.bf16.f32 v32;
	v37 =	vld [tilespmem:s25+$0xFFFFFF40]  }
0x185: {  	v44 =	vunpack.i.l.bf16.f32 v32;
	v45 =	vunpack.i.u.bf16.f32 v35;
	v35 =	vunpack.i.l.bf16.f32 v35;
	v34 =	vld [tilespmem:s25+$0xFFFFFF50]  }
0x186: {  	v15 =	vunpack.i.u.bf16.f32 v25;
	v16 =	vunpack.i.l.bf16.f32 v25;
	v46 =	vunpack.i.u.bf16.f32 v36  }
0x187: {  	v36 =	vunpack.i.l.bf16.f32 v36;
	v47 =	vunpack.i.u.bf16.f32 v23;
	v48 =	vunpack.i.l.bf16.f32 v23;
	v32 =	vld [tilespmem:s25+$0xFFFFFF90]  }
0x188: {  	v23 =	vunpack.i.u.bf16.f32 v33;
	v25 =	vunpack.i.l.bf16.f32 v33;
	v49 =	vunpack.i.u.bf16.f32 v31  }
0x189: {  	v31 =	vunpack.i.l.bf16.f32 v31;
	v33 =	vunpack.i.u.bf16.f32 v38;
	v38 =	vunpack.i.l.bf16.f32 v38;
	v50 =	vld [tilespmem:s25+$0xFFFFFFD0]  }
0x18a: {  	v51 =	vunpack.i.u.bf16.f32 v37;
	v37 =	vunpack.i.l.bf16.f32 v37;
	v52 =	vunpack.i.u.bf16.f32 v34  }
0x18b: {  	v34 =	vunpack.i.l.bf16.f32 v34;
	v21 =	vadd.f32 v37, v21;
	v22 =	vadd.f32 v51, v22;
	v51 =	vld [tilespmem:s25+$0xFFFFFFE0]  }
0x18c: {  	v34 =	vadd.f32 v34, v40;
	v37 =	vadd.f32 v52, v41;
	v40 =	vunpack.i.u.bf16.f32 v32  }
0x18d: {  	v32 =	vunpack.i.l.bf16.f32 v32;
	v21 =	vadd.f32 v38, v21;
	v22 =	vadd.f32 v33, v22;
	v41 =	vld [tilespmem:s25+$0xFFFFFFA0]  }
0x18e: {  	v32 =	vadd.f32 v32, v34;
	v33 =	vadd.f32 v40, v37;
	v34 =	vunpack.i.u.bf16.f32 v50  }
0x18f: {  	s24 =	sadd.s32 $0x6, s24;
	v37 =	vunpack.i.l.bf16.f32 v50;
	v21 =	vadd.f32 v31, v21;
	v22 =	vadd.f32 v49, v22;
	v52 =	vld [tilespmem:s25+$0xFFFFFF60]  }
0x190: {  	p0 =	slt.u32 s24, $0x2A;
	v38 =	vadd.f32 v37, v32;
	v34 =	vadd.f32 v34, v33;
	v31 =	vunpack.i.u.bf16.f32 v51  }
.Ltmp2:
0x191: {  	v32 =	vunpack.i.l.bf16.f32 v51;
	v21 =	vadd.f32 v36, v21;
	v22 =	vadd.f32 v46, v22;
	v37 =	vld [tilespmem:s25+$0xFFFFFF70];
	(pc) =	sbr.rel @p0 .LBB2_8-.Ltmp2, $4  }
0x192: {  	v40 =	vadd.f32 v48, v38;
	v46 =	vadd.f32 v47, v34;
	v33 =	vunpack.i.u.bf16.f32 v41  }
0x193: {  	v34 =	vunpack.i.l.bf16.f32 v41;
	v21 =	vadd.f32 v44, v21;
	v22 =	vadd.f32 v39, v22;
	v36 =	vld [tilespmem:s25+$0xFFFFFFB0]  }
0x194: {  	v40 =	vadd.f32 v35, v40;
	v41 =	vadd.f32 v45, v46;
	v38 =	vunpack.i.u.bf16.f32 v52  }
0x195: {  	s25 =	sadd.s32 $0x180, s25;
	v39 =	vunpack.i.l.bf16.f32 v52;
	v21 =	vadd.f32 v42, v21;
	v22 =	vadd.f32 v43, v22;
	v35 =	vld [tilespmem:s26+$0xFFFFFFF0]  }
0x196: {  	s24 =	sor.u32 $0x1, s23  }
0x197: {  	s25 =	sor.u32 s21, s24  }
0x198: {  	p0 =	sgt.u32 s25, $0x7B  }
0x199: {  	s25 =	smul.u32 @!p0 $0x300, s25;
	_ =	sdelay $0x1  }
0x19a: {  	s25 =	sshra.s32 @!p0 s25, $0x2  }
0x19b: {  	v42 =	vld @!p0 [tilespmem:s25+$0x300];
	_ =	sdelay $0x4  }
0x19c: {  	v43 =	vld [tilespmem:s26+$0x30]  }
0x19d: {  	v44 =	vld [tilespmem:s26+$0x70]  }
0x19e: {  	v45 =	vld [tilespmem:s26+$0xB0];
	vm1 =	vmmov @!p0 $0xffff;
	s26 =	simm.s32 @!p0 $0x0;
	s28 =	simm.s32 @!p0 $0x7800  }
0x19f: {  	[tilespmem:s28], [sflag:$0x3] =	stream.indirect_vreg.gather @!p0 [hbm4b:s2+s26], $0x20, v42, vm1, $0xb8;
	[tilespmem:$0xC0D0] =	vst v63  }
0x1a0: {  	v42 =	vld @!p0 [tilespmem:s25+$0x310];
	_ =	sdelay $0x6  }
0x1a1: {  	s28 =	simm.s32 @!p0 $0x7A00  }
0x1a2: {  	[tilespmem:s28], [sflag:$0x3] =	stream.indirect_vreg.gather @!p0 [hbm4b:s2+s26], $0x20, v42, vm1, $0xb8;
	[tilespmem:$0xC0D0] =	vst v63  }
0x1a3: {  	v42 =	vld @!p0 [tilespmem:s25+$0x320];
	_ =	sdelay $0x6  }
0x1a4: {  	s28 =	simm.s32 @!p0 $0x7C00  }
0x1a5: {  	[tilespmem:s28], [sflag:$0x3] =	stream.indirect_vreg.gather @!p0 [hbm4b:s2+s26], $0x20, v42, vm1, $0xb8;
	[tilespmem:$0xC0D0] =	vst v63  }
0x1a6: {  	v42 =	vld @!p0 [tilespmem:s25+$0x330];
	_ =	sdelay $0x1  }
0x1a7: {  	v9 =	vadd.f32 v18, v9;
	v10 =	vadd.f32 v19, v10;
	_ =	sdelay $0x1  }
0x1a8: {  	v14 =	vadd.f32 v20, v14;
	v18 =	vmul.f32 v9, v9;
	v19 =	vmul.f32 v10, v10  }
0x1a9: {  	v9 =	vmul.f32 v9, v1;
	v10 =	vmul.f32 v10, v2  }
0x1aa: {  	v12 =	vadd.f32 v17, v12;
	v17 =	vadd.f32 v19, v18;
	v18 =	vmul.f32 v14, v14  }
0x1ab: {  	v9 =	vadd.f32 v10, v9;
	v10 =	vmul.f32 v14, v3;
	s28 =	simm.s32 @!p0 $0x7E00  }
0x1ac: {  	v14 =	vadd.f32 v18, v17;
	[tilespmem:s28], [sflag:$0x3] =	stream.indirect_vreg.gather @!p0 [hbm4b:s2+s26], $0x20, v42, vm1, $0xb8;
	[tilespmem:$0xC0D0] =	vst v63  }
0x1ad: {  	v17 =	vmul.f32 v12, v12;
	v9 =	vadd.f32 v10, v9;
	v10 =	vmul.f32 v12, v4;
	v12 =	vld @!p0 [tilespmem:s25+$0x340];
	_ =	sdelay $0x3  }
0x1ae: {  	v14 =	vadd.f32 v17, v14  }
0x1af: {  	v9 =	vadd.f32 v10, v9  }
0x1b0: {  	(xrf2) =	vadd.scan.msk.f32 $0xffff, v14  }
0x1b1: {  	(xrf2) =	vadd.scan.msk.f32 $0xffff, v9;
	s28 =	simm.s32 @!p0 $0x8000  }
0x1b2: {  	[tilespmem:s28], [sflag:$0x3] =	stream.indirect_vreg.gather @!p0 [hbm4b:s2+s26], $0x20, v12, vm1, $0xb8;
	[tilespmem:$0xC0D0] =	vst v63  }
0x1b3: {  	v9 =	vld @!p0 [tilespmem:s25+$0x350];
	_ =	sdelay $0x1  }
0x1b4: {  	v17 =	vadd.f32 v38, v30;
	_ =	sdelay $0x1  }
0x1b5: {  	v17 =	vadd.f32 v33, v17  }
0x1b6: {  	v14 =	vmov s23  }
0x1b7: {  	vm2 =	veq.s32 v14, v0;
	v14 =	vadd.f32 v39, v24;
	v17 =	vadd.f32 v31, v17  }
0x1b8: {  	v10, _, _ =	vpop (xrf2);
	s28 =	simm.s32 @!p0 $0x8200  }
0x1b9: {  	v14 =	vadd.f32 v34, v14;
	v17 =	vadd.f32 v23, v17;
	v12, _, _ =	vpop (xrf2);
	[tilespmem:s28], [sflag:$0x3] =	stream.indirect_vreg.gather @!p0 [hbm4b:s2+s26], $0x20, v9, vm1, $0xb8;
	[tilespmem:$0xC0D0] =	vst v63  }
0x1ba: {  	v26 =	vadd.f32 v26, v41;
	v19 =	vunpack.i.l.bf16.f32 v36;
	v12 =	vbroadcast v12, $0xF;
	_ =	swait.ge [sflag:s13], $0xC00  }
0x1bb: {  	v14 =	vadd.f32 v32, v14;
	v15 =	vadd.f32 v15, v17;
	v10 =	vbroadcast v10, $0xF;
	[sflag:s13] =	ssyncset.done $0x0  }
0x1bc: {  	v7 =	vsel vm2, v12, v7;
	v12 =	vunpack.i.l.bf16.f32 v37;
	v9 =	vunpack.i.u.bf16.f32 v37;
	s26 =	simm.s32 $0x84C0;
	[sflag:s13] =	ssyncadd.s32 $0xFFFFF400  }
0x1bd: {  	v18 =	vunpack.i.u.bf16.f32 v36;
	v12 =	vadd.f32 v12, v28;
	v9 =	vadd.f32 v9, v29;
	v20 =	vld [tilespmem:s26+$0x80]  }
0x1be: {  	v14 =	vadd.f32 v25, v14;
	v8 =	vsel vm2, v10, v8;
	v10 =	vadd.f32 v27, v40;
	v24 =	vld [tilespmem:s26+$0x90]  }
0x1bf: {  	v12 =	vadd.f32 v19, v12;
	v9 =	vadd.f32 v18, v9;
	v27 =	vld [tilespmem:s26+$0xA0]  }
0x1c0: {  	v17 =	vadd.f32 v11, v15;
	v19 =	vunpack.i.l.bf16.f32 v35;
	v18 =	vunpack.i.u.bf16.f32 v35;
	v28 =	vld [tilespmem:s26+$0x40]  }
0x1c1: {  	v12 =	vadd.f32 v19, v12;
	v25 =	vld [tilespmem:s26+$0x50];
	v9 =	vadd.f32 v18, v9  }
0x1c2: {  	v14 =	vadd.f32 v16, v14;
	v19 =	vunpack.i.l.bf16.f32 v43;
	v29 =	vld [tilespmem:s26+$0x60];
	v18 =	vunpack.i.u.bf16.f32 v43  }
0x1c3: {  	v16 =	vunpack.i.u.bf16.f32 v45;
	v12 =	vadd.f32 v19, v12;
	v30 =	vld [tilespmem:s26+$0x0];
	v9 =	vadd.f32 v18, v9  }
0x1c4: {  	v23 =	vadd.f32 v13, v14;
	v19 =	vunpack.i.l.bf16.f32 v44;
	v31 =	vld [tilespmem:s26+$0x10];
	v18 =	vunpack.i.u.bf16.f32 v44  }
0x1c5: {  	v12 =	vadd.f32 v19, v12;
	v47 =	vld [tilespmem:s26+$0x20];
	v9 =	vadd.f32 v18, v9;
	v18 =	vunpack.i.l.bf16.f32 v45  }
0x1c6: {  	v50 =	vld [tilespmem:s26+$0xFFFFFF40];
	v34 =	vunpack.i.u.bf16.f32 v20;
	v49 =	vunpack.i.l.bf16.f32 v20;
	v14 =	vunpack.i.l.bf16.f32 v24  }
0x1c7: {  	v51 =	vunpack.i.u.bf16.f32 v28;
	v11 =	vunpack.i.u.bf16.f32 v27;
	v13 =	vunpack.i.l.bf16.f32 v27  }
0x1c8: {  	v48 =	vld [tilespmem:s26+$0xFFFFFF80];
	v28 =	vunpack.i.l.bf16.f32 v28;
	v52 =	vunpack.i.u.bf16.f32 v25;
	v53 =	vunpack.i.l.bf16.f32 v25  }
0x1c9: {  	v25 =	vunpack.i.u.bf16.f32 v30;
	v15 =	vunpack.i.u.bf16.f32 v29;
	v30 =	vunpack.i.l.bf16.f32 v30  }
0x1ca: {  	v27 =	vld [tilespmem:s26+$0xFFFFFF50];
	v54 =	vunpack.i.u.bf16.f32 v31;
	v31 =	vunpack.i.l.bf16.f32 v31;
	v20 =	vunpack.i.u.bf16.f32 v47  }
0x1cb: {  	v36 =	vunpack.i.l.bf16.f32 v50;
	v19 =	vadd.f32 v18, v12;
	v18 =	vadd.f32 v16, v9;
	v9 =	vld [tilespmem:s26+$0xFFFFFFC0]  }
0x1cc: {  	v58 =	vunpack.i.u.bf16.f32 v50;
	v21 =	vadd.f32 v36, v21;
	v16 =	vunpack.i.l.bf16.f32 v29;
	v29 =	vld [tilespmem:s26+$0xFFFFFF90]  }
0x1cd: {  	v57 =	vld [tilespmem:s26+$0xFFFFFFD0];
	v56 =	vunpack.i.u.bf16.f32 v48;
	v33 =	vunpack.i.l.bf16.f32 v48;
	v22 =	vadd.f32 v58, v22  }
0x1ce: {  	v12 =	vunpack.i.u.bf16.f32 v24;
	v24 =	vunpack.i.l.bf16.f32 v47;
	v21 =	vadd.f32 v33, v21  }
0x1cf: {  	v60 =	vld [tilespmem:s26+$0xFFFFFFE0];
	v22 =	vadd.f32 v56, v22;
	v59 =	vunpack.i.u.bf16.f32 v27;
	v27 =	vunpack.i.l.bf16.f32 v27  }
0x1d0: {  	v10 =	vadd.f32 v27, v10;
	v26 =	vadd.f32 v59, v26;
	v55 =	vunpack.i.u.bf16.f32 v9  }
0x1d1: {  	v61 =	vld [tilespmem:s26+$0xFFFFFFA0];
	v9 =	vunpack.i.l.bf16.f32 v9;
	v27 =	vunpack.i.u.bf16.f32 v29;
	v29 =	vunpack.i.l.bf16.f32 v29  }
0x1d2: {  	v62 =	vld [tilespmem:s26+$0xFFFFFF60];
	v10 =	vadd.f32 v29, v10;
	v26 =	vadd.f32 v27, v26;
	v27 =	vunpack.i.u.bf16.f32 v57  }
0x1d3: {  	v29 =	vunpack.i.l.bf16.f32 v57;
	v9 =	vadd.f32 v9, v21;
	v32 =	vadd.f32 v55, v22  }
0x1d4: {  	v21 =	vunpack.i.u.bf16.f32 v60;
	v10 =	vadd.f32 v29, v10;
	v26 =	vadd.f32 v27, v26  }
0x1d5: {  	v22 =	vunpack.i.l.bf16.f32 v60;
	v9 =	vadd.f32 v30, v9;
	v27 =	vadd.f32 v25, v32;
	v29 =	vld [tilespmem:s26+$0xFFFFFF70]  }
0x1d6: {  	v25 =	vunpack.i.u.bf16.f32 v61;
	v10 =	vadd.f32 v31, v10;
	v31 =	vadd.f32 v54, v26  }
0x1d7: {  	v30 =	vunpack.i.u.bf16.f32 v62;
	v9 =	vadd.f32 v28, v9;
	v63 =	vadd.f32 v51, v27;
	v28 =	vld [tilespmem:s26+$0xFFFFFFB0]  }
0x1d8: {  	v26 =	vunpack.i.l.bf16.f32 v61;
	v33 =	vadd.f32 v53, v10;
	v32 =	vadd.f32 v52, v31  }
0x1d9: {  	s29 =	simm.s32 $0x8640;
	s28 =	simm.s32 $0x0;
	v27 =	vld [tilespmem:s26+$0xFFFFFFF0];
	v31 =	vunpack.i.l.bf16.f32 v62;
	v9 =	vadd.f32 v49, v9;
	v10 =	vadd.f32 v34, v63  }
.LBB2_10:
0x1da: {  	v34 =	vld [tilespmem:s29+$0x80];
	v35 =	vunpack.i.u.bf16.f32 v29;
	v33 =	vadd.f32 v14, v33;
	v32 =	vadd.f32 v12, v32  }
0x1db: {  	v12 =	vunpack.i.l.bf16.f32 v29;
	v14 =	vadd.f32 v31, v23;
	v17 =	vadd.f32 v30, v17;
	v23 =	vld [tilespmem:s26+$0x30]  }
0x1dc: {  	v12 =	vadd.f32 v12, v19;
	v18 =	vadd.f32 v35, v18;
	v29 =	vld [tilespmem:s29+$0x90];
	v19 =	vunpack.i.u.bf16.f32 v28  }
0x1dd: {  	v28 =	vunpack.i.l.bf16.f32 v28;
	v14 =	vadd.f32 v26, v14;
	v17 =	vadd.f32 v25, v17;
	v25 =	vld [tilespmem:s26+$0x70]  }
0x1de: {  	v12 =	vadd.f32 v28, v12;
	v18 =	vadd.f32 v19, v18;
	v26 =	vld [tilespmem:s29+$0xA0];
	v19 =	vunpack.i.u.bf16.f32 v27  }
0x1df: {  	v27 =	vunpack.i.l.bf16.f32 v27;
	v14 =	vadd.f32 v22, v14;
	v17 =	vadd.f32 v21, v17;
	v21 =	vld [tilespmem:s26+$0xB0];
	s26 =	smov.u32 s29  }
0x1e0: {  	v12 =	vadd.f32 v27, v12;
	v18 =	vadd.f32 v19, v18;
	v22 =	vld [tilespmem:s29+$0x40];
	v19 =	vunpack.i.u.bf16.f32 v23  }
0x1e1: {  	v23 =	vunpack.i.l.bf16.f32 v23;
	v14 =	vadd.f32 v24, v14;
	v17 =	vadd.f32 v20, v17;
	v27 =	vld [tilespmem:s29+$0x50]  }
0x1e2: {  	v12 =	vadd.f32 v23, v12;
	v18 =	vadd.f32 v19, v18;
	v20 =	vld [tilespmem:s29+$0x60];
	v19 =	vunpack.i.u.bf16.f32 v25  }
0x1e3: {  	v23 =	vunpack.i.l.bf16.f32 v25;
	v14 =	vadd.f32 v16, v14;
	v15 =	vadd.f32 v15, v17;
	v24 =	vld [tilespmem:s29+$0x0]  }
0x1e4: {  	v12 =	vadd.f32 v23, v12;
	v16 =	vadd.f32 v19, v18;
	v25 =	vld [tilespmem:s29+$0x10];
	v18 =	vunpack.i.u.bf16.f32 v21  }
0x1e5: {  	v19 =	vunpack.i.l.bf16.f32 v21;
	v23 =	vadd.f32 v13, v14;
	v17 =	vadd.f32 v11, v15;
	v28 =	vld [tilespmem:s29+$0x20]  }
0x1e6: {  	v35 =	vunpack.i.u.bf16.f32 v34;
	v19 =	vadd.f32 v19, v12;
	v18 =	vadd.f32 v18, v16;
	v21 =	vld [tilespmem:s29+$0xFFFFFFC0]  }
0x1e7: {  	v34 =	vunpack.i.l.bf16.f32 v34;
	v14 =	vunpack.i.l.bf16.f32 v29;
	v12 =	vunpack.i.u.bf16.f32 v29;
	v30 =	vld [tilespmem:s29+$0xFFFFFF80]  }
0x1e8: {  	v11 =	vunpack.i.u.bf16.f32 v26;
	v13 =	vunpack.i.l.bf16.f32 v26;
	v31 =	vunpack.i.u.bf16.f32 v22;
	v29 =	vld [tilespmem:s29+$0xFFFFFF40]  }
0x1e9: {  	v36 =	vunpack.i.l.bf16.f32 v22;
	v37 =	vunpack.i.u.bf16.f32 v27;
	v27 =	vunpack.i.l.bf16.f32 v27;
	v26 =	vld [tilespmem:s29+$0xFFFFFF50]  }
0x1ea: {  	v15 =	vunpack.i.u.bf16.f32 v20;
	v16 =	vunpack.i.l.bf16.f32 v20;
	v38 =	vunpack.i.u.bf16.f32 v24  }
0x1eb: {  	v39 =	vunpack.i.l.bf16.f32 v24;
	v40 =	vunpack.i.u.bf16.f32 v25;
	v41 =	vunpack.i.l.bf16.f32 v25;
	v22 =	vld [tilespmem:s29+$0xFFFFFF90]  }
0x1ec: {  	v20 =	vunpack.i.u.bf16.f32 v28;
	v24 =	vunpack.i.l.bf16.f32 v28;
	v25 =	vunpack.i.u.bf16.f32 v21  }
0x1ed: {  	v21 =	vunpack.i.l.bf16.f32 v21;
	v28 =	vunpack.i.u.bf16.f32 v30;
	v30 =	vunpack.i.l.bf16.f32 v30;
	v42 =	vld [tilespmem:s29+$0xFFFFFFD0]  }
0x1ee: {  	v43 =	vunpack.i.u.bf16.f32 v29;
	v29 =	vunpack.i.l.bf16.f32 v29;
	v44 =	vunpack.i.u.bf16.f32 v26  }
0x1ef: {  	v26 =	vunpack.i.l.bf16.f32 v26;
	v9 =	vadd.f32 v29, v9;
	v10 =	vadd.f32 v43, v10;
	v43 =	vld [tilespmem:s29+$0xFFFFFFE0]  }
0x1f0: {  	v26 =	vadd.f32 v26, v33;
	v29 =	vadd.f32 v44, v32;
	v32 =	vunpack.i.u.bf16.f32 v22  }
0x1f1: {  	v22 =	vunpack.i.l.bf16.f32 v22;
	v9 =	vadd.f32 v30, v9;
	v10 =	vadd.f32 v28, v10;
	v33 =	vld [tilespmem:s29+$0xFFFFFFA0]  }
0x1f2: {  	v22 =	vadd.f32 v22, v26;
	v26 =	vadd.f32 v32, v29;
	v28 =	vunpack.i.u.bf16.f32 v42  }
0x1f3: {  	s28 =	sadd.s32 $0x6, s28;
	v29 =	vunpack.i.l.bf16.f32 v42;
	v9 =	vadd.f32 v21, v9;
	v10 =	vadd.f32 v25, v10;
	v44 =	vld [tilespmem:s29+$0xFFFFFF60]  }
0x1f4: {  	p1 =	slt.u32 s28, $0x24;
	v30 =	vadd.f32 v29, v22;
	v26 =	vadd.f32 v28, v26;
	v21 =	vunpack.i.u.bf16.f32 v43  }
.Ltmp3:
0x1f5: {  	v22 =	vunpack.i.l.bf16.f32 v43;
	v9 =	vadd.f32 v39, v9;
	v10 =	vadd.f32 v38, v10;
	v29 =	vld [tilespmem:s29+$0xFFFFFF70];
	(pc) =	sbr.rel @p1 .LBB2_10-.Ltmp3, $4  }
0x1f6: {  	v32 =	vadd.f32 v41, v30;
	v38 =	vadd.f32 v40, v26;
	v25 =	vunpack.i.u.bf16.f32 v33  }
0x1f7: {  	v26 =	vunpack.i.l.bf16.f32 v33;
	v9 =	vadd.f32 v36, v9;
	v10 =	vadd.f32 v31, v10;
	v28 =	vld [tilespmem:s29+$0xFFFFFFB0]  }
0x1f8: {  	v33 =	vadd.f32 v27, v32;
	v32 =	vadd.f32 v37, v38;
	v30 =	vunpack.i.u.bf16.f32 v44  }
0x1f9: {  	s29 =	sadd.s32 $0x180, s29;
	v31 =	vunpack.i.l.bf16.f32 v44;
	v9 =	vadd.f32 v34, v9;
	v10 =	vadd.f32 v35, v10;
	v27 =	vld [tilespmem:s26+$0xFFFFFFF0]  }
0x1fa: {  	v34 =	vld @!p0 [tilespmem:s25+$0x360];
	_ =	sdelay $0x4  }
0x1fb: {  	v35 =	vld [tilespmem:s26+$0x30]  }
0x1fc: {  	v36 =	vld [tilespmem:s26+$0x70]  }
0x1fd: {  	v37 =	vld [tilespmem:s26+$0xB0];
	s26 =	simm.s32 @!p0 $0x0;
	s28 =	simm.s32 @!p0 $0x8400  }
0x1fe: {  	[tilespmem:s28], [sflag:$0x4] =	stream.indirect_vreg.gather @!p0 [hbm4b:s2+s26], $0x20, v34, vm1, $0xb8;
	[tilespmem:$0xC0D0] =	vst v63  }
0x1ff: {  	v34 =	vld @!p0 [tilespmem:s25+$0x370];
	_ =	sdelay $0x6  }
0x200: {  	s28 =	simm.s32 @!p0 $0x8600  }
0x201: {  	[tilespmem:s28], [sflag:$0x4] =	stream.indirect_vreg.gather @!p0 [hbm4b:s2+s26], $0x20, v34, vm1, $0xb8;
	[tilespmem:$0xC0D0] =	vst v63  }
0x202: {  	v34 =	vld @!p0 [tilespmem:s25+$0x380];
	_ =	sdelay $0x6  }
0x203: {  	s28 =	simm.s32 @!p0 $0x8800  }
0x204: {  	[tilespmem:s28], [sflag:$0x4] =	stream.indirect_vreg.gather @!p0 [hbm4b:s2+s26], $0x20, v34, vm1, $0xb8;
	[tilespmem:$0xC0D0] =	vst v63  }
0x205: {  	v34 =	vld @!p0 [tilespmem:s25+$0x390];
	_ =	sdelay $0x6  }
0x206: {  	s28 =	simm.s32 @!p0 $0x8A00  }
0x207: {  	[tilespmem:s28], [sflag:$0x4] =	stream.indirect_vreg.gather @!p0 [hbm4b:s2+s26], $0x20, v34, vm1, $0xb8;
	[tilespmem:$0xC0D0] =	vst v63  }
0x208: {  	v34 =	vld @!p0 [tilespmem:s25+$0x3A0];
	_ =	sdelay $0x6  }
0x209: {  	s28 =	simm.s32 @!p0 $0x8C00  }
0x20a: {  	[tilespmem:s28], [sflag:$0x4] =	stream.indirect_vreg.gather @!p0 [hbm4b:s2+s26], $0x20, v34, vm1, $0xb8;
	[tilespmem:$0xC0D0] =	vst v63  }
0x20b: {  	v34 =	vld @!p0 [tilespmem:s25+$0x3B0];
	_ =	sdelay $0x6  }
0x20c: {  	s25 =	simm.s32 @!p0 $0x8E00  }
0x20d: {  	v14 =	vadd.f32 v14, v33;
	[tilespmem:s25], [sflag:$0x4] =	stream.indirect_vreg.gather @!p0 [hbm4b:s2+s26], $0x20, v34, vm1, $0xb8;
	[tilespmem:$0xC0D0] =	vst v63  }
0x20e: {  	v12 =	vadd.f32 v12, v32;
	v52 =	vunpack.i.l.bf16.f32 v29;
	v23 =	vadd.f32 v31, v23;
	_ =	swait.ge [sflag:s14], $0xC00  }
0x20f: {  	v29 =	vunpack.i.u.bf16.f32 v29;
	v17 =	vadd.f32 v30, v17;
	v19 =	vadd.f32 v52, v19;
	[sflag:s14] =	ssyncset.done $0x0  }
0x210: {  	v18 =	vadd.f32 v29, v18;
	v29 =	vunpack.i.l.bf16.f32 v28;
	v23 =	vadd.f32 v26, v23;
	s28 =	simm.s32 $0x90C0;
	[sflag:s14] =	ssyncadd.s32 $0xFFFFF400  }
0x211: {  	v26 =	vunpack.i.u.bf16.f32 v28;
	v17 =	vadd.f32 v25, v17;
	v19 =	vadd.f32 v29, v19;
	v25 =	vld [tilespmem:s28+$0x80]  }
0x212: {  	v18 =	vadd.f32 v26, v18;
	v26 =	vunpack.i.l.bf16.f32 v27;
	v22 =	vadd.f32 v22, v23;
	v23 =	vld [tilespmem:s28+$0x90]  }
0x213: {  	v27 =	vunpack.i.u.bf16.f32 v27;
	v17 =	vadd.f32 v21, v17;
	v19 =	vadd.f32 v26, v19;
	v21 =	vld [tilespmem:s28+$0xA0]  }
0x214: {  	v18 =	vadd.f32 v27, v18;
	v26 =	vunpack.i.l.bf16.f32 v35;
	v22 =	vadd.f32 v24, v22;
	v28 =	vld [tilespmem:s28+$0x40]  }
0x215: {  	v24 =	vunpack.i.u.bf16.f32 v35;
	v17 =	vadd.f32 v20, v17;
	v19 =	vadd.f32 v26, v19;
	v29 =	vld [tilespmem:s28+$0x50]  }
0x216: {  	v20 =	vunpack.i.l.bf16.f32 v36;
	v18 =	vadd.f32 v24, v18;
	v16 =	vadd.f32 v16, v22;
	v22 =	vld [tilespmem:s28+$0x60]  }
0x217: {  	v24 =	vunpack.i.u.bf16.f32 v36;
	v15 =	vadd.f32 v15, v17;
	v17 =	vadd.f32 v20, v19;
	v30 =	vld [tilespmem:s28+$0x0]  }
0x218: {  	v24 =	vadd.f32 v24, v18;
	v20 =	vunpack.i.l.bf16.f32 v37;
	v18 =	vadd.f32 v13, v16;
	v31 =	vld [tilespmem:s28+$0x10]  }
0x219: {  	v13 =	vunpack.i.u.bf16.f32 v37;
	v19 =	vadd.f32 v11, v15;
	v20 =	vadd.f32 v20, v17;
	v53 =	vld [tilespmem:s28+$0x20]  }
0x21a: {  	v17 =	vadd.f32 v13, v24;
	v24 =	vimm.f32 $0.0e+00;
	v54 =	vld [tilespmem:s28+$0xFFFFFFC0];
	v55 =	vunpack.i.u.bf16.f32 v25  }
0x21b: {  	v57 =	vld [tilespmem:s28+$0xFFFFFF40];
	v42 =	vunpack.i.l.bf16.f32 v25;
	v26 =	vunpack.i.u.bf16.f32 v23;
	v27 =	vunpack.i.l.bf16.f32 v23  }
0x21c: {  	v58 =	vunpack.i.u.bf16.f32 v28;
	v11 =	vunpack.i.u.bf16.f32 v21;
	v13 =	vunpack.i.l.bf16.f32 v21  }
0x21d: {  	v56 =	vld [tilespmem:s28+$0xFFFFFF80];
	v28 =	vunpack.i.l.bf16.f32 v28;
	v39 =	vunpack.i.u.bf16.f32 v29;
	v29 =	vunpack.i.l.bf16.f32 v29  }
0x21e: {  	v21 =	vld [tilespmem:s28+$0xFFFFFF50];
	v38 =	vunpack.i.u.bf16.f32 v30;
	v15 =	vunpack.i.u.bf16.f32 v22;
	v16 =	vunpack.i.l.bf16.f32 v22  }
0x21f: {  	v30 =	vunpack.i.l.bf16.f32 v30;
	v40 =	vunpack.i.u.bf16.f32 v31;
	v41 =	vunpack.i.l.bf16.f32 v31  }
0x220: {  	v22 =	vld [tilespmem:s28+$0xFFFFFF90];
	v31 =	vunpack.i.u.bf16.f32 v54;
	v23 =	vunpack.i.u.bf16.f32 v53;
	v36 =	vunpack.i.l.bf16.f32 v57  }
0x221: {  	v43 =	vld [tilespmem:s28+$0xFFFFFFD0];
	v25 =	vunpack.i.l.bf16.f32 v53;
	v44 =	vunpack.i.u.bf16.f32 v57;
	v36 =	vadd.f32 v36, v24  }
0x222: {  	v59 =	vunpack.i.u.bf16.f32 v56;
	v34 =	vunpack.i.l.bf16.f32 v56;
	v44 =	vadd.f32 v44, v24  }
0x223: {  	v46 =	vld [tilespmem:s28+$0xFFFFFFE0];
	v34 =	vadd.f32 v34, v36;
	v45 =	vunpack.i.u.bf16.f32 v21;
	v21 =	vunpack.i.l.bf16.f32 v21  }
0x224: {  	v33 =	vunpack.i.l.bf16.f32 v54;
	v21 =	vadd.f32 v21, v24;
	v45 =	vadd.f32 v45, v24  }
0x225: {  	v48 =	vld [tilespmem:s28+$0xFFFFFFA0];
	v32 =	vadd.f32 v59, v44;
	v47 =	vunpack.i.u.bf16.f32 v22;
	v22 =	vunpack.i.l.bf16.f32 v22  }
0x226: {  	v60 =	vunpack.i.u.bf16.f32 v43;
	v21 =	vadd.f32 v22, v21;
	v22 =	vadd.f32 v47, v45  }
0x227: {  	v61 =	vld [tilespmem:s28+$0xFFFFFF60];
	v43 =	vunpack.i.l.bf16.f32 v43;
	v33 =	vadd.f32 v33, v34;
	v62 =	vadd.f32 v31, v32  }
0x228: {  	v31 =	vunpack.i.u.bf16.f32 v46;
	v21 =	vadd.f32 v43, v21;
	v22 =	vadd.f32 v60, v22  }
0x229: {  	v32 =	vunpack.i.l.bf16.f32 v46;
	v30 =	vadd.f32 v30, v33;
	v63 =	vadd.f32 v38, v62  }
0x22a: {  	v37 =	vld [tilespmem:s28+$0xFFFFFF70];
	v34 =	vunpack.i.l.bf16.f32 v48;
	v21 =	vadd.f32 v41, v21;
	v22 =	vadd.f32 v40, v22  }
0x22b: {  	v33 =	vunpack.i.u.bf16.f32 v48;
	v28 =	vadd.f32 v28, v30;
	v30 =	vadd.f32 v58, v63  }
0x22c: {  	v36 =	vld [tilespmem:s28+$0xFFFFFFB0];
	v38 =	vunpack.i.u.bf16.f32 v61;
	v40 =	vadd.f32 v29, v21;
	v41 =	vadd.f32 v39, v22  }
0x22d: {  	v39 =	vunpack.i.l.bf16.f32 v61;
	v21 =	vadd.f32 v42, v28;
	v22 =	vadd.f32 v55, v30  }
0x22e: {  	s25 =	simm.s32 $0x0;
	s26 =	simm.s32 $0x9240;
	v35 =	vld [tilespmem:s28+$0xFFFFFFF0];
	v30 =	vimm.f32 $0.0e+00;
	v28 =	vimm.f32 $0.0e+00;
	v29 =	vimm.f32 $0.0e+00  }
.LBB2_12:
0x22f: {  	v42 =	vld [tilespmem:s26+$0x80];
	v43 =	vunpack.i.u.bf16.f32 v37;
	v40 =	vadd.f32 v27, v40;
	v41 =	vadd.f32 v26, v41  }
0x230: {  	v26 =	vunpack.i.l.bf16.f32 v37;
	v24 =	vadd.f32 v39, v24;
	v27 =	vadd.f32 v38, v30;
	v30 =	vld [tilespmem:s28+$0x30]  }
0x231: {  	v26 =	vadd.f32 v26, v28;
	v28 =	vadd.f32 v43, v29;
	v37 =	vld [tilespmem:s26+$0x90];
	v29 =	vunpack.i.u.bf16.f32 v36  }
0x232: {  	v36 =	vunpack.i.l.bf16.f32 v36;
	v24 =	vadd.f32 v34, v24;
	v27 =	vadd.f32 v33, v27;
	v33 =	vld [tilespmem:s28+$0x70]  }
0x233: {  	v26 =	vadd.f32 v36, v26;
	v28 =	vadd.f32 v29, v28;
	v34 =	vld [tilespmem:s26+$0xA0];
	v29 =	vunpack.i.u.bf16.f32 v35  }
0x234: {  	v35 =	vunpack.i.l.bf16.f32 v35;
	v24 =	vadd.f32 v32, v24;
	v27 =	vadd.f32 v31, v27;
	v31 =	vld [tilespmem:s28+$0xB0];
	s28 =	smov.u32 s26  }
0x235: {  	v26 =	vadd.f32 v35, v26;
	v28 =	vadd.f32 v29, v28;
	v32 =	vld [tilespmem:s26+$0x40];
	v29 =	vunpack.i.u.bf16.f32 v30  }
0x236: {  	v30 =	vunpack.i.l.bf16.f32 v30;
	v24 =	vadd.f32 v25, v24;
	v23 =	vadd.f32 v23, v27;
	v35 =	vld [tilespmem:s26+$0x50]  }
0x237: {  	v26 =	vadd.f32 v30, v26;
	v27 =	vadd.f32 v29, v28;
	v25 =	vld [tilespmem:s26+$0x60];
	v28 =	vunpack.i.u.bf16.f32 v33  }
0x238: {  	v29 =	vunpack.i.l.bf16.f32 v33;
	v16 =	vadd.f32 v16, v24;
	v15 =	vadd.f32 v15, v23;
	v36 =	vld [tilespmem:s26+$0x0]  }
0x239: {  	v26 =	vadd.f32 v29, v26;
	v27 =	vadd.f32 v28, v27;
	v23 =	vld [tilespmem:s26+$0x10];
	v29 =	vunpack.i.u.bf16.f32 v31  }
0x23a: {  	v28 =	vunpack.i.l.bf16.f32 v31;
	v24 =	vadd.f32 v13, v16;
	v30 =	vadd.f32 v11, v15;
	v33 =	vld [tilespmem:s26+$0x20]  }
0x23b: {  	v43 =	vunpack.i.u.bf16.f32 v42;
	v28 =	vadd.f32 v28, v26;
	v29 =	vadd.f32 v29, v27;
	v31 =	vld [tilespmem:s26+$0xFFFFFFC0]  }
0x23c: {  	v42 =	vunpack.i.l.bf16.f32 v42;
	v26 =	vunpack.i.u.bf16.f32 v37;
	v27 =	vunpack.i.l.bf16.f32 v37;
	v38 =	vld [tilespmem:s26+$0xFFFFFF80]  }
0x23d: {  	v11 =	vunpack.i.u.bf16.f32 v34;
	v13 =	vunpack.i.l.bf16.f32 v34;
	v39 =	vunpack.i.u.bf16.f32 v32;
	v37 =	vld [tilespmem:s26+$0xFFFFFF40]  }
0x23e: {  	v44 =	vunpack.i.l.bf16.f32 v32;
	v45 =	vunpack.i.u.bf16.f32 v35;
	v35 =	vunpack.i.l.bf16.f32 v35;
	v34 =	vld [tilespmem:s26+$0xFFFFFF50]  }
0x23f: {  	v15 =	vunpack.i.u.bf16.f32 v25;
	v16 =	vunpack.i.l.bf16.f32 v25;
	v46 =	vunpack.i.u.bf16.f32 v36  }
0x240: {  	v36 =	vunpack.i.l.bf16.f32 v36;
	v47 =	vunpack.i.u.bf16.f32 v23;
	v48 =	vunpack.i.l.bf16.f32 v23;
	v32 =	vld [tilespmem:s26+$0xFFFFFF90]  }
0x241: {  	v23 =	vunpack.i.u.bf16.f32 v33;
	v25 =	vunpack.i.l.bf16.f32 v33;
	v49 =	vunpack.i.u.bf16.f32 v31  }
0x242: {  	v31 =	vunpack.i.l.bf16.f32 v31;
	v33 =	vunpack.i.u.bf16.f32 v38;
	v38 =	vunpack.i.l.bf16.f32 v38;
	v50 =	vld [tilespmem:s26+$0xFFFFFFD0]  }
0x243: {  	v51 =	vunpack.i.u.bf16.f32 v37;
	v37 =	vunpack.i.l.bf16.f32 v37;
	v52 =	vunpack.i.u.bf16.f32 v34  }
0x244: {  	v34 =	vunpack.i.l.bf16.f32 v34;
	v21 =	vadd.f32 v37, v21;
	v22 =	vadd.f32 v51, v22;
	v51 =	vld [tilespmem:s26+$0xFFFFFFE0]  }
0x245: {  	v34 =	vadd.f32 v34, v40;
	v37 =	vadd.f32 v52, v41;
	v40 =	vunpack.i.u.bf16.f32 v32  }
0x246: {  	v32 =	vunpack.i.l.bf16.f32 v32;
	v21 =	vadd.f32 v38, v21;
	v22 =	vadd.f32 v33, v22;
	v41 =	vld [tilespmem:s26+$0xFFFFFFA0]  }
0x247: {  	v32 =	vadd.f32 v32, v34;
	v33 =	vadd.f32 v40, v37;
	v34 =	vunpack.i.u.bf16.f32 v50  }
0x248: {  	s25 =	sadd.s32 $0x6, s25;
	v37 =	vunpack.i.l.bf16.f32 v50;
	v21 =	vadd.f32 v31, v21;
	v22 =	vadd.f32 v49, v22;
	v52 =	vld [tilespmem:s26+$0xFFFFFF60]  }
0x249: {  	p0 =	slt.u32 s25, $0x2A;
	v38 =	vadd.f32 v37, v32;
	v34 =	vadd.f32 v34, v33;
	v31 =	vunpack.i.u.bf16.f32 v51  }
.Ltmp4:
0x24a: {  	v32 =	vunpack.i.l.bf16.f32 v51;
	v21 =	vadd.f32 v36, v21;
	v22 =	vadd.f32 v46, v22;
	v37 =	vld [tilespmem:s26+$0xFFFFFF70];
	(pc) =	sbr.rel @p0 .LBB2_12-.Ltmp4, $4  }
0x24b: {  	v40 =	vadd.f32 v48, v38;
	v46 =	vadd.f32 v47, v34;
	v33 =	vunpack.i.u.bf16.f32 v41  }
0x24c: {  	v34 =	vunpack.i.l.bf16.f32 v41;
	v21 =	vadd.f32 v44, v21;
	v22 =	vadd.f32 v39, v22;
	v36 =	vld [tilespmem:s26+$0xFFFFFFB0]  }
0x24d: {  	v40 =	vadd.f32 v35, v40;
	v41 =	vadd.f32 v45, v46;
	v38 =	vunpack.i.u.bf16.f32 v52  }
0x24e: {  	s26 =	sadd.s32 $0x180, s26;
	v39 =	vunpack.i.l.bf16.f32 v52;
	v21 =	vadd.f32 v42, v21;
	v22 =	vadd.f32 v43, v22;
	v35 =	vld [tilespmem:s28+$0xFFFFFFF0]  }
0x24f: {  	s25 =	sor.u32 $0x2, s23  }
0x250: {  	s26 =	sor.u32 s21, s25  }
0x251: {  	p0 =	sgt.u32 s26, $0x7B  }
0x252: {  	s26 =	smul.u32 @!p0 $0x300, s26;
	_ =	sdelay $0x1  }
0x253: {  	s26 =	sshra.s32 @!p0 s26, $0x2  }
0x254: {  	v42 =	vld @!p0 [tilespmem:s26+$0x300];
	_ =	sdelay $0x4  }
0x255: {  	v43 =	vld [tilespmem:s28+$0x30]  }
0x256: {  	v44 =	vld [tilespmem:s28+$0x70]  }
0x257: {  	v45 =	vld [tilespmem:s28+$0xB0];
	vm1 =	vmmov @!p0 $0xffff;
	s28 =	simm.s32 @!p0 $0x0;
	s29 =	simm.s32 @!p0 $0x9000  }
0x258: {  	[tilespmem:s29], [sflag:$0x5] =	stream.indirect_vreg.gather @!p0 [hbm4b:s2+s28], $0x20, v42, vm1, $0xb8;
	[tilespmem:$0xC0D0] =	vst v63  }
0x259: {  	v42 =	vld @!p0 [tilespmem:s26+$0x310];
	_ =	sdelay $0x6  }
0x25a: {  	s29 =	simm.s32 @!p0 $0x9200  }
0x25b: {  	[tilespmem:s29], [sflag:$0x5] =	stream.indirect_vreg.gather @!p0 [hbm4b:s2+s28], $0x20, v42, vm1, $0xb8;
	[tilespmem:$0xC0D0] =	vst v63  }
0x25c: {  	v42 =	vld @!p0 [tilespmem:s26+$0x320];
	_ =	sdelay $0x6  }
0x25d: {  	s29 =	simm.s32 @!p0 $0x9400  }
0x25e: {  	[tilespmem:s29], [sflag:$0x5] =	stream.indirect_vreg.gather @!p0 [hbm4b:s2+s28], $0x20, v42, vm1, $0xb8;
	[tilespmem:$0xC0D0] =	vst v63  }
0x25f: {  	v42 =	vld @!p0 [tilespmem:s26+$0x330];
	_ =	sdelay $0x1  }
0x260: {  	v9 =	vadd.f32 v18, v9;
	v10 =	vadd.f32 v19, v10;
	_ =	sdelay $0x1  }
0x261: {  	v14 =	vadd.f32 v20, v14;
	v18 =	vmul.f32 v9, v9;
	v19 =	vmul.f32 v10, v10  }
0x262: {  	v9 =	vmul.f32 v9, v1;
	v10 =	vmul.f32 v10, v2  }
0x263: {  	v12 =	vadd.f32 v17, v12;
	v17 =	vadd.f32 v19, v18;
	v18 =	vmul.f32 v14, v14  }
0x264: {  	v9 =	vadd.f32 v10, v9;
	v10 =	vmul.f32 v14, v3;
	s29 =	simm.s32 @!p0 $0x9600  }
0x265: {  	v14 =	vadd.f32 v18, v17;
	[tilespmem:s29], [sflag:$0x5] =	stream.indirect_vreg.gather @!p0 [hbm4b:s2+s28], $0x20, v42, vm1, $0xb8;
	[tilespmem:$0xC0D0] =	vst v63  }
0x266: {  	v17 =	vmul.f32 v12, v12;
	v9 =	vadd.f32 v10, v9;
	v10 =	vmul.f32 v12, v4;
	v12 =	vld @!p0 [tilespmem:s26+$0x340];
	_ =	sdelay $0x3  }
0x267: {  	v14 =	vadd.f32 v17, v14  }
0x268: {  	v9 =	vadd.f32 v10, v9  }
0x269: {  	(xrf2) =	vadd.scan.msk.f32 $0xffff, v14  }
0x26a: {  	(xrf2) =	vadd.scan.msk.f32 $0xffff, v9;
	s29 =	simm.s32 @!p0 $0x9800  }
0x26b: {  	[tilespmem:s29], [sflag:$0x5] =	stream.indirect_vreg.gather @!p0 [hbm4b:s2+s28], $0x20, v12, vm1, $0xb8;
	[tilespmem:$0xC0D0] =	vst v63  }
0x26c: {  	v9 =	vld @!p0 [tilespmem:s26+$0x350];
	_ =	sdelay $0x1  }
0x26d: {  	v17 =	vadd.f32 v38, v30;
	_ =	sdelay $0x1  }
0x26e: {  	v17 =	vadd.f32 v33, v17  }
0x26f: {  	v14 =	vmov s24  }
0x270: {  	vm2 =	veq.s32 v14, v0;
	v14 =	vadd.f32 v39, v24;
	v17 =	vadd.f32 v31, v17  }
0x271: {  	s24 =	simm.s32 @!p0 $0x9A00;
	v10, _, _ =	vpop (xrf2)  }
0x272: {  	v14 =	vadd.f32 v34, v14;
	v17 =	vadd.f32 v23, v17;
	v12, _, _ =	vpop (xrf2);
	[tilespmem:s24], [sflag:$0x5] =	stream.indirect_vreg.gather @!p0 [hbm4b:s2+s28], $0x20, v9, vm1, $0xb8;
	[tilespmem:$0xC0D0] =	vst v63  }
0x273: {  	v26 =	vadd.f32 v26, v41;
	v19 =	vunpack.i.l.bf16.f32 v36;
	v12 =	vbroadcast v12, $0xF;
	_ =	swait.ge [sflag:s15], $0xC00  }
0x274: {  	v14 =	vadd.f32 v32, v14;
	v15 =	vadd.f32 v15, v17;
	v10 =	vbroadcast v10, $0xF;
	[sflag:s15] =	ssyncset.done $0x0  }
0x275: {  	v7 =	vsel vm2, v12, v7;
	v12 =	vunpack.i.l.bf16.f32 v37;
	v9 =	vunpack.i.u.bf16.f32 v37;
	s24 =	simm.s32 $0x9CC0;
	[sflag:s15] =	ssyncadd.s32 $0xFFFFF400  }
0x276: {  	v18 =	vunpack.i.u.bf16.f32 v36;
	v12 =	vadd.f32 v12, v28;
	v9 =	vadd.f32 v9, v29;
	v20 =	vld [tilespmem:s24+$0x80]  }
0x277: {  	v14 =	vadd.f32 v25, v14;
	v8 =	vsel vm2, v10, v8;
	v10 =	vadd.f32 v27, v40;
	v24 =	vld [tilespmem:s24+$0x90]  }
0x278: {  	v12 =	vadd.f32 v19, v12;
	v9 =	vadd.f32 v18, v9;
	v27 =	vld [tilespmem:s24+$0xA0]  }
0x279: {  	v17 =	vadd.f32 v11, v15;
	v19 =	vunpack.i.l.bf16.f32 v35;
	v18 =	vunpack.i.u.bf16.f32 v35;
	v28 =	vld [tilespmem:s24+$0x40]  }
0x27a: {  	v12 =	vadd.f32 v19, v12;
	v25 =	vld [tilespmem:s24+$0x50];
	v9 =	vadd.f32 v18, v9  }
0x27b: {  	v14 =	vadd.f32 v16, v14;
	v19 =	vunpack.i.l.bf16.f32 v43;
	v29 =	vld [tilespmem:s24+$0x60];
	v18 =	vunpack.i.u.bf16.f32 v43  }
0x27c: {  	v16 =	vunpack.i.u.bf16.f32 v45;
	v12 =	vadd.f32 v19, v12;
	v30 =	vld [tilespmem:s24+$0x0];
	v9 =	vadd.f32 v18, v9  }
0x27d: {  	v23 =	vadd.f32 v13, v14;
	v19 =	vunpack.i.l.bf16.f32 v44;
	v31 =	vld [tilespmem:s24+$0x10];
	v18 =	vunpack.i.u.bf16.f32 v44  }
0x27e: {  	v12 =	vadd.f32 v19, v12;
	v47 =	vld [tilespmem:s24+$0x20];
	v9 =	vadd.f32 v18, v9;
	v18 =	vunpack.i.l.bf16.f32 v45  }
0x27f: {  	v50 =	vld [tilespmem:s24+$0xFFFFFF40];
	v34 =	vunpack.i.u.bf16.f32 v20;
	v49 =	vunpack.i.l.bf16.f32 v20;
	v14 =	vunpack.i.l.bf16.f32 v24  }
0x280: {  	v51 =	vunpack.i.u.bf16.f32 v28;
	v11 =	vunpack.i.u.bf16.f32 v27;
	v13 =	vunpack.i.l.bf16.f32 v27  }
0x281: {  	v48 =	vld [tilespmem:s24+$0xFFFFFF80];
	v28 =	vunpack.i.l.bf16.f32 v28;
	v52 =	vunpack.i.u.bf16.f32 v25;
	v53 =	vunpack.i.l.bf16.f32 v25  }
0x282: {  	v25 =	vunpack.i.u.bf16.f32 v30;
	v15 =	vunpack.i.u.bf16.f32 v29;
	v30 =	vunpack.i.l.bf16.f32 v30  }
0x283: {  	v27 =	vld [tilespmem:s24+$0xFFFFFF50];
	v54 =	vunpack.i.u.bf16.f32 v31;
	v31 =	vunpack.i.l.bf16.f32 v31;
	v20 =	vunpack.i.u.bf16.f32 v47  }
0x284: {  	v36 =	vunpack.i.l.bf16.f32 v50;
	v19 =	vadd.f32 v18, v12;
	v18 =	vadd.f32 v16, v9;
	v9 =	vld [tilespmem:s24+$0xFFFFFFC0]  }
0x285: {  	v58 =	vunpack.i.u.bf16.f32 v50;
	v21 =	vadd.f32 v36, v21;
	v16 =	vunpack.i.l.bf16.f32 v29;
	v29 =	vld [tilespmem:s24+$0xFFFFFF90]  }
0x286: {  	v57 =	vld [tilespmem:s24+$0xFFFFFFD0];
	v56 =	vunpack.i.u.bf16.f32 v48;
	v33 =	vunpack.i.l.bf16.f32 v48;
	v22 =	vadd.f32 v58, v22  }
0x287: {  	v12 =	vunpack.i.u.bf16.f32 v24;
	v24 =	vunpack.i.l.bf16.f32 v47;
	v21 =	vadd.f32 v33, v21  }
0x288: {  	v60 =	vld [tilespmem:s24+$0xFFFFFFE0];
	v22 =	vadd.f32 v56, v22;
	v59 =	vunpack.i.u.bf16.f32 v27;
	v27 =	vunpack.i.l.bf16.f32 v27  }
0x289: {  	v10 =	vadd.f32 v27, v10;
	v26 =	vadd.f32 v59, v26;
	v55 =	vunpack.i.u.bf16.f32 v9  }
0x28a: {  	v61 =	vld [tilespmem:s24+$0xFFFFFFA0];
	v9 =	vunpack.i.l.bf16.f32 v9;
	v27 =	vunpack.i.u.bf16.f32 v29;
	v29 =	vunpack.i.l.bf16.f32 v29  }
0x28b: {  	v62 =	vld [tilespmem:s24+$0xFFFFFF60];
	v10 =	vadd.f32 v29, v10;
	v26 =	vadd.f32 v27, v26;
	v27 =	vunpack.i.u.bf16.f32 v57  }
0x28c: {  	v29 =	vunpack.i.l.bf16.f32 v57;
	v9 =	vadd.f32 v9, v21;
	v32 =	vadd.f32 v55, v22  }
0x28d: {  	v21 =	vunpack.i.u.bf16.f32 v60;
	v10 =	vadd.f32 v29, v10;
	v26 =	vadd.f32 v27, v26  }
0x28e: {  	v22 =	vunpack.i.l.bf16.f32 v60;
	v9 =	vadd.f32 v30, v9;
	v27 =	vadd.f32 v25, v32;
	v29 =	vld [tilespmem:s24+$0xFFFFFF70]  }
0x28f: {  	v25 =	vunpack.i.u.bf16.f32 v61;
	v10 =	vadd.f32 v31, v10;
	v31 =	vadd.f32 v54, v26  }
0x290: {  	v30 =	vunpack.i.u.bf16.f32 v62;
	v9 =	vadd.f32 v28, v9;
	v63 =	vadd.f32 v51, v27;
	v28 =	vld [tilespmem:s24+$0xFFFFFFB0]  }
0x291: {  	v26 =	vunpack.i.l.bf16.f32 v61;
	v33 =	vadd.f32 v53, v10;
	v32 =	vadd.f32 v52, v31  }
0x292: {  	s29 =	simm.s32 $0x9E40;
	s28 =	simm.s32 $0x0;
	v27 =	vld [tilespmem:s24+$0xFFFFFFF0];
	v31 =	vunpack.i.l.bf16.f32 v62;
	v9 =	vadd.f32 v49, v9;
	v10 =	vadd.f32 v34, v63  }
.LBB2_14:
0x293: {  	v34 =	vld [tilespmem:s29+$0x80];
	v35 =	vunpack.i.u.bf16.f32 v29;
	v33 =	vadd.f32 v14, v33;
	v32 =	vadd.f32 v12, v32  }
0x294: {  	v12 =	vunpack.i.l.bf16.f32 v29;
	v14 =	vadd.f32 v31, v23;
	v17 =	vadd.f32 v30, v17;
	v23 =	vld [tilespmem:s24+$0x30]  }
0x295: {  	v12 =	vadd.f32 v12, v19;
	v18 =	vadd.f32 v35, v18;
	v29 =	vld [tilespmem:s29+$0x90];
	v19 =	vunpack.i.u.bf16.f32 v28  }
0x296: {  	v28 =	vunpack.i.l.bf16.f32 v28;
	v14 =	vadd.f32 v26, v14;
	v17 =	vadd.f32 v25, v17;
	v25 =	vld [tilespmem:s24+$0x70]  }
0x297: {  	v12 =	vadd.f32 v28, v12;
	v18 =	vadd.f32 v19, v18;
	v26 =	vld [tilespmem:s29+$0xA0];
	v19 =	vunpack.i.u.bf16.f32 v27  }
0x298: {  	v27 =	vunpack.i.l.bf16.f32 v27;
	v14 =	vadd.f32 v22, v14;
	v17 =	vadd.f32 v21, v17;
	v21 =	vld [tilespmem:s24+$0xB0];
	s24 =	smov.u32 s29  }
0x299: {  	v12 =	vadd.f32 v27, v12;
	v18 =	vadd.f32 v19, v18;
	v22 =	vld [tilespmem:s29+$0x40];
	v19 =	vunpack.i.u.bf16.f32 v23  }
0x29a: {  	v23 =	vunpack.i.l.bf16.f32 v23;
	v14 =	vadd.f32 v24, v14;
	v17 =	vadd.f32 v20, v17;
	v27 =	vld [tilespmem:s29+$0x50]  }
0x29b: {  	v12 =	vadd.f32 v23, v12;
	v18 =	vadd.f32 v19, v18;
	v20 =	vld [tilespmem:s29+$0x60];
	v19 =	vunpack.i.u.bf16.f32 v25  }
0x29c: {  	v23 =	vunpack.i.l.bf16.f32 v25;
	v14 =	vadd.f32 v16, v14;
	v15 =	vadd.f32 v15, v17;
	v24 =	vld [tilespmem:s29+$0x0]  }
0x29d: {  	v12 =	vadd.f32 v23, v12;
	v16 =	vadd.f32 v19, v18;
	v25 =	vld [tilespmem:s29+$0x10];
	v18 =	vunpack.i.u.bf16.f32 v21  }
0x29e: {  	v19 =	vunpack.i.l.bf16.f32 v21;
	v23 =	vadd.f32 v13, v14;
	v17 =	vadd.f32 v11, v15;
	v28 =	vld [tilespmem:s29+$0x20]  }
0x29f: {  	v35 =	vunpack.i.u.bf16.f32 v34;
	v19 =	vadd.f32 v19, v12;
	v18 =	vadd.f32 v18, v16;
	v21 =	vld [tilespmem:s29+$0xFFFFFFC0]  }
0x2a0: {  	v34 =	vunpack.i.l.bf16.f32 v34;
	v14 =	vunpack.i.l.bf16.f32 v29;
	v12 =	vunpack.i.u.bf16.f32 v29;
	v30 =	vld [tilespmem:s29+$0xFFFFFF80]  }
0x2a1: {  	v11 =	vunpack.i.u.bf16.f32 v26;
	v13 =	vunpack.i.l.bf16.f32 v26;
	v31 =	vunpack.i.u.bf16.f32 v22;
	v29 =	vld [tilespmem:s29+$0xFFFFFF40]  }
0x2a2: {  	v36 =	vunpack.i.l.bf16.f32 v22;
	v37 =	vunpack.i.u.bf16.f32 v27;
	v27 =	vunpack.i.l.bf16.f32 v27;
	v26 =	vld [tilespmem:s29+$0xFFFFFF50]  }
0x2a3: {  	v15 =	vunpack.i.u.bf16.f32 v20;
	v16 =	vunpack.i.l.bf16.f32 v20;
	v38 =	vunpack.i.u.bf16.f32 v24  }
0x2a4: {  	v39 =	vunpack.i.l.bf16.f32 v24;
	v40 =	vunpack.i.u.bf16.f32 v25;
	v41 =	vunpack.i.l.bf16.f32 v25;
	v22 =	vld [tilespmem:s29+$0xFFFFFF90]  }
0x2a5: {  	v20 =	vunpack.i.u.bf16.f32 v28;
	v24 =	vunpack.i.l.bf16.f32 v28;
	v25 =	vunpack.i.u.bf16.f32 v21  }
0x2a6: {  	v21 =	vunpack.i.l.bf16.f32 v21;
	v28 =	vunpack.i.u.bf16.f32 v30;
	v30 =	vunpack.i.l.bf16.f32 v30;
	v42 =	vld [tilespmem:s29+$0xFFFFFFD0]  }
0x2a7: {  	v43 =	vunpack.i.u.bf16.f32 v29;
	v29 =	vunpack.i.l.bf16.f32 v29;
	v44 =	vunpack.i.u.bf16.f32 v26  }
0x2a8: {  	v26 =	vunpack.i.l.bf16.f32 v26;
	v9 =	vadd.f32 v29, v9;
	v10 =	vadd.f32 v43, v10;
	v43 =	vld [tilespmem:s29+$0xFFFFFFE0]  }
0x2a9: {  	v26 =	vadd.f32 v26, v33;
	v29 =	vadd.f32 v44, v32;
	v32 =	vunpack.i.u.bf16.f32 v22  }
0x2aa: {  	v22 =	vunpack.i.l.bf16.f32 v22;
	v9 =	vadd.f32 v30, v9;
	v10 =	vadd.f32 v28, v10;
	v33 =	vld [tilespmem:s29+$0xFFFFFFA0]  }
0x2ab: {  	v22 =	vadd.f32 v22, v26;
	v26 =	vadd.f32 v32, v29;
	v28 =	vunpack.i.u.bf16.f32 v42  }
0x2ac: {  	s28 =	sadd.s32 $0x6, s28;
	v29 =	vunpack.i.l.bf16.f32 v42;
	v9 =	vadd.f32 v21, v9;
	v10 =	vadd.f32 v25, v10;
	v44 =	vld [tilespmem:s29+$0xFFFFFF60]  }
0x2ad: {  	p1 =	slt.u32 s28, $0x24;
	v30 =	vadd.f32 v29, v22;
	v26 =	vadd.f32 v28, v26;
	v21 =	vunpack.i.u.bf16.f32 v43  }
.Ltmp5:
0x2ae: {  	v22 =	vunpack.i.l.bf16.f32 v43;
	v9 =	vadd.f32 v39, v9;
	v10 =	vadd.f32 v38, v10;
	v29 =	vld [tilespmem:s29+$0xFFFFFF70];
	(pc) =	sbr.rel @p1 .LBB2_14-.Ltmp5, $4  }
0x2af: {  	v32 =	vadd.f32 v41, v30;
	v38 =	vadd.f32 v40, v26;
	v25 =	vunpack.i.u.bf16.f32 v33  }
0x2b0: {  	v26 =	vunpack.i.l.bf16.f32 v33;
	v9 =	vadd.f32 v36, v9;
	v10 =	vadd.f32 v31, v10;
	v28 =	vld [tilespmem:s29+$0xFFFFFFB0]  }
0x2b1: {  	v33 =	vadd.f32 v27, v32;
	v32 =	vadd.f32 v37, v38;
	v30 =	vunpack.i.u.bf16.f32 v44  }
0x2b2: {  	s29 =	sadd.s32 $0x180, s29;
	v31 =	vunpack.i.l.bf16.f32 v44;
	v9 =	vadd.f32 v34, v9;
	v10 =	vadd.f32 v35, v10;
	v27 =	vld [tilespmem:s24+$0xFFFFFFF0]  }
0x2b3: {  	v34 =	vld @!p0 [tilespmem:s26+$0x360];
	_ =	sdelay $0x4  }
0x2b4: {  	v35 =	vld [tilespmem:s24+$0x30]  }
0x2b5: {  	v36 =	vld [tilespmem:s24+$0x70]  }
0x2b6: {  	v37 =	vld [tilespmem:s24+$0xB0];
	s24 =	simm.s32 @!p0 $0x0;
	s28 =	simm.s32 @!p0 $0x9C00  }
0x2b7: {  	[tilespmem:s28], [sflag:$0x6] =	stream.indirect_vreg.gather @!p0 [hbm4b:s2+s24], $0x20, v34, vm1, $0xb8;
	[tilespmem:$0xC0D0] =	vst v63  }
0x2b8: {  	v34 =	vld @!p0 [tilespmem:s26+$0x370];
	_ =	sdelay $0x6  }
0x2b9: {  	s28 =	simm.s32 @!p0 $0x9E00  }
0x2ba: {  	[tilespmem:s28], [sflag:$0x6] =	stream.indirect_vreg.gather @!p0 [hbm4b:s2+s24], $0x20, v34, vm1, $0xb8;
	[tilespmem:$0xC0D0] =	vst v63  }
0x2bb: {  	v34 =	vld @!p0 [tilespmem:s26+$0x380];
	_ =	sdelay $0x6  }
0x2bc: {  	s28 =	simm.s32 @!p0 $0xA000  }
0x2bd: {  	[tilespmem:s28], [sflag:$0x6] =	stream.indirect_vreg.gather @!p0 [hbm4b:s2+s24], $0x20, v34, vm1, $0xb8;
	[tilespmem:$0xC0D0] =	vst v63  }
0x2be: {  	v34 =	vld @!p0 [tilespmem:s26+$0x390];
	_ =	sdelay $0x6  }
0x2bf: {  	s28 =	simm.s32 @!p0 $0xA200  }
0x2c0: {  	[tilespmem:s28], [sflag:$0x6] =	stream.indirect_vreg.gather @!p0 [hbm4b:s2+s24], $0x20, v34, vm1, $0xb8;
	[tilespmem:$0xC0D0] =	vst v63  }
0x2c1: {  	v34 =	vld @!p0 [tilespmem:s26+$0x3A0];
	_ =	sdelay $0x6  }
0x2c2: {  	s28 =	simm.s32 @!p0 $0xA400  }
0x2c3: {  	[tilespmem:s28], [sflag:$0x6] =	stream.indirect_vreg.gather @!p0 [hbm4b:s2+s24], $0x20, v34, vm1, $0xb8;
	[tilespmem:$0xC0D0] =	vst v63  }
0x2c4: {  	v34 =	vld @!p0 [tilespmem:s26+$0x3B0];
	_ =	sdelay $0x6  }
0x2c5: {  	s26 =	simm.s32 @!p0 $0xA600  }
0x2c6: {  	v14 =	vadd.f32 v14, v33;
	[tilespmem:s26], [sflag:$0x6] =	stream.indirect_vreg.gather @!p0 [hbm4b:s2+s24], $0x20, v34, vm1, $0xb8;
	[tilespmem:$0xC0D0] =	vst v63  }
0x2c7: {  	v12 =	vadd.f32 v12, v32;
	v52 =	vunpack.i.l.bf16.f32 v29;
	v23 =	vadd.f32 v31, v23;
	_ =	swait.ge [sflag:s16], $0xC00  }
0x2c8: {  	v29 =	vunpack.i.u.bf16.f32 v29;
	v17 =	vadd.f32 v30, v17;
	v19 =	vadd.f32 v52, v19;
	[sflag:s16] =	ssyncset.done $0x0  }
0x2c9: {  	v18 =	vadd.f32 v29, v18;
	v29 =	vunpack.i.l.bf16.f32 v28;
	v23 =	vadd.f32 v26, v23;
	s26 =	simm.s32 $0xA8C0;
	[sflag:s16] =	ssyncadd.s32 $0xFFFFF400  }
0x2ca: {  	v26 =	vunpack.i.u.bf16.f32 v28;
	v17 =	vadd.f32 v25, v17;
	v19 =	vadd.f32 v29, v19;
	v25 =	vld [tilespmem:s26+$0x80]  }
0x2cb: {  	v18 =	vadd.f32 v26, v18;
	v26 =	vunpack.i.l.bf16.f32 v27;
	v22 =	vadd.f32 v22, v23;
	v23 =	vld [tilespmem:s26+$0x90]  }
0x2cc: {  	v27 =	vunpack.i.u.bf16.f32 v27;
	v17 =	vadd.f32 v21, v17;
	v19 =	vadd.f32 v26, v19;
	v21 =	vld [tilespmem:s26+$0xA0]  }
0x2cd: {  	v18 =	vadd.f32 v27, v18;
	v26 =	vunpack.i.l.bf16.f32 v35;
	v22 =	vadd.f32 v24, v22;
	v28 =	vld [tilespmem:s26+$0x40]  }
0x2ce: {  	v24 =	vunpack.i.u.bf16.f32 v35;
	v17 =	vadd.f32 v20, v17;
	v19 =	vadd.f32 v26, v19;
	v29 =	vld [tilespmem:s26+$0x50]  }
0x2cf: {  	v20 =	vunpack.i.l.bf16.f32 v36;
	v18 =	vadd.f32 v24, v18;
	v16 =	vadd.f32 v16, v22;
	v22 =	vld [tilespmem:s26+$0x60]  }
0x2d0: {  	v24 =	vunpack.i.u.bf16.f32 v36;
	v15 =	vadd.f32 v15, v17;
	v17 =	vadd.f32 v20, v19;
	v30 =	vld [tilespmem:s26+$0x0]  }
0x2d1: {  	v24 =	vadd.f32 v24, v18;
	v20 =	vunpack.i.l.bf16.f32 v37;
	v18 =	vadd.f32 v13, v16;
	v31 =	vld [tilespmem:s26+$0x10]  }
0x2d2: {  	v13 =	vunpack.i.u.bf16.f32 v37;
	v19 =	vadd.f32 v11, v15;
	v20 =	vadd.f32 v20, v17;
	v53 =	vld [tilespmem:s26+$0x20]  }
0x2d3: {  	v17 =	vadd.f32 v13, v24;
	v24 =	vimm.f32 $0.0e+00;
	v54 =	vld [tilespmem:s26+$0xFFFFFFC0];
	v55 =	vunpack.i.u.bf16.f32 v25  }
0x2d4: {  	v57 =	vld [tilespmem:s26+$0xFFFFFF40];
	v42 =	vunpack.i.l.bf16.f32 v25;
	v26 =	vunpack.i.u.bf16.f32 v23;
	v27 =	vunpack.i.l.bf16.f32 v23  }
0x2d5: {  	v58 =	vunpack.i.u.bf16.f32 v28;
	v11 =	vunpack.i.u.bf16.f32 v21;
	v13 =	vunpack.i.l.bf16.f32 v21  }
0x2d6: {  	v56 =	vld [tilespmem:s26+$0xFFFFFF80];
	v28 =	vunpack.i.l.bf16.f32 v28;
	v39 =	vunpack.i.u.bf16.f32 v29;
	v29 =	vunpack.i.l.bf16.f32 v29  }
0x2d7: {  	v21 =	vld [tilespmem:s26+$0xFFFFFF50];
	v38 =	vunpack.i.u.bf16.f32 v30;
	v15 =	vunpack.i.u.bf16.f32 v22;
	v16 =	vunpack.i.l.bf16.f32 v22  }
0x2d8: {  	v30 =	vunpack.i.l.bf16.f32 v30;
	v40 =	vunpack.i.u.bf16.f32 v31;
	v41 =	vunpack.i.l.bf16.f32 v31  }
0x2d9: {  	v22 =	vld [tilespmem:s26+$0xFFFFFF90];
	v31 =	vunpack.i.u.bf16.f32 v54;
	v23 =	vunpack.i.u.bf16.f32 v53;
	v36 =	vunpack.i.l.bf16.f32 v57  }
0x2da: {  	v43 =	vld [tilespmem:s26+$0xFFFFFFD0];
	v25 =	vunpack.i.l.bf16.f32 v53;
	v44 =	vunpack.i.u.bf16.f32 v57;
	v36 =	vadd.f32 v36, v24  }
0x2db: {  	v59 =	vunpack.i.u.bf16.f32 v56;
	v34 =	vunpack.i.l.bf16.f32 v56;
	v44 =	vadd.f32 v44, v24  }
0x2dc: {  	v46 =	vld [tilespmem:s26+$0xFFFFFFE0];
	v34 =	vadd.f32 v34, v36;
	v45 =	vunpack.i.u.bf16.f32 v21;
	v21 =	vunpack.i.l.bf16.f32 v21  }
0x2dd: {  	v33 =	vunpack.i.l.bf16.f32 v54;
	v21 =	vadd.f32 v21, v24;
	v45 =	vadd.f32 v45, v24  }
0x2de: {  	v48 =	vld [tilespmem:s26+$0xFFFFFFA0];
	v32 =	vadd.f32 v59, v44;
	v47 =	vunpack.i.u.bf16.f32 v22;
	v22 =	vunpack.i.l.bf16.f32 v22  }
0x2df: {  	v60 =	vunpack.i.u.bf16.f32 v43;
	v21 =	vadd.f32 v22, v21;
	v22 =	vadd.f32 v47, v45  }
0x2e0: {  	v61 =	vld [tilespmem:s26+$0xFFFFFF60];
	v43 =	vunpack.i.l.bf16.f32 v43;
	v33 =	vadd.f32 v33, v34;
	v62 =	vadd.f32 v31, v32  }
0x2e1: {  	v31 =	vunpack.i.u.bf16.f32 v46;
	v21 =	vadd.f32 v43, v21;
	v22 =	vadd.f32 v60, v22  }
0x2e2: {  	v32 =	vunpack.i.l.bf16.f32 v46;
	v30 =	vadd.f32 v30, v33;
	v63 =	vadd.f32 v38, v62  }
0x2e3: {  	v37 =	vld [tilespmem:s26+$0xFFFFFF70];
	v34 =	vunpack.i.l.bf16.f32 v48;
	v21 =	vadd.f32 v41, v21;
	v22 =	vadd.f32 v40, v22  }
0x2e4: {  	v33 =	vunpack.i.u.bf16.f32 v48;
	v28 =	vadd.f32 v28, v30;
	v30 =	vadd.f32 v58, v63  }
0x2e5: {  	v36 =	vld [tilespmem:s26+$0xFFFFFFB0];
	v38 =	vunpack.i.u.bf16.f32 v61;
	v40 =	vadd.f32 v29, v21;
	v41 =	vadd.f32 v39, v22  }
0x2e6: {  	v39 =	vunpack.i.l.bf16.f32 v61;
	v21 =	vadd.f32 v42, v28;
	v22 =	vadd.f32 v55, v30  }
0x2e7: {  	s28 =	simm.s32 $0xAA40;
	s24 =	simm.s32 $0x0;
	v35 =	vld [tilespmem:s26+$0xFFFFFFF0];
	v30 =	vimm.f32 $0.0e+00;
	v28 =	vimm.f32 $0.0e+00;
	v29 =	vimm.f32 $0.0e+00  }
.LBB2_16:
0x2e8: {  	v42 =	vld [tilespmem:s28+$0x80];
	v43 =	vunpack.i.u.bf16.f32 v37;
	v40 =	vadd.f32 v27, v40;
	v41 =	vadd.f32 v26, v41  }
0x2e9: {  	v26 =	vunpack.i.l.bf16.f32 v37;
	v24 =	vadd.f32 v39, v24;
	v27 =	vadd.f32 v38, v30;
	v30 =	vld [tilespmem:s26+$0x30]  }
0x2ea: {  	v26 =	vadd.f32 v26, v28;
	v28 =	vadd.f32 v43, v29;
	v37 =	vld [tilespmem:s28+$0x90];
	v29 =	vunpack.i.u.bf16.f32 v36  }
0x2eb: {  	v36 =	vunpack.i.l.bf16.f32 v36;
	v24 =	vadd.f32 v34, v24;
	v27 =	vadd.f32 v33, v27;
	v33 =	vld [tilespmem:s26+$0x70]  }
0x2ec: {  	v26 =	vadd.f32 v36, v26;
	v28 =	vadd.f32 v29, v28;
	v34 =	vld [tilespmem:s28+$0xA0];
	v29 =	vunpack.i.u.bf16.f32 v35  }
0x2ed: {  	v35 =	vunpack.i.l.bf16.f32 v35;
	v24 =	vadd.f32 v32, v24;
	v27 =	vadd.f32 v31, v27;
	v31 =	vld [tilespmem:s26+$0xB0];
	s26 =	smov.u32 s28  }
0x2ee: {  	v26 =	vadd.f32 v35, v26;
	v28 =	vadd.f32 v29, v28;
	v32 =	vld [tilespmem:s28+$0x40];
	v29 =	vunpack.i.u.bf16.f32 v30  }
0x2ef: {  	v30 =	vunpack.i.l.bf16.f32 v30;
	v24 =	vadd.f32 v25, v24;
	v23 =	vadd.f32 v23, v27;
	v35 =	vld [tilespmem:s28+$0x50]  }
0x2f0: {  	v26 =	vadd.f32 v30, v26;
	v27 =	vadd.f32 v29, v28;
	v25 =	vld [tilespmem:s28+$0x60];
	v28 =	vunpack.i.u.bf16.f32 v33  }
0x2f1: {  	v29 =	vunpack.i.l.bf16.f32 v33;
	v16 =	vadd.f32 v16, v24;
	v15 =	vadd.f32 v15, v23;
	v36 =	vld [tilespmem:s28+$0x0]  }
0x2f2: {  	v26 =	vadd.f32 v29, v26;
	v27 =	vadd.f32 v28, v27;
	v23 =	vld [tilespmem:s28+$0x10];
	v29 =	vunpack.i.u.bf16.f32 v31  }
0x2f3: {  	v28 =	vunpack.i.l.bf16.f32 v31;
	v24 =	vadd.f32 v13, v16;
	v30 =	vadd.f32 v11, v15;
	v33 =	vld [tilespmem:s28+$0x20]  }
0x2f4: {  	v43 =	vunpack.i.u.bf16.f32 v42;
	v28 =	vadd.f32 v28, v26;
	v29 =	vadd.f32 v29, v27;
	v31 =	vld [tilespmem:s28+$0xFFFFFFC0]  }
0x2f5: {  	v42 =	vunpack.i.l.bf16.f32 v42;
	v26 =	vunpack.i.u.bf16.f32 v37;
	v27 =	vunpack.i.l.bf16.f32 v37;
	v38 =	vld [tilespmem:s28+$0xFFFFFF80]  }
0x2f6: {  	v11 =	vunpack.i.u.bf16.f32 v34;
	v13 =	vunpack.i.l.bf16.f32 v34;
	v39 =	vunpack.i.u.bf16.f32 v32;
	v37 =	vld [tilespmem:s28+$0xFFFFFF40]  }
0x2f7: {  	v44 =	vunpack.i.l.bf16.f32 v32;
	v45 =	vunpack.i.u.bf16.f32 v35;
	v35 =	vunpack.i.l.bf16.f32 v35;
	v34 =	vld [tilespmem:s28+$0xFFFFFF50]  }
0x2f8: {  	v15 =	vunpack.i.u.bf16.f32 v25;
	v16 =	vunpack.i.l.bf16.f32 v25;
	v46 =	vunpack.i.u.bf16.f32 v36  }
0x2f9: {  	v36 =	vunpack.i.l.bf16.f32 v36;
	v47 =	vunpack.i.u.bf16.f32 v23;
	v48 =	vunpack.i.l.bf16.f32 v23;
	v32 =	vld [tilespmem:s28+$0xFFFFFF90]  }
0x2fa: {  	v23 =	vunpack.i.u.bf16.f32 v33;
	v25 =	vunpack.i.l.bf16.f32 v33;
	v49 =	vunpack.i.u.bf16.f32 v31  }
0x2fb: {  	v31 =	vunpack.i.l.bf16.f32 v31;
	v33 =	vunpack.i.u.bf16.f32 v38;
	v38 =	vunpack.i.l.bf16.f32 v38;
	v50 =	vld [tilespmem:s28+$0xFFFFFFD0]  }
0x2fc: {  	v51 =	vunpack.i.u.bf16.f32 v37;
	v37 =	vunpack.i.l.bf16.f32 v37;
	v52 =	vunpack.i.u.bf16.f32 v34  }
0x2fd: {  	v34 =	vunpack.i.l.bf16.f32 v34;
	v21 =	vadd.f32 v37, v21;
	v22 =	vadd.f32 v51, v22;
	v51 =	vld [tilespmem:s28+$0xFFFFFFE0]  }
0x2fe: {  	v34 =	vadd.f32 v34, v40;
	v37 =	vadd.f32 v52, v41;
	v40 =	vunpack.i.u.bf16.f32 v32  }
0x2ff: {  	v32 =	vunpack.i.l.bf16.f32 v32;
	v21 =	vadd.f32 v38, v21;
	v22 =	vadd.f32 v33, v22;
	v41 =	vld [tilespmem:s28+$0xFFFFFFA0]  }
0x300: {  	v32 =	vadd.f32 v32, v34;
	v33 =	vadd.f32 v40, v37;
	v34 =	vunpack.i.u.bf16.f32 v50  }
0x301: {  	s24 =	sadd.s32 $0x6, s24;
	v37 =	vunpack.i.l.bf16.f32 v50;
	v21 =	vadd.f32 v31, v21;
	v22 =	vadd.f32 v49, v22;
	v52 =	vld [tilespmem:s28+$0xFFFFFF60]  }
0x302: {  	p0 =	slt.u32 s24, $0x2A;
	v38 =	vadd.f32 v37, v32;
	v34 =	vadd.f32 v34, v33;
	v31 =	vunpack.i.u.bf16.f32 v51  }
.Ltmp6:
0x303: {  	v32 =	vunpack.i.l.bf16.f32 v51;
	v21 =	vadd.f32 v36, v21;
	v22 =	vadd.f32 v46, v22;
	v37 =	vld [tilespmem:s28+$0xFFFFFF70];
	(pc) =	sbr.rel @p0 .LBB2_16-.Ltmp6, $4  }
0x304: {  	v40 =	vadd.f32 v48, v38;
	v46 =	vadd.f32 v47, v34;
	v33 =	vunpack.i.u.bf16.f32 v41  }
0x305: {  	v34 =	vunpack.i.l.bf16.f32 v41;
	v21 =	vadd.f32 v44, v21;
	v22 =	vadd.f32 v39, v22;
	v36 =	vld [tilespmem:s28+$0xFFFFFFB0]  }
0x306: {  	v40 =	vadd.f32 v35, v40;
	v41 =	vadd.f32 v45, v46;
	v38 =	vunpack.i.u.bf16.f32 v52  }
0x307: {  	s28 =	sadd.s32 $0x180, s28;
	v39 =	vunpack.i.l.bf16.f32 v52;
	v21 =	vadd.f32 v42, v21;
	v22 =	vadd.f32 v43, v22;
	v35 =	vld [tilespmem:s26+$0xFFFFFFF0]  }
0x308: {  	s23 =	sor.u32 $0x3, s23  }
0x309: {  	s24 =	sor.u32 s21, s23  }
0x30a: {  	p0 =	sgt.u32 s24, $0x7B  }
0x30b: {  	s24 =	smul.u32 @!p0 $0x300, s24;
	_ =	sdelay $0x1  }
0x30c: {  	s24 =	sshra.s32 @!p0 s24, $0x2  }
0x30d: {  	v42 =	vld @!p0 [tilespmem:s24+$0x300];
	_ =	sdelay $0x4  }
0x30e: {  	v43 =	vld [tilespmem:s26+$0x30]  }
0x30f: {  	v44 =	vld [tilespmem:s26+$0x70]  }
0x310: {  	v45 =	vld [tilespmem:s26+$0xB0];
	vm1 =	vmmov @!p0 $0xffff;
	s26 =	simm.s32 @!p0 $0x0;
	s28 =	simm.s32 @!p0 $0xA800  }
0x311: {  	[tilespmem:s28], [sflag:$0x7] =	stream.indirect_vreg.gather @!p0 [hbm4b:s2+s26], $0x20, v42, vm1, $0xb8;
	[tilespmem:$0xC0D0] =	vst v63  }
0x312: {  	v42 =	vld @!p0 [tilespmem:s24+$0x310];
	_ =	sdelay $0x6  }
0x313: {  	s28 =	simm.s32 @!p0 $0xAA00  }
0x314: {  	[tilespmem:s28], [sflag:$0x7] =	stream.indirect_vreg.gather @!p0 [hbm4b:s2+s26], $0x20, v42, vm1, $0xb8;
	[tilespmem:$0xC0D0] =	vst v63  }
0x315: {  	v42 =	vld @!p0 [tilespmem:s24+$0x320];
	_ =	sdelay $0x6  }
0x316: {  	s28 =	simm.s32 @!p0 $0xAC00  }
0x317: {  	[tilespmem:s28], [sflag:$0x7] =	stream.indirect_vreg.gather @!p0 [hbm4b:s2+s26], $0x20, v42, vm1, $0xb8;
	[tilespmem:$0xC0D0] =	vst v63  }
0x318: {  	v42 =	vld @!p0 [tilespmem:s24+$0x330];
	_ =	sdelay $0x1  }
0x319: {  	v9 =	vadd.f32 v18, v9;
	v10 =	vadd.f32 v19, v10;
	_ =	sdelay $0x1  }
0x31a: {  	v14 =	vadd.f32 v20, v14;
	v18 =	vmul.f32 v9, v9;
	v19 =	vmul.f32 v10, v10  }
0x31b: {  	v9 =	vmul.f32 v9, v1;
	v10 =	vmul.f32 v10, v2  }
0x31c: {  	v12 =	vadd.f32 v17, v12;
	v17 =	vadd.f32 v19, v18;
	v18 =	vmul.f32 v14, v14  }
0x31d: {  	v9 =	vadd.f32 v10, v9;
	v10 =	vmul.f32 v14, v3;
	s28 =	simm.s32 @!p0 $0xAE00  }
0x31e: {  	v14 =	vadd.f32 v18, v17;
	v17 =	vmul.f32 v12, v12;
	[tilespmem:s28], [sflag:$0x7] =	stream.indirect_vreg.gather @!p0 [hbm4b:s2+s26], $0x20, v42, vm1, $0xb8;
	[tilespmem:$0xC0D0] =	vst v63  }
0x31f: {  	v9 =	vadd.f32 v10, v9;
	v10 =	vmul.f32 v12, v4;
	v12 =	vld @!p0 [tilespmem:s24+$0x340]  }
0x320: {  	v14 =	vadd.f32 v17, v14;
	_ =	sdelay $0x1  }
0x321: {  	v9 =	vadd.f32 v10, v9;
	(xrf2) =	vadd.scan.msk.f32 $0xffff, v14;
	_ =	sdelay $0x1  }
0x322: {  	(xrf2) =	vadd.scan.msk.f32 $0xffff, v9;
	_ =	sdelay $0x1  }
0x323: {  	s28 =	simm.s32 @!p0 $0xB000  }
0x324: {  	[tilespmem:s28], [sflag:$0x7] =	stream.indirect_vreg.gather @!p0 [hbm4b:s2+s26], $0x20, v12, vm1, $0xb8;
	[tilespmem:$0xC0D0] =	vst v63  }
0x325: {  	v9 =	vld @!p0 [tilespmem:s24+$0x350];
	_ =	sdelay $0x3  }
0x326: {  	v10, _, _ =	vpop (xrf2)  }
0x327: {  	v14 =	vmov s25;
	v10 =	vbroadcast v10, $0xF  }
0x328: {  	v27 =	vadd.f32 v27, v40;
	vm2 =	veq.s32 v14, v0;
	v12, _, _ =	vpop (xrf2)  }
0x329: {  	s25 =	simm.s32 @!p0 $0xB200;
	v8 =	vsel vm2, v10, v8;
	v10 =	vunpack.i.l.bf16.f32 v37;
	v12 =	vbroadcast v12, $0xF  }
0x32a: {  	v14 =	vadd.f32 v38, v30;
	v10 =	vadd.f32 v10, v28;
	[tilespmem:s25], [sflag:$0x7] =	stream.indirect_vreg.gather @!p0 [hbm4b:s2+s26], $0x20, v9, vm1, $0xb8;
	[tilespmem:$0xC0D0] =	vst v63  }
0x32b: {  	v18 =	vunpack.i.l.bf16.f32 v36;
	v7 =	vsel vm2, v12, v7;
	v12 =	vadd.f32 v39, v24;
	_ =	swait.ge [sflag:s17], $0xC00  }
0x32c: {  	v14 =	vadd.f32 v33, v14;
	v10 =	vadd.f32 v18, v10;
	v9 =	vunpack.i.u.bf16.f32 v37;
	[sflag:s17] =	ssyncset.done $0x0  }
0x32d: {  	v20 =	vunpack.i.l.bf16.f32 v35;
	v12 =	vadd.f32 v34, v12;
	s25 =	simm.s32 $0xB4C0;
	v9 =	vadd.f32 v9, v29;
	[sflag:s17] =	ssyncadd.s32 $0xFFFFF400  }
0x32e: {  	v17 =	vunpack.i.u.bf16.f32 v36;
	v14 =	vadd.f32 v31, v14;
	v10 =	vadd.f32 v20, v10;
	v19 =	vld [tilespmem:s25+$0x80]  }
0x32f: {  	v20 =	vunpack.i.l.bf16.f32 v43;
	v12 =	vadd.f32 v32, v12;
	v9 =	vadd.f32 v17, v9;
	v18 =	vld [tilespmem:s25+$0x90]  }
0x330: {  	v14 =	vadd.f32 v23, v14;
	v10 =	vadd.f32 v20, v10;
	v17 =	vunpack.i.u.bf16.f32 v35;
	v24 =	vld [tilespmem:s25+$0xA0]  }
0x331: {  	v20 =	vunpack.i.l.bf16.f32 v44;
	v12 =	vadd.f32 v25, v12;
	v28 =	vld [tilespmem:s25+$0x40];
	v9 =	vadd.f32 v17, v9  }
0x332: {  	v14 =	vadd.f32 v15, v14;
	v10 =	vadd.f32 v20, v10;
	v23 =	vld [tilespmem:s25+$0x50];
	v17 =	vunpack.i.u.bf16.f32 v43  }
0x333: {  	v15 =	vunpack.i.l.bf16.f32 v45;
	v12 =	vadd.f32 v16, v12;
	v25 =	vld [tilespmem:s25+$0x60];
	v9 =	vadd.f32 v17, v9  }
0x334: {  	v26 =	vadd.f32 v26, v41;
	v15 =	vadd.f32 v15, v10;
	v29 =	vld [tilespmem:s25+$0x0];
	v17 =	vunpack.i.u.bf16.f32 v44  }
0x335: {  	v20 =	vunpack.i.u.bf16.f32 v45;
	v16 =	vadd.f32 v13, v12;
	v52 =	vld [tilespmem:s25+$0xFFFFFF40];
	v9 =	vadd.f32 v17, v9  }
0x336: {  	v31 =	vld [tilespmem:s25+$0x20];
	v17 =	vadd.f32 v11, v14;
	v49 =	vunpack.i.u.bf16.f32 v19;
	v51 =	vunpack.i.l.bf16.f32 v19  }
0x337: {  	v50 =	vld [tilespmem:s25+$0xFFFFFF80];
	v13 =	vunpack.i.u.bf16.f32 v18;
	v53 =	vunpack.i.u.bf16.f32 v28;
	v10 =	vunpack.i.l.bf16.f32 v24  }
0x338: {  	v54 =	vunpack.i.l.bf16.f32 v28;
	v55 =	vunpack.i.u.bf16.f32 v23;
	v56 =	vunpack.i.l.bf16.f32 v23  }
0x339: {  	v48 =	vld [tilespmem:s25+$0xFFFFFFC0];
	v28 =	vunpack.i.u.bf16.f32 v29;
	v11 =	vunpack.i.u.bf16.f32 v25;
	v12 =	vunpack.i.l.bf16.f32 v25  }
0x33a: {  	v36 =	vunpack.i.l.bf16.f32 v52;
	v14 =	vadd.f32 v20, v9;
	v9 =	vunpack.i.u.bf16.f32 v24;
	v24 =	vld [tilespmem:s25+$0xFFFFFF50]  }
0x33b: {  	v19 =	vunpack.i.l.bf16.f32 v31;
	v59 =	vunpack.i.u.bf16.f32 v52;
	v21 =	vadd.f32 v36, v21  }
0x33c: {  	v23 =	vld [tilespmem:s25+$0xFFFFFF90];
	v33 =	vunpack.i.l.bf16.f32 v50;
	v22 =	vadd.f32 v59, v22;
	v20 =	vunpack.i.l.bf16.f32 v18  }
0x33d: {  	v58 =	vld [tilespmem:s25+$0xFFFFFFD0];
	v18 =	vunpack.i.u.bf16.f32 v31;
	v31 =	vunpack.i.u.bf16.f32 v50;
	v21 =	vadd.f32 v33, v21  }
0x33e: {  	v25 =	vunpack.i.l.bf16.f32 v29;
	v32 =	vunpack.i.l.bf16.f32 v48;
	v22 =	vadd.f32 v31, v22  }
0x33f: {  	v30 =	vld [tilespmem:s25+$0x10];
	v21 =	vadd.f32 v32, v21;
	v60 =	vunpack.i.u.bf16.f32 v24;
	v24 =	vunpack.i.l.bf16.f32 v24  }
0x340: {  	v57 =	vunpack.i.u.bf16.f32 v48;
	v24 =	vadd.f32 v24, v27;
	v26 =	vadd.f32 v60, v26  }
0x341: {  	v63 =	vld [tilespmem:s25+$0xFFFFFF60];
	v22 =	vadd.f32 v57, v22;
	v27 =	vunpack.i.u.bf16.f32 v23;
	v23 =	vunpack.i.l.bf16.f32 v23  }
0x342: {  	v62 =	vld [tilespmem:s25+$0xFFFFFFA0];
	v31 =	vunpack.i.l.bf16.f32 v58;
	v24 =	vadd.f32 v23, v24;
	v26 =	vadd.f32 v27, v26  }
0x343: {  	v61 =	vld [tilespmem:s25+$0xFFFFFFE0];
	v21 =	vadd.f32 v25, v21;
	v22 =	vadd.f32 v28, v22;
	v27 =	vunpack.i.u.bf16.f32 v58  }
0x344: {  	v29 =	vunpack.i.u.bf16.f32 v30;
	v31 =	vadd.f32 v31, v24;
	v26 =	vadd.f32 v27, v26  }
0x345: {  	v30 =	vunpack.i.l.bf16.f32 v30;
	v28 =	vld [tilespmem:s25+$0xFFFFFF70];
	v21 =	vadd.f32 v54, v21;
	v22 =	vadd.f32 v53, v22  }
0x346: {  	v33 =	vunpack.i.l.bf16.f32 v63;
	v30 =	vadd.f32 v30, v31;
	v26 =	vadd.f32 v29, v26  }
0x347: {  	v25 =	vunpack.i.u.bf16.f32 v62;
	v21 =	vadd.f32 v51, v21;
	v22 =	vadd.f32 v49, v22;
	v29 =	vld [tilespmem:s25+$0xFFFFFFB0]  }
0x348: {  	v23 =	vunpack.i.u.bf16.f32 v61;
	v32 =	vadd.f32 v56, v30;
	v26 =	vadd.f32 v55, v26  }
0x349: {  	s28 =	simm.s32 $0xB640;
	s26 =	simm.s32 $0x0;
	v24 =	vunpack.i.l.bf16.f32 v61;
	v27 =	vunpack.i.l.bf16.f32 v62;
	v31 =	vunpack.i.u.bf16.f32 v63;
	v30 =	vld [tilespmem:s25+$0xFFFFFFF0]  }
.LBB2_18:
0x34a: {  	v34 =	vld [tilespmem:s28+$0x80];
	v35 =	vunpack.i.u.bf16.f32 v28;
	v32 =	vadd.f32 v20, v32;
	v26 =	vadd.f32 v13, v26  }
0x34b: {  	v13 =	vunpack.i.l.bf16.f32 v28;
	v16 =	vadd.f32 v33, v16;
	v17 =	vadd.f32 v31, v17;
	v20 =	vld [tilespmem:s25+$0x30]  }
0x34c: {  	v13 =	vadd.f32 v13, v15;
	v14 =	vadd.f32 v35, v14;
	v28 =	vld [tilespmem:s28+$0x90];
	v15 =	vunpack.i.u.bf16.f32 v29  }
0x34d: {  	v29 =	vunpack.i.l.bf16.f32 v29;
	v16 =	vadd.f32 v27, v16;
	v17 =	vadd.f32 v25, v17;
	v25 =	vld [tilespmem:s25+$0x70]  }
0x34e: {  	v13 =	vadd.f32 v29, v13;
	v14 =	vadd.f32 v15, v14;
	v27 =	vld [tilespmem:s28+$0xA0];
	v15 =	vunpack.i.u.bf16.f32 v30  }
0x34f: {  	v29 =	vunpack.i.l.bf16.f32 v30;
	v16 =	vadd.f32 v24, v16;
	v17 =	vadd.f32 v23, v17;
	v23 =	vld [tilespmem:s25+$0xB0];
	s25 =	smov.u32 s28  }
0x350: {  	v13 =	vadd.f32 v29, v13;
	v14 =	vadd.f32 v15, v14;
	v24 =	vld [tilespmem:s28+$0x40];
	v15 =	vunpack.i.u.bf16.f32 v20  }
0x351: {  	v20 =	vunpack.i.l.bf16.f32 v20;
	v16 =	vadd.f32 v19, v16;
	v17 =	vadd.f32 v18, v17;
	v29 =	vld [tilespmem:s28+$0x50]  }
0x352: {  	v13 =	vadd.f32 v20, v13;
	v14 =	vadd.f32 v15, v14;
	v18 =	vld [tilespmem:s28+$0x60];
	v15 =	vunpack.i.u.bf16.f32 v25  }
0x353: {  	v20 =	vunpack.i.l.bf16.f32 v25;
	v12 =	vadd.f32 v12, v16;
	v11 =	vadd.f32 v11, v17;
	v19 =	vld [tilespmem:s28+$0x0]  }
0x354: {  	v13 =	vadd.f32 v20, v13;
	v14 =	vadd.f32 v15, v14;
	v25 =	vld [tilespmem:s28+$0x10];
	v20 =	vunpack.i.u.bf16.f32 v23  }
0x355: {  	v15 =	vunpack.i.l.bf16.f32 v23;
	v16 =	vadd.f32 v10, v12;
	v17 =	vadd.f32 v9, v11;
	v30 =	vld [tilespmem:s28+$0x20]  }
0x356: {  	v35 =	vunpack.i.u.bf16.f32 v34;
	v15 =	vadd.f32 v15, v13;
	v14 =	vadd.f32 v20, v14;
	v23 =	vld [tilespmem:s28+$0xFFFFFFC0]  }
0x357: {  	v34 =	vunpack.i.l.bf16.f32 v34;
	v13 =	vunpack.i.u.bf16.f32 v28;
	v20 =	vunpack.i.l.bf16.f32 v28;
	v31 =	vld [tilespmem:s28+$0xFFFFFF80]  }
0x358: {  	v9 =	vunpack.i.u.bf16.f32 v27;
	v10 =	vunpack.i.l.bf16.f32 v27;
	v33 =	vunpack.i.u.bf16.f32 v24;
	v28 =	vld [tilespmem:s28+$0xFFFFFF40]  }
0x359: {  	v36 =	vunpack.i.l.bf16.f32 v24;
	v37 =	vunpack.i.u.bf16.f32 v29;
	v38 =	vunpack.i.l.bf16.f32 v29;
	v27 =	vld [tilespmem:s28+$0xFFFFFF50]  }
0x35a: {  	v11 =	vunpack.i.u.bf16.f32 v18;
	v12 =	vunpack.i.l.bf16.f32 v18;
	v29 =	vunpack.i.u.bf16.f32 v19  }
0x35b: {  	v39 =	vunpack.i.l.bf16.f32 v19;
	v40 =	vunpack.i.u.bf16.f32 v25;
	v41 =	vunpack.i.l.bf16.f32 v25;
	v24 =	vld [tilespmem:s28+$0xFFFFFF90]  }
0x35c: {  	v18 =	vunpack.i.u.bf16.f32 v30;
	v19 =	vunpack.i.l.bf16.f32 v30;
	v25 =	vunpack.i.u.bf16.f32 v23  }
0x35d: {  	v23 =	vunpack.i.l.bf16.f32 v23;
	v30 =	vunpack.i.u.bf16.f32 v31;
	v31 =	vunpack.i.l.bf16.f32 v31;
	v42 =	vld [tilespmem:s28+$0xFFFFFFD0]  }
0x35e: {  	v43 =	vunpack.i.u.bf16.f32 v28;
	v28 =	vunpack.i.l.bf16.f32 v28;
	v44 =	vunpack.i.u.bf16.f32 v27  }
0x35f: {  	v27 =	vunpack.i.l.bf16.f32 v27;
	v21 =	vadd.f32 v28, v21;
	v22 =	vadd.f32 v43, v22;
	v43 =	vld [tilespmem:s28+$0xFFFFFFE0]  }
0x360: {  	v27 =	vadd.f32 v27, v32;
	v26 =	vadd.f32 v44, v26;
	v28 =	vunpack.i.u.bf16.f32 v24  }
0x361: {  	v24 =	vunpack.i.l.bf16.f32 v24;
	v21 =	vadd.f32 v31, v21;
	v22 =	vadd.f32 v30, v22;
	v32 =	vld [tilespmem:s28+$0xFFFFFFA0]  }
0x362: {  	v24 =	vadd.f32 v24, v27;
	v26 =	vadd.f32 v28, v26;
	v27 =	vunpack.i.u.bf16.f32 v42  }
0x363: {  	s26 =	sadd.s32 $0x6, s26;
	v28 =	vunpack.i.l.bf16.f32 v42;
	v21 =	vadd.f32 v23, v21;
	v22 =	vadd.f32 v25, v22;
	v30 =	vld [tilespmem:s28+$0xFFFFFF60]  }
0x364: {  	p1 =	slt.u32 s26, $0x24;
	v31 =	vadd.f32 v28, v24;
	v26 =	vadd.f32 v27, v26;
	v23 =	vunpack.i.u.bf16.f32 v43  }
.Ltmp7:
0x365: {  	v24 =	vunpack.i.l.bf16.f32 v43;
	v21 =	vadd.f32 v39, v21;
	v22 =	vadd.f32 v29, v22;
	v28 =	vld [tilespmem:s28+$0xFFFFFF70];
	(pc) =	sbr.rel @p1 .LBB2_18-.Ltmp7, $4  }
0x366: {  	v39 =	vadd.f32 v41, v31;
	v26 =	vadd.f32 v40, v26;
	v25 =	vunpack.i.u.bf16.f32 v32  }
0x367: {  	v27 =	vunpack.i.l.bf16.f32 v32;
	v21 =	vadd.f32 v36, v21;
	v22 =	vadd.f32 v33, v22;
	v29 =	vld [tilespmem:s28+$0xFFFFFFB0]  }
0x368: {  	v32 =	vadd.f32 v38, v39;
	v26 =	vadd.f32 v37, v26;
	v31 =	vunpack.i.u.bf16.f32 v30  }
0x369: {  	s28 =	sadd.s32 $0x180, s28;
	v33 =	vunpack.i.l.bf16.f32 v30;
	v21 =	vadd.f32 v34, v21;
	v22 =	vadd.f32 v35, v22;
	v30 =	vld [tilespmem:s25+$0xFFFFFFF0]  }
0x36a: {  	v34 =	vld @!p0 [tilespmem:s24+$0x360];
	_ =	sdelay $0x4  }
0x36b: {  	v35 =	vld [tilespmem:s25+$0x30]  }
0x36c: {  	v36 =	vld [tilespmem:s25+$0x70]  }
0x36d: {  	v37 =	vld [tilespmem:s25+$0xB0];
	s25 =	simm.s32 @!p0 $0x0;
	s26 =	simm.s32 @!p0 $0xB400  }
0x36e: {  	[tilespmem:s26], [sflag:$0x8] =	stream.indirect_vreg.gather @!p0 [hbm4b:s2+s25], $0x20, v34, vm1, $0xb8;
	[tilespmem:$0xC0D0] =	vst v63  }
0x36f: {  	v34 =	vld @!p0 [tilespmem:s24+$0x370];
	_ =	sdelay $0x6  }
0x370: {  	s26 =	simm.s32 @!p0 $0xB600  }
0x371: {  	[tilespmem:s26], [sflag:$0x8] =	stream.indirect_vreg.gather @!p0 [hbm4b:s2+s25], $0x20, v34, vm1, $0xb8;
	[tilespmem:$0xC0D0] =	vst v63  }
0x372: {  	v34 =	vld @!p0 [tilespmem:s24+$0x380];
	_ =	sdelay $0x1  }
0x373: {  	v16 =	vadd.f32 v33, v16  }
0x374: {  	v17 =	vadd.f32 v31, v17;
	v45 =	vunpack.i.l.bf16.f32 v28;
	v20 =	vadd.f32 v20, v32  }
0x375: {  	v46 =	vunpack.i.u.bf16.f32 v28;
	v13 =	vadd.f32 v13, v26;
	v15 =	vadd.f32 v45, v15  }
0x376: {  	v16 =	vadd.f32 v27, v16;
	v47 =	vunpack.i.l.bf16.f32 v29;
	v17 =	vadd.f32 v25, v17  }
0x377: {  	v14 =	vadd.f32 v46, v14;
	v48 =	vunpack.i.u.bf16.f32 v29;
	v15 =	vadd.f32 v47, v15  }
0x378: {  	v49 =	vunpack.i.l.bf16.f32 v30;
	v16 =	vadd.f32 v24, v16;
	v17 =	vadd.f32 v23, v17;
	s26 =	simm.s32 @!p0 $0xB800  }
0x379: {  	v14 =	vadd.f32 v48, v14;
	v50 =	vunpack.i.u.bf16.f32 v30;
	v15 =	vadd.f32 v49, v15;
	[tilespmem:s26], [sflag:$0x8] =	stream.indirect_vreg.gather @!p0 [hbm4b:s2+s25], $0x20, v34, vm1, $0xb8;
	[tilespmem:$0xC0D0] =	vst v63  }
0x37a: {  	v51 =	vunpack.i.l.bf16.f32 v35;
	v16 =	vadd.f32 v19, v16;
	v17 =	vadd.f32 v18, v17;
	v19 =	vld @!p0 [tilespmem:s24+$0x390]  }
0x37b: {  	v14 =	vadd.f32 v50, v14;
	v52 =	vunpack.i.u.bf16.f32 v35;
	v15 =	vadd.f32 v51, v15  }
0x37c: {  	v53 =	vunpack.i.l.bf16.f32 v36;
	v12 =	vadd.f32 v12, v16;
	v11 =	vadd.f32 v11, v17  }
0x37d: {  	v54 =	vunpack.i.u.bf16.f32 v36;
	v14 =	vadd.f32 v52, v14;
	v15 =	vadd.f32 v53, v15  }
0x37e: {  	v55 =	vunpack.i.l.bf16.f32 v37;
	v10 =	vadd.f32 v10, v12;
	v9 =	vadd.f32 v9, v11  }
0x37f: {  	v11 =	vadd.f32 v54, v14;
	v56 =	vadd.f32 v55, v15  }
0x380: {  	v57 =	vunpack.i.u.bf16.f32 v37;
	v10 =	vadd.f32 v10, v21;
	v9 =	vadd.f32 v9, v22  }
0x381: {  	v11 =	vadd.f32 v57, v11;
	v12 =	vadd.f32 v56, v20;
	s26 =	simm.s32 @!p0 $0xBA00  }
0x382: {  	v58 =	vmul.f32 v10, v10;
	v59 =	vmul.f32 v9, v9;
	[tilespmem:s26], [sflag:$0x8] =	stream.indirect_vreg.gather @!p0 [hbm4b:s2+s25], $0x20, v19, vm1, $0xb8;
	[tilespmem:$0xC0D0] =	vst v63  }
0x383: {  	v10 =	vmul.f32 v10, v1;
	v9 =	vmul.f32 v9, v2;
	v16 =	vld @!p0 [tilespmem:s24+$0x3A0]  }
0x384: {  	v11 =	vadd.f32 v11, v13;
	v61 =	vmul.f32 v12, v12;
	v60 =	vadd.f32 v59, v58  }
0x385: {  	v9 =	vadd.f32 v9, v10  }
0x386: {  	v10 =	vmul.f32 v12, v3;
	v63 =	vmul.f32 v11, v11;
	v62 =	vadd.f32 v61, v60;
	_ =	sdelay $0x1  }
0x387: {  	v9 =	vadd.f32 v10, v9;
	v10 =	vmul.f32 v11, v4;
	v11 =	vadd.f32 v63, v62;
	_ =	sdelay $0x1  }
0x388: {  	v9 =	vadd.f32 v10, v9;
	(xrf2) =	vadd.scan.msk.f32 $0xffff, v11;
	s26 =	simm.s32 @!p0 $0xBC00  }
0x389: {  	[tilespmem:s26], [sflag:$0x8] =	stream.indirect_vreg.gather @!p0 [hbm4b:s2+s25], $0x20, v16, vm1, $0xb8;
	[tilespmem:$0xC0D0] =	vst v63  }
0x38a: {  	(xrf2) =	vadd.scan.msk.f32 $0xffff, v9;
	v9 =	vld @!p0 [tilespmem:s24+$0x3B0];
	_ =	sdelay $0x6  }
0x38b: {  	s22 =	sadd.s32 $0x1, s22;
	s24 =	simm.s32 @!p0 $0xBE00  }
0x38c: {  	[tilespmem:s24], [sflag:$0x8] =	stream.indirect_vreg.gather @!p0 [hbm4b:s2+s25], $0x20, v9, vm1, $0xb8;
	[tilespmem:$0xC0D0] =	vst v63  }
0x38d: {  	p0 =	sne.s32 s22, $0x4  }
.Ltmp8:
0x38e: {  	v10, _, _ =	vpop (xrf2);
	(pc) =	sbr.rel @p0 .LBB2_3-.Ltmp8, $4  }
0x38f: {  	v9, _, _ =	vpop (xrf2)  }
0x390: {  	v11 =	vmov s23;
	v10 =	vbroadcast v10, $0xF;
	v9 =	vbroadcast v9, $0xF  }
0x391: {  	vm1 =	veq.s32 v11, v0  }
0x392: {  	v8 =	vsel vm1, v10, v8;
	v7 =	vsel vm1, v9, v7  }
0x393: {  	v6 =	vmax.f32 v8, $1.000000020e-24  }
0x394: {  	v8 =	vshrl.u32 v6, $0x1;
	v6 =	vmul.f32 $5.000000000e-01, v6  }
0x395: {  	v8 =	vsub.s32 $0x5F3759DF, v8  }
0x396: {  	v9 =	vmul.f32 v8, v6;
	_ =	sdelay $0x1  }
0x397: {  	v9 =	vmul.f32 v8, v9;
	_ =	sdelay $0x1  }
0x398: {  	v9 =	vsub.f32 $1.500000000e+00, v9;
	_ =	sdelay $0x1  }
0x399: {  	v8 =	vmul.f32 v8, v9;
	_ =	sdelay $0x1  }
0x39a: {  	v9 =	vmul.f32 v8, v6;
	_ =	sdelay $0x1  }
0x39b: {  	v9 =	vmul.f32 v9, v8;
	_ =	sdelay $0x1  }
0x39c: {  	v9 =	vsub.f32 $1.500000000e+00, v9;
	_ =	sdelay $0x1  }
0x39d: {  	v8 =	vmul.f32 v9, v8;
	_ =	sdelay $0x1  }
0x39e: {  	v6 =	vmul.f32 v8, v6;
	_ =	sdelay $0x1  }
0x39f: {  	v6 =	vmul.f32 v6, v8;
	_ =	sdelay $0x1  }
0x3a0: {  	v6 =	vsub.f32 $1.500000000e+00, v6;
	_ =	sdelay $0x1  }
0x3a1: {  	v6 =	vmul.f32 v6, v8;
	_ =	sdelay $0x1  }
0x3a2: {  	v6 =	vmul.f32 v6, v7;
	_ =	sdelay $0x1  }
0x3a3: {  	v6 =	vadd.f32 v6, v5;
	_ =	sdelay $0x1  }
0x3a4: {  	v6 =	vsub.f32 $0.0e+00, v6;
	_ =	sdelay $0x1  }
0x3a5: {  	v6 =	vmul.f32 $1.442695020e+00, v6;
	_ =	sdelay $0x1  }
0x3a6: {  	(erf) = vpow2.f32 v6;
	_ =	sdelay $0x8  }
0x3a7: {  	v6 =	vpop (erf)  }
0x3a8: {  	v6 =	vadd.f32 $1.000000000e+00, v6;
	_ =	sdelay $0x1  }
0x3a9: {  	(erf) = vrcp.f32 v6;
	_ =	sdelay $0x3  }
0x3aa: {  	s20 =	sadd.s32 $0x1, s20  }
0x3ab: {  	p0 =	sne.s32 s20, $0x8  }
.Ltmp9:
0x3ac: {  	_ = 	snop;
	(pc) =	sbr.rel @p0 .LBB2_2-.Ltmp9, $3  }
0x3ad: {  	_ =	sdelay $0x1  }
0x3ae: {  	s21 =	sand.u32 $0x3FFFFFF0, s21;
	v6 =	vpop (erf)  }
0x3af: {  	[tilespmem:s21+$0xC000] =	vst v6  }
0x3b0: {  	s19 =	sadd.s32 $0x1, s19  }
0x3b1: {  	p0 =	sne.s32 s19, s7  }
.Ltmp10:
0x3b2: {  	_ = 	snop;
	(pc) =	sbr.rel @p0 .LBB2_1-.Ltmp10, $4  }
0x3b3: {  	[hbm4b:s6+s3] =	stream.linear.scatter [tilespmem:s18], [sflag:$0x9], $0x80, $0x38;
	[tilespmem:$0xC0D0] =	vst v63  }
0x3b4: {  	_ =	swait.ge [sflag:s8], $0x80  }
0x3b5: {  	[sflag:s8] =	ssyncset.done $0x0  }
0x3b6: {  	[sflag:s8] =	ssyncadd.s32 $0xFFFFFF80  }
0x3b7: {  	_ =	sfence.sel $0x180000  }
0x3b8: {  	[bflag:$0x0] =	sbarrier.arrive $0xFFFF  }
0x3b9: {  	_ =	strace $0x9000004D  }
0x3ba: {  	s0 =	stileid.u32;
	[bflag:$0x2] =	sbarrier.arrive $0xFFFF  }
0x3bb: {  	p0 =	sne.s32 s0, $0x0;
	s0 =	rddreg [dreg:$0x2]  }
0x3bc: {  	s0 =	sadd.s32 @!p0 $0x100000, s0  }
0x3bd: {  	[sflag:s0] =	ssyncadd.tile.s32 @!p0 $0x1;
	_ =	shalt  }
.Lfunc_end2:
_tile_overlayer_lowered:
.L_overlay_start_2:
0x3be: {  	(tag) =	ssettag $0x2  }
0x3bf: {  	s0 =	rddreg [dreg:$0x0];
	s2 =	stileid.u32  }
0x3c0: {  	s1 =	rddreg [dreg:$0x1];
	p0 =	sne.s32 s2, $0x0  }
0x3c1: {  	s3 =	rddreg [dreg:$0x2];
	[bflag:$0x3] =	sbarrier.arrive $0xFFFF;
	s2 =	simm.s32 @!p0 $0x1C09  }
0x3c2: {  	[timem:s3], [sflag:s2] =	dma.local @!p0 [hbm:s0], s1  }
0x3c3: {  	s0 =	simm.s32 @!p0 $0x9  }
0x3c4: {  	_ =	swait.ge @!p0 [sflag:s0], s1  }
0x3c5: {  	s1 =	ssub.s32 @!p0 $0x0, s1;
	[sflag:s0] =	ssyncset.done @!p0 $0x0  }
0x3c6: {  	[sflag:s0] =	ssyncadd.s32 @!p0 s1  }
0x3c7: {  	[bflag:$0x3] =	sbarrier.arrive $0xFFFF  }
0x3c8: {  	_ =	shalt  }

// kernel: sparse-core-data-format-call.1.cloned.1.call-start
scs
called_computation.1_lowered:
.L_overlay_start_0:
0x0: {  	s1 =	sld [smem:$0x3FD9]  }
0x1: {  	s2 =	sld [smem:$0x3FFE];
	_ =	sdelay $0x1  }
0x2: {  	s3 =	srdreg.scid  }
0x3: {  	s0 =	sand.u32 $0x1, s3  }
0x4: {  	s17 =	sshll.u32 s0, $0xA;
	s1 =	sadd.s32 s2, s1  }
0x5: {  	s1 =	sadd.s32 s1, s17  }
0x6: {  	[smem:$0x3FC4] =	sst s1  }
0x7: {  	_ = 	snop  }
0x8: {  	(tm) =	ssettm $0x1  }
0x9: {  	s18 =	sld [smem:$0x3FFB];
	_ =	sdelay $0x3  }
0xa: {  	_ =	strace s18  }
0xb: {  	s1 =	sld [smem:$0x3FFC];
	_ =	sdelay $0x3  }
0xc: {  	_ =	strace s1  }
0xd: {  	s1 =	sld [smem:$0x3FFD];
	_ =	sdelay $0x3  }
0xe: {  	_ =	strace s1  }
0xf: {  	_ =	strace $0x8FFFFFFF  }
0x10: {  	s19 =	sld [smem:$0x3FDB];
	_ =	sdelay $0x1  }
0x11: {  	s20 =	simm.s32 $_scs_section_size  }
0x12: {  	s4 =	simm.s32 $_size__tile_overlayer_lowered;
	s5 =	simm.s32 $_tile_overlayer_lowered  }
0x13: {  	s23 =	simm.s32 $0x1BFF;
	s22 =	sshll.u32 s5, $0x1;
	s1 =	sadd.s32 s20, s19  }
0x14: {  	s6 =	simm.s32 $0x0;
	s21 =	sshll.u32 s4, $0x1;
	s4 =	sadd.s32 s22, s1  }
0x15: {  	[timem:s6], [sflag:s23] =	dma.local [hbm:s4], s21  }
0x16: {  	_ =	swait.ge [sflag:s23], s21  }
0x17: {  	s2 =	ssub.s32 $0x0, s21;
	[sflag:s23] =	ssyncset.done $0x0  }
0x18: {  	[sflag:s23] =	ssyncadd.s32 s2;
	_ =	sdelay $0x1  }
0x19: {  	s24 =	simm.s32 $0x1B8B  }
0x1a: {  	_ =	swait.ge [sflag:s24], $0x1  }
0x1b: {  	[sflag:s24] =	ssyncset.done $0x0  }
0x1c: {  	s26 =	simm.s32 $0x1B8E;
	s25 =	sld [smem:$0x3FFE];
	[sflag:s24] =	ssyncadd.s32 $0xFFFFFFFF  }
0x1d: {  	s27 =	simm.s32 $execute0_lowered;
	[smem:$0x3FD2] =	sst s26  }
0x1e: {  	s4 =	sshll.u32 s27, $0x1;
	_ =	strace $0x80000046;
	[dreg:$0x1] =	wrdreg $0xFFFFFFFF  }
0x1f: {  	s28 =	simm.s32 $_size_execute0_lowered;
	s1 =	sadd.s32 s1, s4;
	[dreg:$0x0] =	wrdreg $0x0  }
0x20: {  	s4 =	sshll.u32 s28, $0x1;
	[dreg:$0x2] =	wrdreg s1  }
0x21: {  	[dreg:$0x3] =	wrdreg s4  }
0x22: {  	[dreg:$0x4] =	wrdreg $0xC0  }
0x23: {  	_ =	task [dreg:s6], $0x5FFFF  }
0x24: {  	[dreg:$0x1] =	wrdreg $0xFFFFFFFF  }
0x25: {  	[dreg:$0x0] =	wrdreg $0x60  }
0x26: {  	[dreg:$0x2] =	wrdreg s25  }
0x27: {  	[dreg:$0x3] =	wrdreg $0x9  }
0x28: {  	_ =	task.clear_ibuf [dreg:s6], $0x4FFFF;
	_ =	strace $0x90000046  }
0x29: {  	s29 =	simm.s32 $0x9;
	_ =	strace $0x80000048  }
0x2a: {  	_ =	swait.ge [sflag:s29], $0x1  }
0x2b: {  	[sflag:s29] =	ssyncadd.s32 $0xFFFFFFFF  }
0x2c: {  	_ =	strace $0x90000048  }
0x2d: {  	_ =	sfence  }
0x2e: {  	s30 =	sld [smem:$0x0];
	_ =	sdelay $0x2  }
0x2f: {  	s31 =	sshll.u32 s3, $0xD;
	s3 =	sshrl.u32 s3, $0x2  }
0x30: {  	s2 =	sand.u32 $0x4000, s31;
	s1 =	sadd.s32 s3, s30  }
0x31: {  	s0 =	sor.u32 s2, s0;
	s1 =	sshll.u32 s1, $0x11  }
0x32: {  	s0 =	sor.u32 s1, s0  }
0x33: {  	s0 =	sadd.s32 $0x8F2B, s0  }
0x34: {  	[sflag:s0] =	ssyncadd.remote.s32 $0x1  }
0x35: {  	_ =	sfence.sel $0xFFFF  }
0x36: {  	[dreg:$0x0] =	wrdreg $0xFFFFFFFF;
	(pc) =	sbr.abs _section_cstart, $3  }
0x37: {  	[dreg:$0x1] =	wrdreg $0xFFFFFFFF  }
0x38: {  	_ =	task.clear_ibuf [dreg:s6], $0x2FFFF;
	_ =	strace $0x9FFFFFFF  }
0x39: {  	(tm) =	ssettm $0x7FFFFFFF  }
tec
execute0_lowered:
.L_overlay_start_1:
0x0: {  	(tag) =	ssettag $0x1  }
0x1: {  	s0 =	srdreg.scid  }
0x2: {  	s2 =	rddreg [dreg:$0x0];
	s1 =	stileid.u32  }
0x3: {  	s4 =	simm.s32 $0x1;
	s6 =	simm.s32 $0x2;
	s15 =	simm.s32 $0x0  }
0x4: {  	p0 =	por $0x0, $0x0;
	s8 =	simm.s32 $0x80;
	s0 =	sshll.u32 s0, $0x4  }
0x5: {  	s14 =	simm.s32 $0x0;
	s9 =	simm.s32 $0x0;
	s3 =	sand.u32 $0x10, s0  }
.Ltmp0:
0x6: {  	s10 =	simm.s32 $0x0;
	s3 =	sor.u32 s1, s3;
	(pc) =	sbr.rel .LBB1_1-.Ltmp0, $4  }
0x7: {  	s0 =	rddreg [dreg:$0x1];
	_ =	strace $0x80000047;
	s3 =	sshll.u32 s3, $0x7  }
0x8: {  	s12 =	simm.s32 $0x0;
	[sflag:s4] =	ssyncpa.u1 $0x0;
	s7 =	ssub.s32 $0xF4200, s3  }
0x9: {  	s13 =	simm.s32 $0x0;
	[sflag:s6] =	ssyncpa.u1 $0x0;
	s6 =	sshrl.u32 s7, $0xC  }
0xa: {  	s5 =	sadd.s32 $0x3D0A00, s2;
	s11 =	smov.u32 s3;
	s7 =	sadd.s32 $0x2, s6  }
.LBB1_5:
0xb: {  	p1 =	slt.u32 s13, $0x2  }
0xc: {  	s17 =	smov.u32 s15;
	p2 =	sgt.s32 @!p1 s15, $0xF41C0;
	s16 =	sshra.s32 @!p1 s15, $0x1F  }
0xd: {  	p3 =	sgt.s32 @!p1 s14, $0x40;
	s18 =	sshra.s32 @!p1 s14, $0x1F;
	p2 =	por !p2, p1  }
0xe: {  	s15 =	sand.u32 @!p1 s16, s15;
	p3 =	por !p3, p1;
	s16 =	smov.u32 s14  }
0xf: {  	s14 =	sand.u32 @!p1 s18, s14;
	s17 =	simm.s32 @p2 $0xF41C0;
	s16 =	simm.s32 @p3 $0x40  }
0x10: {  	s15 =	ssub.s32 @!p1 s17, s15;
	s14 =	ssub.s32 @!p1 s16, s14  }
0x11: {  	s18 =	smov.u32 s12;
	s16 =	sadd.s32 @!p1 $0xFFF0BE40, s15;
	s17 =	sadd.s32 @!p1 $0xFFFFFFC0, s14  }
0x12: {  	s15 =	ssub.s32 @!p1 $0xF4240, s15;
	p2 =	sgt.s32 @!p1 s16, $0x7F;
	p3 =	sgt.s32 @!p1 s17, $0x3F  }
0x13: {  	s14 =	ssub.s32 @!p1 $0x80, s14;
	p2 =	por !p2, p1;
	p3 =	por !p3, p1  }
0x14: {  	s16 =	sadd.s32 $0x1000, s11;
	s15 =	simm.s32 @!p2 $0x0;
	s14 =	simm.s32 @!p3 $0x0  }
0x15: {  	p2 =	sgt.s32 s16, $0xF423F;
	s14 =	smul.u32 @!p1 s14, s15;
	s15 =	sadd.s32 $0x40, s12  }
0x16: {  	s18 =	smov.u32 @p2 s15  }
0x17: {  	s16 =	smov.u32 @p2 s3;
	p2 =	sgt.s32 s18, $0x3F  }
0x18: {  	p0 =	por !p0, !p0;
	s18 =	simm.s32 @p2 $0x0;
	p2 =	sne.s32 s13, s7  }
.Ltmp1:
0x19: {  	s17 =	simm.s32 @!p1 $0x2;
	s14 =	sshrl.u32 @!p1 s14, $0x1;
	(pc) =	sbr.rel @!p2 .LBB1_6-.Ltmp1, $4  }
0x1a: {  	s15 =	smov.u32 s9;
	s9 =	smov.u32 s11;
	s14 =	sand.u32 @!p1 $0x3FFFFFFF, s14  }
0x1b: {  	s11 =	smov.u32 s16;
	s13 =	sadd.s32 $0x1, s13;
	_ =	swait.ge @!p1 [sflag:s17], s14  }
0x1c: {  	s19 =	ssub.s32 @!p1 $0x0, s14;
	s14 =	smov.u32 s10;
	[sflag:s17] =	ssyncset.done @!p1 $0x0  }
0x1d: {  	s10 =	smov.u32 s12;
	s12 =	smov.u32 s18;
	[sflag:s17] =	ssyncadd.s32 @!p1 s19  }
.LBB1_1:
0x1e: {  	p1 =	sgt.u32 s13, s6  }
0x1f: {  	s16 =	sshrl.u32 @!p1 s12, $0x4  }
0x20: {  	s17 =	sshll.u32 @!p1 s11, $0x4;
	s16 =	smul.u32 @!p1 $0xF42800, s16  }
0x21: {  	s18 =	sshll.u32 @!p1 s12, $0x7;
	s17 =	sand.u32 @!p1 $0xFFFFF800, s17  }
0x22: {  	s16 =	sadd.s32 @!p1 s16, s17;
	s17 =	sand.u32 @!p1 $0x700, s18;
	s18 =	sshll.u32 @!p1 s11, $0x1  }
0x23: {  	s16 =	sor.u32 @!p1 s17, s16;
	s17 =	sand.u32 @!p1 $0xFE, s18  }
0x24: {  	s18 =	sand.u32 @!p1 $0x1, s12;
	s16 =	sor.u32 @!p1 s17, s16  }
0x25: {  	s17 =	sor.u32 @!p1 s18, s16  }
0x26: {  	s18 =	smulhi.u32 @!p1 $0x218D6287, s17;
	_ =	sdelay $0x1  }
0x27: {  	s16 =	smulhi.u32 @!p1 $0x218D6287, s16;
	s18 =	sshrl.u32 @!p1 s18, $0x11  }
0x28: {  	s18 =	smul.u32 @!p1 $0xF4280, s18  }
0x29: {  	s16 =	sshrl.u32 @!p1 s16, $0x11  }
0x2a: {  	s16 =	sand.u32 @!p1 $0x3F, s16;
	s17 =	ssub.s32 @!p1 s17, s18  }
0x2b: {  	s16 =	smul.u32 @!p1 $0xF428, s16;
	s18 =	sshrl.u32 @!p1 s17, $0x4  }
0x2c: {  	s19 =	sxor.u32 @!p1 $0xFFFFFFFF, s13;
	s17 =	sshll.u32 @!p1 s17, $0x11;
	s18 =	sadd.s32 @!p1 s2, s18  }
0x2d: {  	s17 =	sand.u32 @!p1 $0x1C0000, s17;
	s16 =	sadd.s32 @!p1 s16, s18;
	s18 =	sshll.u32 @!p1 s19, $0xC  }
0x2e: {  	s17 =	sor.u32 @!p1 $0x400, s17;
	s19 =	simm.s32 @!p1 $0x7A1400;
	s18 =	sand.u32 @!p1 $0x1000, s18  }
0x2f: {  	[tilespmem:s18], [sflag:$0x1] =	stream.strided.gather @!p1 [hbm4b:s16+s17], $0x1000, s19, s17, $0x38;
	[tilespmem:$0x4080] =	vst v63  }
0x30: {  	p1 =	seq.s32 s13, $0x0  }
0x31: {  	p2 =	sge.u32 @!p1 s13, s7  }
0x32: {  	p1 =	por p1, p2  }
.Ltmp2:
0x33: {  	_ = 	snop;
	(pc) =	sbr.rel @p1 .LBB1_5-.Ltmp2, $1  }
0x34: {  	_ =	sdelay $0x3  }
0x35: {  	s16 =	simm.s32 $0x1  }
0x36: {  	_ =	swait.ge [sflag:s4], $0x1000;
	s16 =	simm.s32 @!p0 $0x0  }
0x37: {  	[sflag:s4] =	ssyncset.done $0x0;
	s16 =	sshll.u32 s16, $0xC  }
0x38: {  	[sflag:s4] =	ssyncadd.s32 $0xFFFFF000;
	s16 =	sor.u32 $0x40, s16  }
0x39: {  	v0 =	vld [tilespmem:s16+$0x20]  }
0x3a: {  	v1 =	vld [tilespmem:s16+$0x30]  }
0x3b: {  	v2 =	vld [tilespmem:s16+$0xFFFFFFD0]  }
0x3c: {  	v5 =	vld [tilespmem:s16+$0x0]  }
0x3d: {  	v6 =	vld [tilespmem:s16+$0x10]  }
0x3e: {  	s17 =	sand.u32 $0x1, s13;
	v3 =	vld [tilespmem:s16+$0xFFFFFFE0]  }
0x3f: {  	s17 =	smul.u32 $0x4100, s17;
	v4 =	vld [tilespmem:s16+$0xFFFFFFF0]  }
0x40: {  	s18 =	simm.s32 $0x0;
	v1 =	vperm.xlane.i2c.b16 v1  }
0x41: {  	s19 =	sand.u32 $0x3C, s18;
	s17 =	sshrl.u32 s17, $0x2;
	v8 =	vld [tilespmem:s16+$0xFFFFFFC0];
	s20 =	sadd.s32 $0x80, s16;
	v7 =	vperm.xlane.i2c.b16 v0;
	v0 =	vperm.xlane.i2c.b16 v2  }
0x42: {  	s30 =	sand.u32 $0x40, s18;
	s31 =	sshrl.u32 s19, $0x1;
	s16 =	sor.u32 $0x2000, s17;
	v11 =	vld [tilespmem:s20+$0x30];
	v10 =	vperm.xlane.i2c.b16 v5;
	v13 =	vperm.xlane.i2c.b16 v6  }
0x43: {  	s17 =	sshrl.u32 s30, $0x1;
	s18 =	sadd.s32 s31, s16;
	v2 =	vld [tilespmem:s20+$0x20];
	v3 =	vperm.xlane.i2c.b16 v3;
	v9 =	vcombine.low v7, v1  }
0x44: {  	v12 =	vld [tilespmem:s20+$0xFFFFFFD0];
	s17 =	sadd.s32 s17, s18;
	v4 =	vperm.xlane.i2c.b16 v4;
	v14 =	vcombine.low v10, v13  }
0x45: {  	v1 =	vcombine.high v7, v1;
	v7 =	vld [tilespmem:s20+$0xFFFFFFE0];
	[tilespmem:s17+$0xC30 ss:$0x41] =	vst.msk $0xffff, v9  }
0x46: {  	v6 =	vld [tilespmem:s20+$0xFFFFFFF0];
	v5 =	vperm.xlane.i2c.b16 v8;
	v9 =	vcombine.low v3, v4;
	[tilespmem:s17+$0x820 ss:$0x41] =	vst.msk $0xffff, v14  }
0x47: {  	s18 =	simm.s32 $0x4;
	v8 =	vperm.xlane.i2c.b16 v11;
	[tilespmem:s17+$0xC31 ss:$0x41] =	vst.msk $0xffff, v1;
	v1 =	vcombine.high v3, v4;
	v4 =	vld [tilespmem:s20+$0x0]  }
0x48: {  	s19 =	simm.s32 $0x2;
	s22 =	sand.u32 $0x3C, s18;
	v10 =	vcombine.high v10, v13;
	v3 =	vld [tilespmem:s20+$0x10];
	[tilespmem:s17+$0x410 ss:$0x41] =	vst.msk $0xffff, v9;
	v9 =	vperm.xlane.i2c.b16 v2  }
0x49: {  	s21 =	sand.u32 $0x40, s18;
	s22 =	sshrl.u32 s22, $0x1;
	v11 =	vcombine.low v5, v0;
	v2 =	vld [tilespmem:s20+$0xFFFFFFC0];
	s20 =	sadd.s32 $0x80, s20;
	[tilespmem:s17+$0x411 ss:$0x41] =	vst.msk $0xffff, v1;
	v1 =	vperm.xlane.i2c.b16 v12  }
.LBB1_3:
0x4a: {  	v12 =	vld [tilespmem:s20+$0x20];
	s22 =	sadd.s32 s22, s16;
	s21 =	sshrl.u32 s21, $0x1;
	v13 =	vperm.xlane.i2c.b16 v7;
	v7 =	vcombine.low v9, v8;
	[tilespmem:s17+$0x821 ss:$0x41] =	vst.msk $0xffff, v10  }
0x4b: {  	s19 =	sadd.s32 $0x2, s19;
	v14 =	vld [tilespmem:s20+$0x30];
	s21 =	sadd.s32 s21, s22;
	v10 =	vperm.xlane.i2c.b16 v6;
	v6 =	vcombine.high v9, v8;
	[tilespmem:s17+$0x0 ss:$0x41] =	vst.msk $0xffff, v11  }
0x4c: {  	p1 =	slt.u32 s19, $0x3E;
	v11 =	vld [tilespmem:s20+$0xFFFFFFD0];
	v8 =	vperm.xlane.i2c.b16 v4;
	[tilespmem:s21+$0xC30 ss:$0x41] =	vst.msk $0xffff, v7;
	v4 =	vcombine.high v5, v0;
	v0 =	vmov v1  }
.Ltmp3:
0x4d: {  	v7 =	vld [tilespmem:s20+$0xFFFFFFE0];
	v1 =	vcombine.low v13, v10;
	v3 =	vperm.xlane.i2c.b16 v3;
	[tilespmem:s21+$0xC31 ss:$0x41] =	vst.msk $0xffff, v6;
	(pc) =	sbr.rel @p1 .LBB1_3-.Ltmp3, $4  }
0x4e: {  	v6 =	vld [tilespmem:s20+$0xFFFFFFF0];
	v5 =	vperm.xlane.i2c.b16 v2;
	v2 =	vcombine.high v13, v10;
	[tilespmem:s17+$0x1 ss:$0x41] =	vst.msk $0xffff, v4;
	s17 =	smov.u32 s21  }
0x4f: {  	s18 =	sadd.s32 $0x4, s18;
	v4 =	vld [tilespmem:s20+$0x0];
	[tilespmem:s17+$0x410 ss:$0x41] =	vst.msk $0xffff, v1;
	v13 =	vcombine.low v8, v3;
	v10 =	vcombine.high v8, v3  }
0x50: {  	s22 =	sand.u32 $0x3C, s18;
	v9 =	vperm.xlane.i2c.b16 v12;
	v3 =	vld [tilespmem:s20+$0x10];
	v8 =	vperm.xlane.i2c.b16 v14;
	[tilespmem:s17+$0x411 ss:$0x41] =	vst.msk $0xffff, v2  }
0x51: {  	s22 =	sshrl.u32 s22, $0x1;
	s21 =	sand.u32 $0x40, s18;
	v2 =	vld [tilespmem:s20+$0xFFFFFFC0];
	v1 =	vperm.xlane.i2c.b16 v11;
	s20 =	sadd.s32 $0x80, s20;
	v11 =	vcombine.low v5, v0;
	[tilespmem:s17+$0x820 ss:$0x41] =	vst.msk $0xffff, v13  }
0x52: {  	s18 =	sadd.s32 s22, s16;
	s19 =	sshll.u32 s9, $0x7;
	s20 =	sshll.u32 s10, $0x4  }
0x53: {  	s21 =	sshrl.u32 s21, $0x1;
	s24 =	sshll.u32 s10, $0x1;
	p1 =	sgt.s32 s9, $0xF41C0  }
0x54: {  	s22 =	smov.u32 s9;
	s26 =	sshra.s32 s9, $0x1F;
	s23 =	sand.u32 $0xFFFFF800, s19  }
0x55: {  	s20 =	sand.u32 $0xFFFFF800, s20;
	s19 =	sand.u32 $0x700, s19;
	s25 =	sand.u32 $0x80, s24  }
0x56: {  	s18 =	sadd.s32 s21, s18;
	s22 =	simm.s32 @!p1 $0xF41C0;
	p1 =	sgt.s32 s10, $0x40  }
0x57: {  	s21 =	smov.u32 s10;
	s20 =	sadd.s32 s20, s23;
	s23 =	sshra.s32 s10, $0x1F  }
0x58: {  	s21 =	simm.s32 @!p1 $0x40;
	s19 =	sor.u32 s19, s20;
	s20 =	sand.u32 s26, s9  }
0x59: {  	v7 =	vperm.xlane.i2c.b16 v7;
	[tilespmem:s17+$0x821 ss:$0x41] =	vst.msk $0xffff, v10;
	v0 =	vcombine.high v5, v0;
	s23 =	sand.u32 s23, s10;
	s19 =	sor.u32 s25, s19;
	s20 =	ssub.s32 s22, s20  }
0x5a: {  	v57 =	vcombine.low v9, v8;
	v6 =	vperm.xlane.i2c.b16 v6;
	[tilespmem:s17+$0x0 ss:$0x41] =	vst.msk $0xffff, v11;
	s21 =	ssub.s32 s21, s23;
	s19 =	sshrl.u32 s19, $0x7;
	s22 =	sadd.s32 $0xFFF0BE40, s20  }
0x5b: {  	v58 =	vcombine.high v9, v8;
	v4 =	vperm.xlane.i2c.b16 v4;
	[tilespmem:s17+$0x1 ss:$0x41] =	vst.msk $0xffff, v0;
	s23 =	sadd.s32 $0xFFFFFFC0, s21;
	s20 =	ssub.s32 $0xF4240, s20;
	s21 =	ssub.s32 $0x80, s21  }
0x5c: {  	[tilespmem:s18+$0xC30 ss:$0x41] =	vst.msk $0xffff, v57;
	v59 =	vcombine.low v7, v6;
	v3 =	vperm.xlane.i2c.b16 v3;
	s27 =	smulhi.u32 $0x218DEF5, s19;
	p1 =	sgt.s32 s22, $0x7F;
	p2 =	sgt.s32 s23, $0x3F  }
0x5d: {  	[tilespmem:s18+$0xC31 ss:$0x41] =	vst.msk $0xffff, v58;
	v60 =	vcombine.high v7, v6;
	s20 =	simm.s32 @p1 $0x0;
	s21 =	simm.s32 @p2 $0x0  }
0x5e: {  	v2 =	vperm.xlane.i2c.b16 v2;
	[tilespmem:s18+$0x410 ss:$0x41] =	vst.msk $0xffff, v59;
	v61 =	vcombine.low v4, v3;
	s17 =	sshrl.u32 s27, $0xD;
	s20 =	smul.u32 s21, s20  }
0x5f: {  	v3 =	vcombine.high v4, v3;
	[tilespmem:s18+$0x411 ss:$0x41] =	vst.msk $0xffff, v60;
	s17 =	smul.u32 $0xF4240, s17  }
.Ltmp4:
0x60: {  	s28 =	sshrl.u32 s10, $0x3;
	s29 =	sand.u32 $0x7, s10;
	v62 =	vcombine.low v2, v1;
	[tilespmem:s18+$0x820 ss:$0x41] =	vst.msk $0xffff, v61;
	(pc) =	sbr.rel .LBB1_5-.Ltmp4, $4  }
0x61: {  	v63 =	vcombine.high v2, v1;
	[tilespmem:s18+$0x821 ss:$0x41] =	vst.msk $0xffff, v3;
	s21 =	sshll.u32 s29, $0x12;
	s17 =	ssub.s32 s19, s17;
	s19 =	sand.u32 $0x7, s28  }
0x62: {  	[tilespmem:s18+$0x0 ss:$0x41] =	vst.msk $0xffff, v62;
	s20 =	sshrl.u32 s20, $0x1;
	s17 =	sshll.u32 s17, $0x3;
	s19 =	sadd.s32 s5, s19  }
0x63: {  	[tilespmem:s18+$0x1 ss:$0x41] =	vst.msk $0xffff, v63;
	s31 =	sor.u32 $0x40, s21;
	s30 =	sand.u32 $0x3FFFFFFF, s20;
	s17 =	sadd.s32 s17, s19  }
0x64: {  	[hbm4b:s17+s31] =	stream.strided.scatter [tilespmem:s16], [sflag:$0x2], s30, s8, s31, $0x18;
	[tilespmem:$0x4080] =	vst v63  }
.LBB1_6:
0x65: {  	_ =	sfence.sel $0x180000  }
0x66: {  	s2 =	simm.s32 $0x1;
	[bflag:$0x0] =	sbarrier.arrive $0xFFFF  }
0x67: {  	s31 =	simm.s32 $0x2;
	[sflag:s2] =	ssyncpa.u1 $0x1  }
0x68: {  	[sflag:s31] =	ssyncpa.u1 $0x1  }
0x69: {  	p0 =	sne.s32 s1, $0x0;
	_ =	strace $0x90000047  }
0x6a: {  	s0 =	sadd.s32 @!p0 $0x100000, s0;
	[bflag:$0x2] =	sbarrier.arrive $0xFFFF  }
0x6b: {  	[sflag:s0] =	ssyncadd.tile.s32 @!p0 $0x1;
	_ =	shalt  }
.Lfunc_end1:
_tile_overlayer_lowered:
.L_overlay_start_2:
0x6c: {  	(tag) =	ssettag $0x2  }
0x6d: {  	s0 =	rddreg [dreg:$0x0];
	s2 =	stileid.u32  }
0x6e: {  	s1 =	rddreg [dreg:$0x1];
	p0 =	sne.s32 s2, $0x0  }
0x6f: {  	s3 =	rddreg [dreg:$0x2];
	[bflag:$0x3] =	sbarrier.arrive $0xFFFF;
	s2 =	simm.s32 @!p0 $0x1C01  }
0x70: {  	[timem:s3], [sflag:s2] =	dma.local @!p0 [hbm:s0], s1  }
0x71: {  	s0 =	simm.s32 @!p0 $0x1  }
0x72: {  	_ =	swait.ge @!p0 [sflag:s0], s1  }
0x73: {  	s1 =	ssub.s32 @!p0 $0x0, s1;
	[sflag:s0] =	ssyncset.done @!p0 $0x0  }
0x74: {  	[sflag:s0] =	ssyncadd.s32 @!p0 s1  }
0x75: {  	[bflag:$0x3] =	sbarrier.arrive $0xFFFF  }
0x76: {  	_ =	shalt  }

// kernel: sparse-core-data-format-call.cloned.1.call-start
scs
called_computation_lowered:
.L_overlay_start_0:
0x0: {  	s1 =	sld [smem:$0x3FD9]  }
0x1: {  	s2 =	sld [smem:$0x3FFE];
	_ =	sdelay $0x1  }
0x2: {  	s3 =	srdreg.scid  }
0x3: {  	s0 =	sand.u32 $0x1, s3  }
0x4: {  	s17 =	sshll.u32 s0, $0xA;
	s1 =	sadd.s32 s2, s1  }
0x5: {  	s1 =	sadd.s32 s1, s17  }
0x6: {  	[smem:$0x3FC4] =	sst s1  }
0x7: {  	_ = 	snop  }
0x8: {  	(tm) =	ssettm $0x1  }
0x9: {  	s18 =	sld [smem:$0x3FFB];
	_ =	sdelay $0x3  }
0xa: {  	_ =	strace s18  }
0xb: {  	s1 =	sld [smem:$0x3FFC];
	_ =	sdelay $0x3  }
0xc: {  	_ =	strace s1  }
0xd: {  	s1 =	sld [smem:$0x3FFD];
	_ =	sdelay $0x3  }
0xe: {  	_ =	strace s1  }
0xf: {  	_ =	strace $0x8FFFFFFF  }
0x10: {  	s19 =	sld [smem:$0x3FDB];
	_ =	sdelay $0x1  }
0x11: {  	s20 =	simm.s32 $_scs_section_size  }
0x12: {  	s4 =	simm.s32 $_size__tile_overlayer_lowered;
	s5 =	simm.s32 $_tile_overlayer_lowered  }
0x13: {  	s23 =	simm.s32 $0x1BFF;
	s22 =	sshll.u32 s5, $0x1;
	s1 =	sadd.s32 s20, s19  }
0x14: {  	s6 =	simm.s32 $0x0;
	s21 =	sshll.u32 s4, $0x1;
	s4 =	sadd.s32 s22, s1  }
0x15: {  	[timem:s6], [sflag:s23] =	dma.local [hbm:s4], s21  }
0x16: {  	_ =	swait.ge [sflag:s23], s21  }
0x17: {  	s2 =	ssub.s32 $0x0, s21;
	[sflag:s23] =	ssyncset.done $0x0  }
0x18: {  	[sflag:s23] =	ssyncadd.s32 s2;
	_ =	sdelay $0x1  }
0x19: {  	s24 =	simm.s32 $0x1B8B  }
0x1a: {  	_ =	swait.ge [sflag:s24], $0x1  }
0x1b: {  	[sflag:s24] =	ssyncset.done $0x0  }
0x1c: {  	s26 =	simm.s32 $0x1B8E;
	s25 =	sld [smem:$0x3FFE];
	[sflag:s24] =	ssyncadd.s32 $0xFFFFFFFF  }
0x1d: {  	s27 =	simm.s32 $execute0_lowered;
	[smem:$0x3FD2] =	sst s26  }
0x1e: {  	s4 =	sshll.u32 s27, $0x1;
	_ =	strace $0x80000049;
	[dreg:$0x1] =	wrdreg $0xFFFFFFFF  }
0x1f: {  	s28 =	simm.s32 $_size_execute0_lowered;
	s1 =	sadd.s32 s1, s4;
	[dreg:$0x0] =	wrdreg $0x0  }
0x20: {  	s4 =	sshll.u32 s28, $0x1;
	[dreg:$0x2] =	wrdreg s1  }
0x21: {  	[dreg:$0x3] =	wrdreg s4  }
0x22: {  	[dreg:$0x4] =	wrdreg $0xC0  }
0x23: {  	_ =	task [dreg:s6], $0x5FFFF  }
0x24: {  	[dreg:$0x1] =	wrdreg $0xFFFFFFFF  }
0x25: {  	[dreg:$0x0] =	wrdreg $0x60  }
0x26: {  	[dreg:$0x2] =	wrdreg s25  }
0x27: {  	[dreg:$0x3] =	wrdreg $0x9  }
0x28: {  	_ =	task.clear_ibuf [dreg:s6], $0x4FFFF;
	_ =	strace $0x90000049  }
0x29: {  	s29 =	simm.s32 $0x9;
	_ =	strace $0x8000004B  }
0x2a: {  	_ =	swait.ge [sflag:s29], $0x1  }
0x2b: {  	[sflag:s29] =	ssyncadd.s32 $0xFFFFFFFF  }
0x2c: {  	_ =	strace $0x9000004B  }
0x2d: {  	_ =	sfence  }
0x2e: {  	s30 =	sld [smem:$0x0];
	_ =	sdelay $0x2  }
0x2f: {  	s31 =	sshll.u32 s3, $0xD;
	s3 =	sshrl.u32 s3, $0x2  }
0x30: {  	s2 =	sand.u32 $0x4000, s31;
	s1 =	sadd.s32 s3, s30  }
0x31: {  	s0 =	sor.u32 s2, s0;
	s1 =	sshll.u32 s1, $0x11  }
0x32: {  	s0 =	sor.u32 s1, s0  }
0x33: {  	s0 =	sadd.s32 $0x8F2B, s0  }
0x34: {  	[sflag:s0] =	ssyncadd.remote.s32 $0x1  }
0x35: {  	_ =	sfence.sel $0xFFFF  }
0x36: {  	[dreg:$0x0] =	wrdreg $0xFFFFFFFF;
	(pc) =	sbr.abs _section_cstart, $3  }
0x37: {  	[dreg:$0x1] =	wrdreg $0xFFFFFFFF  }
0x38: {  	_ =	task.clear_ibuf [dreg:s6], $0x2FFFF;
	_ =	strace $0x9FFFFFFF  }
0x39: {  	(tm) =	ssettm $0x7FFFFFFF  }
tec
execute0_lowered:
.L_overlay_start_1:
0x0: {  	(tag) =	ssettag $0x1  }
0x1: {  	s0 =	srdreg.scid  }
0x2: {  	s2 =	rddreg [dreg:$0x0];
	s1 =	stileid.u32  }
0x3: {  	s4 =	simm.s32 $0x1;
	s6 =	simm.s32 $0x2;
	s0 =	sshll.u32 s0, $0x4  }
0x4: {  	s8 =	simm.s32 $0x0;
	s9 =	simm.s32 $0x0;
	s3 =	sand.u32 $0x10, s0  }
.Ltmp0:
0x5: {  	s13 =	simm.s32 $0x0;
	s3 =	sor.u32 s1, s3;
	(pc) =	sbr.rel .LBB1_1-.Ltmp0, $4  }
0x6: {  	s0 =	rddreg [dreg:$0x1];
	_ =	strace $0x8000004A;
	s3 =	sshll.u32 s3, $0x4  }
0x7: {  	s10 =	simm.s32 $0x0;
	[sflag:s4] =	ssyncpa.u1 $0x0;
	s7 =	ssub.s32 $0x7A10, s3  }
0x8: {  	s12 =	simm.s32 $0x0;
	[sflag:s6] =	ssyncpa.u1 $0x0;
	s6 =	sshrl.u32 s7, $0x9  }
0x9: {  	s5 =	sadd.s32 $0x3D0A00, s2;
	s11 =	smov.u32 s3;
	s7 =	sor.u32 $0x2, s6  }
.LBB1_7:
0xa: {  	s15 =	sshll.u32 s12, $0xF  }
0xb: {  	s15 =	sand.u32 $0x8000, s15  }
0xc: {  	s16 =	sshll.u32 s10, $0x7;
	s15 =	sshrl.u32 s15, $0x1  }
0xd: {  	s16 =	sadd.s32 s2, s16;
	s15 =	sor.u32 $0x8000, s15  }
0xe: {  	[hbm4b:s16+s8] =	stream.linear.scatter [tilespmem:s15], [sflag:$0x2], s14, $0x38;
	[tilespmem:$0x10000] =	vst v63  }
.LBB1_8:
0xf: {  	p0 =	slt.u32 s12, $0x2  }
0x10: {  	p1 =	sgt.s32 @!p0 s13, $0x7A02  }
0x11: {  	s14 =	smov.u32 s13;
	s15 =	sshra.s32 @!p0 s13, $0x1F;
	p1 =	por !p1, p0  }
0x12: {  	s13 =	sand.u32 @!p0 s15, s13;
	s14 =	simm.s32 @p1 $0x7A02  }
0x13: {  	s13 =	ssub.s32 @!p0 s14, s13  }
0x14: {  	s13 =	sadd.s32 @!p0 $0xFFFF85FE, s13  }
0x15: {  	s14 =	sshll.u32 @!p0 s13, $0xC  }
0x16: {  	p1 =	sgt.s32 @!p0 s13, $0xF;
	s13 =	ssub.s32 @!p0 $0x10000, s14  }
0x17: {  	s15 =	sadd.s32 $0x200, s11;
	p1 =	por !p1, p0;
	s13 =	sshrl.u32 @!p0 s13, $0x2  }
0x18: {  	s13 =	simm.s32 @!p1 $0x0;
	p1 =	sgt.s32 s15, $0x7A11  }
0x19: {  	s15 =	smov.u32 @p1 s3;
	p1 =	sne.s32 s12, s7  }
.Ltmp1:
0x1a: {  	_ = 	snop;
	(pc) =	sbr.rel @!p1 .LBB1_9-.Ltmp1, $4  }
0x1b: {  	s14 =	simm.s32 @!p0 $0x2  }
0x1c: {  	s9 =	sadd.s32 $0x8000, s9;
	_ =	swait.ge @!p0 [sflag:s14], s13;
	s16 =	ssub.s32 @!p0 $0x0, s13  }
0x1d: {  	s13 =	smov.u32 s10;
	s12 =	sadd.s32 $0x1, s12;
	[sflag:s14] =	ssyncset.done @!p0 $0x0  }
0x1e: {  	s10 =	smov.u32 s11;
	s11 =	smov.u32 s15;
	[sflag:s14] =	ssyncadd.s32 @!p0 s16  }
.LBB1_1:
0x1f: {  	p0 =	sgt.u32 s12, s6  }
0x20: {  	p1 =	sgt.s32 @!p0 s11, $0x7A02  }
0x21: {  	s14 =	smov.u32 s11;
	s15 =	sshra.s32 @!p0 s11, $0x1F;
	p1 =	por !p1, p0  }
0x22: {  	s15 =	sand.u32 @!p0 s15, s11;
	s14 =	simm.s32 @p1 $0x7A02  }
0x23: {  	s14 =	ssub.s32 @!p0 s14, s15  }
0x24: {  	s14 =	sadd.s32 @!p0 $0xFFFF85FE, s14  }
0x25: {  	s16 =	sshll.u32 @!p0 s11, $0x7;
	s17 =	simm.s32 @!p0 $0x0;
	s15 =	sshll.u32 @!p0 s14, $0xC  }
0x26: {  	p1 =	sgt.s32 @!p0 s14, $0xF;
	s14 =	ssub.s32 @!p0 $0x10000, s15;
	s15 =	sxor.u32 @!p0 $0xFFFFFFFF, s12  }
0x27: {  	p1 =	por !p1, p0;
	s14 =	sshrl.u32 @!p0 s14, $0x2;
	s15 =	sshll.u32 @!p0 s15, $0xE  }
0x28: {  	s16 =	sadd.s32 @!p0 s5, s16;
	s14 =	simm.s32 @!p1 $0x0;
	s15 =	sand.u32 @!p0 $0x4000, s15  }
0x29: {  	[tilespmem:s15], [sflag:$0x1] =	stream.linear.gather @!p0 [hbm4b:s16+s17], s14, $0x38;
	[tilespmem:$0x10000] =	vst v63  }
0x2a: {  	p0 =	seq.s32 s12, $0x0  }
0x2b: {  	p1 =	sge.u32 @!p0 s12, s7  }
0x2c: {  	p0 =	por p0, p1  }
.Ltmp2:
0x2d: {  	_ = 	snop;
	(pc) =	sbr.rel @p0 .LBB1_8-.Ltmp2, $1  }
0x2e: {  	_ =	sdelay $0x3  }
0x2f: {  	p0 =	sgt.s32 s10, $0x7A02;
	s14 =	smov.u32 s10;
	s15 =	sshra.s32 s10, $0x1F  }
0x30: {  	s14 =	simm.s32 @!p0 $0x7A02;
	s15 =	sand.u32 s15, s10  }
0x31: {  	s14 =	ssub.s32 s14, s15  }
0x32: {  	s16 =	sadd.s32 $0x10, s10;
	s14 =	sadd.s32 $0xFFFF85FE, s14  }
0x33: {  	p1 =	slt.s32 s16, $0x7A12;
	s30 =	sshll.u32 s14, $0xC  }
0x34: {  	s16 =	simm.s32 @!p1 $0x7A12;
	s15 =	ssub.s32 $0x10000, s30  }
0x35: {  	p0 =	sgt.s32 s14, $0xF;
	s14 =	sshrl.u32 s15, $0x2;
	s15 =	ssub.s32 s16, s10  }
0x36: {  	s14 =	simm.s32 @p0 $0x0;
	p0 =	slt.s32 s15, $0x1  }
.Ltmp3:
0x37: {  	_ = 	snop;
	(pc) =	sbr.rel @p0 .LBB1_7-.Ltmp3, $4  }
0x38: {  	_ = 	snop  }
0x39: {  	_ =	swait.ge [sflag:s4], s14  }
0x3a: {  	s31 =	ssub.s32 $0x0, s14;
	[sflag:s4] =	ssyncset.done $0x0  }
0x3b: {  	[sflag:s4] =	ssyncadd.s32 s31  }
0x3c: {  	s16 =	sshrl.u32 s9, $0x1  }
0x3d: {  	s17 =	sand.u32 $0x4000, s16  }
0x3e: {  	s18 =	simm.s32 $0x0;
	s16 =	sor.u32 $0x200, s17;
	s17 =	sor.u32 $0x8080, s17  }
.LBB1_4:
0x3f: {  	v0 =	vld [tilespmem:s16+$0xFFFFFE70]  }
0x40: {  	v1 =	vld [tilespmem:s16+$0x70]  }
0x41: {  	v2 =	vld [tilespmem:s16+$0x0]  }
0x42: {  	v3 =	vld [tilespmem:s16+$0xFFFFFE10]  }
0x43: {  	v4 =	vld [tilespmem:s16+$0x10]  }
0x44: {  	v5 =	vld [tilespmem:s16+$0xFFFFFE20]  }
0x45: {  	v7 =	vld [tilespmem:s16+$0x20]  }
0x46: {  	v11 =	vld [tilespmem:s16+$0x30];
	v6 =	vunpack.i.l.s16.s32 v0;
	v8 =	vunpack.i.u.s16.s32 v0;
	v9 =	vunpack.i.u.s16.s32 v1  }
0x47: {  	v10 =	vunpack.i.l.s16.s32 v1;
	v0 =	vunpack.i.u.s16.s32 v2;
	v1 =	vunpack.i.l.s16.s32 v2;
	v2 =	vld [tilespmem:s16+$0xFFFFFE30]  }
0x48: {  	v8 =	vpack.i.b32.b16 v9, v8;
	v9 =	vunpack.i.u.s16.s32 v3;
	v3 =	vunpack.i.l.s16.s32 v3  }
0x49: {  	v12 =	vld [tilespmem:s16+$0xFFFFFE40];
	v6 =	vpack.i.b32.b16 v10, v6;
	[tilespmem:s17+$0x70] =	vst v8;
	v8 =	vunpack.i.u.s16.s32 v4;
	v4 =	vunpack.i.l.s16.s32 v4  }
0x4a: {  	v13 =	vld [tilespmem:s16+$0x40];
	v10 =	vunpack.i.u.s16.s32 v5;
	v5 =	vunpack.i.l.s16.s32 v5;
	[tilespmem:s17+$0xFFFFFFF0] =	vst v6;
	v3 =	vpack.i.b32.b16 v4, v3  }
0x4b: {  	v6 =	vunpack.i.l.s16.s32 v7;
	v4 =	vld [tilespmem:s16+$0xFFFFFE50];
	[tilespmem:s17+$0xFFFFFF90] =	vst v3;
	v3 =	vpack.i.b32.b16 v8, v9;
	v8 =	vunpack.i.u.s16.s32 v7  }
0x4c: {  	v7 =	vunpack.i.l.s16.s32 v11;
	[tilespmem:s17+$0x10] =	vst v3;
	v3 =	vpack.i.b32.b16 v6, v5;
	v9 =	vunpack.i.u.s16.s32 v2;
	v6 =	vld [tilespmem:s16+$0x50]  }
0x4d: {  	v5 =	vunpack.i.l.s16.s32 v2;
	v2 =	vld [tilespmem:s16+$0xFFFFFE60];
	[tilespmem:s17+$0xFFFFFFA0] =	vst v3;
	v3 =	vpack.i.b32.b16 v8, v10;
	v10 =	vunpack.i.u.s16.s32 v11  }
0x4e: {  	s21 =	simm.s32 $0x0;
	v11 =	vpack.i.b32.b16 v7, v5;
	v7 =	vunpack.i.u.s16.s32 v12;
	v8 =	vunpack.i.l.s16.s32 v12;
	[tilespmem:s17+$0x20] =	vst v3;
	v3 =	vld [tilespmem:s16+$0x60]  }
0x4f: {  	s22 =	sadd.s32 $0x80, s16;
	s20 =	smov.u32 s17;
	s19 =	smov.u32 s17;
	v5 =	vld [tilespmem:s16+$0xFFFFFE00];
	[tilespmem:s17+$0xFFFFFFB0] =	vst v11;
	v10 =	vpack.i.b32.b16 v10, v9;
	v9 =	vunpack.i.u.s16.s32 v13;
	v11 =	vunpack.i.l.s16.s32 v13  }
.LBB1_5:
0x50: {  	v12 =	vld [tilespmem:s22+$0xFFFFFE70];
	[tilespmem:s20+$0x30] =	vst v10;
	v8 =	vpack.i.b32.b16 v11, v8;
	v10 =	vunpack.i.u.s16.s32 v4;
	v4 =	vunpack.i.l.s16.s32 v4  }
0x51: {  	s21 =	sadd.s32 $0x2, s21;
	v7 =	vpack.i.b32.b16 v9, v7;
	v11 =	vld [tilespmem:s22+$0x70];
	[tilespmem:s20+$0xFFFFFFC0] =	vst v8;
	v8 =	vunpack.i.u.s16.s32 v6;
	v6 =	vunpack.i.l.s16.s32 v6  }
0x52: {  	p0 =	slt.u32 s21, $0x6;
	v9 =	vld [tilespmem:s22+$0x0];
	[tilespmem:s20+$0x40] =	vst v7;
	v4 =	vpack.i.b32.b16 v6, v4;
	v6 =	vunpack.i.u.s16.s32 v2;
	v2 =	vunpack.i.l.s16.s32 v2  }
0x53: {  	v7 =	vld [tilespmem:s22+$0xFFFFFE10];
	[tilespmem:s20+$0xFFFFFFD0] =	vst v4;
	v4 =	vpack.i.b32.b16 v8, v10;
	v8 =	vunpack.i.u.s16.s32 v3;
	v3 =	vunpack.i.l.s16.s32 v3  }
0x54: {  	v10 =	vld [tilespmem:s22+$0x10];
	v13 =	vunpack.i.u.s16.s32 v5;
	v5 =	vunpack.i.l.s16.s32 v5;
	[tilespmem:s20+$0x50] =	vst v4;
	v2 =	vpack.i.b32.b16 v3, v2  }
0x55: {  	v3 =	vld [tilespmem:s22+$0xFFFFFE20];
	v4 =	vunpack.i.l.s16.s32 v12;
	v1 =	vpack.i.b32.b16 v1, v5;
	v5 =	vpack.i.b32.b16 v0, v13;
	[tilespmem:s20+$0xFFFFFFE0] =	vst v2  }
0x56: {  	v12 =	vunpack.i.u.s16.s32 v12;
	v2 =	vld [tilespmem:s22+$0x20];
	v13 =	vunpack.i.u.s16.s32 v11;
	v11 =	vunpack.i.l.s16.s32 v11;
	[tilespmem:s20+$0xFFFFFF80] =	vst v1  }
0x57: {  	s20 =	sadd.s32 $0x100, s20;
	v0 =	vunpack.i.u.s16.s32 v9;
	v1 =	vunpack.i.l.s16.s32 v9;
	v9 =	vld [tilespmem:s22+$0xFFFFFE30];
	v12 =	vpack.i.b32.b16 v13, v12;
	[tilespmem:s19+$0x0] =	vst v5  }
0x58: {  	v6 =	vpack.i.b32.b16 v8, v6;
	v5 =	vunpack.i.u.s16.s32 v7;
	v7 =	vunpack.i.l.s16.s32 v7;
	v13 =	vld [tilespmem:s22+$0x30];
	[tilespmem:s20+$0x70] =	vst v12  }
0x59: {  	v4 =	vpack.i.b32.b16 v11, v4;
	v8 =	vunpack.i.u.s16.s32 v10;
	v10 =	vunpack.i.l.s16.s32 v10;
	v12 =	vld [tilespmem:s22+$0xFFFFFE40];
	[tilespmem:s19+$0x60] =	vst v6;
	s19 =	smov.u32 s20  }
0x5a: {  	v6 =	vpack.i.b32.b16 v10, v7;
	v7 =	vunpack.i.u.s16.s32 v3;
	v3 =	vunpack.i.l.s16.s32 v3;
	v11 =	vld [tilespmem:s22+$0x40];
	[tilespmem:s20+$0xFFFFFFF0] =	vst v4  }
.Ltmp4:
0x5b: {  	v5 =	vpack.i.b32.b16 v8, v5;
	[tilespmem:s20+$0xFFFFFF90] =	vst v6;
	v8 =	vunpack.i.u.s16.s32 v2;
	v2 =	vunpack.i.l.s16.s32 v2;
	v4 =	vld [tilespmem:s22+$0xFFFFFE50];
	(pc) =	sbr.rel @p0 .LBB1_5-.Ltmp4, $4  }
0x5c: {  	[tilespmem:s20+$0x10] =	vst v5;
	v2 =	vpack.i.b32.b16 v2, v3;
	v10 =	vunpack.i.u.s16.s32 v9;
	v3 =	vunpack.i.l.s16.s32 v9;
	v6 =	vld [tilespmem:s22+$0x50]  }
0x5d: {  	v5 =	vpack.i.b32.b16 v8, v7;
	[tilespmem:s20+$0xFFFFFFA0] =	vst v2;
	v9 =	vunpack.i.u.s16.s32 v13;
	v7 =	vunpack.i.l.s16.s32 v13;
	v2 =	vld [tilespmem:s22+$0xFFFFFE60]  }
0x5e: {  	[tilespmem:s20+$0x20] =	vst v5;
	v13 =	vpack.i.b32.b16 v7, v3;
	v7 =	vunpack.i.u.s16.s32 v12;
	v8 =	vunpack.i.l.s16.s32 v12;
	v3 =	vld [tilespmem:s22+$0x60]  }
0x5f: {  	v10 =	vpack.i.b32.b16 v9, v10;
	v5 =	vld [tilespmem:s22+$0xFFFFFE00];
	[tilespmem:s20+$0xFFFFFFB0] =	vst v13;
	v9 =	vunpack.i.u.s16.s32 v11;
	v11 =	vunpack.i.l.s16.s32 v11;
	s22 =	sadd.s32 $0x80, s22  }
0x60: {  	[tilespmem:s20+$0x30] =	vst v10;
	v8 =	vpack.i.b32.b16 v11, v8  }
0x61: {  	v51 =	vunpack.i.l.s16.s32 v4;
	v7 =	vpack.i.b32.b16 v9, v7;
	[tilespmem:s20+$0xFFFFFFC0] =	vst v8;
	v52 =	vunpack.i.l.s16.s32 v6  }
0x62: {  	v53 =	vunpack.i.u.s16.s32 v4;
	s18 =	sadd.s32 $0x1, s18;
	v54 =	vunpack.i.u.s16.s32 v6;
	[tilespmem:s20+$0x40] =	vst v7;
	v55 =	vpack.i.b32.b16 v52, v51  }
0x63: {  	p0 =	sne.s32 s18, s15;
	v56 =	vunpack.i.l.s16.s32 v2;
	v4 =	vpack.i.b32.b16 v54, v53;
	[tilespmem:s20+$0xFFFFFFD0] =	vst v55;
	v57 =	vunpack.i.l.s16.s32 v3  }
.Ltmp5:
0x64: {  	[tilespmem:s20+$0x50] =	vst v4;
	v58 =	vunpack.i.l.s16.s32 v5;
	v59 =	vpack.i.b32.b16 v57, v56;
	(pc) =	sbr.rel @p0 .LBB1_4-.Ltmp5, $4  }
.Ltmp6:
0x65: {  	v61 =	vunpack.i.u.s16.s32 v2;
	v62 =	vunpack.i.u.s16.s32 v3;
	v1 =	vpack.i.b32.b16 v1, v58;
	[tilespmem:s20+$0xFFFFFFE0] =	vst v59;
	(pc) =	sbr.rel @!p0 .LBB1_7-.Ltmp6, $4  }
0x66: {  	v60 =	vunpack.i.u.s16.s32 v5;
	v63 =	vpack.i.b32.b16 v62, v61;
	[tilespmem:s20+$0xFFFFFF80] =	vst v1  }
0x67: {  	v0 =	vpack.i.b32.b16 v0, v60;
	[tilespmem:s19+$0x60] =	vst v63  }
0x68: {  	s16 =	sadd.s32 $0x400, s16;
	s17 =	sadd.s32 $0x400, s17;
	[tilespmem:s19+$0x0] =	vst v0  }
0x69: {  	_ = 	snop  }
.LBB1_9:
0x6a: {  	_ =	sfence.sel $0x180000  }
0x6b: {  	s2 =	simm.s32 $0x1;
	[bflag:$0x0] =	sbarrier.arrive $0xFFFF  }
0x6c: {  	s31 =	simm.s32 $0x2;
	[sflag:s2] =	ssyncpa.u1 $0x1  }
0x6d: {  	[sflag:s31] =	ssyncpa.u1 $0x1  }
0x6e: {  	p0 =	sne.s32 s1, $0x0;
	_ =	strace $0x9000004A  }
0x6f: {  	s0 =	sadd.s32 @!p0 $0x100000, s0;
	[bflag:$0x2] =	sbarrier.arrive $0xFFFF  }
0x70: {  	[sflag:s0] =	ssyncadd.tile.s32 @!p0 $0x1;
	_ =	shalt  }
.Lfunc_end1:
_tile_overlayer_lowered:
.L_overlay_start_2:
0x71: {  	(tag) =	ssettag $0x2  }
0x72: {  	s0 =	rddreg [dreg:$0x0];
	s2 =	stileid.u32  }
0x73: {  	s1 =	rddreg [dreg:$0x1];
	p0 =	sne.s32 s2, $0x0  }
0x74: {  	s3 =	rddreg [dreg:$0x2];
	[bflag:$0x3] =	sbarrier.arrive $0xFFFF;
	s2 =	simm.s32 @!p0 $0x1C01  }
0x75: {  	[timem:s3], [sflag:s2] =	dma.local @!p0 [hbm:s0], s1  }
0x76: {  	s0 =	simm.s32 @!p0 $0x1  }
0x77: {  	_ =	swait.ge @!p0 [sflag:s0], s1  }
0x78: {  	s1 =	ssub.s32 @!p0 $0x0, s1;
	[sflag:s0] =	ssyncset.done @!p0 $0x0  }
0x79: {  	[sflag:s0] =	ssyncadd.s32 @!p0 s1  }
0x7a: {  	[bflag:$0x3] =	sbarrier.arrive $0xFFFF  }
0x7b: {  	_ =	shalt  }

</sc_bundles>
